<compile_context>
chip_gen: v7x
topology: tpu7x:2x2x1
jax: 0.10.2.dev20260603
libtpu: 0.0.44.dev20260713+nightly
codegen_flags: <defaults>
</compile_context>

<pallas_src>
import functools

import jax
import jax.numpy as jnp
from jax import lax
from jax.experimental import pallas as pl
from jax.experimental.pallas import tpu as pltpu
from jax.experimental.pallas import tpu_sc as plsc

N = 10000
E = 320000
H = 128
NG = 64
NC = 2
NS = 16
NW = NC * NS
ER = E // 128
_G8 = 8
_NGRP = -(-ER // _G8)
_BASE = _NGRP // NW
_REMW = _NGRP - _BASE * NW
_GP1 = (_BASE + 1) * _G8
_GP0 = _BASE * _G8
RBMAX = _GP1
_PADROWS = _REMW * _GP1 + _GP0 * (NW - 1 - _REMW) + RBMAX

_MESH = plsc.VectorSubcoreMesh(core_axis_name="c", subcore_axis_name="s",
                               num_cores=NC, num_subcores=NS)


def _worker(c, s):
    w = s * NC + c
    start = jnp.where(w < _REMW, _GP1 * w, _REMW * _GP1 + _GP0 * (w - _REMW))
    cap = jnp.where(w < _REMW, _GP1, _GP0)
    nrows = jnp.minimum(cap, ER - start)
    return start, nrows


_RING = 2
_RING_DS = 4


def _sc_deg(row2d, ones128, zeros_n):
    @functools.partial(
        pl.kernel,
        out_type=jax.ShapeDtypeStruct((NC, N), jnp.float32),
        mesh=_MESH,
        scratch_types=[pltpu.VMEM((RBMAX, 128), jnp.int32),
                       pltpu.VMEM((128,), jnp.float32),
                       pltpu.VMEM_SHARED((N,), jnp.float32)],
    )
    def k(row_h, ones_h, zeros_h, out_h, idx_all, ones_v, acc_sh):
        c = lax.axis_index("c")
        s = lax.axis_index("s")
        @pl.when(s == 0)
        def _():
            pltpu.sync_copy(zeros_h, acc_sh)
        pltpu.sync_copy(ones_h, ones_v)
        start, nrows = _worker(c, s)
        pltpu.sync_copy(row_h.at[pl.ds(start, RBMAX)], idx_all)
        plsc.subcore_barrier()

        def body(i, carry):
            @pl.when(i < nrows)
            def _():
                pltpu.sync_copy(ones_v, acc_sh.at[idx_all.at[i]], add=True)
            return carry

        lax.fori_loop(0, RBMAX, body, 0)
        plsc.subcore_barrier()
        @pl.when(s == 0)
        def _():
            pltpu.sync_copy(acc_sh, out_h.at[c])

    return k(row2d, ones128, zeros_n)


def _sc_dsrow(row2d, dis):
    @functools.partial(
        pl.kernel,
        out_type=jax.ShapeDtypeStruct((E,), jnp.float32),
        mesh=_MESH,
        scratch_types=[pltpu.VMEM((RBMAX, 128), jnp.int32),
                       pltpu.VMEM((128,), jnp.float32)],
    )
    def k(row_h, dis_h, out_h, idx_all, ds_v):
        c = lax.axis_index("c")
        s = lax.axis_index("s")
        start, nrows = _worker(c, s)
        pltpu.sync_copy(row_h.at[pl.ds(start, RBMAX)], idx_all)

        def body(i, carry):
            @pl.when(i < nrows)
            def _():
                pltpu.sync_copy(dis_h.at[idx_all.at[i]], ds_v)
                pltpu.sync_copy(ds_v, out_h.at[pl.ds((start + i) * 128, 128)])
            return carry

        lax.fori_loop(0, RBMAX, body, 0)

    return k(row2d, dis)


def _sc_scatter_ea(ea3, col2d, zeros2d):
    @functools.partial(
        pl.kernel,
        out_type=jax.ShapeDtypeStruct((NC, N, H), jnp.float32),
        mesh=_MESH,
        scratch_types=[pltpu.VMEM((RBMAX, 128), jnp.int32),
                       pltpu.VMEM((2, 128, H), jnp.float32),
                       pltpu.VMEM_SHARED((N, H), jnp.float32),
                       pltpu.SemaphoreType.DMA,
                       pltpu.SemaphoreType.DMA],
    )
    def k(ea_h, col_h, z2_h, out_h, idx_all, rows_v, acc_sh, sem0, sem1):
        c = lax.axis_index("c")
        s = lax.axis_index("s")
        @pl.when(s == 0)
        def _():
            pltpu.sync_copy(z2_h, acc_sh)
        start, nrows = _worker(c, s)
        pltpu.sync_copy(col_h.at[pl.ds(start, RBMAX)], idx_all)
        plsc.subcore_barrier()

        def body(i, carry):
            j0 = 2 * i
            j1 = 2 * i + 1
            d0 = pltpu.make_async_copy(ea_h.at[start + j0], rows_v.at[0], sem0)
            d1 = pltpu.make_async_copy(ea_h.at[start + j1], rows_v.at[1], sem1)
            @pl.when(j0 < nrows)
            def _():
                d0.start()
            @pl.when(j1 < nrows)
            def _():
                d1.start()
            @pl.when(j0 < nrows)
            def _():
                d0.wait()
                pltpu.sync_copy(rows_v.at[0], acc_sh.at[idx_all.at[j0]],
                                add=True)
            @pl.when(j1 < nrows)
            def _():
                d1.wait()
                pltpu.sync_copy(rows_v.at[1], acc_sh.at[idx_all.at[j1]],
                                add=True)
            return carry

        lax.fori_loop(0, RBMAX // 2, body, 0)
        plsc.subcore_barrier()
        @pl.when(s == 0)
        def _():
            pltpu.sync_copy(acc_sh, out_h.at[c])

    return k(ea3, col2d, zeros2d)


def _sc_spmm(hs, row2d, col2d, zeros2d):
    HALF = RBMAX // 2

    @functools.partial(
        pl.kernel,
        out_type=jax.ShapeDtypeStruct((NC, N, H), jnp.float32),
        mesh=_MESH,
        scratch_types=[pltpu.VMEM((HALF, 128), jnp.int32),
                       pltpu.VMEM((HALF, 128), jnp.int32),
                       pltpu.VMEM((2, 128, H), jnp.float32),
                       pltpu.VMEM_SHARED((N, H), jnp.float32),
                       pltpu.SemaphoreType.DMA,
                       pltpu.SemaphoreType.DMA],
    )
    def k(hs_h, row_h, col_h, z2_h, out_h, idxr_v, idxc_v, rows_v,
          acc_sh, sem0, sem1):
        c = lax.axis_index("c")
        s = lax.axis_index("s")
        @pl.when(s == 0)
        def _():
            pltpu.sync_copy(z2_h, acc_sh)
        start, nrows = _worker(c, s)
        plsc.subcore_barrier()

        for p in range(2):
            base = p * HALF
            pltpu.sync_copy(row_h.at[pl.ds(start + base, HALF)], idxr_v)
            pltpu.sync_copy(col_h.at[pl.ds(start + base, HALF)], idxc_v)
            nloc = jnp.clip(nrows - base, 0, HALF)

            def body(i, carry):
                j0 = 2 * i
                j1 = 2 * i + 1
                d0 = pltpu.make_async_copy(hs_h.at[idxr_v.at[j0]],
                                           rows_v.at[0], sem0)
                d1 = pltpu.make_async_copy(hs_h.at[idxr_v.at[j1]],
                                           rows_v.at[1], sem1)
                @pl.when(j0 < nloc)
                def _():
                    d0.start()
                @pl.when(j1 < nloc)
                def _():
                    d1.start()
                @pl.when(j0 < nloc)
                def _():
                    d0.wait()
                    pltpu.sync_copy(rows_v.at[0], acc_sh.at[idxc_v.at[j0]],
                                    add=True)
                @pl.when(j1 < nloc)
                def _():
                    d1.wait()
                    pltpu.sync_copy(rows_v.at[1], acc_sh.at[idxc_v.at[j1]],
                                    add=True)
                return carry

            lax.fori_loop(0, HALF // 2, body, 0)

        plsc.subcore_barrier()
        @pl.when(s == 0)
        def _():
            pltpu.sync_copy(acc_sh, out_h.at[c])

    return k(hs, row2d, col2d, zeros2d)



_BLK = 400
_G = N // _BLK


def _tc_ea_proj(ea, pw, pb2, ds):
    blk = 2000

    def body(ea_ref, pw_ref, pb_ref, ds_ref, o_ref):
        p = jnp.dot(ea_ref[...], pw_ref[...],
                    preferred_element_type=jnp.float32) + pb_ref[...]
        o_ref[...] = p * ds_ref[...]

    return pl.pallas_call(
        body, grid=(E // blk,),
        in_specs=[pl.BlockSpec((blk, H), lambda i: (i, 0)),
                  pl.BlockSpec((H, H), lambda i: (0, 0)),
                  pl.BlockSpec((1, H), lambda i: (0, 0)),
                  pl.BlockSpec((blk, 1), lambda i: (i, 0))],
        out_specs=pl.BlockSpec((blk, H), lambda i: (i, 0)),
        out_shape=jax.ShapeDtypeStruct((E, H), jnp.float32),
    )(ea, pw, pb2, ds.reshape(E, 1))


def _tc_pre(src, batch2, vn, dis2, proj=None, bn=None):
    def body(src_ref, b_ref, vn_ref, dis_ref, e1_ref, e2_ref, e3_ref,
             hs_ref, pool_ref, acc):
        i = pl.program_id(0)
        if proj is not None:
            hbase = jnp.dot(src_ref[...], e1_ref[...],
                            preferred_element_type=jnp.float32) + e2_ref[...]
        else:
            st = e1_ref[...]
            mu = st[0:1] * (1.0 / N)
            var = st[1:2] * (1.0 / N) - mu * mu
            hbase = (src_ref[...] - mu) * lax.rsqrt(var + 1e-5) * e2_ref[...] + e3_ref[...]
            hbase = jnp.maximum(hbase, 0.0)
        ids = lax.broadcasted_iota(jnp.int32, (_BLK, NG), 1)
        oh = (b_ref[...] == ids).astype(jnp.float32)
        hl = hbase + jnp.dot(oh, vn_ref[...], preferred_element_type=jnp.float32,
                             precision=lax.Precision.HIGHEST)
        hs_ref[...] = dis_ref[...] * hl
        p = lax.dot_general(oh, hl, (((0,), (0,)), ((), ())),
                            preferred_element_type=jnp.float32,
                            precision=lax.Precision.HIGHEST)
        @pl.when(i == 0)
        def _():
            acc[...] = jnp.zeros_like(acc)
        acc[...] += p
        pool_ref[...] = acc[...]

    if proj is not None:
        e_specs = [pl.BlockSpec((H, H), lambda i: (0, 0)),
                   pl.BlockSpec((1, H), lambda i: (0, 0)),
                   pl.BlockSpec((1, H), lambda i: (0, 0))]
        extra = [proj[0], proj[1], proj[1]]
    else:
        e_specs = [pl.BlockSpec((2, H), lambda i: (0, 0)),
                   pl.BlockSpec((1, H), lambda i: (0, 0)),
                   pl.BlockSpec((1, H), lambda i: (0, 0))]
        extra = [bn[0], bn[1], bn[2]]

    return pl.pallas_call(
        body, grid=(_G,),
        in_specs=[pl.BlockSpec((_BLK, H), lambda i: (i, 0)),
                  pl.BlockSpec((_BLK, 1), lambda i: (i, 0)),
                  pl.BlockSpec((NG, H), lambda i: (0, 0)),
                  pl.BlockSpec((_BLK, 1), lambda i: (i, 0))] + e_specs,
        out_specs=[pl.BlockSpec((_BLK, H), lambda i: (i, 0)),
                   pl.BlockSpec((NG, H), lambda i: (0, 0))],
        out_shape=[jax.ShapeDtypeStruct((N, H), jnp.float32),
                   jax.ShapeDtypeStruct((NG, H), jnp.float32)],
        scratch_shapes=[pltpu.VMEM((NG, H), jnp.float32)],
    )(src, batch2, vn, dis2, *extra)


def _tc_post(raw, c2, W, hs, dis2, cb2):
    def body(raw_ref, c_ref, W_ref, hs_ref, dis_ref, cb_ref,
             pre_ref, st_ref, acc):
        i = pl.program_id(0)
        r = raw_ref[0] + raw_ref[1] + c_ref[0] + c_ref[1]
        aggr = dis_ref[...] * r + dis_ref[...] * hs_ref[...]
        pre = jnp.dot(aggr, W_ref[...],
                      preferred_element_type=jnp.float32) + cb_ref[...]
        pre_ref[...] = pre
        @pl.when(i == 0)
        def _():
            acc[...] = jnp.zeros_like(acc)
        acc[0:1] += pre.sum(0, keepdims=True)
        acc[1:2] += (pre * pre).sum(0, keepdims=True)
        st_ref[...] = acc[...]

    return pl.pallas_call(
        body, grid=(_G,),
        in_specs=[pl.BlockSpec((NC, _BLK, H), lambda i: (0, i, 0)),
                  pl.BlockSpec((NC, _BLK, H), lambda i: (0, i, 0)),
                  pl.BlockSpec((H, H), lambda i: (0, 0)),
                  pl.BlockSpec((_BLK, H), lambda i: (i, 0)),
                  pl.BlockSpec((_BLK, 1), lambda i: (i, 0)),
                  pl.BlockSpec((1, H), lambda i: (0, 0))],
        out_specs=[pl.BlockSpec((_BLK, H), lambda i: (i, 0)),
                   pl.BlockSpec((2, H), lambda i: (0, 0))],
        out_shape=[jax.ShapeDtypeStruct((N, H), jnp.float32),
                   jax.ShapeDtypeStruct((2, H), jnp.float32)],
        scratch_shapes=[pltpu.VMEM((2, H), jnp.float32)],
    )(raw, c2, W, hs, dis2, cb2)


def _tc_vnmlp(pooled, vn, w1, b1, g1, bb1, w2, b2, g2, bb2, gmask2):
    def body(p_ref, vn_ref, w1_ref, b1_ref, g1_ref, bb1_ref,
             w2_ref, b2_ref, g2_ref, bb2_ref, gm_ref, o_ref):
        gm = gm_ref[...]
        cnt = gm.sum()
        t = p_ref[...] + vn_ref[...]
        t = jnp.dot(t, w1_ref[...], preferred_element_type=jnp.float32) + b1_ref[...]
        mu = (t * gm).sum(0, keepdims=True) / cnt
        var = (((t - mu) ** 2) * gm).sum(0, keepdims=True) / cnt
        t = jnp.maximum((t - mu) * lax.rsqrt(var + 1e-5) * g1_ref[...] + bb1_ref[...], 0.0)
        t = jnp.dot(t, w2_ref[...], preferred_element_type=jnp.float32) + b2_ref[...]
        mu2 = (t * gm).sum(0, keepdims=True) / cnt
        var2 = (((t - mu2) ** 2) * gm).sum(0, keepdims=True) / cnt
        o_ref[...] = jnp.maximum((t - mu2) * lax.rsqrt(var2 + 1e-5) * g2_ref[...] + bb2_ref[...], 0.0)

    return pl.pallas_call(
        body, out_shape=jax.ShapeDtypeStruct((NG, H), jnp.float32),
    )(pooled, vn, w1, b1.reshape(1, -1), g1.reshape(1, -1), bb1.reshape(1, -1),
      w2, b2.reshape(1, -1), g2.reshape(1, -1), bb2.reshape(1, -1), gmask2)


def _tc_final(pre, stats, g2, b2):
    def body(pre_ref, st_ref, g_ref, b_ref, o_ref):
        st = st_ref[...]
        mu = st[0:1] * (1.0 / N)
        var = st[1:2] * (1.0 / N) - mu * mu
        o_ref[...] = (pre_ref[...] - mu) * lax.rsqrt(var + 1e-5) * g_ref[...] + b_ref[...]

    return pl.pallas_call(
        body, grid=(_G,),
        in_specs=[pl.BlockSpec((_BLK, H), lambda i: (i, 0)),
                  pl.BlockSpec((2, H), lambda i: (0, 0)),
                  pl.BlockSpec((1, H), lambda i: (0, 0)),
                  pl.BlockSpec((1, H), lambda i: (0, 0))],
        out_specs=pl.BlockSpec((_BLK, H), lambda i: (i, 0)),
        out_shape=jax.ShapeDtypeStruct((N, H), jnp.float32),
    )(pre, stats, g2, b2)


def kernel(x, edge_index, edge_attr, batch,
           proj_w, proj_b, vn_emb,
           conv0_w, conv0_b, bn0_g, bn0_b,
           conv1_w, conv1_b, bn1_g, bn1_b,
           conv2_w, conv2_b, bn2_g, bn2_b,
           mlp0_w1, mlp0_b1, mlp0_bn1_g, mlp0_bn1_b, mlp0_w2, mlp0_b2, mlp0_bn2_g, mlp0_bn2_b,
           mlp1_w1, mlp1_b1, mlp1_bn1_g, mlp1_bn1_b, mlp1_w2, mlp1_b2, mlp1_bn2_g, mlp1_bn2_b):
    row2d = edge_index[0].astype(jnp.int32).reshape(ER, 128)
    col2d = edge_index[1].astype(jnp.int32).reshape(ER, 128)
    row2d = jnp.pad(row2d, ((0, _PADROWS - ER), (0, 0)))
    col2d = jnp.pad(col2d, ((0, _PADROWS - ER), (0, 0)))
    zeros_n = jnp.zeros((N,), jnp.float32)
    zeros2d = jnp.zeros((N, H), jnp.float32)
    ones128 = jnp.ones((128,), jnp.float32)

    deg2 = _sc_deg(row2d, ones128, zeros_n)
    dis = (deg2[0] + deg2[1] + 1.0) ** -0.5
    dis2 = dis.reshape(N, 1)
    dsrow = _sc_dsrow(row2d, dis)
    pb2 = proj_b.reshape(1, H)
    ea_s = _tc_ea_proj(edge_attr, proj_w, pb2, dsrow)
    c2 = _sc_scatter_ea(ea_s.reshape(ER, 128, H), col2d, zeros2d)

    batch2 = batch.astype(jnp.int32).reshape(N, 1)
    gmask2 = (jnp.arange(NG) < batch[-1] + 1).astype(jnp.float32).reshape(NG, 1)
    vn = jnp.broadcast_to(vn_emb, (NG, H))

    convs = [(conv0_w, conv0_b, bn0_g, bn0_b),
             (conv1_w, conv1_b, bn1_g, bn1_b),
             (conv2_w, conv2_b, bn2_g, bn2_b)]
    mlps = [(mlp0_w1, mlp0_b1, mlp0_bn1_g, mlp0_bn1_b, mlp0_w2, mlp0_b2, mlp0_bn2_g, mlp0_bn2_b),
            (mlp1_w1, mlp1_b1, mlp1_bn1_g, mlp1_bn1_b, mlp1_w2, mlp1_b2, mlp1_bn2_g, mlp1_bn2_b)]

    pre = None
    stats = None
    for l in range(3):
        W, cb, _, _ = convs[l]
        if l == 0:
            hs, pooled = _tc_pre(x, batch2, vn, dis2, proj=(proj_w, pb2))
        else:
            pg, pb_ = convs[l - 1][2], convs[l - 1][3]
            hs, pooled = _tc_pre(pre, batch2, vn, dis2,
                                 bn=(stats, pg.reshape(1, H), pb_.reshape(1, H)))
        raw = _sc_spmm(hs, row2d, col2d, zeros2d)
        pre, stats = _tc_post(raw, c2, W, hs, dis2, cb.reshape(1, H))
        if l < 2:
            vn = _tc_vnmlp(pooled, vn, *mlps[l], gmask2)

    return _tc_final(pre, stats, bn2_g.reshape(1, H), bn2_b.reshape(1, H))

# --- scband reference (transcript-rebuilt; emitter-appended) ---
"""Pipeline reference for scband-gnn-node-virtualnode-11441792877097 (READ-ONLY COPY).

The authoritative reference and input builder live on the scoring server;
editing this copy changes nothing except your own understanding.
"""

import jax, jax.numpy as jnp
import numpy as np

N = 10000
E = 320000
D = 128
H = 128
NG = 64
L = 3

PARAM_NAMES = ["proj_w", "proj_b", "vn_emb",
               "conv0_w", "conv0_b", "bn0_g", "bn0_b",
               "conv1_w", "conv1_b", "bn1_g", "bn1_b",
               "conv2_w", "conv2_b", "bn2_g", "bn2_b",
               "mlp0_w1", "mlp0_b1", "mlp0_bn1_g", "mlp0_bn1_b", "mlp0_w2", "mlp0_b2", "mlp0_bn2_g", "mlp0_bn2_b",
               "mlp1_w1", "mlp1_b1", "mlp1_bn1_g", "mlp1_bn1_b", "mlp1_w2", "mlp1_b2", "mlp1_bn2_g", "mlp1_bn2_b"]


def setup_inputs(seed: int = 0):
    key = jax.random.key(seed)
    ks = jax.random.split(key, 64)
    inp = {}
    inp["x"] = jax.random.normal(ks[0], (N, D), dtype=jnp.float32)
    inp["edge_index"] = jax.random.randint(ks[1], (2, E), 0, N)
    inp["edge_attr"] = jax.random.normal(ks[2], (E, D), dtype=jnp.float32)
    inp["batch"] = jnp.sort(jax.random.randint(ks[3], (N,), 0, NG))
    def gen(shape, i, scale=0.05):
        return jax.random.normal(ks[i], shape, dtype=jnp.float32) * scale
    inp["proj_w"] = gen((D, H), 4)
    inp["proj_b"] = gen((H,), 5)
    inp["vn_emb"] = jnp.zeros((1, H), dtype=jnp.float32)
    i = 6
    for l in range(L):
        inp["conv%d_w" % l] = gen((H, H), i); i += 1
        inp["conv%d_b" % l] = gen((H,), i); i += 1
        inp["bn%d_g" % l] = jnp.ones((H,), dtype=jnp.float32)
        inp["bn%d_b" % l] = jnp.zeros((H,), dtype=jnp.float32)
    for m in range(L - 1):
        inp["mlp%d_w1" % m] = gen((H, 2 * H), i); i += 1
        inp["mlp%d_b1" % m] = gen((2 * H,), i); i += 1
        inp["mlp%d_bn1_g" % m] = jnp.ones((2 * H,), dtype=jnp.float32)
        inp["mlp%d_bn1_b" % m] = jnp.zeros((2 * H,), dtype=jnp.float32)
        inp["mlp%d_w2" % m] = gen((2 * H, H), i); i += 1
        inp["mlp%d_b2" % m] = gen((H,), i); i += 1
        inp["mlp%d_bn2_g" % m] = jnp.ones((H,), dtype=jnp.float32)
        inp["mlp%d_bn2_b" % m] = jnp.zeros((H,), dtype=jnp.float32)
    return inp


def _bn(x, g, b):
    mu = x.mean(0)
    var = x.var(0)
    return (x - mu) * jax.lax.rsqrt(var + 1e-5) * g + b


def _bn_masked(x, g, b, mask):
    c = mask.sum()
    mu = (x * mask[:, None]).sum(0) / c
    var = (((x - mu) ** 2) * mask[:, None]).sum(0) / c
    return (x - mu) * jax.lax.rsqrt(var + 1e-5) * g + b


def _gcn(x, edge_index, edge_attr, W, b):
    n = x.shape[0]
    sl = jnp.arange(n)
    row = jnp.concatenate([edge_index[0], sl])
    col = jnp.concatenate([edge_index[1], sl])
    ea = jnp.concatenate([edge_attr, jnp.zeros((n, edge_attr.shape[1]), edge_attr.dtype)], axis=0)
    deg = jnp.zeros((n,), x.dtype).at[row].add(1.0)
    dis = jnp.where(deg > 0, deg ** -0.5, 0.0)
    norm = dis[row] * dis[col]
    msg = norm[:, None] * (x[row] + ea)
    aggr = jnp.zeros((n, x.shape[1]), x.dtype).at[col].add(msg)
    return aggr @ W + b


def _forward(x, edge_index, edge_attr, batch, p):
    ng = batch[-1] + 1
    gmask = (jnp.arange(NG) < ng).astype(x.dtype)
    h0 = x @ p["proj_w"] + p["proj_b"]
    ea = edge_attr @ p["proj_w"] + p["proj_b"]
    vn = p["vn_emb"][jnp.zeros((NG,), dtype=jnp.int32)]
    h_list = [h0]
    for l in range(L):
        hl = h_list[l] + vn[batch]
        h_list[l] = hl
        hn = _gcn(hl, edge_index, ea, p["conv%d_w" % l], p["conv%d_b" % l])
        hn = _bn(hn, p["bn%d_g" % l], p["bn%d_b" % l])
        if l < L - 1:
            hn = jax.nn.relu(hn)
        h_list.append(hn)
        if l < L - 1:
            pooled = jax.ops.segment_sum(hl, batch, num_segments=NG)
            t = pooled + vn
            t = t @ p["mlp%d_w1" % l] + p["mlp%d_b1" % l]
            t = jax.nn.relu(_bn_masked(t, p["mlp%d_bn1_g" % l], p["mlp%d_bn1_b" % l], gmask))
            t = t @ p["mlp%d_w2" % l] + p["mlp%d_b2" % l]
            t = jax.nn.relu(_bn_masked(t, p["mlp%d_bn2_g" % l], p["mlp%d_bn2_b" % l], gmask))
            vn = t
    return h_list[-1]


def reference(x, edge_index, edge_attr, batch,
              proj_w, proj_b, vn_emb,
              conv0_w, conv0_b, bn0_g, bn0_b,
              conv1_w, conv1_b, bn1_g, bn1_b,
              conv2_w, conv2_b, bn2_g, bn2_b,
              mlp0_w1, mlp0_b1, mlp0_bn1_g, mlp0_bn1_b, mlp0_w2, mlp0_b2, mlp0_bn2_g, mlp0_bn2_b,
              mlp1_w1, mlp1_b1, mlp1_bn1_g, mlp1_bn1_b, mlp1_w2, mlp1_b2, mlp1_bn2_g, mlp1_bn2_b):
    args = locals()
    p = {k: args[k] for k in PARAM_NAMES}
    return _forward(x, edge_index, edge_attr, batch, p)

if __name__ == "__main__":
    import jax
    _d = setup_inputs()
    print(jax.jit(kernel)(*tuple(_d.values())))

</pallas_src>

<mosaic_0001>
#map = affine_map<(d0, d1) -> (0, 0)>
#map1 = affine_map<(d0, d1) -> (0)>
module attributes {stable_mosaic.version = 14 : i64} {
  func.func @k(%arg0: i32, %arg1: i32, %arg2: memref<2512x128xi32, #tpu.memory_space<hbm>>, %arg3: memref<10000xf32, #tpu.memory_space<hbm>>, %arg4: memref<320000xf32, #tpu.memory_space<hbm>>, %arg5: memref<80x128xi32, #tpu.memory_space<vmem>>, %arg6: memref<128xf32, #tpu.memory_space<vmem>>) attributes {dimension_semantics = [#tpu.dimension_semantics<core_parallel>, #tpu.dimension_semantics<subcore_parallel>], iteration_bounds = array<i64: 2, 16>, scalar_prefetch = 0 : i64, scratch_operands = 2 : i64, tpu.core_type = #tpu.core_type<sc_vector_subcore>, window_params = [{transform_indices = #map}, {transform_indices = #map1}, {transform_indices = #map1}]} {
    %mul3A = arith.constant 2 : i32
    %mul3A_0 = arith.muli %arg1, %mul3A : i32
    %add3A = arith.addi %mul3A_0, %arg0 : i32
    %lt3A = arith.constant 25 : i32
    %lt3A_1 = arith.cmpi slt, %add3A, %lt3A : i32
    %mul3A_2 = arith.constant 80 : i32
    %mul3A_3 = arith.muli %mul3A_2, %add3A : i32
    %sub3A = arith.constant 25 : i32
    %sub3A_4 = arith.subi %add3A, %sub3A : i32
    %mul3A_5 = arith.constant 72 : i32
    %mul3A_6 = arith.muli %mul3A_5, %sub3A_4 : i32
    %add3A_7 = arith.constant 2000 : i32
    %add3A_8 = arith.addi %add3A_7, %mul3A_6 : i32
    %select_n3A = arith.select %lt3A_1, %mul3A_3, %add3A_8 : i32
    %lt3A_9 = arith.constant 25 : i32
    %lt3A_10 = arith.cmpi slt, %add3A, %lt3A_9 : i32
    %jit3A = arith.constant 80 : i32
    %jit3A_11 = arith.constant 72 : i32
    %select_n3A_12 = arith.select %lt3A_10, %jit3A, %jit3A_11 : i32
    %sub3A_13 = arith.constant 2500 : i32
    %sub3A_14 = arith.subi %sub3A_13, %select_n3A : i32
    %min3A = arith.minsi %select_n3A_12, %sub3A_14 : i32
    "tpu.region"() ({
      %run_scoped3A = tpu.sem_alloc : memref<!tpu.dma_semaphore, #tpu.memory_space<semaphore_mem>>
      %dma_start3A = arith.constant 0 : i32
      %dma_start3A_20 = tpu.memref_slice %arg2[%select_n3A, %dma_start3A] : memref<2512x128xi32, #tpu.memory_space<hbm>> -> memref<80x128xi32, #tpu.memory_space<hbm>>
      %dma_start3A_21 = arith.constant 0 : i32
      %dma_start3A_22 = tpu.memref_slice %arg2[%select_n3A, %dma_start3A_21] : memref<2512x128xi32, #tpu.memory_space<hbm>> -> memref<80x128xi32, #tpu.memory_space<hbm>>
      tpu.enqueue_dma source(%dma_start3A_22 : memref<80x128xi32, #tpu.memory_space<hbm>>) target(%arg5 : memref<80x128xi32, #tpu.memory_space<vmem>>) target_semaphore(%run_scoped3A : memref<!tpu.dma_semaphore, #tpu.memory_space<semaphore_mem>>)
      %dma_wait3A = arith.constant 0 : i32
      %dma_wait3A_23 = tpu.memref_slice %arg2[%select_n3A, %dma_wait3A] : memref<2512x128xi32, #tpu.memory_space<hbm>> -> memref<80x128xi32, #tpu.memory_space<hbm>>
      %dma_wait3A_24 = arith.constant 0 : i32
      %dma_wait3A_25 = tpu.memref_slice %arg2[%select_n3A, %dma_wait3A_24] : memref<2512x128xi32, #tpu.memory_space<hbm>> -> memref<80x128xi32, #tpu.memory_space<hbm>>
      tpu.wait_dma2 semaphore(%run_scoped3A : memref<!tpu.dma_semaphore, #tpu.memory_space<semaphore_mem>>) src(%dma_wait3A_25 : memref<80x128xi32, #tpu.memory_space<hbm>>) dst(%arg5 : memref<80x128xi32, #tpu.memory_space<vmem>>)
      tpu.yield
    }) : () -> ()
    %scan3A = arith.constant 0 : i32
    %scan3A_15 = arith.constant 0 : i32
    %scan3A_16 = arith.constant 80 : i32
    %scan3A_17 = arith.addi %scan3A_15, %scan3A_16 : i32
    %scan3A_18 = arith.constant 1 : i32
    scf.for %scan3A_20 = %scan3A_15 to %scan3A_17 step %scan3A_18  : i32 {
      %lt3A_21 = arith.cmpi slt, %scan3A_20, %min3A : i32
      %convert_element_type3A = arith.extui %lt3A_21 : i1 to i32
      %cond3A = arith.constant 0 : i32
      %cond3A_22 = arith.cmpi ne, %convert_element_type3A, %cond3A : i32
      scf.if %cond3A_22 {
        "tpu.region"() ({
          %run_scoped3A = tpu.sem_alloc : memref<!tpu.dma_semaphore, #tpu.memory_space<semaphore_mem>>
          %dma_start3A = arith.constant 0 : i32
          %dma_start3A_26 = tpu.memref_slice %arg5[%scan3A_20, %dma_start3A] : memref<80x128xi32, #tpu.memory_space<vmem>> -> memref<1x128xi32, #tpu.memory_space<vmem>>
          %dma_start3A_27 = tpu.memref_squeeze %dma_start3A_26 : memref<1x128xi32, #tpu.memory_space<vmem>> -> memref<128xi32, #tpu.memory_space<vmem>>
          %dma_start3A_28 = arith.constant 0 : i32
          %dma_start3A_29 = tpu.memref_slice %arg3[%dma_start3A_28] : memref<10000xf32, #tpu.memory_space<hbm>> -> memref<10000xf32, #tpu.memory_space<hbm>>
          tpu.enqueue_indirect_dma source(%dma_start3A_29 : memref<10000xf32, #tpu.memory_space<hbm>>) target(%arg6 : memref<128xf32, #tpu.memory_space<vmem>>) offsets(%dma_start3A_27 : memref<128xi32, #tpu.memory_space<vmem>>) semaphore(%run_scoped3A : memref<!tpu.dma_semaphore, #tpu.memory_space<semaphore_mem>>)
          %dma_wait3A = arith.constant 0 : i32
          %dma_wait3A_30 = tpu.memref_slice %arg5[%scan3A_20, %dma_wait3A] : memref<80x128xi32, #tpu.memory_space<vmem>> -> memref<1x128xi32, #tpu.memory_space<vmem>>
          %dma_wait3A_31 = tpu.memref_squeeze %dma_wait3A_30 : memref<1x128xi32, #tpu.memory_space<vmem>> -> memref<128xi32, #tpu.memory_space<vmem>>
          %dma_wait3A_32 = arith.constant 0 : i32
          %dma_wait3A_33 = tpu.memref_slice %arg3[%dma_wait3A_32] : memref<10000xf32, #tpu.memory_space<hbm>> -> memref<10000xf32, #tpu.memory_space<hbm>>
          tpu.wait_indirect_dma semaphore(%run_scoped3A : memref<!tpu.dma_semaphore, #tpu.memory_space<semaphore_mem>>) src(%dma_wait3A_33 : memref<10000xf32, #tpu.memory_space<hbm>>) dst(%arg6 : memref<128xf32, #tpu.memory_space<vmem>>)
          tpu.yield
        }) : () -> ()
        %add3A_23 = arith.addi %select_n3A, %scan3A_20 : i32
        %mul3A_24 = arith.constant 128 : i32
        %mul3A_25 = arith.muli %add3A_23, %mul3A_24 : i32
        "tpu.region"() ({
          %run_scoped3A = tpu.sem_alloc : memref<!tpu.dma_semaphore, #tpu.memory_space<semaphore_mem>>
          %dma_start3A = tpu.memref_slice %arg4[%mul3A_25] : memref<320000xf32, #tpu.memory_space<hbm>> -> memref<128xf32, #tpu.memory_space<hbm>>
          %dma_start3A_26 = tpu.memref_slice %arg4[%mul3A_25] : memref<320000xf32, #tpu.memory_space<hbm>> -> memref<128xf32, #tpu.memory_space<hbm>>
          tpu.enqueue_dma source(%arg6 : memref<128xf32, #tpu.memory_space<vmem>>) target(%dma_start3A_26 : memref<128xf32, #tpu.memory_space<hbm>>) target_semaphore(%run_scoped3A : memref<!tpu.dma_semaphore, #tpu.memory_space<semaphore_mem>>)
          %dma_wait3A = tpu.memref_slice %arg4[%mul3A_25] : memref<320000xf32, #tpu.memory_space<hbm>> -> memref<128xf32, #tpu.memory_space<hbm>>
          %dma_wait3A_27 = tpu.memref_slice %arg4[%mul3A_25] : memref<320000xf32, #tpu.memory_space<hbm>> -> memref<128xf32, #tpu.memory_space<hbm>>
          tpu.wait_dma2 semaphore(%run_scoped3A : memref<!tpu.dma_semaphore, #tpu.memory_space<semaphore_mem>>) src(%arg6 : memref<128xf32, #tpu.memory_space<vmem>>) dst(%dma_wait3A_27 : memref<128xf32, #tpu.memory_space<hbm>>)
          tpu.yield
        }) : () -> ()
      } else {
      }
    }
    %scan3A_19 = arith.constant 80 : i32
    return
  }
}

#map = affine_map<(d0, d1) -> (0, 0, 0)>
#map1 = affine_map<(d0, d1) -> (0, 0)>
module attributes {stable_mosaic.version = 14 : i64} {
  func.func @k(%arg0: i32, %arg1: i32, %arg2: memref<2500x128x128xf32, #tpu.memory_space<hbm>>, %arg3: memref<2512x128xi32, #tpu.memory_space<hbm>>, %arg4: memref<10000x128xf32, #tpu.memory_space<hbm>>, %arg5: memref<2x10000x128xf32, #tpu.memory_space<hbm>>, %arg6: memref<80x128xi32, #tpu.memory_space<vmem>>, %arg7: memref<2x128x128xf32, #tpu.memory_space<vmem>>, %arg8: memref<10000x128xf32, #tpu.memory_space<vmem_shared>>, %arg9: memref<!tpu.dma_semaphore, #tpu.memory_space<semaphore_mem>>, %arg10: memref<!tpu.dma_semaphore, #tpu.memory_space<semaphore_mem>>) attributes {dimension_semantics = [#tpu.dimension_semantics<core_parallel>, #tpu.dimension_semantics<subcore_parallel>], iteration_bounds = array<i64: 2, 16>, scalar_prefetch = 0 : i64, scratch_operands = 5 : i64, tpu.core_type = #tpu.core_type<sc_vector_subcore>, window_params = [{transform_indices = #map}, {transform_indices = #map1}, {transform_indices = #map1}, {transform_indices = #map}]} {
    %eq3A = arith.constant 0 : i32
    %eq3A_0 = arith.cmpi eq, %arg1, %eq3A : i32
    %convert_element_type3A = arith.extui %eq3A_0 : i1 to i32
    %cond3A = arith.constant 0 : i32
    %cond3A_1 = arith.cmpi ne, %convert_element_type3A, %cond3A : i32
    scf.if %cond3A_1 {
      "tpu.region"() ({
        %run_scoped3A = tpu.sem_alloc : memref<!tpu.dma_semaphore, #tpu.memory_space<semaphore_mem>>
        tpu.enqueue_dma source(%arg4 : memref<10000x128xf32, #tpu.memory_space<hbm>>) target(%arg8 : memref<10000x128xf32, #tpu.memory_space<vmem_shared>>) target_semaphore(%run_scoped3A : memref<!tpu.dma_semaphore, #tpu.memory_space<semaphore_mem>>)
        tpu.wait_dma2 semaphore(%run_scoped3A : memref<!tpu.dma_semaphore, #tpu.memory_space<semaphore_mem>>) src(%arg4 : memref<10000x128xf32, #tpu.memory_space<hbm>>) dst(%arg8 : memref<10000x128xf32, #tpu.memory_space<vmem_shared>>)
        tpu.yield
      }) : () -> ()
    } else {
    }
    %mul3A = arith.constant 2 : i32
    %mul3A_2 = arith.muli %arg1, %mul3A : i32
    %add3A = arith.addi %mul3A_2, %arg0 : i32
    %lt3A = arith.constant 25 : i32
    %lt3A_3 = arith.cmpi slt, %add3A, %lt3A : i32
    %mul3A_4 = arith.constant 80 : i32
    %mul3A_5 = arith.muli %mul3A_4, %add3A : i32
    %sub3A = arith.constant 25 : i32
    %sub3A_6 = arith.subi %add3A, %sub3A : i32
    %mul3A_7 = arith.constant 72 : i32
    %mul3A_8 = arith.muli %mul3A_7, %sub3A_6 : i32
    %add3A_9 = arith.constant 2000 : i32
    %add3A_10 = arith.addi %add3A_9, %mul3A_8 : i32
    %select_n3A = arith.select %lt3A_3, %mul3A_5, %add3A_10 : i32
    %lt3A_11 = arith.constant 25 : i32
    %lt3A_12 = arith.cmpi slt, %add3A, %lt3A_11 : i32
    %jit3A = arith.constant 80 : i32
    %jit3A_13 = arith.constant 72 : i32
    %select_n3A_14 = arith.select %lt3A_12, %jit3A, %jit3A_13 : i32
    %sub3A_15 = arith.constant 2500 : i32
    %sub3A_16 = arith.subi %sub3A_15, %select_n3A : i32
    %min3A = arith.minsi %select_n3A_14, %sub3A_16 : i32
    "tpu.region"() ({
      %run_scoped3A = tpu.sem_alloc : memref<!tpu.dma_semaphore, #tpu.memory_space<semaphore_mem>>
      %dma_start3A = arith.constant 0 : i32
      %dma_start3A_28 = tpu.memref_slice %arg3[%select_n3A, %dma_start3A] : memref<2512x128xi32, #tpu.memory_space<hbm>> -> memref<80x128xi32, #tpu.memory_space<hbm>>
      %dma_start3A_29 = arith.constant 0 : i32
      %dma_start3A_30 = tpu.memref_slice %arg3[%select_n3A, %dma_start3A_29] : memref<2512x128xi32, #tpu.memory_space<hbm>> -> memref<80x128xi32, #tpu.memory_space<hbm>>
      tpu.enqueue_dma source(%dma_start3A_30 : memref<80x128xi32, #tpu.memory_space<hbm>>) target(%arg6 : memref<80x128xi32, #tpu.memory_space<vmem>>) target_semaphore(%run_scoped3A : memref<!tpu.dma_semaphore, #tpu.memory_space<semaphore_mem>>)
      %dma_wait3A = arith.constant 0 : i32
      %dma_wait3A_31 = tpu.memref_slice %arg3[%select_n3A, %dma_wait3A] : memref<2512x128xi32, #tpu.memory_space<hbm>> -> memref<80x128xi32, #tpu.memory_space<hbm>>
      %dma_wait3A_32 = arith.constant 0 : i32
      %dma_wait3A_33 = tpu.memref_slice %arg3[%select_n3A, %dma_wait3A_32] : memref<2512x128xi32, #tpu.memory_space<hbm>> -> memref<80x128xi32, #tpu.memory_space<hbm>>
      tpu.wait_dma2 semaphore(%run_scoped3A : memref<!tpu.dma_semaphore, #tpu.memory_space<semaphore_mem>>) src(%dma_wait3A_33 : memref<80x128xi32, #tpu.memory_space<hbm>>) dst(%arg6 : memref<80x128xi32, #tpu.memory_space<vmem>>)
      tpu.yield
    }) : () -> ()
    %barrier3A = arith.constant 0 : index
    tpu.barrier barrier_id(%barrier3A)
    %scan3A = arith.constant 0 : i32
    %scan3A_17 = arith.constant 0 : i32
    %scan3A_18 = arith.constant 40 : i32
    %scan3A_19 = arith.addi %scan3A_17, %scan3A_18 : i32
    %scan3A_20 = arith.constant 1 : i32
    scf.for %scan3A_28 = %scan3A_17 to %scan3A_19 step %scan3A_20  : i32 {
      %mul3A_29 = arith.constant 2 : i32
      %mul3A_30 = arith.muli %mul3A_29, %scan3A_28 : i32
      %mul3A_31 = arith.constant 2 : i32
      %mul3A_32 = arith.muli %mul3A_31, %scan3A_28 : i32
      %add3A_33 = arith.constant 1 : i32
      %add3A_34 = arith.addi %mul3A_32, %add3A_33 : i32
      %add3A_35 = arith.addi %select_n3A, %mul3A_30 : i32
      %add3A_36 = arith.addi %select_n3A, %add3A_34 : i32
      %lt3A_37 = arith.cmpi slt, %mul3A_30, %min3A : i32
      %convert_element_type3A_38 = arith.extui %lt3A_37 : i1 to i32
      %cond3A_39 = arith.constant 0 : i32
      %cond3A_40 = arith.constant 0 : i32
      %cond3A_41 = arith.cmpi ne, %convert_element_type3A_38, %cond3A_40 : i32
      scf.if %cond3A_41 {
        %dma_start3A = arith.constant 0 : i32
        %dma_start3A_57 = arith.constant 0 : i32
        %dma_start3A_58 = tpu.memref_slice %arg7[%cond3A_39, %dma_start3A, %dma_start3A_57] : memref<2x128x128xf32, #tpu.memory_space<vmem>> -> memref<1x128x128xf32, #tpu.memory_space<vmem>>
        %dma_start3A_59 = tpu.memref_squeeze %dma_start3A_58 : memref<1x128x128xf32, #tpu.memory_space<vmem>> -> memref<128x128xf32, #tpu.memory_space<vmem>>
        %dma_start3A_60 = arith.constant 0 : i32
        %dma_start3A_61 = arith.constant 0 : i32
        %dma_start3A_62 = tpu.memref_slice %arg2[%add3A_35, %dma_start3A_60, %dma_start3A_61] : memref<2500x128x128xf32, #tpu.memory_space<hbm>> -> memref<1x128x128xf32, #tpu.memory_space<hbm>>
        %dma_start3A_63 = tpu.memref_squeeze %dma_start3A_62 : memref<1x128x128xf32, #tpu.memory_space<hbm>> -> memref<128x128xf32, #tpu.memory_space<hbm>>
        %dma_start3A_64 = arith.constant 0 : i32
        %dma_start3A_65 = arith.constant 0 : i32
        %dma_start3A_66 = tpu.memref_slice %arg7[%cond3A_39, %dma_start3A_64, %dma_start3A_65] : memref<2x128x128xf32, #tpu.memory_space<vmem>> -> memref<1x128x128xf32, #tpu.memory_space<vmem>>
        %dma_start3A_67 = tpu.memref_squeeze %dma_start3A_66 : memref<1x128x128xf32, #tpu.memory_space<vmem>> -> memref<128x128xf32, #tpu.memory_space<vmem>>
        %dma_start3A_68 = arith.constant 0 : i32
        %dma_start3A_69 = arith.constant 0 : i32
        %dma_start3A_70 = tpu.memref_slice %arg2[%add3A_35, %dma_start3A_68, %dma_start3A_69] : memref<2500x128x128xf32, #tpu.memory_space<hbm>> -> memref<1x128x128xf32, #tpu.memory_space<hbm>>
        %dma_start3A_71 = tpu.memref_squeeze %dma_start3A_70 : memref<1x128x128xf32, #tpu.memory_space<hbm>> -> memref<128x128xf32, #tpu.memory_space<hbm>>
        tpu.enqueue_dma source(%dma_start3A_71 : memref<128x128xf32, #tpu.memory_space<hbm>>) target(%dma_start3A_67 : memref<128x128xf32, #tpu.memory_space<vmem>>) target_semaphore(%arg9 : memref<!tpu.dma_semaphore, #tpu.memory_space<semaphore_mem>>)
      } else {
      }
      %lt3A_42 = arith.cmpi slt, %add3A_34, %min3A : i32
      %convert_element_type3A_43 = arith.extui %lt3A_42 : i1 to i32
      %cond3A_44 = arith.constant 1 : i32
      %cond3A_45 = arith.constant 0 : i32
      %cond3A_46 = arith.cmpi ne, %convert_element_type3A_43, %cond3A_45 : i32
      scf.if %cond3A_46 {
        %dma_start3A = arith.constant 0 : i32
        %dma_start3A_57 = arith.constant 0 : i32
        %dma_start3A_58 = tpu.memref_slice %arg7[%cond3A_44, %dma_start3A, %dma_start3A_57] : memref<2x128x128xf32, #tpu.memory_space<vmem>> -> memref<1x128x128xf32, #tpu.memory_space<vmem>>
        %dma_start3A_59 = tpu.memref_squeeze %dma_start3A_58 : memref<1x128x128xf32, #tpu.memory_space<vmem>> -> memref<128x128xf32, #tpu.memory_space<vmem>>
        %dma_start3A_60 = arith.constant 0 : i32
        %dma_start3A_61 = arith.constant 0 : i32
        %dma_start3A_62 = tpu.memref_slice %arg2[%add3A_36, %dma_start3A_60, %dma_start3A_61] : memref<2500x128x128xf32, #tpu.memory_space<hbm>> -> memref<1x128x128xf32, #tpu.memory_space<hbm>>
        %dma_start3A_63 = tpu.memref_squeeze %dma_start3A_62 : memref<1x128x128xf32, #tpu.memory_space<hbm>> -> memref<128x128xf32, #tpu.memory_space<hbm>>
        %dma_start3A_64 = arith.constant 0 : i32
        %dma_start3A_65 = arith.constant 0 : i32
        %dma_start3A_66 = tpu.memref_slice %arg7[%cond3A_44, %dma_start3A_64, %dma_start3A_65] : memref<2x128x128xf32, #tpu.memory_space<vmem>> -> memref<1x128x128xf32, #tpu.memory_space<vmem>>
        %dma_start3A_67 = tpu.memref_squeeze %dma_start3A_66 : memref<1x128x128xf32, #tpu.memory_space<vmem>> -> memref<128x128xf32, #tpu.memory_space<vmem>>
        %dma_start3A_68 = arith.constant 0 : i32
        %dma_start3A_69 = arith.constant 0 : i32
        %dma_start3A_70 = tpu.memref_slice %arg2[%add3A_36, %dma_start3A_68, %dma_start3A_69] : memref<2500x128x128xf32, #tpu.memory_space<hbm>> -> memref<1x128x128xf32, #tpu.memory_space<hbm>>
        %dma_start3A_71 = tpu.memref_squeeze %dma_start3A_70 : memref<1x128x128xf32, #tpu.memory_space<hbm>> -> memref<128x128xf32, #tpu.memory_space<hbm>>
        tpu.enqueue_dma source(%dma_start3A_71 : memref<128x128xf32, #tpu.memory_space<hbm>>) target(%dma_start3A_67 : memref<128x128xf32, #tpu.memory_space<vmem>>) target_semaphore(%arg10 : memref<!tpu.dma_semaphore, #tpu.memory_space<semaphore_mem>>)
      } else {
      }
      %lt3A_47 = arith.cmpi slt, %mul3A_30, %min3A : i32
      %convert_element_type3A_48 = arith.extui %lt3A_47 : i1 to i32
      %cond3A_49 = arith.constant 0 : i32
      %cond3A_50 = arith.constant 0 : i32
      %cond3A_51 = arith.cmpi ne, %convert_element_type3A_48, %cond3A_50 : i32
      scf.if %cond3A_51 {
        %dma_wait3A = arith.constant 0 : i32
        %dma_wait3A_57 = arith.constant 0 : i32
        %dma_wait3A_58 = tpu.memref_slice %arg7[%cond3A_49, %dma_wait3A, %dma_wait3A_57] : memref<2x128x128xf32, #tpu.memory_space<vmem>> -> memref<1x128x128xf32, #tpu.memory_space<vmem>>
        %dma_wait3A_59 = tpu.memref_squeeze %dma_wait3A_58 : memref<1x128x128xf32, #tpu.memory_space<vmem>> -> memref<128x128xf32, #tpu.memory_space<vmem>>
        %dma_wait3A_60 = arith.constant 0 : i32
        %dma_wait3A_61 = arith.constant 0 : i32
        %dma_wait3A_62 = tpu.memref_slice %arg2[%add3A_35, %dma_wait3A_60, %dma_wait3A_61] : memref<2500x128x128xf32, #tpu.memory_space<hbm>> -> memref<1x128x128xf32, #tpu.memory_space<hbm>>
        %dma_wait3A_63 = tpu.memref_squeeze %dma_wait3A_62 : memref<1x128x128xf32, #tpu.memory_space<hbm>> -> memref<128x128xf32, #tpu.memory_space<hbm>>
        %dma_wait3A_64 = arith.constant 0 : i32
        %dma_wait3A_65 = arith.constant 0 : i32
        %dma_wait3A_66 = tpu.memref_slice %arg7[%cond3A_49, %dma_wait3A_64, %dma_wait3A_65] : memref<2x128x128xf32, #tpu.memory_space<vmem>> -> memref<1x128x128xf32, #tpu.memory_space<vmem>>
        %dma_wait3A_67 = tpu.memref_squeeze %dma_wait3A_66 : memref<1x128x128xf32, #tpu.memory_space<vmem>> -> memref<128x128xf32, #tpu.memory_space<vmem>>
        %dma_wait3A_68 = arith.constant 0 : i32
        %dma_wait3A_69 = arith.constant 0 : i32
        %dma_wait3A_70 = tpu.memref_slice %arg2[%add3A_35, %dma_wait3A_68, %dma_wait3A_69] : memref<2500x128x128xf32, #tpu.memory_space<hbm>> -> memref<1x128x128xf32, #tpu.memory_space<hbm>>
        %dma_wait3A_71 = tpu.memref_squeeze %dma_wait3A_70 : memref<1x128x128xf32, #tpu.memory_space<hbm>> -> memref<128x128xf32, #tpu.memory_space<hbm>>
        tpu.wait_dma2 semaphore(%arg9 : memref<!tpu.dma_semaphore, #tpu.memory_space<semaphore_mem>>) src(%dma_wait3A_71 : memref<128x128xf32, #tpu.memory_space<hbm>>) dst(%dma_wait3A_67 : memref<128x128xf32, #tpu.memory_space<vmem>>)
        %run_scoped3A = arith.constant 0 : i32
        "tpu.region"() ({
          %run_scoped3A_72 = tpu.sem_alloc : memref<!tpu.dma_semaphore, #tpu.memory_space<semaphore_mem>>
          %dma_start3A = arith.constant 0 : i32
          %dma_start3A_73 = arith.constant 0 : i32
          %dma_start3A_74 = tpu.memref_slice %arg7[%run_scoped3A, %dma_start3A, %dma_start3A_73] : memref<2x128x128xf32, #tpu.memory_space<vmem>> -> memref<1x128x128xf32, #tpu.memory_space<vmem>>
          %dma_start3A_75 = tpu.memref_squeeze %dma_start3A_74 : memref<1x128x128xf32, #tpu.memory_space<vmem>> -> memref<128x128xf32, #tpu.memory_space<vmem>>
          %dma_start3A_76 = arith.constant 0 : i32
          %dma_start3A_77 = tpu.memref_slice %arg6[%mul3A_30, %dma_start3A_76] : memref<80x128xi32, #tpu.memory_space<vmem>> -> memref<1x128xi32, #tpu.memory_space<vmem>>
          %dma_start3A_78 = tpu.memref_squeeze %dma_start3A_77 : memref<1x128xi32, #tpu.memory_space<vmem>> -> memref<128xi32, #tpu.memory_space<vmem>>
          %dma_start3A_79 = arith.constant 0 : i32
          %dma_start3A_80 = arith.constant 0 : i32
          %dma_start3A_81 = tpu.memref_slice %arg8[%dma_start3A_79, %dma_start3A_80] : memref<10000x128xf32, #tpu.memory_space<vmem_shared>> -> memref<10000x128xf32, #tpu.memory_space<vmem_shared>>
          tpu.enqueue_indirect_dma source(%dma_start3A_75 : memref<128x128xf32, #tpu.memory_space<vmem>>) target(%dma_start3A_81 : memref<10000x128xf32, #tpu.memory_space<vmem_shared>>) offsets(%dma_start3A_78 : memref<128xi32, #tpu.memory_space<vmem>>) semaphore(%run_scoped3A_72 : memref<!tpu.dma_semaphore, #tpu.memory_space<semaphore_mem>>) {add = true}
          %dma_wait3A_82 = arith.constant 0 : i32
          %dma_wait3A_83 = arith.constant 0 : i32
          %dma_wait3A_84 = tpu.memref_slice %arg7[%run_scoped3A, %dma_wait3A_82, %dma_wait3A_83] : memref<2x128x128xf32, #tpu.memory_space<vmem>> -> memref<1x128x128xf32, #tpu.memory_space<vmem>>
          %dma_wait3A_85 = tpu.memref_squeeze %dma_wait3A_84 : memref<1x128x128xf32, #tpu.memory_space<vmem>> -> memref<128x128xf32, #tpu.memory_space<vmem>>
          %dma_wait3A_86 = arith.constant 0 : i32
          %dma_wait3A_87 = tpu.memref_slice %arg6[%mul3A_30, %dma_wait3A_86] : memref<80x128xi32, #tpu.memory_space<vmem>> -> memref<1x128xi32, #tpu.memory_space<vmem>>
          %dma_wait3A_88 = tpu.memref_squeeze %dma_wait3A_87 : memref<1x128xi32, #tpu.memory_space<vmem>> -> memref<128xi32, #tpu.memory_space<vmem>>
          %dma_wait3A_89 = arith.constant 0 : i32
          %dma_wait3A_90 = arith.constant 0 : i32
          %dma_wait3A_91 = tpu.memref_slice %arg8[%dma_wait3A_89, %dma_wait3A_90] : memref<10000x128xf32, #tpu.memory_space<vmem_shared>> -> memref<10000x128xf32, #tpu.memory_space<vmem_shared>>
          tpu.wait_indirect_dma semaphore(%run_scoped3A_72 : memref<!tpu.dma_semaphore, #tpu.memory_space<semaphore_mem>>) src(%dma_wait3A_85 : memref<128x128xf32, #tpu.memory_space<vmem>>) dst(%dma_wait3A_91 : memref<10000x128xf32, #tpu.memory_space<vmem_shared>>)
          tpu.yield
        }) : () -> ()
      } else {
      }
      %lt3A_52 = arith.cmpi slt, %add3A_34, %min3A : i32
      %convert_element_type3A_53 = arith.extui %lt3A_52 : i1 to i32
      %cond3A_54 = arith.constant 1 : i32
      %cond3A_55 = arith.constant 0 : i32
      %cond3A_56 = arith.cmpi ne, %convert_element_type3A_53, %cond3A_55 : i32
      scf.if %cond3A_56 {
        %dma_wait3A = arith.constant 0 : i32
        %dma_wait3A_57 = arith.constant 0 : i32
        %dma_wait3A_58 = tpu.memref_slice %arg7[%cond3A_54, %dma_wait3A, %dma_wait3A_57] : memref<2x128x128xf32, #tpu.memory_space<vmem>> -> memref<1x128x128xf32, #tpu.memory_space<vmem>>
        %dma_wait3A_59 = tpu.memref_squeeze %dma_wait3A_58 : memref<1x128x128xf32, #tpu.memory_space<vmem>> -> memref<128x128xf32, #tpu.memory_space<vmem>>
        %dma_wait3A_60 = arith.constant 0 : i32
        %dma_wait3A_61 = arith.constant 0 : i32
        %dma_wait3A_62 = tpu.memref_slice %arg2[%add3A_36, %dma_wait3A_60, %dma_wait3A_61] : memref<2500x128x128xf32, #tpu.memory_space<hbm>> -> memref<1x128x128xf32, #tpu.memory_space<hbm>>
        %dma_wait3A_63 = tpu.memref_squeeze %dma_wait3A_62 : memref<1x128x128xf32, #tpu.memory_space<hbm>> -> memref<128x128xf32, #tpu.memory_space<hbm>>
        %dma_wait3A_64 = arith.constant 0 : i32
        %dma_wait3A_65 = arith.constant 0 : i32
        %dma_wait3A_66 = tpu.memref_slice %arg7[%cond3A_54, %dma_wait3A_64, %dma_wait3A_65] : memref<2x128x128xf32, #tpu.memory_space<vmem>> -> memref<1x128x128xf32, #tpu.memory_space<vmem>>
        %dma_wait3A_67 = tpu.memref_squeeze %dma_wait3A_66 : memref<1x128x128xf32, #tpu.memory_space<vmem>> -> memref<128x128xf32, #tpu.memory_space<vmem>>
        %dma_wait3A_68 = arith.constant 0 : i32
        %dma_wait3A_69 = arith.constant 0 : i32
        %dma_wait3A_70 = tpu.memref_slice %arg2[%add3A_36, %dma_wait3A_68, %dma_wait3A_69] : memref<2500x128x128xf32, #tpu.memory_space<hbm>> -> memref<1x128x128xf32, #tpu.memory_space<hbm>>
        %dma_wait3A_71 = tpu.memref_squeeze %dma_wait3A_70 : memref<1x128x128xf32, #tpu.memory_space<hbm>> -> memref<128x128xf32, #tpu.memory_space<hbm>>
        tpu.wait_dma2 semaphore(%arg10 : memref<!tpu.dma_semaphore, #tpu.memory_space<semaphore_mem>>) src(%dma_wait3A_71 : memref<128x128xf32, #tpu.memory_space<hbm>>) dst(%dma_wait3A_67 : memref<128x128xf32, #tpu.memory_space<vmem>>)
        %run_scoped3A = arith.constant 1 : i32
        "tpu.region"() ({
          %run_scoped3A_72 = tpu.sem_alloc : memref<!tpu.dma_semaphore, #tpu.memory_space<semaphore_mem>>
          %dma_start3A = arith.constant 0 : i32
          %dma_start3A_73 = arith.constant 0 : i32
          %dma_start3A_74 = tpu.memref_slice %arg7[%run_scoped3A, %dma_start3A, %dma_start3A_73] : memref<2x128x128xf32, #tpu.memory_space<vmem>> -> memref<1x128x128xf32, #tpu.memory_space<vmem>>
          %dma_start3A_75 = tpu.memref_squeeze %dma_start3A_74 : memref<1x128x128xf32, #tpu.memory_space<vmem>> -> memref<128x128xf32, #tpu.memory_space<vmem>>
          %dma_start3A_76 = arith.constant 0 : i32
          %dma_start3A_77 = tpu.memref_slice %arg6[%add3A_34, %dma_start3A_76] : memref<80x128xi32, #tpu.memory_space<vmem>> -> memref<1x128xi32, #tpu.memory_space<vmem>>
          %dma_start3A_78 = tpu.memref_squeeze %dma_start3A_77 : memref<1x128xi32, #tpu.memory_space<vmem>> -> memref<128xi32, #tpu.memory_space<vmem>>
          %dma_start3A_79 = arith.constant 0 : i32
          %dma_start3A_80 = arith.constant 0 : i32
          %dma_start3A_81 = tpu.memref_slice %arg8[%dma_start3A_79, %dma_start3A_80] : memref<10000x128xf32, #tpu.memory_space<vmem_shared>> -> memref<10000x128xf32, #tpu.memory_space<vmem_shared>>
          tpu.enqueue_indirect_dma source(%dma_start3A_75 : memref<128x128xf32, #tpu.memory_space<vmem>>) target(%dma_start3A_81 : memref<10000x128xf32, #tpu.memory_space<vmem_shared>>) offsets(%dma_start3A_78 : memref<128xi32, #tpu.memory_space<vmem>>) semaphore(%run_scoped3A_72 : memref<!tpu.dma_semaphore, #tpu.memory_space<semaphore_mem>>) {add = true}
          %dma_wait3A_82 = arith.constant 0 : i32
          %dma_wait3A_83 = arith.constant 0 : i32
          %dma_wait3A_84 = tpu.memref_slice %arg7[%run_scoped3A, %dma_wait3A_82, %dma_wait3A_83] : memref<2x128x128xf32, #tpu.memory_space<vmem>> -> memref<1x128x128xf32, #tpu.memory_space<vmem>>
          %dma_wait3A_85 = tpu.memref_squeeze %dma_wait3A_84 : memref<1x128x128xf32, #tpu.memory_space<vmem>> -> memref<128x128xf32, #tpu.memory_space<vmem>>
          %dma_wait3A_86 = arith.constant 0 : i32
          %dma_wait3A_87 = tpu.memref_slice %arg6[%add3A_34, %dma_wait3A_86] : memref<80x128xi32, #tpu.memory_space<vmem>> -> memref<1x128xi32, #tpu.memory_space<vmem>>
          %dma_wait3A_88 = tpu.memref_squeeze %dma_wait3A_87 : memref<1x128xi32, #tpu.memory_space<vmem>> -> memref<128xi32, #tpu.memory_space<vmem>>
          %dma_wait3A_89 = arith.constant 0 : i32
          %dma_wait3A_90 = arith.constant 0 : i32
          %dma_wait3A_91 = tpu.memref_slice %arg8[%dma_wait3A_89, %dma_wait3A_90] : memref<10000x128xf32, #tpu.memory_space<vmem_shared>> -> memref<10000x128xf32, #tpu.memory_space<vmem_shared>>
          tpu.wait_indirect_dma semaphore(%run_scoped3A_72 : memref<!tpu.dma_semaphore, #tpu.memory_space<semaphore_mem>>) src(%dma_wait3A_85 : memref<128x128xf32, #tpu.memory_space<vmem>>) dst(%dma_wait3A_91 : memref<10000x128xf32, #tpu.memory_space<vmem_shared>>)
          tpu.yield
        }) : () -> ()
      } else {
      }
    }
    %scan3A_21 = arith.constant 40 : i32
    %barrier3A_22 = arith.constant 0 : index
    tpu.barrier barrier_id(%barrier3A_22)
    %eq3A_23 = arith.constant 0 : i32
    %eq3A_24 = arith.cmpi eq, %arg1, %eq3A_23 : i32
    %convert_element_type3A_25 = arith.extui %eq3A_24 : i1 to i32
    %cond3A_26 = arith.constant 0 : i32
    %cond3A_27 = arith.cmpi ne, %convert_element_type3A_25, %cond3A_26 : i32
    scf.if %cond3A_27 {
      "tpu.region"() ({
        %run_scoped3A = tpu.sem_alloc : memref<!tpu.dma_semaphore, #tpu.memory_space<semaphore_mem>>
        %dma_start3A = arith.constant 0 : i32
        %dma_start3A_28 = arith.constant 0 : i32
        %dma_start3A_29 = tpu.memref_slice %arg5[%arg0, %dma_start3A, %dma_start3A_28] : memref<2x10000x128xf32, #tpu.memory_space<hbm>> -> memref<1x10000x128xf32, #tpu.memory_space<hbm>>
        %dma_start3A_30 = tpu.memref_squeeze %dma_start3A_29 : memref<1x10000x128xf32, #tpu.memory_space<hbm>> -> memref<10000x128xf32, #tpu.memory_space<hbm>>
        tpu.enqueue_dma source(%arg8 : memref<10000x128xf32, #tpu.memory_space<vmem_shared>>) target(%dma_start3A_30 : memref<10000x128xf32, #tpu.memory_space<hbm>>) target_semaphore(%run_scoped3A : memref<!tpu.dma_semaphore, #tpu.memory_space<semaphore_mem>>)
        %dma_wait3A = arith.constant 0 : i32
        %dma_wait3A_31 = arith.constant 0 : i32
        %dma_wait3A_32 = tpu.memref_slice %arg5[%arg0, %dma_wait3A, %dma_wait3A_31] : memref<2x10000x128xf32, #tpu.memory_space<hbm>> -> memref<1x10000x128xf32, #tpu.memory_space<hbm>>
        %dma_wait3A_33 = tpu.memref_squeeze %dma_wait3A_32 : memref<1x10000x128xf32, #tpu.memory_space<hbm>> -> memref<10000x128xf32, #tpu.memory_space<hbm>>
        tpu.wait_dma2 semaphore(%run_scoped3A : memref<!tpu.dma_semaphore, #tpu.memory_space<semaphore_mem>>) src(%arg8 : memref<10000x128xf32, #tpu.memory_space<vmem_shared>>) dst(%dma_wait3A_33 : memref<10000x128xf32, #tpu.memory_space<hbm>>)
        tpu.yield
      }) : () -> ()
    } else {
    }
    return
  }
}

#map = affine_map<(d0, d1) -> (0, 0)>
#map1 = affine_map<(d0, d1) -> (0)>
module attributes {stable_mosaic.version = 14 : i64} {
  func.func @k(%arg0: i32, %arg1: i32, %arg2: memref<2512x128xi32, #tpu.memory_space<hbm>>, %arg3: memref<128xf32, #tpu.memory_space<hbm>>, %arg4: memref<10000xf32, #tpu.memory_space<hbm>>, %arg5: memref<2x10000xf32, #tpu.memory_space<hbm>>, %arg6: memref<80x128xi32, #tpu.memory_space<vmem>>, %arg7: memref<128xf32, #tpu.memory_space<vmem>>, %arg8: memref<10000xf32, #tpu.memory_space<vmem_shared>>) attributes {dimension_semantics = [#tpu.dimension_semantics<core_parallel>, #tpu.dimension_semantics<subcore_parallel>], iteration_bounds = array<i64: 2, 16>, scalar_prefetch = 0 : i64, scratch_operands = 3 : i64, tpu.core_type = #tpu.core_type<sc_vector_subcore>, window_params = [{transform_indices = #map}, {transform_indices = #map1}, {transform_indices = #map1}, {transform_indices = #map}]} {
    %eq3A = arith.constant 0 : i32
    %eq3A_0 = arith.cmpi eq, %arg1, %eq3A : i32
    %convert_element_type3A = arith.extui %eq3A_0 : i1 to i32
    %cond3A = arith.constant 0 : i32
    %cond3A_1 = arith.cmpi ne, %convert_element_type3A, %cond3A : i32
    scf.if %cond3A_1 {
      "tpu.region"() ({
        %run_scoped3A = tpu.sem_alloc : memref<!tpu.dma_semaphore, #tpu.memory_space<semaphore_mem>>
        tpu.enqueue_dma source(%arg4 : memref<10000xf32, #tpu.memory_space<hbm>>) target(%arg8 : memref<10000xf32, #tpu.memory_space<vmem_shared>>) target_semaphore(%run_scoped3A : memref<!tpu.dma_semaphore, #tpu.memory_space<semaphore_mem>>)
        tpu.wait_dma2 semaphore(%run_scoped3A : memref<!tpu.dma_semaphore, #tpu.memory_space<semaphore_mem>>) src(%arg4 : memref<10000xf32, #tpu.memory_space<hbm>>) dst(%arg8 : memref<10000xf32, #tpu.memory_space<vmem_shared>>)
        tpu.yield
      }) : () -> ()
    } else {
    }
    "tpu.region"() ({
      %run_scoped3A = tpu.sem_alloc : memref<!tpu.dma_semaphore, #tpu.memory_space<semaphore_mem>>
      tpu.enqueue_dma source(%arg3 : memref<128xf32, #tpu.memory_space<hbm>>) target(%arg7 : memref<128xf32, #tpu.memory_space<vmem>>) target_semaphore(%run_scoped3A : memref<!tpu.dma_semaphore, #tpu.memory_space<semaphore_mem>>)
      tpu.wait_dma2 semaphore(%run_scoped3A : memref<!tpu.dma_semaphore, #tpu.memory_space<semaphore_mem>>) src(%arg3 : memref<128xf32, #tpu.memory_space<hbm>>) dst(%arg7 : memref<128xf32, #tpu.memory_space<vmem>>)
      tpu.yield
    }) : () -> ()
    %mul3A = arith.constant 2 : i32
    %mul3A_2 = arith.muli %arg1, %mul3A : i32
    %add3A = arith.addi %mul3A_2, %arg0 : i32
    %lt3A = arith.constant 25 : i32
    %lt3A_3 = arith.cmpi slt, %add3A, %lt3A : i32
    %mul3A_4 = arith.constant 80 : i32
    %mul3A_5 = arith.muli %mul3A_4, %add3A : i32
    %sub3A = arith.constant 25 : i32
    %sub3A_6 = arith.subi %add3A, %sub3A : i32
    %mul3A_7 = arith.constant 72 : i32
    %mul3A_8 = arith.muli %mul3A_7, %sub3A_6 : i32
    %add3A_9 = arith.constant 2000 : i32
    %add3A_10 = arith.addi %add3A_9, %mul3A_8 : i32
    %select_n3A = arith.select %lt3A_3, %mul3A_5, %add3A_10 : i32
    %lt3A_11 = arith.constant 25 : i32
    %lt3A_12 = arith.cmpi slt, %add3A, %lt3A_11 : i32
    %jit3A = arith.constant 80 : i32
    %jit3A_13 = arith.constant 72 : i32
    %select_n3A_14 = arith.select %lt3A_12, %jit3A, %jit3A_13 : i32
    %sub3A_15 = arith.constant 2500 : i32
    %sub3A_16 = arith.subi %sub3A_15, %select_n3A : i32
    %min3A = arith.minsi %select_n3A_14, %sub3A_16 : i32
    "tpu.region"() ({
      %run_scoped3A = tpu.sem_alloc : memref<!tpu.dma_semaphore, #tpu.memory_space<semaphore_mem>>
      %dma_start3A = arith.constant 0 : i32
      %dma_start3A_28 = tpu.memref_slice %arg2[%select_n3A, %dma_start3A] : memref<2512x128xi32, #tpu.memory_space<hbm>> -> memref<80x128xi32, #tpu.memory_space<hbm>>
      %dma_start3A_29 = arith.constant 0 : i32
      %dma_start3A_30 = tpu.memref_slice %arg2[%select_n3A, %dma_start3A_29] : memref<2512x128xi32, #tpu.memory_space<hbm>> -> memref<80x128xi32, #tpu.memory_space<hbm>>
      tpu.enqueue_dma source(%dma_start3A_30 : memref<80x128xi32, #tpu.memory_space<hbm>>) target(%arg6 : memref<80x128xi32, #tpu.memory_space<vmem>>) target_semaphore(%run_scoped3A : memref<!tpu.dma_semaphore, #tpu.memory_space<semaphore_mem>>)
      %dma_wait3A = arith.constant 0 : i32
      %dma_wait3A_31 = tpu.memref_slice %arg2[%select_n3A, %dma_wait3A] : memref<2512x128xi32, #tpu.memory_space<hbm>> -> memref<80x128xi32, #tpu.memory_space<hbm>>
      %dma_wait3A_32 = arith.constant 0 : i32
      %dma_wait3A_33 = tpu.memref_slice %arg2[%select_n3A, %dma_wait3A_32] : memref<2512x128xi32, #tpu.memory_space<hbm>> -> memref<80x128xi32, #tpu.memory_space<hbm>>
      tpu.wait_dma2 semaphore(%run_scoped3A : memref<!tpu.dma_semaphore, #tpu.memory_space<semaphore_mem>>) src(%dma_wait3A_33 : memref<80x128xi32, #tpu.memory_space<hbm>>) dst(%arg6 : memref<80x128xi32, #tpu.memory_space<vmem>>)
      tpu.yield
    }) : () -> ()
    %barrier3A = arith.constant 0 : index
    tpu.barrier barrier_id(%barrier3A)
    %scan3A = arith.constant 0 : i32
    %scan3A_17 = arith.constant 0 : i32
    %scan3A_18 = arith.constant 80 : i32
    %scan3A_19 = arith.addi %scan3A_17, %scan3A_18 : i32
    %scan3A_20 = arith.constant 1 : i32
    scf.for %scan3A_28 = %scan3A_17 to %scan3A_19 step %scan3A_20  : i32 {
      %lt3A_29 = arith.cmpi slt, %scan3A_28, %min3A : i32
      %convert_element_type3A_30 = arith.extui %lt3A_29 : i1 to i32
      %cond3A_31 = arith.constant 0 : i32
      %cond3A_32 = arith.cmpi ne, %convert_element_type3A_30, %cond3A_31 : i32
      scf.if %cond3A_32 {
        "tpu.region"() ({
          %run_scoped3A = tpu.sem_alloc : memref<!tpu.dma_semaphore, #tpu.memory_space<semaphore_mem>>
          %dma_start3A = arith.constant 0 : i32
          %dma_start3A_33 = tpu.memref_slice %arg6[%scan3A_28, %dma_start3A] : memref<80x128xi32, #tpu.memory_space<vmem>> -> memref<1x128xi32, #tpu.memory_space<vmem>>
          %dma_start3A_34 = tpu.memref_squeeze %dma_start3A_33 : memref<1x128xi32, #tpu.memory_space<vmem>> -> memref<128xi32, #tpu.memory_space<vmem>>
          %dma_start3A_35 = arith.constant 0 : i32
          %dma_start3A_36 = tpu.memref_slice %arg8[%dma_start3A_35] : memref<10000xf32, #tpu.memory_space<vmem_shared>> -> memref<10000xf32, #tpu.memory_space<vmem_shared>>
          tpu.enqueue_indirect_dma source(%arg7 : memref<128xf32, #tpu.memory_space<vmem>>) target(%dma_start3A_36 : memref<10000xf32, #tpu.memory_space<vmem_shared>>) offsets(%dma_start3A_34 : memref<128xi32, #tpu.memory_space<vmem>>) semaphore(%run_scoped3A : memref<!tpu.dma_semaphore, #tpu.memory_space<semaphore_mem>>) {add = true}
          %dma_wait3A = arith.constant 0 : i32
          %dma_wait3A_37 = tpu.memref_slice %arg6[%scan3A_28, %dma_wait3A] : memref<80x128xi32, #tpu.memory_space<vmem>> -> memref<1x128xi32, #tpu.memory_space<vmem>>
          %dma_wait3A_38 = tpu.memref_squeeze %dma_wait3A_37 : memref<1x128xi32, #tpu.memory_space<vmem>> -> memref<128xi32, #tpu.memory_space<vmem>>
          %dma_wait3A_39 = arith.constant 0 : i32
          %dma_wait3A_40 = tpu.memref_slice %arg8[%dma_wait3A_39] : memref<10000xf32, #tpu.memory_space<vmem_shared>> -> memref<10000xf32, #tpu.memory_space<vmem_shared>>
          tpu.wait_indirect_dma semaphore(%run_scoped3A : memref<!tpu.dma_semaphore, #tpu.memory_space<semaphore_mem>>) src(%arg7 : memref<128xf32, #tpu.memory_space<vmem>>) dst(%dma_wait3A_40 : memref<10000xf32, #tpu.memory_space<vmem_shared>>)
          tpu.yield
        }) : () -> ()
      } else {
      }
    }
    %scan3A_21 = arith.constant 80 : i32
    %barrier3A_22 = arith.constant 0 : index
    tpu.barrier barrier_id(%barrier3A_22)
    %eq3A_23 = arith.constant 0 : i32
    %eq3A_24 = arith.cmpi eq, %arg1, %eq3A_23 : i32
    %convert_element_type3A_25 = arith.extui %eq3A_24 : i1 to i32
    %cond3A_26 = arith.constant 0 : i32
    %cond3A_27 = arith.cmpi ne, %convert_element_type3A_25, %cond3A_26 : i32
    scf.if %cond3A_27 {
      "tpu.region"() ({
        %run_scoped3A = tpu.sem_alloc : memref<!tpu.dma_semaphore, #tpu.memory_space<semaphore_mem>>
        %dma_start3A = arith.constant 0 : i32
        %dma_start3A_28 = tpu.memref_slice %arg5[%arg0, %dma_start3A] : memref<2x10000xf32, #tpu.memory_space<hbm>> -> memref<1x10000xf32, #tpu.memory_space<hbm>>
        %dma_start3A_29 = tpu.memref_squeeze %dma_start3A_28 : memref<1x10000xf32, #tpu.memory_space<hbm>> -> memref<10000xf32, #tpu.memory_space<hbm>>
        tpu.enqueue_dma source(%arg8 : memref<10000xf32, #tpu.memory_space<vmem_shared>>) target(%dma_start3A_29 : memref<10000xf32, #tpu.memory_space<hbm>>) target_semaphore(%run_scoped3A : memref<!tpu.dma_semaphore, #tpu.memory_space<semaphore_mem>>)
        %dma_wait3A = arith.constant 0 : i32
        %dma_wait3A_30 = tpu.memref_slice %arg5[%arg0, %dma_wait3A] : memref<2x10000xf32, #tpu.memory_space<hbm>> -> memref<1x10000xf32, #tpu.memory_space<hbm>>
        %dma_wait3A_31 = tpu.memref_squeeze %dma_wait3A_30 : memref<1x10000xf32, #tpu.memory_space<hbm>> -> memref<10000xf32, #tpu.memory_space<hbm>>
        tpu.wait_dma2 semaphore(%run_scoped3A : memref<!tpu.dma_semaphore, #tpu.memory_space<semaphore_mem>>) src(%arg8 : memref<10000xf32, #tpu.memory_space<vmem_shared>>) dst(%dma_wait3A_31 : memref<10000xf32, #tpu.memory_space<hbm>>)
        tpu.yield
      }) : () -> ()
    } else {
    }
    return
  }
}

#map = affine_map<(d0, d1) -> (0, 0)>
#map1 = affine_map<(d0, d1) -> (0, 0, 0)>
module attributes {stable_mosaic.version = 14 : i64} {
  func.func @k(%arg0: i32, %arg1: i32, %arg2: memref<10000x128xf32, #tpu.memory_space<hbm>>, %arg3: memref<2512x128xi32, #tpu.memory_space<hbm>>, %arg4: memref<2512x128xi32, #tpu.memory_space<hbm>>, %arg5: memref<10000x128xf32, #tpu.memory_space<hbm>>, %arg6: memref<2x10000x128xf32, #tpu.memory_space<hbm>>, %arg7: memref<40x128xi32, #tpu.memory_space<vmem>>, %arg8: memref<40x128xi32, #tpu.memory_space<vmem>>, %arg9: memref<2x128x128xf32, #tpu.memory_space<vmem>>, %arg10: memref<10000x128xf32, #tpu.memory_space<vmem_shared>>, %arg11: memref<!tpu.dma_semaphore, #tpu.memory_space<semaphore_mem>>, %arg12: memref<!tpu.dma_semaphore, #tpu.memory_space<semaphore_mem>>) attributes {dimension_semantics = [#tpu.dimension_semantics<core_parallel>, #tpu.dimension_semantics<subcore_parallel>], iteration_bounds = array<i64: 2, 16>, scalar_prefetch = 0 : i64, scratch_operands = 6 : i64, tpu.core_type = #tpu.core_type<sc_vector_subcore>, window_params = [{transform_indices = #map}, {transform_indices = #map}, {transform_indices = #map}, {transform_indices = #map}, {transform_indices = #map1}]} {
    %eq3A = arith.constant 0 : i32
    %eq3A_0 = arith.cmpi eq, %arg1, %eq3A : i32
    %convert_element_type3A = arith.extui %eq3A_0 : i1 to i32
    %cond3A = arith.constant 0 : i32
    %cond3A_1 = arith.cmpi ne, %convert_element_type3A, %cond3A : i32
    scf.if %cond3A_1 {
      "tpu.region"() ({
        %run_scoped3A = tpu.sem_alloc : memref<!tpu.dma_semaphore, #tpu.memory_space<semaphore_mem>>
        tpu.enqueue_dma source(%arg5 : memref<10000x128xf32, #tpu.memory_space<hbm>>) target(%arg10 : memref<10000x128xf32, #tpu.memory_space<vmem_shared>>) target_semaphore(%run_scoped3A : memref<!tpu.dma_semaphore, #tpu.memory_space<semaphore_mem>>)
        tpu.wait_dma2 semaphore(%run_scoped3A : memref<!tpu.dma_semaphore, #tpu.memory_space<semaphore_mem>>) src(%arg5 : memref<10000x128xf32, #tpu.memory_space<hbm>>) dst(%arg10 : memref<10000x128xf32, #tpu.memory_space<vmem_shared>>)
        tpu.yield
      }) : () -> ()
    } else {
    }
    %mul3A = arith.constant 2 : i32
    %mul3A_2 = arith.muli %arg1, %mul3A : i32
    %add3A = arith.addi %mul3A_2, %arg0 : i32
    %lt3A = arith.constant 25 : i32
    %lt3A_3 = arith.cmpi slt, %add3A, %lt3A : i32
    %mul3A_4 = arith.constant 80 : i32
    %mul3A_5 = arith.muli %mul3A_4, %add3A : i32
    %sub3A = arith.constant 25 : i32
    %sub3A_6 = arith.subi %add3A, %sub3A : i32
    %mul3A_7 = arith.constant 72 : i32
    %mul3A_8 = arith.muli %mul3A_7, %sub3A_6 : i32
    %add3A_9 = arith.constant 2000 : i32
    %add3A_10 = arith.addi %add3A_9, %mul3A_8 : i32
    %select_n3A = arith.select %lt3A_3, %mul3A_5, %add3A_10 : i32
    %lt3A_11 = arith.constant 25 : i32
    %lt3A_12 = arith.cmpi slt, %add3A, %lt3A_11 : i32
    %jit3A = arith.constant 80 : i32
    %jit3A_13 = arith.constant 72 : i32
    %select_n3A_14 = arith.select %lt3A_12, %jit3A, %jit3A_13 : i32
    %sub3A_15 = arith.constant 2500 : i32
    %sub3A_16 = arith.subi %sub3A_15, %select_n3A : i32
    %min3A = arith.minsi %select_n3A_14, %sub3A_16 : i32
    %barrier3A = arith.constant 0 : index
    tpu.barrier barrier_id(%barrier3A)
    %add3A_17 = arith.constant 0 : i32
    %add3A_18 = arith.addi %select_n3A, %add3A_17 : i32
    "tpu.region"() ({
      %run_scoped3A = tpu.sem_alloc : memref<!tpu.dma_semaphore, #tpu.memory_space<semaphore_mem>>
      %dma_start3A = arith.constant 0 : i32
      %dma_start3A_53 = tpu.memref_slice %arg3[%add3A_18, %dma_start3A] : memref<2512x128xi32, #tpu.memory_space<hbm>> -> memref<40x128xi32, #tpu.memory_space<hbm>>
      %dma_start3A_54 = arith.constant 0 : i32
      %dma_start3A_55 = tpu.memref_slice %arg3[%add3A_18, %dma_start3A_54] : memref<2512x128xi32, #tpu.memory_space<hbm>> -> memref<40x128xi32, #tpu.memory_space<hbm>>
      tpu.enqueue_dma source(%dma_start3A_55 : memref<40x128xi32, #tpu.memory_space<hbm>>) target(%arg7 : memref<40x128xi32, #tpu.memory_space<vmem>>) target_semaphore(%run_scoped3A : memref<!tpu.dma_semaphore, #tpu.memory_space<semaphore_mem>>)
      %dma_wait3A = arith.constant 0 : i32
      %dma_wait3A_56 = tpu.memref_slice %arg3[%add3A_18, %dma_wait3A] : memref<2512x128xi32, #tpu.memory_space<hbm>> -> memref<40x128xi32, #tpu.memory_space<hbm>>
      %dma_wait3A_57 = arith.constant 0 : i32
      %dma_wait3A_58 = tpu.memref_slice %arg3[%add3A_18, %dma_wait3A_57] : memref<2512x128xi32, #tpu.memory_space<hbm>> -> memref<40x128xi32, #tpu.memory_space<hbm>>
      tpu.wait_dma2 semaphore(%run_scoped3A : memref<!tpu.dma_semaphore, #tpu.memory_space<semaphore_mem>>) src(%dma_wait3A_58 : memref<40x128xi32, #tpu.memory_space<hbm>>) dst(%arg7 : memref<40x128xi32, #tpu.memory_space<vmem>>)
      tpu.yield
    }) : () -> ()
    %add3A_19 = arith.constant 0 : i32
    %add3A_20 = arith.addi %select_n3A, %add3A_19 : i32
    "tpu.region"() ({
      %run_scoped3A = tpu.sem_alloc : memref<!tpu.dma_semaphore, #tpu.memory_space<semaphore_mem>>
      %dma_start3A = arith.constant 0 : i32
      %dma_start3A_53 = tpu.memref_slice %arg4[%add3A_20, %dma_start3A] : memref<2512x128xi32, #tpu.memory_space<hbm>> -> memref<40x128xi32, #tpu.memory_space<hbm>>
      %dma_start3A_54 = arith.constant 0 : i32
      %dma_start3A_55 = tpu.memref_slice %arg4[%add3A_20, %dma_start3A_54] : memref<2512x128xi32, #tpu.memory_space<hbm>> -> memref<40x128xi32, #tpu.memory_space<hbm>>
      tpu.enqueue_dma source(%dma_start3A_55 : memref<40x128xi32, #tpu.memory_space<hbm>>) target(%arg8 : memref<40x128xi32, #tpu.memory_space<vmem>>) target_semaphore(%run_scoped3A : memref<!tpu.dma_semaphore, #tpu.memory_space<semaphore_mem>>)
      %dma_wait3A = arith.constant 0 : i32
      %dma_wait3A_56 = tpu.memref_slice %arg4[%add3A_20, %dma_wait3A] : memref<2512x128xi32, #tpu.memory_space<hbm>> -> memref<40x128xi32, #tpu.memory_space<hbm>>
      %dma_wait3A_57 = arith.constant 0 : i32
      %dma_wait3A_58 = tpu.memref_slice %arg4[%add3A_20, %dma_wait3A_57] : memref<2512x128xi32, #tpu.memory_space<hbm>> -> memref<40x128xi32, #tpu.memory_space<hbm>>
      tpu.wait_dma2 semaphore(%run_scoped3A : memref<!tpu.dma_semaphore, #tpu.memory_space<semaphore_mem>>) src(%dma_wait3A_58 : memref<40x128xi32, #tpu.memory_space<hbm>>) dst(%arg8 : memref<40x128xi32, #tpu.memory_space<vmem>>)
      tpu.yield
    }) : () -> ()
    %sub3A_21 = arith.constant 0 : i32
    %sub3A_22 = arith.subi %min3A, %sub3A_21 : i32
    %jit3A_23 = arith.constant 0 : i32
    %jit3A_24 = arith.constant 40 : i32
    %max3A = arith.maxsi %jit3A_23, %sub3A_22 : i32
    %min3A_25 = arith.minsi %jit3A_24, %max3A : i32
    %scan3A = arith.constant 0 : i32
    %scan3A_26 = arith.constant 0 : i32
    %scan3A_27 = arith.constant 20 : i32
    %scan3A_28 = arith.addi %scan3A_26, %scan3A_27 : i32
    %scan3A_29 = arith.constant 1 : i32
    scf.for %scan3A_53 = %scan3A_26 to %scan3A_28 step %scan3A_29  : i32 {
      %mul3A_54 = arith.constant 2 : i32
      %mul3A_55 = arith.muli %mul3A_54, %scan3A_53 : i32
      %mul3A_56 = arith.constant 2 : i32
      %mul3A_57 = arith.muli %mul3A_56, %scan3A_53 : i32
      %add3A_58 = arith.constant 1 : i32
      %add3A_59 = arith.addi %mul3A_57, %add3A_58 : i32
      %lt3A_60 = arith.cmpi slt, %mul3A_55, %min3A_25 : i32
      %convert_element_type3A_61 = arith.extui %lt3A_60 : i1 to i32
      %cond3A_62 = arith.constant 0 : i32
      %cond3A_63 = arith.constant 0 : i32
      %cond3A_64 = arith.cmpi ne, %convert_element_type3A_61, %cond3A_63 : i32
      scf.if %cond3A_64 {
        %dma_start3A = arith.constant 0 : i32
        %dma_start3A_80 = arith.constant 0 : i32
        %dma_start3A_81 = tpu.memref_slice %arg9[%cond3A_62, %dma_start3A, %dma_start3A_80] : memref<2x128x128xf32, #tpu.memory_space<vmem>> -> memref<1x128x128xf32, #tpu.memory_space<vmem>>
        %dma_start3A_82 = tpu.memref_squeeze %dma_start3A_81 : memref<1x128x128xf32, #tpu.memory_space<vmem>> -> memref<128x128xf32, #tpu.memory_space<vmem>>
        %dma_start3A_83 = arith.constant 0 : i32
        %dma_start3A_84 = tpu.memref_slice %arg7[%mul3A_55, %dma_start3A_83] : memref<40x128xi32, #tpu.memory_space<vmem>> -> memref<1x128xi32, #tpu.memory_space<vmem>>
        %dma_start3A_85 = tpu.memref_squeeze %dma_start3A_84 : memref<1x128xi32, #tpu.memory_space<vmem>> -> memref<128xi32, #tpu.memory_space<vmem>>
        %dma_start3A_86 = arith.constant 0 : i32
        %dma_start3A_87 = arith.constant 0 : i32
        %dma_start3A_88 = tpu.memref_slice %arg2[%dma_start3A_86, %dma_start3A_87] : memref<10000x128xf32, #tpu.memory_space<hbm>> -> memref<10000x128xf32, #tpu.memory_space<hbm>>
        tpu.enqueue_indirect_dma source(%dma_start3A_88 : memref<10000x128xf32, #tpu.memory_space<hbm>>) target(%dma_start3A_82 : memref<128x128xf32, #tpu.memory_space<vmem>>) offsets(%dma_start3A_85 : memref<128xi32, #tpu.memory_space<vmem>>) semaphore(%arg11 : memref<!tpu.dma_semaphore, #tpu.memory_space<semaphore_mem>>)
      } else {
      }
      %lt3A_65 = arith.cmpi slt, %add3A_59, %min3A_25 : i32
      %convert_element_type3A_66 = arith.extui %lt3A_65 : i1 to i32
      %cond3A_67 = arith.constant 1 : i32
      %cond3A_68 = arith.constant 0 : i32
      %cond3A_69 = arith.cmpi ne, %convert_element_type3A_66, %cond3A_68 : i32
      scf.if %cond3A_69 {
        %dma_start3A = arith.constant 0 : i32
        %dma_start3A_80 = arith.constant 0 : i32
        %dma_start3A_81 = tpu.memref_slice %arg9[%cond3A_67, %dma_start3A, %dma_start3A_80] : memref<2x128x128xf32, #tpu.memory_space<vmem>> -> memref<1x128x128xf32, #tpu.memory_space<vmem>>
        %dma_start3A_82 = tpu.memref_squeeze %dma_start3A_81 : memref<1x128x128xf32, #tpu.memory_space<vmem>> -> memref<128x128xf32, #tpu.memory_space<vmem>>
        %dma_start3A_83 = arith.constant 0 : i32
        %dma_start3A_84 = tpu.memref_slice %arg7[%add3A_59, %dma_start3A_83] : memref<40x128xi32, #tpu.memory_space<vmem>> -> memref<1x128xi32, #tpu.memory_space<vmem>>
        %dma_start3A_85 = tpu.memref_squeeze %dma_start3A_84 : memref<1x128xi32, #tpu.memory_space<vmem>> -> memref<128xi32, #tpu.memory_space<vmem>>
        %dma_start3A_86 = arith.constant 0 : i32
        %dma_start3A_87 = arith.constant 0 : i32
        %dma_start3A_88 = tpu.memref_slice %arg2[%dma_start3A_86, %dma_start3A_87] : memref<10000x128xf32, #tpu.memory_space<hbm>> -> memref<10000x128xf32, #tpu.memory_space<hbm>>
        tpu.enqueue_indirect_dma source(%dma_start3A_88 : memref<10000x128xf32, #tpu.memory_space<hbm>>) target(%dma_start3A_82 : memref<128x128xf32, #tpu.memory_space<vmem>>) offsets(%dma_start3A_85 : memref<128xi32, #tpu.memory_space<vmem>>) semaphore(%arg12 : memref<!tpu.dma_semaphore, #tpu.memory_space<semaphore_mem>>)
      } else {
      }
      %lt3A_70 = arith.cmpi slt, %mul3A_55, %min3A_25 : i32
      %convert_element_type3A_71 = arith.extui %lt3A_70 : i1 to i32
      %cond3A_72 = arith.constant 0 : i32
      %cond3A_73 = arith.constant 0 : i32
      %cond3A_74 = arith.cmpi ne, %convert_element_type3A_71, %cond3A_73 : i32
      scf.if %cond3A_74 {
        %dma_wait3A = arith.constant 0 : i32
        %dma_wait3A_80 = arith.constant 0 : i32
        %dma_wait3A_81 = tpu.memref_slice %arg9[%cond3A_72, %dma_wait3A, %dma_wait3A_80] : memref<2x128x128xf32, #tpu.memory_space<vmem>> -> memref<1x128x128xf32, #tpu.memory_space<vmem>>
        %dma_wait3A_82 = tpu.memref_squeeze %dma_wait3A_81 : memref<1x128x128xf32, #tpu.memory_space<vmem>> -> memref<128x128xf32, #tpu.memory_space<vmem>>
        %dma_wait3A_83 = arith.constant 0 : i32
        %dma_wait3A_84 = tpu.memref_slice %arg7[%mul3A_55, %dma_wait3A_83] : memref<40x128xi32, #tpu.memory_space<vmem>> -> memref<1x128xi32, #tpu.memory_space<vmem>>
        %dma_wait3A_85 = tpu.memref_squeeze %dma_wait3A_84 : memref<1x128xi32, #tpu.memory_space<vmem>> -> memref<128xi32, #tpu.memory_space<vmem>>
        %dma_wait3A_86 = arith.constant 0 : i32
        %dma_wait3A_87 = arith.constant 0 : i32
        %dma_wait3A_88 = tpu.memref_slice %arg2[%dma_wait3A_86, %dma_wait3A_87] : memref<10000x128xf32, #tpu.memory_space<hbm>> -> memref<10000x128xf32, #tpu.memory_space<hbm>>
        tpu.wait_indirect_dma semaphore(%arg11 : memref<!tpu.dma_semaphore, #tpu.memory_space<semaphore_mem>>) src(%dma_wait3A_88 : memref<10000x128xf32, #tpu.memory_space<hbm>>) dst(%dma_wait3A_82 : memref<128x128xf32, #tpu.memory_space<vmem>>)
        %run_scoped3A = arith.constant 0 : i32
        "tpu.region"() ({
          %run_scoped3A_89 = tpu.sem_alloc : memref<!tpu.dma_semaphore, #tpu.memory_space<semaphore_mem>>
          %dma_start3A = arith.constant 0 : i32
          %dma_start3A_90 = arith.constant 0 : i32
          %dma_start3A_91 = tpu.memref_slice %arg9[%run_scoped3A, %dma_start3A, %dma_start3A_90] : memref<2x128x128xf32, #tpu.memory_space<vmem>> -> memref<1x128x128xf32, #tpu.memory_space<vmem>>
          %dma_start3A_92 = tpu.memref_squeeze %dma_start3A_91 : memref<1x128x128xf32, #tpu.memory_space<vmem>> -> memref<128x128xf32, #tpu.memory_space<vmem>>
          %dma_start3A_93 = arith.constant 0 : i32
          %dma_start3A_94 = tpu.memref_slice %arg8[%mul3A_55, %dma_start3A_93] : memref<40x128xi32, #tpu.memory_space<vmem>> -> memref<1x128xi32, #tpu.memory_space<vmem>>
          %dma_start3A_95 = tpu.memref_squeeze %dma_start3A_94 : memref<1x128xi32, #tpu.memory_space<vmem>> -> memref<128xi32, #tpu.memory_space<vmem>>
          %dma_start3A_96 = arith.constant 0 : i32
          %dma_start3A_97 = arith.constant 0 : i32
          %dma_start3A_98 = tpu.memref_slice %arg10[%dma_start3A_96, %dma_start3A_97] : memref<10000x128xf32, #tpu.memory_space<vmem_shared>> -> memref<10000x128xf32, #tpu.memory_space<vmem_shared>>
          tpu.enqueue_indirect_dma source(%dma_start3A_92 : memref<128x128xf32, #tpu.memory_space<vmem>>) target(%dma_start3A_98 : memref<10000x128xf32, #tpu.memory_space<vmem_shared>>) offsets(%dma_start3A_95 : memref<128xi32, #tpu.memory_space<vmem>>) semaphore(%run_scoped3A_89 : memref<!tpu.dma_semaphore, #tpu.memory_space<semaphore_mem>>) {add = true}
          %dma_wait3A_99 = arith.constant 0 : i32
          %dma_wait3A_100 = arith.constant 0 : i32
          %dma_wait3A_101 = tpu.memref_slice %arg9[%run_scoped3A, %dma_wait3A_99, %dma_wait3A_100] : memref<2x128x128xf32, #tpu.memory_space<vmem>> -> memref<1x128x128xf32, #tpu.memory_space<vmem>>
          %dma_wait3A_102 = tpu.memref_squeeze %dma_wait3A_101 : memref<1x128x128xf32, #tpu.memory_space<vmem>> -> memref<128x128xf32, #tpu.memory_space<vmem>>
          %dma_wait3A_103 = arith.constant 0 : i32
          %dma_wait3A_104 = tpu.memref_slice %arg8[%mul3A_55, %dma_wait3A_103] : memref<40x128xi32, #tpu.memory_space<vmem>> -> memref<1x128xi32, #tpu.memory_space<vmem>>
          %dma_wait3A_105 = tpu.memref_squeeze %dma_wait3A_104 : memref<1x128xi32, #tpu.memory_space<vmem>> -> memref<128xi32, #tpu.memory_space<vmem>>
          %dma_wait3A_106 = arith.constant 0 : i32
          %dma_wait3A_107 = arith.constant 0 : i32
          %dma_wait3A_108 = tpu.memref_slice %arg10[%dma_wait3A_106, %dma_wait3A_107] : memref<10000x128xf32, #tpu.memory_space<vmem_shared>> -> memref<10000x128xf32, #tpu.memory_space<vmem_shared>>
          tpu.wait_indirect_dma semaphore(%run_scoped3A_89 : memref<!tpu.dma_semaphore, #tpu.memory_space<semaphore_mem>>) src(%dma_wait3A_102 : memref<128x128xf32, #tpu.memory_space<vmem>>) dst(%dma_wait3A_108 : memref<10000x128xf32, #tpu.memory_space<vmem_shared>>)
          tpu.yield
        }) : () -> ()
      } else {
      }
      %lt3A_75 = arith.cmpi slt, %add3A_59, %min3A_25 : i32
      %convert_element_type3A_76 = arith.extui %lt3A_75 : i1 to i32
      %cond3A_77 = arith.constant 1 : i32
      %cond3A_78 = arith.constant 0 : i32
      %cond3A_79 = arith.cmpi ne, %convert_element_type3A_76, %cond3A_78 : i32
      scf.if %cond3A_79 {
        %dma_wait3A = arith.constant 0 : i32
        %dma_wait3A_80 = arith.constant 0 : i32
        %dma_wait3A_81 = tpu.memref_slice %arg9[%cond3A_77, %dma_wait3A, %dma_wait3A_80] : memref<2x128x128xf32, #tpu.memory_space<vmem>> -> memref<1x128x128xf32, #tpu.memory_space<vmem>>
        %dma_wait3A_82 = tpu.memref_squeeze %dma_wait3A_81 : memref<1x128x128xf32, #tpu.memory_space<vmem>> -> memref<128x128xf32, #tpu.memory_space<vmem>>
        %dma_wait3A_83 = arith.constant 0 : i32
        %dma_wait3A_84 = tpu.memref_slice %arg7[%add3A_59, %dma_wait3A_83] : memref<40x128xi32, #tpu.memory_space<vmem>> -> memref<1x128xi32, #tpu.memory_space<vmem>>
        %dma_wait3A_85 = tpu.memref_squeeze %dma_wait3A_84 : memref<1x128xi32, #tpu.memory_space<vmem>> -> memref<128xi32, #tpu.memory_space<vmem>>
        %dma_wait3A_86 = arith.constant 0 : i32
        %dma_wait3A_87 = arith.constant 0 : i32
        %dma_wait3A_88 = tpu.memref_slice %arg2[%dma_wait3A_86, %dma_wait3A_87] : memref<10000x128xf32, #tpu.memory_space<hbm>> -> memref<10000x128xf32, #tpu.memory_space<hbm>>
        tpu.wait_indirect_dma semaphore(%arg12 : memref<!tpu.dma_semaphore, #tpu.memory_space<semaphore_mem>>) src(%dma_wait3A_88 : memref<10000x128xf32, #tpu.memory_space<hbm>>) dst(%dma_wait3A_82 : memref<128x128xf32, #tpu.memory_space<vmem>>)
        %run_scoped3A = arith.constant 1 : i32
        "tpu.region"() ({
          %run_scoped3A_89 = tpu.sem_alloc : memref<!tpu.dma_semaphore, #tpu.memory_space<semaphore_mem>>
          %dma_start3A = arith.constant 0 : i32
          %dma_start3A_90 = arith.constant 0 : i32
          %dma_start3A_91 = tpu.memref_slice %arg9[%run_scoped3A, %dma_start3A, %dma_start3A_90] : memref<2x128x128xf32, #tpu.memory_space<vmem>> -> memref<1x128x128xf32, #tpu.memory_space<vmem>>
          %dma_start3A_92 = tpu.memref_squeeze %dma_start3A_91 : memref<1x128x128xf32, #tpu.memory_space<vmem>> -> memref<128x128xf32, #tpu.memory_space<vmem>>
          %dma_start3A_93 = arith.constant 0 : i32
          %dma_start3A_94 = tpu.memref_slice %arg8[%add3A_59, %dma_start3A_93] : memref<40x128xi32, #tpu.memory_space<vmem>> -> memref<1x128xi32, #tpu.memory_space<vmem>>
          %dma_start3A_95 = tpu.memref_squeeze %dma_start3A_94 : memref<1x128xi32, #tpu.memory_space<vmem>> -> memref<128xi32, #tpu.memory_space<vmem>>
          %dma_start3A_96 = arith.constant 0 : i32
          %dma_start3A_97 = arith.constant 0 : i32
          %dma_start3A_98 = tpu.memref_slice %arg10[%dma_start3A_96, %dma_start3A_97] : memref<10000x128xf32, #tpu.memory_space<vmem_shared>> -> memref<10000x128xf32, #tpu.memory_space<vmem_shared>>
          tpu.enqueue_indirect_dma source(%dma_start3A_92 : memref<128x128xf32, #tpu.memory_space<vmem>>) target(%dma_start3A_98 : memref<10000x128xf32, #tpu.memory_space<vmem_shared>>) offsets(%dma_start3A_95 : memref<128xi32, #tpu.memory_space<vmem>>) semaphore(%run_scoped3A_89 : memref<!tpu.dma_semaphore, #tpu.memory_space<semaphore_mem>>) {add = true}
          %dma_wait3A_99 = arith.constant 0 : i32
          %dma_wait3A_100 = arith.constant 0 : i32
          %dma_wait3A_101 = tpu.memref_slice %arg9[%run_scoped3A, %dma_wait3A_99, %dma_wait3A_100] : memref<2x128x128xf32, #tpu.memory_space<vmem>> -> memref<1x128x128xf32, #tpu.memory_space<vmem>>
          %dma_wait3A_102 = tpu.memref_squeeze %dma_wait3A_101 : memref<1x128x128xf32, #tpu.memory_space<vmem>> -> memref<128x128xf32, #tpu.memory_space<vmem>>
          %dma_wait3A_103 = arith.constant 0 : i32
          %dma_wait3A_104 = tpu.memref_slice %arg8[%add3A_59, %dma_wait3A_103] : memref<40x128xi32, #tpu.memory_space<vmem>> -> memref<1x128xi32, #tpu.memory_space<vmem>>
          %dma_wait3A_105 = tpu.memref_squeeze %dma_wait3A_104 : memref<1x128xi32, #tpu.memory_space<vmem>> -> memref<128xi32, #tpu.memory_space<vmem>>
          %dma_wait3A_106 = arith.constant 0 : i32
          %dma_wait3A_107 = arith.constant 0 : i32
          %dma_wait3A_108 = tpu.memref_slice %arg10[%dma_wait3A_106, %dma_wait3A_107] : memref<10000x128xf32, #tpu.memory_space<vmem_shared>> -> memref<10000x128xf32, #tpu.memory_space<vmem_shared>>
          tpu.wait_indirect_dma semaphore(%run_scoped3A_89 : memref<!tpu.dma_semaphore, #tpu.memory_space<semaphore_mem>>) src(%dma_wait3A_102 : memref<128x128xf32, #tpu.memory_space<vmem>>) dst(%dma_wait3A_108 : memref<10000x128xf32, #tpu.memory_space<vmem_shared>>)
          tpu.yield
        }) : () -> ()
      } else {
      }
    }
    %scan3A_30 = arith.constant 20 : i32
    %add3A_31 = arith.constant 40 : i32
    %add3A_32 = arith.addi %select_n3A, %add3A_31 : i32
    "tpu.region"() ({
      %run_scoped3A = tpu.sem_alloc : memref<!tpu.dma_semaphore, #tpu.memory_space<semaphore_mem>>
      %dma_start3A = arith.constant 0 : i32
      %dma_start3A_53 = tpu.memref_slice %arg3[%add3A_32, %dma_start3A] : memref<2512x128xi32, #tpu.memory_space<hbm>> -> memref<40x128xi32, #tpu.memory_space<hbm>>
      %dma_start3A_54 = arith.constant 0 : i32
      %dma_start3A_55 = tpu.memref_slice %arg3[%add3A_32, %dma_start3A_54] : memref<2512x128xi32, #tpu.memory_space<hbm>> -> memref<40x128xi32, #tpu.memory_space<hbm>>
      tpu.enqueue_dma source(%dma_start3A_55 : memref<40x128xi32, #tpu.memory_space<hbm>>) target(%arg7 : memref<40x128xi32, #tpu.memory_space<vmem>>) target_semaphore(%run_scoped3A : memref<!tpu.dma_semaphore, #tpu.memory_space<semaphore_mem>>)
      %dma_wait3A = arith.constant 0 : i32
      %dma_wait3A_56 = tpu.memref_slice %arg3[%add3A_32, %dma_wait3A] : memref<2512x128xi32, #tpu.memory_space<hbm>> -> memref<40x128xi32, #tpu.memory_space<hbm>>
      %dma_wait3A_57 = arith.constant 0 : i32
      %dma_wait3A_58 = tpu.memref_slice %arg3[%add3A_32, %dma_wait3A_57] : memref<2512x128xi32, #tpu.memory_space<hbm>> -> memref<40x128xi32, #tpu.memory_space<hbm>>
      tpu.wait_dma2 semaphore(%run_scoped3A : memref<!tpu.dma_semaphore, #tpu.memory_space<semaphore_mem>>) src(%dma_wait3A_58 : memref<40x128xi32, #tpu.memory_space<hbm>>) dst(%arg7 : memref<40x128xi32, #tpu.memory_space<vmem>>)
      tpu.yield
    }) : () -> ()
    %add3A_33 = arith.constant 40 : i32
    %add3A_34 = arith.addi %select_n3A, %add3A_33 : i32
    "tpu.region"() ({
      %run_scoped3A = tpu.sem_alloc : memref<!tpu.dma_semaphore, #tpu.memory_space<semaphore_mem>>
      %dma_start3A = arith.constant 0 : i32
      %dma_start3A_53 = tpu.memref_slice %arg4[%add3A_34, %dma_start3A] : memref<2512x128xi32, #tpu.memory_space<hbm>> -> memref<40x128xi32, #tpu.memory_space<hbm>>
      %dma_start3A_54 = arith.constant 0 : i32
      %dma_start3A_55 = tpu.memref_slice %arg4[%add3A_34, %dma_start3A_54] : memref<2512x128xi32, #tpu.memory_space<hbm>> -> memref<40x128xi32, #tpu.memory_space<hbm>>
      tpu.enqueue_dma source(%dma_start3A_55 : memref<40x128xi32, #tpu.memory_space<hbm>>) target(%arg8 : memref<40x128xi32, #tpu.memory_space<vmem>>) target_semaphore(%run_scoped3A : memref<!tpu.dma_semaphore, #tpu.memory_space<semaphore_mem>>)
      %dma_wait3A = arith.constant 0 : i32
      %dma_wait3A_56 = tpu.memref_slice %arg4[%add3A_34, %dma_wait3A] : memref<2512x128xi32, #tpu.memory_space<hbm>> -> memref<40x128xi32, #tpu.memory_space<hbm>>
      %dma_wait3A_57 = arith.constant 0 : i32
      %dma_wait3A_58 = tpu.memref_slice %arg4[%add3A_34, %dma_wait3A_57] : memref<2512x128xi32, #tpu.memory_space<hbm>> -> memref<40x128xi32, #tpu.memory_space<hbm>>
      tpu.wait_dma2 semaphore(%run_scoped3A : memref<!tpu.dma_semaphore, #tpu.memory_space<semaphore_mem>>) src(%dma_wait3A_58 : memref<40x128xi32, #tpu.memory_space<hbm>>) dst(%arg8 : memref<40x128xi32, #tpu.memory_space<vmem>>)
      tpu.yield
    }) : () -> ()
    %sub3A_35 = arith.constant 40 : i32
    %sub3A_36 = arith.subi %min3A, %sub3A_35 : i32
    %jit3A_37 = arith.constant 0 : i32
    %jit3A_38 = arith.constant 40 : i32
    %max3A_39 = arith.maxsi %jit3A_37, %sub3A_36 : i32
    %min3A_40 = arith.minsi %jit3A_38, %max3A_39 : i32
    %scan3A_41 = arith.constant 0 : i32
    %scan3A_42 = arith.constant 0 : i32
    %scan3A_43 = arith.constant 20 : i32
    %scan3A_44 = arith.addi %scan3A_42, %scan3A_43 : i32
    %scan3A_45 = arith.constant 1 : i32
    scf.for %scan3A_53 = %scan3A_42 to %scan3A_44 step %scan3A_45  : i32 {
      %mul3A_54 = arith.constant 2 : i32
      %mul3A_55 = arith.muli %mul3A_54, %scan3A_53 : i32
      %mul3A_56 = arith.constant 2 : i32
      %mul3A_57 = arith.muli %mul3A_56, %scan3A_53 : i32
      %add3A_58 = arith.constant 1 : i32
      %add3A_59 = arith.addi %mul3A_57, %add3A_58 : i32
      %lt3A_60 = arith.cmpi slt, %mul3A_55, %min3A_40 : i32
      %convert_element_type3A_61 = arith.extui %lt3A_60 : i1 to i32
      %cond3A_62 = arith.constant 0 : i32
      %cond3A_63 = arith.constant 0 : i32
      %cond3A_64 = arith.cmpi ne, %convert_element_type3A_61, %cond3A_63 : i32
      scf.if %cond3A_64 {
        %dma_start3A = arith.constant 0 : i32
        %dma_start3A_80 = arith.constant 0 : i32
        %dma_start3A_81 = tpu.memref_slice %arg9[%cond3A_62, %dma_start3A, %dma_start3A_80] : memref<2x128x128xf32, #tpu.memory_space<vmem>> -> memref<1x128x128xf32, #tpu.memory_space<vmem>>
        %dma_start3A_82 = tpu.memref_squeeze %dma_start3A_81 : memref<1x128x128xf32, #tpu.memory_space<vmem>> -> memref<128x128xf32, #tpu.memory_space<vmem>>
        %dma_start3A_83 = arith.constant 0 : i32
        %dma_start3A_84 = tpu.memref_slice %arg7[%mul3A_55, %dma_start3A_83] : memref<40x128xi32, #tpu.memory_space<vmem>> -> memref<1x128xi32, #tpu.memory_space<vmem>>
        %dma_start3A_85 = tpu.memref_squeeze %dma_start3A_84 : memref<1x128xi32, #tpu.memory_space<vmem>> -> memref<128xi32, #tpu.memory_space<vmem>>
        %dma_start3A_86 = arith.constant 0 : i32
        %dma_start3A_87 = arith.constant 0 : i32
        %dma_start3A_88 = tpu.memref_slice %arg2[%dma_start3A_86, %dma_start3A_87] : memref<10000x128xf32, #tpu.memory_space<hbm>> -> memref<10000x128xf32, #tpu.memory_space<hbm>>
        tpu.enqueue_indirect_dma source(%dma_start3A_88 : memref<10000x128xf32, #tpu.memory_space<hbm>>) target(%dma_start3A_82 : memref<128x128xf32, #tpu.memory_space<vmem>>) offsets(%dma_start3A_85 : memref<128xi32, #tpu.memory_space<vmem>>) semaphore(%arg11 : memref<!tpu.dma_semaphore, #tpu.memory_space<semaphore_mem>>)
      } else {
      }
      %lt3A_65 = arith.cmpi slt, %add3A_59, %min3A_40 : i32
      %convert_element_type3A_66 = arith.extui %lt3A_65 : i1 to i32
      %cond3A_67 = arith.constant 1 : i32
      %cond3A_68 = arith.constant 0 : i32
      %cond3A_69 = arith.cmpi ne, %convert_element_type3A_66, %cond3A_68 : i32
      scf.if %cond3A_69 {
        %dma_start3A = arith.constant 0 : i32
        %dma_start3A_80 = arith.constant 0 : i32
        %dma_start3A_81 = tpu.memref_slice %arg9[%cond3A_67, %dma_start3A, %dma_start3A_80] : memref<2x128x128xf32, #tpu.memory_space<vmem>> -> memref<1x128x128xf32, #tpu.memory_space<vmem>>
        %dma_start3A_82 = tpu.memref_squeeze %dma_start3A_81 : memref<1x128x128xf32, #tpu.memory_space<vmem>> -> memref<128x128xf32, #tpu.memory_space<vmem>>
        %dma_start3A_83 = arith.constant 0 : i32
        %dma_start3A_84 = tpu.memref_slice %arg7[%add3A_59, %dma_start3A_83] : memref<40x128xi32, #tpu.memory_space<vmem>> -> memref<1x128xi32, #tpu.memory_space<vmem>>
        %dma_start3A_85 = tpu.memref_squeeze %dma_start3A_84 : memref<1x128xi32, #tpu.memory_space<vmem>> -> memref<128xi32, #tpu.memory_space<vmem>>
        %dma_start3A_86 = arith.constant 0 : i32
        %dma_start3A_87 = arith.constant 0 : i32
        %dma_start3A_88 = tpu.memref_slice %arg2[%dma_start3A_86, %dma_start3A_87] : memref<10000x128xf32, #tpu.memory_space<hbm>> -> memref<10000x128xf32, #tpu.memory_space<hbm>>
        tpu.enqueue_indirect_dma source(%dma_start3A_88 : memref<10000x128xf32, #tpu.memory_space<hbm>>) target(%dma_start3A_82 : memref<128x128xf32, #tpu.memory_space<vmem>>) offsets(%dma_start3A_85 : memref<128xi32, #tpu.memory_space<vmem>>) semaphore(%arg12 : memref<!tpu.dma_semaphore, #tpu.memory_space<semaphore_mem>>)
      } else {
      }
      %lt3A_70 = arith.cmpi slt, %mul3A_55, %min3A_40 : i32
      %convert_element_type3A_71 = arith.extui %lt3A_70 : i1 to i32
      %cond3A_72 = arith.constant 0 : i32
      %cond3A_73 = arith.constant 0 : i32
      %cond3A_74 = arith.cmpi ne, %convert_element_type3A_71, %cond3A_73 : i32
      scf.if %cond3A_74 {
        %dma_wait3A = arith.constant 0 : i32
        %dma_wait3A_80 = arith.constant 0 : i32
        %dma_wait3A_81 = tpu.memref_slice %arg9[%cond3A_72, %dma_wait3A, %dma_wait3A_80] : memref<2x128x128xf32, #tpu.memory_space<vmem>> -> memref<1x128x128xf32, #tpu.memory_space<vmem>>
        %dma_wait3A_82 = tpu.memref_squeeze %dma_wait3A_81 : memref<1x128x128xf32, #tpu.memory_space<vmem>> -> memref<128x128xf32, #tpu.memory_space<vmem>>
        %dma_wait3A_83 = arith.constant 0 : i32
        %dma_wait3A_84 = tpu.memref_slice %arg7[%mul3A_55, %dma_wait3A_83] : memref<40x128xi32, #tpu.memory_space<vmem>> -> memref<1x128xi32, #tpu.memory_space<vmem>>
        %dma_wait3A_85 = tpu.memref_squeeze %dma_wait3A_84 : memref<1x128xi32, #tpu.memory_space<vmem>> -> memref<128xi32, #tpu.memory_space<vmem>>
        %dma_wait3A_86 = arith.constant 0 : i32
        %dma_wait3A_87 = arith.constant 0 : i32
        %dma_wait3A_88 = tpu.memref_slice %arg2[%dma_wait3A_86, %dma_wait3A_87] : memref<10000x128xf32, #tpu.memory_space<hbm>> -> memref<10000x128xf32, #tpu.memory_space<hbm>>
        tpu.wait_indirect_dma semaphore(%arg11 : memref<!tpu.dma_semaphore, #tpu.memory_space<semaphore_mem>>) src(%dma_wait3A_88 : memref<10000x128xf32, #tpu.memory_space<hbm>>) dst(%dma_wait3A_82 : memref<128x128xf32, #tpu.memory_space<vmem>>)
        %run_scoped3A = arith.constant 0 : i32
        "tpu.region"() ({
          %run_scoped3A_89 = tpu.sem_alloc : memref<!tpu.dma_semaphore, #tpu.memory_space<semaphore_mem>>
          %dma_start3A = arith.constant 0 : i32
          %dma_start3A_90 = arith.constant 0 : i32
          %dma_start3A_91 = tpu.memref_slice %arg9[%run_scoped3A, %dma_start3A, %dma_start3A_90] : memref<2x128x128xf32, #tpu.memory_space<vmem>> -> memref<1x128x128xf32, #tpu.memory_space<vmem>>
          %dma_start3A_92 = tpu.memref_squeeze %dma_start3A_91 : memref<1x128x128xf32, #tpu.memory_space<vmem>> -> memref<128x128xf32, #tpu.memory_space<vmem>>
          %dma_start3A_93 = arith.constant 0 : i32
          %dma_start3A_94 = tpu.memref_slice %arg8[%mul3A_55, %dma_start3A_93] : memref<40x128xi32, #tpu.memory_space<vmem>> -> memref<1x128xi32, #tpu.memory_space<vmem>>
          %dma_start3A_95 = tpu.memref_squeeze %dma_start3A_94 : memref<1x128xi32, #tpu.memory_space<vmem>> -> memref<128xi32, #tpu.memory_space<vmem>>
          %dma_start3A_96 = arith.constant 0 : i32
          %dma_start3A_97 = arith.constant 0 : i32
          %dma_start3A_98 = tpu.memref_slice %arg10[%dma_start3A_96, %dma_start3A_97] : memref<10000x128xf32, #tpu.memory_space<vmem_shared>> -> memref<10000x128xf32, #tpu.memory_space<vmem_shared>>
          tpu.enqueue_indirect_dma source(%dma_start3A_92 : memref<128x128xf32, #tpu.memory_space<vmem>>) target(%dma_start3A_98 : memref<10000x128xf32, #tpu.memory_space<vmem_shared>>) offsets(%dma_start3A_95 : memref<128xi32, #tpu.memory_space<vmem>>) semaphore(%run_scoped3A_89 : memref<!tpu.dma_semaphore, #tpu.memory_space<semaphore_mem>>) {add = true}
          %dma_wait3A_99 = arith.constant 0 : i32
          %dma_wait3A_100 = arith.constant 0 : i32
          %dma_wait3A_101 = tpu.memref_slice %arg9[%run_scoped3A, %dma_wait3A_99, %dma_wait3A_100] : memref<2x128x128xf32, #tpu.memory_space<vmem>> -> memref<1x128x128xf32, #tpu.memory_space<vmem>>
          %dma_wait3A_102 = tpu.memref_squeeze %dma_wait3A_101 : memref<1x128x128xf32, #tpu.memory_space<vmem>> -> memref<128x128xf32, #tpu.memory_space<vmem>>
          %dma_wait3A_103 = arith.constant 0 : i32
          %dma_wait3A_104 = tpu.memref_slice %arg8[%mul3A_55, %dma_wait3A_103] : memref<40x128xi32, #tpu.memory_space<vmem>> -> memref<1x128xi32, #tpu.memory_space<vmem>>
          %dma_wait3A_105 = tpu.memref_squeeze %dma_wait3A_104 : memref<1x128xi32, #tpu.memory_space<vmem>> -> memref<128xi32, #tpu.memory_space<vmem>>
          %dma_wait3A_106 = arith.constant 0 : i32
          %dma_wait3A_107 = arith.constant 0 : i32
          %dma_wait3A_108 = tpu.memref_slice %arg10[%dma_wait3A_106, %dma_wait3A_107] : memref<10000x128xf32, #tpu.memory_space<vmem_shared>> -> memref<10000x128xf32, #tpu.memory_space<vmem_shared>>
          tpu.wait_indirect_dma semaphore(%run_scoped3A_89 : memref<!tpu.dma_semaphore, #tpu.memory_space<semaphore_mem>>) src(%dma_wait3A_102 : memref<128x128xf32, #tpu.memory_space<vmem>>) dst(%dma_wait3A_108 : memref<10000x128xf32, #tpu.memory_space<vmem_shared>>)
          tpu.yield
        }) : () -> ()
      } else {
      }
      %lt3A_75 = arith.cmpi slt, %add3A_59, %min3A_40 : i32
      %convert_element_type3A_76 = arith.extui %lt3A_75 : i1 to i32
      %cond3A_77 = arith.constant 1 : i32
      %cond3A_78 = arith.constant 0 : i32
      %cond3A_79 = arith.cmpi ne, %convert_element_type3A_76, %cond3A_78 : i32
      scf.if %cond3A_79 {
        %dma_wait3A = arith.constant 0 : i32
        %dma_wait3A_80 = arith.constant 0 : i32
        %dma_wait3A_81 = tpu.memref_slice %arg9[%cond3A_77, %dma_wait3A, %dma_wait3A_80] : memref<2x128x128xf32, #tpu.memory_space<vmem>> -> memref<1x128x128xf32, #tpu.memory_space<vmem>>
        %dma_wait3A_82 = tpu.memref_squeeze %dma_wait3A_81 : memref<1x128x128xf32, #tpu.memory_space<vmem>> -> memref<128x128xf32, #tpu.memory_space<vmem>>
        %dma_wait3A_83 = arith.constant 0 : i32
        %dma_wait3A_84 = tpu.memref_slice %arg7[%add3A_59, %dma_wait3A_83] : memref<40x128xi32, #tpu.memory_space<vmem>> -> memref<1x128xi32, #tpu.memory_space<vmem>>
        %dma_wait3A_85 = tpu.memref_squeeze %dma_wait3A_84 : memref<1x128xi32, #tpu.memory_space<vmem>> -> memref<128xi32, #tpu.memory_space<vmem>>
        %dma_wait3A_86 = arith.constant 0 : i32
        %dma_wait3A_87 = arith.constant 0 : i32
        %dma_wait3A_88 = tpu.memref_slice %arg2[%dma_wait3A_86, %dma_wait3A_87] : memref<10000x128xf32, #tpu.memory_space<hbm>> -> memref<10000x128xf32, #tpu.memory_space<hbm>>
        tpu.wait_indirect_dma semaphore(%arg12 : memref<!tpu.dma_semaphore, #tpu.memory_space<semaphore_mem>>) src(%dma_wait3A_88 : memref<10000x128xf32, #tpu.memory_space<hbm>>) dst(%dma_wait3A_82 : memref<128x128xf32, #tpu.memory_space<vmem>>)
        %run_scoped3A = arith.constant 1 : i32
        "tpu.region"() ({
          %run_scoped3A_89 = tpu.sem_alloc : memref<!tpu.dma_semaphore, #tpu.memory_space<semaphore_mem>>
          %dma_start3A = arith.constant 0 : i32
          %dma_start3A_90 = arith.constant 0 : i32
          %dma_start3A_91 = tpu.memref_slice %arg9[%run_scoped3A, %dma_start3A, %dma_start3A_90] : memref<2x128x128xf32, #tpu.memory_space<vmem>> -> memref<1x128x128xf32, #tpu.memory_space<vmem>>
          %dma_start3A_92 = tpu.memref_squeeze %dma_start3A_91 : memref<1x128x128xf32, #tpu.memory_space<vmem>> -> memref<128x128xf32, #tpu.memory_space<vmem>>
          %dma_start3A_93 = arith.constant 0 : i32
          %dma_start3A_94 = tpu.memref_slice %arg8[%add3A_59, %dma_start3A_93] : memref<40x128xi32, #tpu.memory_space<vmem>> -> memref<1x128xi32, #tpu.memory_space<vmem>>
          %dma_start3A_95 = tpu.memref_squeeze %dma_start3A_94 : memref<1x128xi32, #tpu.memory_space<vmem>> -> memref<128xi32, #tpu.memory_space<vmem>>
          %dma_start3A_96 = arith.constant 0 : i32
          %dma_start3A_97 = arith.constant 0 : i32
          %dma_start3A_98 = tpu.memref_slice %arg10[%dma_start3A_96, %dma_start3A_97] : memref<10000x128xf32, #tpu.memory_space<vmem_shared>> -> memref<10000x128xf32, #tpu.memory_space<vmem_shared>>
          tpu.enqueue_indirect_dma source(%dma_start3A_92 : memref<128x128xf32, #tpu.memory_space<vmem>>) target(%dma_start3A_98 : memref<10000x128xf32, #tpu.memory_space<vmem_shared>>) offsets(%dma_start3A_95 : memref<128xi32, #tpu.memory_space<vmem>>) semaphore(%run_scoped3A_89 : memref<!tpu.dma_semaphore, #tpu.memory_space<semaphore_mem>>) {add = true}
          %dma_wait3A_99 = arith.constant 0 : i32
          %dma_wait3A_100 = arith.constant 0 : i32
          %dma_wait3A_101 = tpu.memref_slice %arg9[%run_scoped3A, %dma_wait3A_99, %dma_wait3A_100] : memref<2x128x128xf32, #tpu.memory_space<vmem>> -> memref<1x128x128xf32, #tpu.memory_space<vmem>>
          %dma_wait3A_102 = tpu.memref_squeeze %dma_wait3A_101 : memref<1x128x128xf32, #tpu.memory_space<vmem>> -> memref<128x128xf32, #tpu.memory_space<vmem>>
          %dma_wait3A_103 = arith.constant 0 : i32
          %dma_wait3A_104 = tpu.memref_slice %arg8[%add3A_59, %dma_wait3A_103] : memref<40x128xi32, #tpu.memory_space<vmem>> -> memref<1x128xi32, #tpu.memory_space<vmem>>
          %dma_wait3A_105 = tpu.memref_squeeze %dma_wait3A_104 : memref<1x128xi32, #tpu.memory_space<vmem>> -> memref<128xi32, #tpu.memory_space<vmem>>
          %dma_wait3A_106 = arith.constant 0 : i32
          %dma_wait3A_107 = arith.constant 0 : i32
          %dma_wait3A_108 = tpu.memref_slice %arg10[%dma_wait3A_106, %dma_wait3A_107] : memref<10000x128xf32, #tpu.memory_space<vmem_shared>> -> memref<10000x128xf32, #tpu.memory_space<vmem_shared>>
          tpu.wait_indirect_dma semaphore(%run_scoped3A_89 : memref<!tpu.dma_semaphore, #tpu.memory_space<semaphore_mem>>) src(%dma_wait3A_102 : memref<128x128xf32, #tpu.memory_space<vmem>>) dst(%dma_wait3A_108 : memref<10000x128xf32, #tpu.memory_space<vmem_shared>>)
          tpu.yield
        }) : () -> ()
      } else {
      }
    }
    %scan3A_46 = arith.constant 20 : i32
    %barrier3A_47 = arith.constant 0 : index
    tpu.barrier barrier_id(%barrier3A_47)
    %eq3A_48 = arith.constant 0 : i32
    %eq3A_49 = arith.cmpi eq, %arg1, %eq3A_48 : i32
    %convert_element_type3A_50 = arith.extui %eq3A_49 : i1 to i32
    %cond3A_51 = arith.constant 0 : i32
    %cond3A_52 = arith.cmpi ne, %convert_element_type3A_50, %cond3A_51 : i32
    scf.if %cond3A_52 {
      "tpu.region"() ({
        %run_scoped3A = tpu.sem_alloc : memref<!tpu.dma_semaphore, #tpu.memory_space<semaphore_mem>>
        %dma_start3A = arith.constant 0 : i32
        %dma_start3A_53 = arith.constant 0 : i32
        %dma_start3A_54 = tpu.memref_slice %arg6[%arg0, %dma_start3A, %dma_start3A_53] : memref<2x10000x128xf32, #tpu.memory_space<hbm>> -> memref<1x10000x128xf32, #tpu.memory_space<hbm>>
        %dma_start3A_55 = tpu.memref_squeeze %dma_start3A_54 : memref<1x10000x128xf32, #tpu.memory_space<hbm>> -> memref<10000x128xf32, #tpu.memory_space<hbm>>
        tpu.enqueue_dma source(%arg10 : memref<10000x128xf32, #tpu.memory_space<vmem_shared>>) target(%dma_start3A_55 : memref<10000x128xf32, #tpu.memory_space<hbm>>) target_semaphore(%run_scoped3A : memref<!tpu.dma_semaphore, #tpu.memory_space<semaphore_mem>>)
        %dma_wait3A = arith.constant 0 : i32
        %dma_wait3A_56 = arith.constant 0 : i32
        %dma_wait3A_57 = tpu.memref_slice %arg6[%arg0, %dma_wait3A, %dma_wait3A_56] : memref<2x10000x128xf32, #tpu.memory_space<hbm>> -> memref<1x10000x128xf32, #tpu.memory_space<hbm>>
        %dma_wait3A_58 = tpu.memref_squeeze %dma_wait3A_57 : memref<1x10000x128xf32, #tpu.memory_space<hbm>> -> memref<10000x128xf32, #tpu.memory_space<hbm>>
        tpu.wait_dma2 semaphore(%run_scoped3A : memref<!tpu.dma_semaphore, #tpu.memory_space<semaphore_mem>>) src(%arg10 : memref<10000x128xf32, #tpu.memory_space<vmem_shared>>) dst(%dma_wait3A_58 : memref<10000x128xf32, #tpu.memory_space<hbm>>)
        tpu.yield
      }) : () -> ()
    } else {
    }
    return
  }
}

#map = affine_map<(d0, d1) -> (0, 0)>
#map1 = affine_map<(d0, d1) -> (0, 0, 0)>
module attributes {stable_mosaic.version = 14 : i64} {
  func.func @k(%arg0: i32, %arg1: i32, %arg2: memref<10000x128xf32, #tpu.memory_space<hbm>>, %arg3: memref<2512x128xi32, #tpu.memory_space<hbm>>, %arg4: memref<2512x128xi32, #tpu.memory_space<hbm>>, %arg5: memref<10000x128xf32, #tpu.memory_space<hbm>>, %arg6: memref<2x10000x128xf32, #tpu.memory_space<hbm>>, %arg7: memref<40x128xi32, #tpu.memory_space<vmem>>, %arg8: memref<40x128xi32, #tpu.memory_space<vmem>>, %arg9: memref<2x128x128xf32, #tpu.memory_space<vmem>>, %arg10: memref<10000x128xf32, #tpu.memory_space<vmem_shared>>, %arg11: memref<!tpu.dma_semaphore, #tpu.memory_space<semaphore_mem>>, %arg12: memref<!tpu.dma_semaphore, #tpu.memory_space<semaphore_mem>>) attributes {dimension_semantics = [#tpu.dimension_semantics<core_parallel>, #tpu.dimension_semantics<subcore_parallel>], iteration_bounds = array<i64: 2, 16>, scalar_prefetch = 0 : i64, scratch_operands = 6 : i64, tpu.core_type = #tpu.core_type<sc_vector_subcore>, window_params = [{transform_indices = #map}, {transform_indices = #map}, {transform_indices = #map}, {transform_indices = #map}, {transform_indices = #map1}]} {
    %eq3A = arith.constant 0 : i32
    %eq3A_0 = arith.cmpi eq, %arg1, %eq3A : i32
    %convert_element_type3A = arith.extui %eq3A_0 : i1 to i32
    %cond3A = arith.constant 0 : i32
    %cond3A_1 = arith.cmpi ne, %convert_element_type3A, %cond3A : i32
    scf.if %cond3A_1 {
      "tpu.region"() ({
        %run_scoped3A = tpu.sem_alloc : memref<!tpu.dma_semaphore, #tpu.memory_space<semaphore_mem>>
        tpu.enqueue_dma source(%arg5 : memref<10000x128xf32, #tpu.memory_space<hbm>>) target(%arg10 : memref<10000x128xf32, #tpu.memory_space<vmem_shared>>) target_semaphore(%run_scoped3A : memref<!tpu.dma_semaphore, #tpu.memory_space<semaphore_mem>>)
        tpu.wait_dma2 semaphore(%run_scoped3A : memref<!tpu.dma_semaphore, #tpu.memory_space<semaphore_mem>>) src(%arg5 : memref<10000x128xf32, #tpu.memory_space<hbm>>) dst(%arg10 : memref<10000x128xf32, #tpu.memory_space<vmem_shared>>)
        tpu.yield
      }) : () -> ()
    } else {
    }
    %mul3A = arith.constant 2 : i32
    %mul3A_2 = arith.muli %arg1, %mul3A : i32
    %add3A = arith.addi %mul3A_2, %arg0 : i32
    %lt3A = arith.constant 25 : i32
    %lt3A_3 = arith.cmpi slt, %add3A, %lt3A : i32
    %mul3A_4 = arith.constant 80 : i32
    %mul3A_5 = arith.muli %mul3A_4, %add3A : i32
    %sub3A = arith.constant 25 : i32
    %sub3A_6 = arith.subi %add3A, %sub3A : i32
    %mul3A_7 = arith.constant 72 : i32
    %mul3A_8 = arith.muli %mul3A_7, %sub3A_6 : i32
    %add3A_9 = arith.constant 2000 : i32
    %add3A_10 = arith.addi %add3A_9, %mul3A_8 : i32
    %select_n3A = arith.select %lt3A_3, %mul3A_5, %add3A_10 : i32
    %lt3A_11 = arith.constant 25 : i32
    %lt3A_12 = arith.cmpi slt, %add3A, %lt3A_11 : i32
    %jit3A = arith.constant 80 : i32
    %jit3A_13 = arith.constant 72 : i32
    %select_n3A_14 = arith.select %lt3A_12, %jit3A, %jit3A_13 : i32
    %sub3A_15 = arith.constant 2500 : i32
    %sub3A_16 = arith.subi %sub3A_15, %select_n3A : i32
    %min3A = arith.minsi %select_n3A_14, %sub3A_16 : i32
    %barrier3A = arith.constant 0 : index
    tpu.barrier barrier_id(%barrier3A)
    %add3A_17 = arith.constant 0 : i32
    %add3A_18 = arith.addi %select_n3A, %add3A_17 : i32
    "tpu.region"() ({
      %run_scoped3A = tpu.sem_alloc : memref<!tpu.dma_semaphore, #tpu.memory_space<semaphore_mem>>
      %dma_start3A = arith.constant 0 : i32
      %dma_start3A_53 = tpu.memref_slice %arg3[%add3A_18, %dma_start3A] : memref<2512x128xi32, #tpu.memory_space<hbm>> -> memref<40x128xi32, #tpu.memory_space<hbm>>
      %dma_start3A_54 = arith.constant 0 : i32
      %dma_start3A_55 = tpu.memref_slice %arg3[%add3A_18, %dma_start3A_54] : memref<2512x128xi32, #tpu.memory_space<hbm>> -> memref<40x128xi32, #tpu.memory_space<hbm>>
      tpu.enqueue_dma source(%dma_start3A_55 : memref<40x128xi32, #tpu.memory_space<hbm>>) target(%arg7 : memref<40x128xi32, #tpu.memory_space<vmem>>) target_semaphore(%run_scoped3A : memref<!tpu.dma_semaphore, #tpu.memory_space<semaphore_mem>>)
      %dma_wait3A = arith.constant 0 : i32
      %dma_wait3A_56 = tpu.memref_slice %arg3[%add3A_18, %dma_wait3A] : memref<2512x128xi32, #tpu.memory_space<hbm>> -> memref<40x128xi32, #tpu.memory_space<hbm>>
      %dma_wait3A_57 = arith.constant 0 : i32
      %dma_wait3A_58 = tpu.memref_slice %arg3[%add3A_18, %dma_wait3A_57] : memref<2512x128xi32, #tpu.memory_space<hbm>> -> memref<40x128xi32, #tpu.memory_space<hbm>>
      tpu.wait_dma2 semaphore(%run_scoped3A : memref<!tpu.dma_semaphore, #tpu.memory_space<semaphore_mem>>) src(%dma_wait3A_58 : memref<40x128xi32, #tpu.memory_space<hbm>>) dst(%arg7 : memref<40x128xi32, #tpu.memory_space<vmem>>)
      tpu.yield
    }) : () -> ()
    %add3A_19 = arith.constant 0 : i32
    %add3A_20 = arith.addi %select_n3A, %add3A_19 : i32
    "tpu.region"() ({
      %run_scoped3A = tpu.sem_alloc : memref<!tpu.dma_semaphore, #tpu.memory_space<semaphore_mem>>
      %dma_start3A = arith.constant 0 : i32
      %dma_start3A_53 = tpu.memref_slice %arg4[%add3A_20, %dma_start3A] : memref<2512x128xi32, #tpu.memory_space<hbm>> -> memref<40x128xi32, #tpu.memory_space<hbm>>
      %dma_start3A_54 = arith.constant 0 : i32
      %dma_start3A_55 = tpu.memref_slice %arg4[%add3A_20, %dma_start3A_54] : memref<2512x128xi32, #tpu.memory_space<hbm>> -> memref<40x128xi32, #tpu.memory_space<hbm>>
      tpu.enqueue_dma source(%dma_start3A_55 : memref<40x128xi32, #tpu.memory_space<hbm>>) target(%arg8 : memref<40x128xi32, #tpu.memory_space<vmem>>) target_semaphore(%run_scoped3A : memref<!tpu.dma_semaphore, #tpu.memory_space<semaphore_mem>>)
      %dma_wait3A = arith.constant 0 : i32
      %dma_wait3A_56 = tpu.memref_slice %arg4[%add3A_20, %dma_wait3A] : memref<2512x128xi32, #tpu.memory_space<hbm>> -> memref<40x128xi32, #tpu.memory_space<hbm>>
      %dma_wait3A_57 = arith.constant 0 : i32
      %dma_wait3A_58 = tpu.memref_slice %arg4[%add3A_20, %dma_wait3A_57] : memref<2512x128xi32, #tpu.memory_space<hbm>> -> memref<40x128xi32, #tpu.memory_space<hbm>>
      tpu.wait_dma2 semaphore(%run_scoped3A : memref<!tpu.dma_semaphore, #tpu.memory_space<semaphore_mem>>) src(%dma_wait3A_58 : memref<40x128xi32, #tpu.memory_space<hbm>>) dst(%arg8 : memref<40x128xi32, #tpu.memory_space<vmem>>)
      tpu.yield
    }) : () -> ()
    %sub3A_21 = arith.constant 0 : i32
    %sub3A_22 = arith.subi %min3A, %sub3A_21 : i32
    %jit3A_23 = arith.constant 0 : i32
    %jit3A_24 = arith.constant 40 : i32
    %max3A = arith.maxsi %jit3A_23, %sub3A_22 : i32
    %min3A_25 = arith.minsi %jit3A_24, %max3A : i32
    %scan3A = arith.constant 0 : i32
    %scan3A_26 = arith.constant 0 : i32
    %scan3A_27 = arith.constant 20 : i32
    %scan3A_28 = arith.addi %scan3A_26, %scan3A_27 : i32
    %scan3A_29 = arith.constant 1 : i32
    scf.for %scan3A_53 = %scan3A_26 to %scan3A_28 step %scan3A_29  : i32 {
      %mul3A_54 = arith.constant 2 : i32
      %mul3A_55 = arith.muli %mul3A_54, %scan3A_53 : i32
      %mul3A_56 = arith.constant 2 : i32
      %mul3A_57 = arith.muli %mul3A_56, %scan3A_53 : i32
      %add3A_58 = arith.constant 1 : i32
      %add3A_59 = arith.addi %mul3A_57, %add3A_58 : i32
      %lt3A_60 = arith.cmpi slt, %mul3A_55, %min3A_25 : i32
      %convert_element_type3A_61 = arith.extui %lt3A_60 : i1 to i32
      %cond3A_62 = arith.constant 0 : i32
      %cond3A_63 = arith.constant 0 : i32
      %cond3A_64 = arith.cmpi ne, %convert_element_type3A_61, %cond3A_63 : i32
      scf.if %cond3A_64 {
        %dma_start3A = arith.constant 0 : i32
        %dma_start3A_80 = arith.constant 0 : i32
        %dma_start3A_81 = tpu.memref_slice %arg9[%cond3A_62, %dma_start3A, %dma_start3A_80] : memref<2x128x128xf32, #tpu.memory_space<vmem>> -> memref<1x128x128xf32, #tpu.memory_space<vmem>>
        %dma_start3A_82 = tpu.memref_squeeze %dma_start3A_81 : memref<1x128x128xf32, #tpu.memory_space<vmem>> -> memref<128x128xf32, #tpu.memory_space<vmem>>
        %dma_start3A_83 = arith.constant 0 : i32
        %dma_start3A_84 = tpu.memref_slice %arg7[%mul3A_55, %dma_start3A_83] : memref<40x128xi32, #tpu.memory_space<vmem>> -> memref<1x128xi32, #tpu.memory_space<vmem>>
        %dma_start3A_85 = tpu.memref_squeeze %dma_start3A_84 : memref<1x128xi32, #tpu.memory_space<vmem>> -> memref<128xi32, #tpu.memory_space<vmem>>
        %dma_start3A_86 = arith.constant 0 : i32
        %dma_start3A_87 = arith.constant 0 : i32
        %dma_start3A_88 = tpu.memref_slice %arg2[%dma_start3A_86, %dma_start3A_87] : memref<10000x128xf32, #tpu.memory_space<hbm>> -> memref<10000x128xf32, #tpu.memory_space<hbm>>
        tpu.enqueue_indirect_dma source(%dma_start3A_88 : memref<10000x128xf32, #tpu.memory_space<hbm>>) target(%dma_start3A_82 : memref<128x128xf32, #tpu.memory_space<vmem>>) offsets(%dma_start3A_85 : memref<128xi32, #tpu.memory_space<vmem>>) semaphore(%arg11 : memref<!tpu.dma_semaphore, #tpu.memory_space<semaphore_mem>>)
      } else {
      }
      %lt3A_65 = arith.cmpi slt, %add3A_59, %min3A_25 : i32
      %convert_element_type3A_66 = arith.extui %lt3A_65 : i1 to i32
      %cond3A_67 = arith.constant 1 : i32
      %cond3A_68 = arith.constant 0 : i32
      %cond3A_69 = arith.cmpi ne, %convert_element_type3A_66, %cond3A_68 : i32
      scf.if %cond3A_69 {
        %dma_start3A = arith.constant 0 : i32
        %dma_start3A_80 = arith.constant 0 : i32
        %dma_start3A_81 = tpu.memref_slice %arg9[%cond3A_67, %dma_start3A, %dma_start3A_80] : memref<2x128x128xf32, #tpu.memory_space<vmem>> -> memref<1x128x128xf32, #tpu.memory_space<vmem>>
        %dma_start3A_82 = tpu.memref_squeeze %dma_start3A_81 : memref<1x128x128xf32, #tpu.memory_space<vmem>> -> memref<128x128xf32, #tpu.memory_space<vmem>>
        %dma_start3A_83 = arith.constant 0 : i32
        %dma_start3A_84 = tpu.memref_slice %arg7[%add3A_59, %dma_start3A_83] : memref<40x128xi32, #tpu.memory_space<vmem>> -> memref<1x128xi32, #tpu.memory_space<vmem>>
        %dma_start3A_85 = tpu.memref_squeeze %dma_start3A_84 : memref<1x128xi32, #tpu.memory_space<vmem>> -> memref<128xi32, #tpu.memory_space<vmem>>
        %dma_start3A_86 = arith.constant 0 : i32
        %dma_start3A_87 = arith.constant 0 : i32
        %dma_start3A_88 = tpu.memref_slice %arg2[%dma_start3A_86, %dma_start3A_87] : memref<10000x128xf32, #tpu.memory_space<hbm>> -> memref<10000x128xf32, #tpu.memory_space<hbm>>
        tpu.enqueue_indirect_dma source(%dma_start3A_88 : memref<10000x128xf32, #tpu.memory_space<hbm>>) target(%dma_start3A_82 : memref<128x128xf32, #tpu.memory_space<vmem>>) offsets(%dma_start3A_85 : memref<128xi32, #tpu.memory_space<vmem>>) semaphore(%arg12 : memref<!tpu.dma_semaphore, #tpu.memory_space<semaphore_mem>>)
      } else {
      }
      %lt3A_70 = arith.cmpi slt, %mul3A_55, %min3A_25 : i32
      %convert_element_type3A_71 = arith.extui %lt3A_70 : i1 to i32
      %cond3A_72 = arith.constant 0 : i32
      %cond3A_73 = arith.constant 0 : i32
      %cond3A_74 = arith.cmpi ne, %convert_element_type3A_71, %cond3A_73 : i32
      scf.if %cond3A_74 {
        %dma_wait3A = arith.constant 0 : i32
        %dma_wait3A_80 = arith.constant 0 : i32
        %dma_wait3A_81 = tpu.memref_slice %arg9[%cond3A_72, %dma_wait3A, %dma_wait3A_80] : memref<2x128x128xf32, #tpu.memory_space<vmem>> -> memref<1x128x128xf32, #tpu.memory_space<vmem>>
        %dma_wait3A_82 = tpu.memref_squeeze %dma_wait3A_81 : memref<1x128x128xf32, #tpu.memory_space<vmem>> -> memref<128x128xf32, #tpu.memory_space<vmem>>
        %dma_wait3A_83 = arith.constant 0 : i32
        %dma_wait3A_84 = tpu.memref_slice %arg7[%mul3A_55, %dma_wait3A_83] : memref<40x128xi32, #tpu.memory_space<vmem>> -> memref<1x128xi32, #tpu.memory_space<vmem>>
        %dma_wait3A_85 = tpu.memref_squeeze %dma_wait3A_84 : memref<1x128xi32, #tpu.memory_space<vmem>> -> memref<128xi32, #tpu.memory_space<vmem>>
        %dma_wait3A_86 = arith.constant 0 : i32
        %dma_wait3A_87 = arith.constant 0 : i32
        %dma_wait3A_88 = tpu.memref_slice %arg2[%dma_wait3A_86, %dma_wait3A_87] : memref<10000x128xf32, #tpu.memory_space<hbm>> -> memref<10000x128xf32, #tpu.memory_space<hbm>>
        tpu.wait_indirect_dma semaphore(%arg11 : memref<!tpu.dma_semaphore, #tpu.memory_space<semaphore_mem>>) src(%dma_wait3A_88 : memref<10000x128xf32, #tpu.memory_space<hbm>>) dst(%dma_wait3A_82 : memref<128x128xf32, #tpu.memory_space<vmem>>)
        %run_scoped3A = arith.constant 0 : i32
        "tpu.region"() ({
          %run_scoped3A_89 = tpu.sem_alloc : memref<!tpu.dma_semaphore, #tpu.memory_space<semaphore_mem>>
          %dma_start3A = arith.constant 0 : i32
          %dma_start3A_90 = arith.constant 0 : i32
          %dma_start3A_91 = tpu.memref_slice %arg9[%run_scoped3A, %dma_start3A, %dma_start3A_90] : memref<2x128x128xf32, #tpu.memory_space<vmem>> -> memref<1x128x128xf32, #tpu.memory_space<vmem>>
          %dma_start3A_92 = tpu.memref_squeeze %dma_start3A_91 : memref<1x128x128xf32, #tpu.memory_space<vmem>> -> memref<128x128xf32, #tpu.memory_space<vmem>>
          %dma_start3A_93 = arith.constant 0 : i32
          %dma_start3A_94 = tpu.memref_slice %arg8[%mul3A_55, %dma_start3A_93] : memref<40x128xi32, #tpu.memory_space<vmem>> -> memref<1x128xi32, #tpu.memory_space<vmem>>
          %dma_start3A_95 = tpu.memref_squeeze %dma_start3A_94 : memref<1x128xi32, #tpu.memory_space<vmem>> -> memref<128xi32, #tpu.memory_space<vmem>>
          %dma_start3A_96 = arith.constant 0 : i32
          %dma_start3A_97 = arith.constant 0 : i32
          %dma_start3A_98 = tpu.memref_slice %arg10[%dma_start3A_96, %dma_start3A_97] : memref<10000x128xf32, #tpu.memory_space<vmem_shared>> -> memref<10000x128xf32, #tpu.memory_space<vmem_shared>>
          tpu.enqueue_indirect_dma source(%dma_start3A_92 : memref<128x128xf32, #tpu.memory_space<vmem>>) target(%dma_start3A_98 : memref<10000x128xf32, #tpu.memory_space<vmem_shared>>) offsets(%dma_start3A_95 : memref<128xi32, #tpu.memory_space<vmem>>) semaphore(%run_scoped3A_89 : memref<!tpu.dma_semaphore, #tpu.memory_space<semaphore_mem>>) {add = true}
          %dma_wait3A_99 = arith.constant 0 : i32
          %dma_wait3A_100 = arith.constant 0 : i32
          %dma_wait3A_101 = tpu.memref_slice %arg9[%run_scoped3A, %dma_wait3A_99, %dma_wait3A_100] : memref<2x128x128xf32, #tpu.memory_space<vmem>> -> memref<1x128x128xf32, #tpu.memory_space<vmem>>
          %dma_wait3A_102 = tpu.memref_squeeze %dma_wait3A_101 : memref<1x128x128xf32, #tpu.memory_space<vmem>> -> memref<128x128xf32, #tpu.memory_space<vmem>>
          %dma_wait3A_103 = arith.constant 0 : i32
          %dma_wait3A_104 = tpu.memref_slice %arg8[%mul3A_55, %dma_wait3A_103] : memref<40x128xi32, #tpu.memory_space<vmem>> -> memref<1x128xi32, #tpu.memory_space<vmem>>
          %dma_wait3A_105 = tpu.memref_squeeze %dma_wait3A_104 : memref<1x128xi32, #tpu.memory_space<vmem>> -> memref<128xi32, #tpu.memory_space<vmem>>
          %dma_wait3A_106 = arith.constant 0 : i32
          %dma_wait3A_107 = arith.constant 0 : i32
          %dma_wait3A_108 = tpu.memref_slice %arg10[%dma_wait3A_106, %dma_wait3A_107] : memref<10000x128xf32, #tpu.memory_space<vmem_shared>> -> memref<10000x128xf32, #tpu.memory_space<vmem_shared>>
          tpu.wait_indirect_dma semaphore(%run_scoped3A_89 : memref<!tpu.dma_semaphore, #tpu.memory_space<semaphore_mem>>) src(%dma_wait3A_102 : memref<128x128xf32, #tpu.memory_space<vmem>>) dst(%dma_wait3A_108 : memref<10000x128xf32, #tpu.memory_space<vmem_shared>>)
          tpu.yield
        }) : () -> ()
      } else {
      }
      %lt3A_75 = arith.cmpi slt, %add3A_59, %min3A_25 : i32
      %convert_element_type3A_76 = arith.extui %lt3A_75 : i1 to i32
      %cond3A_77 = arith.constant 1 : i32
      %cond3A_78 = arith.constant 0 : i32
      %cond3A_79 = arith.cmpi ne, %convert_element_type3A_76, %cond3A_78 : i32
      scf.if %cond3A_79 {
        %dma_wait3A = arith.constant 0 : i32
        %dma_wait3A_80 = arith.constant 0 : i32
        %dma_wait3A_81 = tpu.memref_slice %arg9[%cond3A_77, %dma_wait3A, %dma_wait3A_80] : memref<2x128x128xf32, #tpu.memory_space<vmem>> -> memref<1x128x128xf32, #tpu.memory_space<vmem>>
        %dma_wait3A_82 = tpu.memref_squeeze %dma_wait3A_81 : memref<1x128x128xf32, #tpu.memory_space<vmem>> -> memref<128x128xf32, #tpu.memory_space<vmem>>
        %dma_wait3A_83 = arith.constant 0 : i32
        %dma_wait3A_84 = tpu.memref_slice %arg7[%add3A_59, %dma_wait3A_83] : memref<40x128xi32, #tpu.memory_space<vmem>> -> memref<1x128xi32, #tpu.memory_space<vmem>>
        %dma_wait3A_85 = tpu.memref_squeeze %dma_wait3A_84 : memref<1x128xi32, #tpu.memory_space<vmem>> -> memref<128xi32, #tpu.memory_space<vmem>>
        %dma_wait3A_86 = arith.constant 0 : i32
        %dma_wait3A_87 = arith.constant 0 : i32
        %dma_wait3A_88 = tpu.memref_slice %arg2[%dma_wait3A_86, %dma_wait3A_87] : memref<10000x128xf32, #tpu.memory_space<hbm>> -> memref<10000x128xf32, #tpu.memory_space<hbm>>
        tpu.wait_indirect_dma semaphore(%arg12 : memref<!tpu.dma_semaphore, #tpu.memory_space<semaphore_mem>>) src(%dma_wait3A_88 : memref<10000x128xf32, #tpu.memory_space<hbm>>) dst(%dma_wait3A_82 : memref<128x128xf32, #tpu.memory_space<vmem>>)
        %run_scoped3A = arith.constant 1 : i32
        "tpu.region"() ({
          %run_scoped3A_89 = tpu.sem_alloc : memref<!tpu.dma_semaphore, #tpu.memory_space<semaphore_mem>>
          %dma_start3A = arith.constant 0 : i32
          %dma_start3A_90 = arith.constant 0 : i32
          %dma_start3A_91 = tpu.memref_slice %arg9[%run_scoped3A, %dma_start3A, %dma_start3A_90] : memref<2x128x128xf32, #tpu.memory_space<vmem>> -> memref<1x128x128xf32, #tpu.memory_space<vmem>>
          %dma_start3A_92 = tpu.memref_squeeze %dma_start3A_91 : memref<1x128x128xf32, #tpu.memory_space<vmem>> -> memref<128x128xf32, #tpu.memory_space<vmem>>
          %dma_start3A_93 = arith.constant 0 : i32
          %dma_start3A_94 = tpu.memref_slice %arg8[%add3A_59, %dma_start3A_93] : memref<40x128xi32, #tpu.memory_space<vmem>> -> memref<1x128xi32, #tpu.memory_space<vmem>>
          %dma_start3A_95 = tpu.memref_squeeze %dma_start3A_94 : memref<1x128xi32, #tpu.memory_space<vmem>> -> memref<128xi32, #tpu.memory_space<vmem>>
          %dma_start3A_96 = arith.constant 0 : i32
          %dma_start3A_97 = arith.constant 0 : i32
          %dma_start3A_98 = tpu.memref_slice %arg10[%dma_start3A_96, %dma_start3A_97] : memref<10000x128xf32, #tpu.memory_space<vmem_shared>> -> memref<10000x128xf32, #tpu.memory_space<vmem_shared>>
          tpu.enqueue_indirect_dma source(%dma_start3A_92 : memref<128x128xf32, #tpu.memory_space<vmem>>) target(%dma_start3A_98 : memref<10000x128xf32, #tpu.memory_space<vmem_shared>>) offsets(%dma_start3A_95 : memref<128xi32, #tpu.memory_space<vmem>>) semaphore(%run_scoped3A_89 : memref<!tpu.dma_semaphore, #tpu.memory_space<semaphore_mem>>) {add = true}
          %dma_wait3A_99 = arith.constant 0 : i32
          %dma_wait3A_100 = arith.constant 0 : i32
          %dma_wait3A_101 = tpu.memref_slice %arg9[%run_scoped3A, %dma_wait3A_99, %dma_wait3A_100] : memref<2x128x128xf32, #tpu.memory_space<vmem>> -> memref<1x128x128xf32, #tpu.memory_space<vmem>>
          %dma_wait3A_102 = tpu.memref_squeeze %dma_wait3A_101 : memref<1x128x128xf32, #tpu.memory_space<vmem>> -> memref<128x128xf32, #tpu.memory_space<vmem>>
          %dma_wait3A_103 = arith.constant 0 : i32
          %dma_wait3A_104 = tpu.memref_slice %arg8[%add3A_59, %dma_wait3A_103] : memref<40x128xi32, #tpu.memory_space<vmem>> -> memref<1x128xi32, #tpu.memory_space<vmem>>
          %dma_wait3A_105 = tpu.memref_squeeze %dma_wait3A_104 : memref<1x128xi32, #tpu.memory_space<vmem>> -> memref<128xi32, #tpu.memory_space<vmem>>
          %dma_wait3A_106 = arith.constant 0 : i32
          %dma_wait3A_107 = arith.constant 0 : i32
          %dma_wait3A_108 = tpu.memref_slice %arg10[%dma_wait3A_106, %dma_wait3A_107] : memref<10000x128xf32, #tpu.memory_space<vmem_shared>> -> memref<10000x128xf32, #tpu.memory_space<vmem_shared>>
          tpu.wait_indirect_dma semaphore(%run_scoped3A_89 : memref<!tpu.dma_semaphore, #tpu.memory_space<semaphore_mem>>) src(%dma_wait3A_102 : memref<128x128xf32, #tpu.memory_space<vmem>>) dst(%dma_wait3A_108 : memref<10000x128xf32, #tpu.memory_space<vmem_shared>>)
          tpu.yield
        }) : () -> ()
      } else {
      }
    }
    %scan3A_30 = arith.constant 20 : i32
    %add3A_31 = arith.constant 40 : i32
    %add3A_32 = arith.addi %select_n3A, %add3A_31 : i32
    "tpu.region"() ({
      %run_scoped3A = tpu.sem_alloc : memref<!tpu.dma_semaphore, #tpu.memory_space<semaphore_mem>>
      %dma_start3A = arith.constant 0 : i32
      %dma_start3A_53 = tpu.memref_slice %arg3[%add3A_32, %dma_start3A] : memref<2512x128xi32, #tpu.memory_space<hbm>> -> memref<40x128xi32, #tpu.memory_space<hbm>>
      %dma_start3A_54 = arith.constant 0 : i32
      %dma_start3A_55 = tpu.memref_slice %arg3[%add3A_32, %dma_start3A_54] : memref<2512x128xi32, #tpu.memory_space<hbm>> -> memref<40x128xi32, #tpu.memory_space<hbm>>
      tpu.enqueue_dma source(%dma_start3A_55 : memref<40x128xi32, #tpu.memory_space<hbm>>) target(%arg7 : memref<40x128xi32, #tpu.memory_space<vmem>>) target_semaphore(%run_scoped3A : memref<!tpu.dma_semaphore, #tpu.memory_space<semaphore_mem>>)
      %dma_wait3A = arith.constant 0 : i32
      %dma_wait3A_56 = tpu.memref_slice %arg3[%add3A_32, %dma_wait3A] : memref<2512x128xi32, #tpu.memory_space<hbm>> -> memref<40x128xi32, #tpu.memory_space<hbm>>
      %dma_wait3A_57 = arith.constant 0 : i32
      %dma_wait3A_58 = tpu.memref_slice %arg3[%add3A_32, %dma_wait3A_57] : memref<2512x128xi32, #tpu.memory_space<hbm>> -> memref<40x128xi32, #tpu.memory_space<hbm>>
      tpu.wait_dma2 semaphore(%run_scoped3A : memref<!tpu.dma_semaphore, #tpu.memory_space<semaphore_mem>>) src(%dma_wait3A_58 : memref<40x128xi32, #tpu.memory_space<hbm>>) dst(%arg7 : memref<40x128xi32, #tpu.memory_space<vmem>>)
      tpu.yield
    }) : () -> ()
    %add3A_33 = arith.constant 40 : i32
    %add3A_34 = arith.addi %select_n3A, %add3A_33 : i32
    "tpu.region"() ({
      %run_scoped3A = tpu.sem_alloc : memref<!tpu.dma_semaphore, #tpu.memory_space<semaphore_mem>>
      %dma_start3A = arith.constant 0 : i32
      %dma_start3A_53 = tpu.memref_slice %arg4[%add3A_34, %dma_start3A] : memref<2512x128xi32, #tpu.memory_space<hbm>> -> memref<40x128xi32, #tpu.memory_space<hbm>>
      %dma_start3A_54 = arith.constant 0 : i32
      %dma_start3A_55 = tpu.memref_slice %arg4[%add3A_34, %dma_start3A_54] : memref<2512x128xi32, #tpu.memory_space<hbm>> -> memref<40x128xi32, #tpu.memory_space<hbm>>
      tpu.enqueue_dma source(%dma_start3A_55 : memref<40x128xi32, #tpu.memory_space<hbm>>) target(%arg8 : memref<40x128xi32, #tpu.memory_space<vmem>>) target_semaphore(%run_scoped3A : memref<!tpu.dma_semaphore, #tpu.memory_space<semaphore_mem>>)
      %dma_wait3A = arith.constant 0 : i32
      %dma_wait3A_56 = tpu.memref_slice %arg4[%add3A_34, %dma_wait3A] : memref<2512x128xi32, #tpu.memory_space<hbm>> -> memref<40x128xi32, #tpu.memory_space<hbm>>
      %dma_wait3A_57 = arith.constant 0 : i32
      %dma_wait3A_58 = tpu.memref_slice %arg4[%add3A_34, %dma_wait3A_57] : memref<2512x128xi32, #tpu.memory_space<hbm>> -> memref<40x128xi32, #tpu.memory_space<hbm>>
      tpu.wait_dma2 semaphore(%run_scoped3A : memref<!tpu.dma_semaphore, #tpu.memory_space<semaphore_mem>>) src(%dma_wait3A_58 : memref<40x128xi32, #tpu.memory_space<hbm>>) dst(%arg8 : memref<40x128xi32, #tpu.memory_space<vmem>>)
      tpu.yield
    }) : () -> ()
    %sub3A_35 = arith.constant 40 : i32
    %sub3A_36 = arith.subi %min3A, %sub3A_35 : i32
    %jit3A_37 = arith.constant 0 : i32
    %jit3A_38 = arith.constant 40 : i32
    %max3A_39 = arith.maxsi %jit3A_37, %sub3A_36 : i32
    %min3A_40 = arith.minsi %jit3A_38, %max3A_39 : i32
    %scan3A_41 = arith.constant 0 : i32
    %scan3A_42 = arith.constant 0 : i32
    %scan3A_43 = arith.constant 20 : i32
    %scan3A_44 = arith.addi %scan3A_42, %scan3A_43 : i32
    %scan3A_45 = arith.constant 1 : i32
    scf.for %scan3A_53 = %scan3A_42 to %scan3A_44 step %scan3A_45  : i32 {
      %mul3A_54 = arith.constant 2 : i32
      %mul3A_55 = arith.muli %mul3A_54, %scan3A_53 : i32
      %mul3A_56 = arith.constant 2 : i32
      %mul3A_57 = arith.muli %mul3A_56, %scan3A_53 : i32
      %add3A_58 = arith.constant 1 : i32
      %add3A_59 = arith.addi %mul3A_57, %add3A_58 : i32
      %lt3A_60 = arith.cmpi slt, %mul3A_55, %min3A_40 : i32
      %convert_element_type3A_61 = arith.extui %lt3A_60 : i1 to i32
      %cond3A_62 = arith.constant 0 : i32
      %cond3A_63 = arith.constant 0 : i32
      %cond3A_64 = arith.cmpi ne, %convert_element_type3A_61, %cond3A_63 : i32
      scf.if %cond3A_64 {
        %dma_start3A = arith.constant 0 : i32
        %dma_start3A_80 = arith.constant 0 : i32
        %dma_start3A_81 = tpu.memref_slice %arg9[%cond3A_62, %dma_start3A, %dma_start3A_80] : memref<2x128x128xf32, #tpu.memory_space<vmem>> -> memref<1x128x128xf32, #tpu.memory_space<vmem>>
        %dma_start3A_82 = tpu.memref_squeeze %dma_start3A_81 : memref<1x128x128xf32, #tpu.memory_space<vmem>> -> memref<128x128xf32, #tpu.memory_space<vmem>>
        %dma_start3A_83 = arith.constant 0 : i32
        %dma_start3A_84 = tpu.memref_slice %arg7[%mul3A_55, %dma_start3A_83] : memref<40x128xi32, #tpu.memory_space<vmem>> -> memref<1x128xi32, #tpu.memory_space<vmem>>
        %dma_start3A_85 = tpu.memref_squeeze %dma_start3A_84 : memref<1x128xi32, #tpu.memory_space<vmem>> -> memref<128xi32, #tpu.memory_space<vmem>>
        %dma_start3A_86 = arith.constant 0 : i32
        %dma_start3A_87 = arith.constant 0 : i32
        %dma_start3A_88 = tpu.memref_slice %arg2[%dma_start3A_86, %dma_start3A_87] : memref<10000x128xf32, #tpu.memory_space<hbm>> -> memref<10000x128xf32, #tpu.memory_space<hbm>>
        tpu.enqueue_indirect_dma source(%dma_start3A_88 : memref<10000x128xf32, #tpu.memory_space<hbm>>) target(%dma_start3A_82 : memref<128x128xf32, #tpu.memory_space<vmem>>) offsets(%dma_start3A_85 : memref<128xi32, #tpu.memory_space<vmem>>) semaphore(%arg11 : memref<!tpu.dma_semaphore, #tpu.memory_space<semaphore_mem>>)
      } else {
      }
      %lt3A_65 = arith.cmpi slt, %add3A_59, %min3A_40 : i32
      %convert_element_type3A_66 = arith.extui %lt3A_65 : i1 to i32
      %cond3A_67 = arith.constant 1 : i32
      %cond3A_68 = arith.constant 0 : i32
      %cond3A_69 = arith.cmpi ne, %convert_element_type3A_66, %cond3A_68 : i32
      scf.if %cond3A_69 {
        %dma_start3A = arith.constant 0 : i32
        %dma_start3A_80 = arith.constant 0 : i32
        %dma_start3A_81 = tpu.memref_slice %arg9[%cond3A_67, %dma_start3A, %dma_start3A_80] : memref<2x128x128xf32, #tpu.memory_space<vmem>> -> memref<1x128x128xf32, #tpu.memory_space<vmem>>
        %dma_start3A_82 = tpu.memref_squeeze %dma_start3A_81 : memref<1x128x128xf32, #tpu.memory_space<vmem>> -> memref<128x128xf32, #tpu.memory_space<vmem>>
        %dma_start3A_83 = arith.constant 0 : i32
        %dma_start3A_84 = tpu.memref_slice %arg7[%add3A_59, %dma_start3A_83] : memref<40x128xi32, #tpu.memory_space<vmem>> -> memref<1x128xi32, #tpu.memory_space<vmem>>
        %dma_start3A_85 = tpu.memref_squeeze %dma_start3A_84 : memref<1x128xi32, #tpu.memory_space<vmem>> -> memref<128xi32, #tpu.memory_space<vmem>>
        %dma_start3A_86 = arith.constant 0 : i32
        %dma_start3A_87 = arith.constant 0 : i32
        %dma_start3A_88 = tpu.memref_slice %arg2[%dma_start3A_86, %dma_start3A_87] : memref<10000x128xf32, #tpu.memory_space<hbm>> -> memref<10000x128xf32, #tpu.memory_space<hbm>>
        tpu.enqueue_indirect_dma source(%dma_start3A_88 : memref<10000x128xf32, #tpu.memory_space<hbm>>) target(%dma_start3A_82 : memref<128x128xf32, #tpu.memory_space<vmem>>) offsets(%dma_start3A_85 : memref<128xi32, #tpu.memory_space<vmem>>) semaphore(%arg12 : memref<!tpu.dma_semaphore, #tpu.memory_space<semaphore_mem>>)
      } else {
      }
      %lt3A_70 = arith.cmpi slt, %mul3A_55, %min3A_40 : i32
      %convert_element_type3A_71 = arith.extui %lt3A_70 : i1 to i32
      %cond3A_72 = arith.constant 0 : i32
      %cond3A_73 = arith.constant 0 : i32
      %cond3A_74 = arith.cmpi ne, %convert_element_type3A_71, %cond3A_73 : i32
      scf.if %cond3A_74 {
        %dma_wait3A = arith.constant 0 : i32
        %dma_wait3A_80 = arith.constant 0 : i32
        %dma_wait3A_81 = tpu.memref_slice %arg9[%cond3A_72, %dma_wait3A, %dma_wait3A_80] : memref<2x128x128xf32, #tpu.memory_space<vmem>> -> memref<1x128x128xf32, #tpu.memory_space<vmem>>
        %dma_wait3A_82 = tpu.memref_squeeze %dma_wait3A_81 : memref<1x128x128xf32, #tpu.memory_space<vmem>> -> memref<128x128xf32, #tpu.memory_space<vmem>>
        %dma_wait3A_83 = arith.constant 0 : i32
        %dma_wait3A_84 = tpu.memref_slice %arg7[%mul3A_55, %dma_wait3A_83] : memref<40x128xi32, #tpu.memory_space<vmem>> -> memref<1x128xi32, #tpu.memory_space<vmem>>
        %dma_wait3A_85 = tpu.memref_squeeze %dma_wait3A_84 : memref<1x128xi32, #tpu.memory_space<vmem>> -> memref<128xi32, #tpu.memory_space<vmem>>
        %dma_wait3A_86 = arith.constant 0 : i32
        %dma_wait3A_87 = arith.constant 0 : i32
        %dma_wait3A_88 = tpu.memref_slice %arg2[%dma_wait3A_86, %dma_wait3A_87] : memref<10000x128xf32, #tpu.memory_space<hbm>> -> memref<10000x128xf32, #tpu.memory_space<hbm>>
        tpu.wait_indirect_dma semaphore(%arg11 : memref<!tpu.dma_semaphore, #tpu.memory_space<semaphore_mem>>) src(%dma_wait3A_88 : memref<10000x128xf32, #tpu.memory_space<hbm>>) dst(%dma_wait3A_82 : memref<128x128xf32, #tpu.memory_space<vmem>>)
        %run_scoped3A = arith.constant 0 : i32
        "tpu.region"() ({
          %run_scoped3A_89 = tpu.sem_alloc : memref<!tpu.dma_semaphore, #tpu.memory_space<semaphore_mem>>
          %dma_start3A = arith.constant 0 : i32
          %dma_start3A_90 = arith.constant 0 : i32
          %dma_start3A_91 = tpu.memref_slice %arg9[%run_scoped3A, %dma_start3A, %dma_start3A_90] : memref<2x128x128xf32, #tpu.memory_space<vmem>> -> memref<1x128x128xf32, #tpu.memory_space<vmem>>
          %dma_start3A_92 = tpu.memref_squeeze %dma_start3A_91 : memref<1x128x128xf32, #tpu.memory_space<vmem>> -> memref<128x128xf32, #tpu.memory_space<vmem>>
          %dma_start3A_93 = arith.constant 0 : i32
          %dma_start3A_94 = tpu.memref_slice %arg8[%mul3A_55, %dma_start3A_93] : memref<40x128xi32, #tpu.memory_space<vmem>> -> memref<1x128xi32, #tpu.memory_space<vmem>>
          %dma_start3A_95 = tpu.memref_squeeze %dma_start3A_94 : memref<1x128xi32, #tpu.memory_space<vmem>> -> memref<128xi32, #tpu.memory_space<vmem>>
          %dma_start3A_96 = arith.constant 0 : i32
          %dma_start3A_97 = arith.constant 0 : i32
          %dma_start3A_98 = tpu.memref_slice %arg10[%dma_start3A_96, %dma_start3A_97] : memref<10000x128xf32, #tpu.memory_space<vmem_shared>> -> memref<10000x128xf32, #tpu.memory_space<vmem_shared>>
          tpu.enqueue_indirect_dma source(%dma_start3A_92 : memref<128x128xf32, #tpu.memory_space<vmem>>) target(%dma_start3A_98 : memref<10000x128xf32, #tpu.memory_space<vmem_shared>>) offsets(%dma_start3A_95 : memref<128xi32, #tpu.memory_space<vmem>>) semaphore(%run_scoped3A_89 : memref<!tpu.dma_semaphore, #tpu.memory_space<semaphore_mem>>) {add = true}
          %dma_wait3A_99 = arith.constant 0 : i32
          %dma_wait3A_100 = arith.constant 0 : i32
          %dma_wait3A_101 = tpu.memref_slice %arg9[%run_scoped3A, %dma_wait3A_99, %dma_wait3A_100] : memref<2x128x128xf32, #tpu.memory_space<vmem>> -> memref<1x128x128xf32, #tpu.memory_space<vmem>>
          %dma_wait3A_102 = tpu.memref_squeeze %dma_wait3A_101 : memref<1x128x128xf32, #tpu.memory_space<vmem>> -> memref<128x128xf32, #tpu.memory_space<vmem>>
          %dma_wait3A_103 = arith.constant 0 : i32
          %dma_wait3A_104 = tpu.memref_slice %arg8[%mul3A_55, %dma_wait3A_103] : memref<40x128xi32, #tpu.memory_space<vmem>> -> memref<1x128xi32, #tpu.memory_space<vmem>>
          %dma_wait3A_105 = tpu.memref_squeeze %dma_wait3A_104 : memref<1x128xi32, #tpu.memory_space<vmem>> -> memref<128xi32, #tpu.memory_space<vmem>>
          %dma_wait3A_106 = arith.constant 0 : i32
          %dma_wait3A_107 = arith.constant 0 : i32
          %dma_wait3A_108 = tpu.memref_slice %arg10[%dma_wait3A_106, %dma_wait3A_107] : memref<10000x128xf32, #tpu.memory_space<vmem_shared>> -> memref<10000x128xf32, #tpu.memory_space<vmem_shared>>
          tpu.wait_indirect_dma semaphore(%run_scoped3A_89 : memref<!tpu.dma_semaphore, #tpu.memory_space<semaphore_mem>>) src(%dma_wait3A_102 : memref<128x128xf32, #tpu.memory_space<vmem>>) dst(%dma_wait3A_108 : memref<10000x128xf32, #tpu.memory_space<vmem_shared>>)
          tpu.yield
        }) : () -> ()
      } else {
      }
      %lt3A_75 = arith.cmpi slt, %add3A_59, %min3A_40 : i32
      %convert_element_type3A_76 = arith.extui %lt3A_75 : i1 to i32
      %cond3A_77 = arith.constant 1 : i32
      %cond3A_78 = arith.constant 0 : i32
      %cond3A_79 = arith.cmpi ne, %convert_element_type3A_76, %cond3A_78 : i32
      scf.if %cond3A_79 {
        %dma_wait3A = arith.constant 0 : i32
        %dma_wait3A_80 = arith.constant 0 : i32
        %dma_wait3A_81 = tpu.memref_slice %arg9[%cond3A_77, %dma_wait3A, %dma_wait3A_80] : memref<2x128x128xf32, #tpu.memory_space<vmem>> -> memref<1x128x128xf32, #tpu.memory_space<vmem>>
        %dma_wait3A_82 = tpu.memref_squeeze %dma_wait3A_81 : memref<1x128x128xf32, #tpu.memory_space<vmem>> -> memref<128x128xf32, #tpu.memory_space<vmem>>
        %dma_wait3A_83 = arith.constant 0 : i32
        %dma_wait3A_84 = tpu.memref_slice %arg7[%add3A_59, %dma_wait3A_83] : memref<40x128xi32, #tpu.memory_space<vmem>> -> memref<1x128xi32, #tpu.memory_space<vmem>>
        %dma_wait3A_85 = tpu.memref_squeeze %dma_wait3A_84 : memref<1x128xi32, #tpu.memory_space<vmem>> -> memref<128xi32, #tpu.memory_space<vmem>>
        %dma_wait3A_86 = arith.constant 0 : i32
        %dma_wait3A_87 = arith.constant 0 : i32
        %dma_wait3A_88 = tpu.memref_slice %arg2[%dma_wait3A_86, %dma_wait3A_87] : memref<10000x128xf32, #tpu.memory_space<hbm>> -> memref<10000x128xf32, #tpu.memory_space<hbm>>
        tpu.wait_indirect_dma semaphore(%arg12 : memref<!tpu.dma_semaphore, #tpu.memory_space<semaphore_mem>>) src(%dma_wait3A_88 : memref<10000x128xf32, #tpu.memory_space<hbm>>) dst(%dma_wait3A_82 : memref<128x128xf32, #tpu.memory_space<vmem>>)
        %run_scoped3A = arith.constant 1 : i32
        "tpu.region"() ({
          %run_scoped3A_89 = tpu.sem_alloc : memref<!tpu.dma_semaphore, #tpu.memory_space<semaphore_mem>>
          %dma_start3A = arith.constant 0 : i32
          %dma_start3A_90 = arith.constant 0 : i32
          %dma_start3A_91 = tpu.memref_slice %arg9[%run_scoped3A, %dma_start3A, %dma_start3A_90] : memref<2x128x128xf32, #tpu.memory_space<vmem>> -> memref<1x128x128xf32, #tpu.memory_space<vmem>>
          %dma_start3A_92 = tpu.memref_squeeze %dma_start3A_91 : memref<1x128x128xf32, #tpu.memory_space<vmem>> -> memref<128x128xf32, #tpu.memory_space<vmem>>
          %dma_start3A_93 = arith.constant 0 : i32
          %dma_start3A_94 = tpu.memref_slice %arg8[%add3A_59, %dma_start3A_93] : memref<40x128xi32, #tpu.memory_space<vmem>> -> memref<1x128xi32, #tpu.memory_space<vmem>>
          %dma_start3A_95 = tpu.memref_squeeze %dma_start3A_94 : memref<1x128xi32, #tpu.memory_space<vmem>> -> memref<128xi32, #tpu.memory_space<vmem>>
          %dma_start3A_96 = arith.constant 0 : i32
          %dma_start3A_97 = arith.constant 0 : i32
          %dma_start3A_98 = tpu.memref_slice %arg10[%dma_start3A_96, %dma_start3A_97] : memref<10000x128xf32, #tpu.memory_space<vmem_shared>> -> memref<10000x128xf32, #tpu.memory_space<vmem_shared>>
          tpu.enqueue_indirect_dma source(%dma_start3A_92 : memref<128x128xf32, #tpu.memory_space<vmem>>) target(%dma_start3A_98 : memref<10000x128xf32, #tpu.memory_space<vmem_shared>>) offsets(%dma_start3A_95 : memref<128xi32, #tpu.memory_space<vmem>>) semaphore(%run_scoped3A_89 : memref<!tpu.dma_semaphore, #tpu.memory_space<semaphore_mem>>) {add = true}
          %dma_wait3A_99 = arith.constant 0 : i32
          %dma_wait3A_100 = arith.constant 0 : i32
          %dma_wait3A_101 = tpu.memref_slice %arg9[%run_scoped3A, %dma_wait3A_99, %dma_wait3A_100] : memref<2x128x128xf32, #tpu.memory_space<vmem>> -> memref<1x128x128xf32, #tpu.memory_space<vmem>>
          %dma_wait3A_102 = tpu.memref_squeeze %dma_wait3A_101 : memref<1x128x128xf32, #tpu.memory_space<vmem>> -> memref<128x128xf32, #tpu.memory_space<vmem>>
          %dma_wait3A_103 = arith.constant 0 : i32
          %dma_wait3A_104 = tpu.memref_slice %arg8[%add3A_59, %dma_wait3A_103] : memref<40x128xi32, #tpu.memory_space<vmem>> -> memref<1x128xi32, #tpu.memory_space<vmem>>
          %dma_wait3A_105 = tpu.memref_squeeze %dma_wait3A_104 : memref<1x128xi32, #tpu.memory_space<vmem>> -> memref<128xi32, #tpu.memory_space<vmem>>
          %dma_wait3A_106 = arith.constant 0 : i32
          %dma_wait3A_107 = arith.constant 0 : i32
          %dma_wait3A_108 = tpu.memref_slice %arg10[%dma_wait3A_106, %dma_wait3A_107] : memref<10000x128xf32, #tpu.memory_space<vmem_shared>> -> memref<10000x128xf32, #tpu.memory_space<vmem_shared>>
          tpu.wait_indirect_dma semaphore(%run_scoped3A_89 : memref<!tpu.dma_semaphore, #tpu.memory_space<semaphore_mem>>) src(%dma_wait3A_102 : memref<128x128xf32, #tpu.memory_space<vmem>>) dst(%dma_wait3A_108 : memref<10000x128xf32, #tpu.memory_space<vmem_shared>>)
          tpu.yield
        }) : () -> ()
      } else {
      }
    }
    %scan3A_46 = arith.constant 20 : i32
    %barrier3A_47 = arith.constant 0 : index
    tpu.barrier barrier_id(%barrier3A_47)
    %eq3A_48 = arith.constant 0 : i32
    %eq3A_49 = arith.cmpi eq, %arg1, %eq3A_48 : i32
    %convert_element_type3A_50 = arith.extui %eq3A_49 : i1 to i32
    %cond3A_51 = arith.constant 0 : i32
    %cond3A_52 = arith.cmpi ne, %convert_element_type3A_50, %cond3A_51 : i32
    scf.if %cond3A_52 {
      "tpu.region"() ({
        %run_scoped3A = tpu.sem_alloc : memref<!tpu.dma_semaphore, #tpu.memory_space<semaphore_mem>>
        %dma_start3A = arith.constant 0 : i32
        %dma_start3A_53 = arith.constant 0 : i32
        %dma_start3A_54 = tpu.memref_slice %arg6[%arg0, %dma_start3A, %dma_start3A_53] : memref<2x10000x128xf32, #tpu.memory_space<hbm>> -> memref<1x10000x128xf32, #tpu.memory_space<hbm>>
        %dma_start3A_55 = tpu.memref_squeeze %dma_start3A_54 : memref<1x10000x128xf32, #tpu.memory_space<hbm>> -> memref<10000x128xf32, #tpu.memory_space<hbm>>
        tpu.enqueue_dma source(%arg10 : memref<10000x128xf32, #tpu.memory_space<vmem_shared>>) target(%dma_start3A_55 : memref<10000x128xf32, #tpu.memory_space<hbm>>) target_semaphore(%run_scoped3A : memref<!tpu.dma_semaphore, #tpu.memory_space<semaphore_mem>>)
        %dma_wait3A = arith.constant 0 : i32
        %dma_wait3A_56 = arith.constant 0 : i32
        %dma_wait3A_57 = tpu.memref_slice %arg6[%arg0, %dma_wait3A, %dma_wait3A_56] : memref<2x10000x128xf32, #tpu.memory_space<hbm>> -> memref<1x10000x128xf32, #tpu.memory_space<hbm>>
        %dma_wait3A_58 = tpu.memref_squeeze %dma_wait3A_57 : memref<1x10000x128xf32, #tpu.memory_space<hbm>> -> memref<10000x128xf32, #tpu.memory_space<hbm>>
        tpu.wait_dma2 semaphore(%run_scoped3A : memref<!tpu.dma_semaphore, #tpu.memory_space<semaphore_mem>>) src(%arg10 : memref<10000x128xf32, #tpu.memory_space<vmem_shared>>) dst(%dma_wait3A_58 : memref<10000x128xf32, #tpu.memory_space<hbm>>)
        tpu.yield
      }) : () -> ()
    } else {
    }
    return
  }
}

#map = affine_map<(d0, d1) -> (0, 0)>
#map1 = affine_map<(d0, d1) -> (0, 0, 0)>
module attributes {stable_mosaic.version = 14 : i64} {
  func.func @k(%arg0: i32, %arg1: i32, %arg2: memref<10000x128xf32, #tpu.memory_space<hbm>>, %arg3: memref<2512x128xi32, #tpu.memory_space<hbm>>, %arg4: memref<2512x128xi32, #tpu.memory_space<hbm>>, %arg5: memref<10000x128xf32, #tpu.memory_space<hbm>>, %arg6: memref<2x10000x128xf32, #tpu.memory_space<hbm>>, %arg7: memref<40x128xi32, #tpu.memory_space<vmem>>, %arg8: memref<40x128xi32, #tpu.memory_space<vmem>>, %arg9: memref<2x128x128xf32, #tpu.memory_space<vmem>>, %arg10: memref<10000x128xf32, #tpu.memory_space<vmem_shared>>, %arg11: memref<!tpu.dma_semaphore, #tpu.memory_space<semaphore_mem>>, %arg12: memref<!tpu.dma_semaphore, #tpu.memory_space<semaphore_mem>>) attributes {dimension_semantics = [#tpu.dimension_semantics<core_parallel>, #tpu.dimension_semantics<subcore_parallel>], iteration_bounds = array<i64: 2, 16>, scalar_prefetch = 0 : i64, scratch_operands = 6 : i64, tpu.core_type = #tpu.core_type<sc_vector_subcore>, window_params = [{transform_indices = #map}, {transform_indices = #map}, {transform_indices = #map}, {transform_indices = #map}, {transform_indices = #map1}]} {
    %eq3A = arith.constant 0 : i32
    %eq3A_0 = arith.cmpi eq, %arg1, %eq3A : i32
    %convert_element_type3A = arith.extui %eq3A_0 : i1 to i32
    %cond3A = arith.constant 0 : i32
    %cond3A_1 = arith.cmpi ne, %convert_element_type3A, %cond3A : i32
    scf.if %cond3A_1 {
      "tpu.region"() ({
        %run_scoped3A = tpu.sem_alloc : memref<!tpu.dma_semaphore, #tpu.memory_space<semaphore_mem>>
        tpu.enqueue_dma source(%arg5 : memref<10000x128xf32, #tpu.memory_space<hbm>>) target(%arg10 : memref<10000x128xf32, #tpu.memory_space<vmem_shared>>) target_semaphore(%run_scoped3A : memref<!tpu.dma_semaphore, #tpu.memory_space<semaphore_mem>>)
        tpu.wait_dma2 semaphore(%run_scoped3A : memref<!tpu.dma_semaphore, #tpu.memory_space<semaphore_mem>>) src(%arg5 : memref<10000x128xf32, #tpu.memory_space<hbm>>) dst(%arg10 : memref<10000x128xf32, #tpu.memory_space<vmem_shared>>)
        tpu.yield
      }) : () -> ()
    } else {
    }
    %mul3A = arith.constant 2 : i32
    %mul3A_2 = arith.muli %arg1, %mul3A : i32
    %add3A = arith.addi %mul3A_2, %arg0 : i32
    %lt3A = arith.constant 25 : i32
    %lt3A_3 = arith.cmpi slt, %add3A, %lt3A : i32
    %mul3A_4 = arith.constant 80 : i32
    %mul3A_5 = arith.muli %mul3A_4, %add3A : i32
    %sub3A = arith.constant 25 : i32
    %sub3A_6 = arith.subi %add3A, %sub3A : i32
    %mul3A_7 = arith.constant 72 : i32
    %mul3A_8 = arith.muli %mul3A_7, %sub3A_6 : i32
    %add3A_9 = arith.constant 2000 : i32
    %add3A_10 = arith.addi %add3A_9, %mul3A_8 : i32
    %select_n3A = arith.select %lt3A_3, %mul3A_5, %add3A_10 : i32
    %lt3A_11 = arith.constant 25 : i32
    %lt3A_12 = arith.cmpi slt, %add3A, %lt3A_11 : i32
    %jit3A = arith.constant 80 : i32
    %jit3A_13 = arith.constant 72 : i32
    %select_n3A_14 = arith.select %lt3A_12, %jit3A, %jit3A_13 : i32
    %sub3A_15 = arith.constant 2500 : i32
    %sub3A_16 = arith.subi %sub3A_15, %select_n3A : i32
    %min3A = arith.minsi %select_n3A_14, %sub3A_16 : i32
    %barrier3A = arith.constant 0 : index
    tpu.barrier barrier_id(%barrier3A)
    %add3A_17 = arith.constant 0 : i32
    %add3A_18 = arith.addi %select_n3A, %add3A_17 : i32
    "tpu.region"() ({
      %run_scoped3A = tpu.sem_alloc : memref<!tpu.dma_semaphore, #tpu.memory_space<semaphore_mem>>
      %dma_start3A = arith.constant 0 : i32
      %dma_start3A_53 = tpu.memref_slice %arg3[%add3A_18, %dma_start3A] : memref<2512x128xi32, #tpu.memory_space<hbm>> -> memref<40x128xi32, #tpu.memory_space<hbm>>
      %dma_start3A_54 = arith.constant 0 : i32
      %dma_start3A_55 = tpu.memref_slice %arg3[%add3A_18, %dma_start3A_54] : memref<2512x128xi32, #tpu.memory_space<hbm>> -> memref<40x128xi32, #tpu.memory_space<hbm>>
      tpu.enqueue_dma source(%dma_start3A_55 : memref<40x128xi32, #tpu.memory_space<hbm>>) target(%arg7 : memref<40x128xi32, #tpu.memory_space<vmem>>) target_semaphore(%run_scoped3A : memref<!tpu.dma_semaphore, #tpu.memory_space<semaphore_mem>>)
      %dma_wait3A = arith.constant 0 : i32
      %dma_wait3A_56 = tpu.memref_slice %arg3[%add3A_18, %dma_wait3A] : memref<2512x128xi32, #tpu.memory_space<hbm>> -> memref<40x128xi32, #tpu.memory_space<hbm>>
      %dma_wait3A_57 = arith.constant 0 : i32
      %dma_wait3A_58 = tpu.memref_slice %arg3[%add3A_18, %dma_wait3A_57] : memref<2512x128xi32, #tpu.memory_space<hbm>> -> memref<40x128xi32, #tpu.memory_space<hbm>>
      tpu.wait_dma2 semaphore(%run_scoped3A : memref<!tpu.dma_semaphore, #tpu.memory_space<semaphore_mem>>) src(%dma_wait3A_58 : memref<40x128xi32, #tpu.memory_space<hbm>>) dst(%arg7 : memref<40x128xi32, #tpu.memory_space<vmem>>)
      tpu.yield
    }) : () -> ()
    %add3A_19 = arith.constant 0 : i32
    %add3A_20 = arith.addi %select_n3A, %add3A_19 : i32
    "tpu.region"() ({
      %run_scoped3A = tpu.sem_alloc : memref<!tpu.dma_semaphore, #tpu.memory_space<semaphore_mem>>
      %dma_start3A = arith.constant 0 : i32
      %dma_start3A_53 = tpu.memref_slice %arg4[%add3A_20, %dma_start3A] : memref<2512x128xi32, #tpu.memory_space<hbm>> -> memref<40x128xi32, #tpu.memory_space<hbm>>
      %dma_start3A_54 = arith.constant 0 : i32
      %dma_start3A_55 = tpu.memref_slice %arg4[%add3A_20, %dma_start3A_54] : memref<2512x128xi32, #tpu.memory_space<hbm>> -> memref<40x128xi32, #tpu.memory_space<hbm>>
      tpu.enqueue_dma source(%dma_start3A_55 : memref<40x128xi32, #tpu.memory_space<hbm>>) target(%arg8 : memref<40x128xi32, #tpu.memory_space<vmem>>) target_semaphore(%run_scoped3A : memref<!tpu.dma_semaphore, #tpu.memory_space<semaphore_mem>>)
      %dma_wait3A = arith.constant 0 : i32
      %dma_wait3A_56 = tpu.memref_slice %arg4[%add3A_20, %dma_wait3A] : memref<2512x128xi32, #tpu.memory_space<hbm>> -> memref<40x128xi32, #tpu.memory_space<hbm>>
      %dma_wait3A_57 = arith.constant 0 : i32
      %dma_wait3A_58 = tpu.memref_slice %arg4[%add3A_20, %dma_wait3A_57] : memref<2512x128xi32, #tpu.memory_space<hbm>> -> memref<40x128xi32, #tpu.memory_space<hbm>>
      tpu.wait_dma2 semaphore(%run_scoped3A : memref<!tpu.dma_semaphore, #tpu.memory_space<semaphore_mem>>) src(%dma_wait3A_58 : memref<40x128xi32, #tpu.memory_space<hbm>>) dst(%arg8 : memref<40x128xi32, #tpu.memory_space<vmem>>)
      tpu.yield
    }) : () -> ()
    %sub3A_21 = arith.constant 0 : i32
    %sub3A_22 = arith.subi %min3A, %sub3A_21 : i32
    %jit3A_23 = arith.constant 0 : i32
    %jit3A_24 = arith.constant 40 : i32
    %max3A = arith.maxsi %jit3A_23, %sub3A_22 : i32
    %min3A_25 = arith.minsi %jit3A_24, %max3A : i32
    %scan3A = arith.constant 0 : i32
    %scan3A_26 = arith.constant 0 : i32
    %scan3A_27 = arith.constant 20 : i32
    %scan3A_28 = arith.addi %scan3A_26, %scan3A_27 : i32
    %scan3A_29 = arith.constant 1 : i32
    scf.for %scan3A_53 = %scan3A_26 to %scan3A_28 step %scan3A_29  : i32 {
      %mul3A_54 = arith.constant 2 : i32
      %mul3A_55 = arith.muli %mul3A_54, %scan3A_53 : i32
      %mul3A_56 = arith.constant 2 : i32
      %mul3A_57 = arith.muli %mul3A_56, %scan3A_53 : i32
      %add3A_58 = arith.constant 1 : i32
      %add3A_59 = arith.addi %mul3A_57, %add3A_58 : i32
      %lt3A_60 = arith.cmpi slt, %mul3A_55, %min3A_25 : i32
      %convert_element_type3A_61 = arith.extui %lt3A_60 : i1 to i32
      %cond3A_62 = arith.constant 0 : i32
      %cond3A_63 = arith.constant 0 : i32
      %cond3A_64 = arith.cmpi ne, %convert_element_type3A_61, %cond3A_63 : i32
      scf.if %cond3A_64 {
        %dma_start3A = arith.constant 0 : i32
        %dma_start3A_80 = arith.constant 0 : i32
        %dma_start3A_81 = tpu.memref_slice %arg9[%cond3A_62, %dma_start3A, %dma_start3A_80] : memref<2x128x128xf32, #tpu.memory_space<vmem>> -> memref<1x128x128xf32, #tpu.memory_space<vmem>>
        %dma_start3A_82 = tpu.memref_squeeze %dma_start3A_81 : memref<1x128x128xf32, #tpu.memory_space<vmem>> -> memref<128x128xf32, #tpu.memory_space<vmem>>
        %dma_start3A_83 = arith.constant 0 : i32
        %dma_start3A_84 = tpu.memref_slice %arg7[%mul3A_55, %dma_start3A_83] : memref<40x128xi32, #tpu.memory_space<vmem>> -> memref<1x128xi32, #tpu.memory_space<vmem>>
        %dma_start3A_85 = tpu.memref_squeeze %dma_start3A_84 : memref<1x128xi32, #tpu.memory_space<vmem>> -> memref<128xi32, #tpu.memory_space<vmem>>
        %dma_start3A_86 = arith.constant 0 : i32
        %dma_start3A_87 = arith.constant 0 : i32
        %dma_start3A_88 = tpu.memref_slice %arg2[%dma_start3A_86, %dma_start3A_87] : memref<10000x128xf32, #tpu.memory_space<hbm>> -> memref<10000x128xf32, #tpu.memory_space<hbm>>
        tpu.enqueue_indirect_dma source(%dma_start3A_88 : memref<10000x128xf32, #tpu.memory_space<hbm>>) target(%dma_start3A_82 : memref<128x128xf32, #tpu.memory_space<vmem>>) offsets(%dma_start3A_85 : memref<128xi32, #tpu.memory_space<vmem>>) semaphore(%arg11 : memref<!tpu.dma_semaphore, #tpu.memory_space<semaphore_mem>>)
      } else {
      }
      %lt3A_65 = arith.cmpi slt, %add3A_59, %min3A_25 : i32
      %convert_element_type3A_66 = arith.extui %lt3A_65 : i1 to i32
      %cond3A_67 = arith.constant 1 : i32
      %cond3A_68 = arith.constant 0 : i32
      %cond3A_69 = arith.cmpi ne, %convert_element_type3A_66, %cond3A_68 : i32
      scf.if %cond3A_69 {
        %dma_start3A = arith.constant 0 : i32
        %dma_start3A_80 = arith.constant 0 : i32
        %dma_start3A_81 = tpu.memref_slice %arg9[%cond3A_67, %dma_start3A, %dma_start3A_80] : memref<2x128x128xf32, #tpu.memory_space<vmem>> -> memref<1x128x128xf32, #tpu.memory_space<vmem>>
        %dma_start3A_82 = tpu.memref_squeeze %dma_start3A_81 : memref<1x128x128xf32, #tpu.memory_space<vmem>> -> memref<128x128xf32, #tpu.memory_space<vmem>>
        %dma_start3A_83 = arith.constant 0 : i32
        %dma_start3A_84 = tpu.memref_slice %arg7[%add3A_59, %dma_start3A_83] : memref<40x128xi32, #tpu.memory_space<vmem>> -> memref<1x128xi32, #tpu.memory_space<vmem>>
        %dma_start3A_85 = tpu.memref_squeeze %dma_start3A_84 : memref<1x128xi32, #tpu.memory_space<vmem>> -> memref<128xi32, #tpu.memory_space<vmem>>
        %dma_start3A_86 = arith.constant 0 : i32
        %dma_start3A_87 = arith.constant 0 : i32
        %dma_start3A_88 = tpu.memref_slice %arg2[%dma_start3A_86, %dma_start3A_87] : memref<10000x128xf32, #tpu.memory_space<hbm>> -> memref<10000x128xf32, #tpu.memory_space<hbm>>
        tpu.enqueue_indirect_dma source(%dma_start3A_88 : memref<10000x128xf32, #tpu.memory_space<hbm>>) target(%dma_start3A_82 : memref<128x128xf32, #tpu.memory_space<vmem>>) offsets(%dma_start3A_85 : memref<128xi32, #tpu.memory_space<vmem>>) semaphore(%arg12 : memref<!tpu.dma_semaphore, #tpu.memory_space<semaphore_mem>>)
      } else {
      }
      %lt3A_70 = arith.cmpi slt, %mul3A_55, %min3A_25 : i32
      %convert_element_type3A_71 = arith.extui %lt3A_70 : i1 to i32
      %cond3A_72 = arith.constant 0 : i32
      %cond3A_73 = arith.constant 0 : i32
      %cond3A_74 = arith.cmpi ne, %convert_element_type3A_71, %cond3A_73 : i32
      scf.if %cond3A_74 {
        %dma_wait3A = arith.constant 0 : i32
        %dma_wait3A_80 = arith.constant 0 : i32
        %dma_wait3A_81 = tpu.memref_slice %arg9[%cond3A_72, %dma_wait3A, %dma_wait3A_80] : memref<2x128x128xf32, #tpu.memory_space<vmem>> -> memref<1x128x128xf32, #tpu.memory_space<vmem>>
        %dma_wait3A_82 = tpu.memref_squeeze %dma_wait3A_81 : memref<1x128x128xf32, #tpu.memory_space<vmem>> -> memref<128x128xf32, #tpu.memory_space<vmem>>
        %dma_wait3A_83 = arith.constant 0 : i32
        %dma_wait3A_84 = tpu.memref_slice %arg7[%mul3A_55, %dma_wait3A_83] : memref<40x128xi32, #tpu.memory_space<vmem>> -> memref<1x128xi32, #tpu.memory_space<vmem>>
        %dma_wait3A_85 = tpu.memref_squeeze %dma_wait3A_84 : memref<1x128xi32, #tpu.memory_space<vmem>> -> memref<128xi32, #tpu.memory_space<vmem>>
        %dma_wait3A_86 = arith.constant 0 : i32
        %dma_wait3A_87 = arith.constant 0 : i32
        %dma_wait3A_88 = tpu.memref_slice %arg2[%dma_wait3A_86, %dma_wait3A_87] : memref<10000x128xf32, #tpu.memory_space<hbm>> -> memref<10000x128xf32, #tpu.memory_space<hbm>>
        tpu.wait_indirect_dma semaphore(%arg11 : memref<!tpu.dma_semaphore, #tpu.memory_space<semaphore_mem>>) src(%dma_wait3A_88 : memref<10000x128xf32, #tpu.memory_space<hbm>>) dst(%dma_wait3A_82 : memref<128x128xf32, #tpu.memory_space<vmem>>)
        %run_scoped3A = arith.constant 0 : i32
        "tpu.region"() ({
          %run_scoped3A_89 = tpu.sem_alloc : memref<!tpu.dma_semaphore, #tpu.memory_space<semaphore_mem>>
          %dma_start3A = arith.constant 0 : i32
          %dma_start3A_90 = arith.constant 0 : i32
          %dma_start3A_91 = tpu.memref_slice %arg9[%run_scoped3A, %dma_start3A, %dma_start3A_90] : memref<2x128x128xf32, #tpu.memory_space<vmem>> -> memref<1x128x128xf32, #tpu.memory_space<vmem>>
          %dma_start3A_92 = tpu.memref_squeeze %dma_start3A_91 : memref<1x128x128xf32, #tpu.memory_space<vmem>> -> memref<128x128xf32, #tpu.memory_space<vmem>>
          %dma_start3A_93 = arith.constant 0 : i32
          %dma_start3A_94 = tpu.memref_slice %arg8[%mul3A_55, %dma_start3A_93] : memref<40x128xi32, #tpu.memory_space<vmem>> -> memref<1x128xi32, #tpu.memory_space<vmem>>
          %dma_start3A_95 = tpu.memref_squeeze %dma_start3A_94 : memref<1x128xi32, #tpu.memory_space<vmem>> -> memref<128xi32, #tpu.memory_space<vmem>>
          %dma_start3A_96 = arith.constant 0 : i32
          %dma_start3A_97 = arith.constant 0 : i32
          %dma_start3A_98 = tpu.memref_slice %arg10[%dma_start3A_96, %dma_start3A_97] : memref<10000x128xf32, #tpu.memory_space<vmem_shared>> -> memref<10000x128xf32, #tpu.memory_space<vmem_shared>>
          tpu.enqueue_indirect_dma source(%dma_start3A_92 : memref<128x128xf32, #tpu.memory_space<vmem>>) target(%dma_start3A_98 : memref<10000x128xf32, #tpu.memory_space<vmem_shared>>) offsets(%dma_start3A_95 : memref<128xi32, #tpu.memory_space<vmem>>) semaphore(%run_scoped3A_89 : memref<!tpu.dma_semaphore, #tpu.memory_space<semaphore_mem>>) {add = true}
          %dma_wait3A_99 = arith.constant 0 : i32
          %dma_wait3A_100 = arith.constant 0 : i32
          %dma_wait3A_101 = tpu.memref_slice %arg9[%run_scoped3A, %dma_wait3A_99, %dma_wait3A_100] : memref<2x128x128xf32, #tpu.memory_space<vmem>> -> memref<1x128x128xf32, #tpu.memory_space<vmem>>
          %dma_wait3A_102 = tpu.memref_squeeze %dma_wait3A_101 : memref<1x128x128xf32, #tpu.memory_space<vmem>> -> memref<128x128xf32, #tpu.memory_space<vmem>>
          %dma_wait3A_103 = arith.constant 0 : i32
          %dma_wait3A_104 = tpu.memref_slice %arg8[%mul3A_55, %dma_wait3A_103] : memref<40x128xi32, #tpu.memory_space<vmem>> -> memref<1x128xi32, #tpu.memory_space<vmem>>
          %dma_wait3A_105 = tpu.memref_squeeze %dma_wait3A_104 : memref<1x128xi32, #tpu.memory_space<vmem>> -> memref<128xi32, #tpu.memory_space<vmem>>
          %dma_wait3A_106 = arith.constant 0 : i32
          %dma_wait3A_107 = arith.constant 0 : i32
          %dma_wait3A_108 = tpu.memref_slice %arg10[%dma_wait3A_106, %dma_wait3A_107] : memref<10000x128xf32, #tpu.memory_space<vmem_shared>> -> memref<10000x128xf32, #tpu.memory_space<vmem_shared>>
          tpu.wait_indirect_dma semaphore(%run_scoped3A_89 : memref<!tpu.dma_semaphore, #tpu.memory_space<semaphore_mem>>) src(%dma_wait3A_102 : memref<128x128xf32, #tpu.memory_space<vmem>>) dst(%dma_wait3A_108 : memref<10000x128xf32, #tpu.memory_space<vmem_shared>>)
          tpu.yield
        }) : () -> ()
      } else {
      }
      %lt3A_75 = arith.cmpi slt, %add3A_59, %min3A_25 : i32
      %convert_element_type3A_76 = arith.extui %lt3A_75 : i1 to i32
      %cond3A_77 = arith.constant 1 : i32
      %cond3A_78 = arith.constant 0 : i32
      %cond3A_79 = arith.cmpi ne, %convert_element_type3A_76, %cond3A_78 : i32
      scf.if %cond3A_79 {
        %dma_wait3A = arith.constant 0 : i32
        %dma_wait3A_80 = arith.constant 0 : i32
        %dma_wait3A_81 = tpu.memref_slice %arg9[%cond3A_77, %dma_wait3A, %dma_wait3A_80] : memref<2x128x128xf32, #tpu.memory_space<vmem>> -> memref<1x128x128xf32, #tpu.memory_space<vmem>>
        %dma_wait3A_82 = tpu.memref_squeeze %dma_wait3A_81 : memref<1x128x128xf32, #tpu.memory_space<vmem>> -> memref<128x128xf32, #tpu.memory_space<vmem>>
        %dma_wait3A_83 = arith.constant 0 : i32
        %dma_wait3A_84 = tpu.memref_slice %arg7[%add3A_59, %dma_wait3A_83] : memref<40x128xi32, #tpu.memory_space<vmem>> -> memref<1x128xi32, #tpu.memory_space<vmem>>
        %dma_wait3A_85 = tpu.memref_squeeze %dma_wait3A_84 : memref<1x128xi32, #tpu.memory_space<vmem>> -> memref<128xi32, #tpu.memory_space<vmem>>
        %dma_wait3A_86 = arith.constant 0 : i32
        %dma_wait3A_87 = arith.constant 0 : i32
        %dma_wait3A_88 = tpu.memref_slice %arg2[%dma_wait3A_86, %dma_wait3A_87] : memref<10000x128xf32, #tpu.memory_space<hbm>> -> memref<10000x128xf32, #tpu.memory_space<hbm>>
        tpu.wait_indirect_dma semaphore(%arg12 : memref<!tpu.dma_semaphore, #tpu.memory_space<semaphore_mem>>) src(%dma_wait3A_88 : memref<10000x128xf32, #tpu.memory_space<hbm>>) dst(%dma_wait3A_82 : memref<128x128xf32, #tpu.memory_space<vmem>>)
        %run_scoped3A = arith.constant 1 : i32
        "tpu.region"() ({
          %run_scoped3A_89 = tpu.sem_alloc : memref<!tpu.dma_semaphore, #tpu.memory_space<semaphore_mem>>
          %dma_start3A = arith.constant 0 : i32
          %dma_start3A_90 = arith.constant 0 : i32
          %dma_start3A_91 = tpu.memref_slice %arg9[%run_scoped3A, %dma_start3A, %dma_start3A_90] : memref<2x128x128xf32, #tpu.memory_space<vmem>> -> memref<1x128x128xf32, #tpu.memory_space<vmem>>
          %dma_start3A_92 = tpu.memref_squeeze %dma_start3A_91 : memref<1x128x128xf32, #tpu.memory_space<vmem>> -> memref<128x128xf32, #tpu.memory_space<vmem>>
          %dma_start3A_93 = arith.constant 0 : i32
          %dma_start3A_94 = tpu.memref_slice %arg8[%add3A_59, %dma_start3A_93] : memref<40x128xi32, #tpu.memory_space<vmem>> -> memref<1x128xi32, #tpu.memory_space<vmem>>
          %dma_start3A_95 = tpu.memref_squeeze %dma_start3A_94 : memref<1x128xi32, #tpu.memory_space<vmem>> -> memref<128xi32, #tpu.memory_space<vmem>>
          %dma_start3A_96 = arith.constant 0 : i32
          %dma_start3A_97 = arith.constant 0 : i32
          %dma_start3A_98 = tpu.memref_slice %arg10[%dma_start3A_96, %dma_start3A_97] : memref<10000x128xf32, #tpu.memory_space<vmem_shared>> -> memref<10000x128xf32, #tpu.memory_space<vmem_shared>>
          tpu.enqueue_indirect_dma source(%dma_start3A_92 : memref<128x128xf32, #tpu.memory_space<vmem>>) target(%dma_start3A_98 : memref<10000x128xf32, #tpu.memory_space<vmem_shared>>) offsets(%dma_start3A_95 : memref<128xi32, #tpu.memory_space<vmem>>) semaphore(%run_scoped3A_89 : memref<!tpu.dma_semaphore, #tpu.memory_space<semaphore_mem>>) {add = true}
          %dma_wait3A_99 = arith.constant 0 : i32
          %dma_wait3A_100 = arith.constant 0 : i32
          %dma_wait3A_101 = tpu.memref_slice %arg9[%run_scoped3A, %dma_wait3A_99, %dma_wait3A_100] : memref<2x128x128xf32, #tpu.memory_space<vmem>> -> memref<1x128x128xf32, #tpu.memory_space<vmem>>
          %dma_wait3A_102 = tpu.memref_squeeze %dma_wait3A_101 : memref<1x128x128xf32, #tpu.memory_space<vmem>> -> memref<128x128xf32, #tpu.memory_space<vmem>>
          %dma_wait3A_103 = arith.constant 0 : i32
          %dma_wait3A_104 = tpu.memref_slice %arg8[%add3A_59, %dma_wait3A_103] : memref<40x128xi32, #tpu.memory_space<vmem>> -> memref<1x128xi32, #tpu.memory_space<vmem>>
          %dma_wait3A_105 = tpu.memref_squeeze %dma_wait3A_104 : memref<1x128xi32, #tpu.memory_space<vmem>> -> memref<128xi32, #tpu.memory_space<vmem>>
          %dma_wait3A_106 = arith.constant 0 : i32
          %dma_wait3A_107 = arith.constant 0 : i32
          %dma_wait3A_108 = tpu.memref_slice %arg10[%dma_wait3A_106, %dma_wait3A_107] : memref<10000x128xf32, #tpu.memory_space<vmem_shared>> -> memref<10000x128xf32, #tpu.memory_space<vmem_shared>>
          tpu.wait_indirect_dma semaphore(%run_scoped3A_89 : memref<!tpu.dma_semaphore, #tpu.memory_space<semaphore_mem>>) src(%dma_wait3A_102 : memref<128x128xf32, #tpu.memory_space<vmem>>) dst(%dma_wait3A_108 : memref<10000x128xf32, #tpu.memory_space<vmem_shared>>)
          tpu.yield
        }) : () -> ()
      } else {
      }
    }
    %scan3A_30 = arith.constant 20 : i32
    %add3A_31 = arith.constant 40 : i32
    %add3A_32 = arith.addi %select_n3A, %add3A_31 : i32
    "tpu.region"() ({
      %run_scoped3A = tpu.sem_alloc : memref<!tpu.dma_semaphore, #tpu.memory_space<semaphore_mem>>
      %dma_start3A = arith.constant 0 : i32
      %dma_start3A_53 = tpu.memref_slice %arg3[%add3A_32, %dma_start3A] : memref<2512x128xi32, #tpu.memory_space<hbm>> -> memref<40x128xi32, #tpu.memory_space<hbm>>
      %dma_start3A_54 = arith.constant 0 : i32
      %dma_start3A_55 = tpu.memref_slice %arg3[%add3A_32, %dma_start3A_54] : memref<2512x128xi32, #tpu.memory_space<hbm>> -> memref<40x128xi32, #tpu.memory_space<hbm>>
      tpu.enqueue_dma source(%dma_start3A_55 : memref<40x128xi32, #tpu.memory_space<hbm>>) target(%arg7 : memref<40x128xi32, #tpu.memory_space<vmem>>) target_semaphore(%run_scoped3A : memref<!tpu.dma_semaphore, #tpu.memory_space<semaphore_mem>>)
      %dma_wait3A = arith.constant 0 : i32
      %dma_wait3A_56 = tpu.memref_slice %arg3[%add3A_32, %dma_wait3A] : memref<2512x128xi32, #tpu.memory_space<hbm>> -> memref<40x128xi32, #tpu.memory_space<hbm>>
      %dma_wait3A_57 = arith.constant 0 : i32
      %dma_wait3A_58 = tpu.memref_slice %arg3[%add3A_32, %dma_wait3A_57] : memref<2512x128xi32, #tpu.memory_space<hbm>> -> memref<40x128xi32, #tpu.memory_space<hbm>>
      tpu.wait_dma2 semaphore(%run_scoped3A : memref<!tpu.dma_semaphore, #tpu.memory_space<semaphore_mem>>) src(%dma_wait3A_58 : memref<40x128xi32, #tpu.memory_space<hbm>>) dst(%arg7 : memref<40x128xi32, #tpu.memory_space<vmem>>)
      tpu.yield
    }) : () -> ()
    %add3A_33 = arith.constant 40 : i32
    %add3A_34 = arith.addi %select_n3A, %add3A_33 : i32
    "tpu.region"() ({
      %run_scoped3A = tpu.sem_alloc : memref<!tpu.dma_semaphore, #tpu.memory_space<semaphore_mem>>
      %dma_start3A = arith.constant 0 : i32
      %dma_start3A_53 = tpu.memref_slice %arg4[%add3A_34, %dma_start3A] : memref<2512x128xi32, #tpu.memory_space<hbm>> -> memref<40x128xi32, #tpu.memory_space<hbm>>
      %dma_start3A_54 = arith.constant 0 : i32
      %dma_start3A_55 = tpu.memref_slice %arg4[%add3A_34, %dma_start3A_54] : memref<2512x128xi32, #tpu.memory_space<hbm>> -> memref<40x128xi32, #tpu.memory_space<hbm>>
      tpu.enqueue_dma source(%dma_start3A_55 : memref<40x128xi32, #tpu.memory_space<hbm>>) target(%arg8 : memref<40x128xi32, #tpu.memory_space<vmem>>) target_semaphore(%run_scoped3A : memref<!tpu.dma_semaphore, #tpu.memory_space<semaphore_mem>>)
      %dma_wait3A = arith.constant 0 : i32
      %dma_wait3A_56 = tpu.memref_slice %arg4[%add3A_34, %dma_wait3A] : memref<2512x128xi32, #tpu.memory_space<hbm>> -> memref<40x128xi32, #tpu.memory_space<hbm>>
      %dma_wait3A_57 = arith.constant 0 : i32
      %dma_wait3A_58 = tpu.memref_slice %arg4[%add3A_34, %dma_wait3A_57] : memref<2512x128xi32, #tpu.memory_space<hbm>> -> memref<40x128xi32, #tpu.memory_space<hbm>>
      tpu.wait_dma2 semaphore(%run_scoped3A : memref<!tpu.dma_semaphore, #tpu.memory_space<semaphore_mem>>) src(%dma_wait3A_58 : memref<40x128xi32, #tpu.memory_space<hbm>>) dst(%arg8 : memref<40x128xi32, #tpu.memory_space<vmem>>)
      tpu.yield
    }) : () -> ()
    %sub3A_35 = arith.constant 40 : i32
    %sub3A_36 = arith.subi %min3A, %sub3A_35 : i32
    %jit3A_37 = arith.constant 0 : i32
    %jit3A_38 = arith.constant 40 : i32
    %max3A_39 = arith.maxsi %jit3A_37, %sub3A_36 : i32
    %min3A_40 = arith.minsi %jit3A_38, %max3A_39 : i32
    %scan3A_41 = arith.constant 0 : i32
    %scan3A_42 = arith.constant 0 : i32
    %scan3A_43 = arith.constant 20 : i32
    %scan3A_44 = arith.addi %scan3A_42, %scan3A_43 : i32
    %scan3A_45 = arith.constant 1 : i32
    scf.for %scan3A_53 = %scan3A_42 to %scan3A_44 step %scan3A_45  : i32 {
      %mul3A_54 = arith.constant 2 : i32
      %mul3A_55 = arith.muli %mul3A_54, %scan3A_53 : i32
      %mul3A_56 = arith.constant 2 : i32
      %mul3A_57 = arith.muli %mul3A_56, %scan3A_53 : i32
      %add3A_58 = arith.constant 1 : i32
      %add3A_59 = arith.addi %mul3A_57, %add3A_58 : i32
      %lt3A_60 = arith.cmpi slt, %mul3A_55, %min3A_40 : i32
      %convert_element_type3A_61 = arith.extui %lt3A_60 : i1 to i32
      %cond3A_62 = arith.constant 0 : i32
      %cond3A_63 = arith.constant 0 : i32
      %cond3A_64 = arith.cmpi ne, %convert_element_type3A_61, %cond3A_63 : i32
      scf.if %cond3A_64 {
        %dma_start3A = arith.constant 0 : i32
        %dma_start3A_80 = arith.constant 0 : i32
        %dma_start3A_81 = tpu.memref_slice %arg9[%cond3A_62, %dma_start3A, %dma_start3A_80] : memref<2x128x128xf32, #tpu.memory_space<vmem>> -> memref<1x128x128xf32, #tpu.memory_space<vmem>>
        %dma_start3A_82 = tpu.memref_squeeze %dma_start3A_81 : memref<1x128x128xf32, #tpu.memory_space<vmem>> -> memref<128x128xf32, #tpu.memory_space<vmem>>
        %dma_start3A_83 = arith.constant 0 : i32
        %dma_start3A_84 = tpu.memref_slice %arg7[%mul3A_55, %dma_start3A_83] : memref<40x128xi32, #tpu.memory_space<vmem>> -> memref<1x128xi32, #tpu.memory_space<vmem>>
        %dma_start3A_85 = tpu.memref_squeeze %dma_start3A_84 : memref<1x128xi32, #tpu.memory_space<vmem>> -> memref<128xi32, #tpu.memory_space<vmem>>
        %dma_start3A_86 = arith.constant 0 : i32
        %dma_start3A_87 = arith.constant 0 : i32
        %dma_start3A_88 = tpu.memref_slice %arg2[%dma_start3A_86, %dma_start3A_87] : memref<10000x128xf32, #tpu.memory_space<hbm>> -> memref<10000x128xf32, #tpu.memory_space<hbm>>
        tpu.enqueue_indirect_dma source(%dma_start3A_88 : memref<10000x128xf32, #tpu.memory_space<hbm>>) target(%dma_start3A_82 : memref<128x128xf32, #tpu.memory_space<vmem>>) offsets(%dma_start3A_85 : memref<128xi32, #tpu.memory_space<vmem>>) semaphore(%arg11 : memref<!tpu.dma_semaphore, #tpu.memory_space<semaphore_mem>>)
      } else {
      }
      %lt3A_65 = arith.cmpi slt, %add3A_59, %min3A_40 : i32
      %convert_element_type3A_66 = arith.extui %lt3A_65 : i1 to i32
      %cond3A_67 = arith.constant 1 : i32
      %cond3A_68 = arith.constant 0 : i32
      %cond3A_69 = arith.cmpi ne, %convert_element_type3A_66, %cond3A_68 : i32
      scf.if %cond3A_69 {
        %dma_start3A = arith.constant 0 : i32
        %dma_start3A_80 = arith.constant 0 : i32
        %dma_start3A_81 = tpu.memref_slice %arg9[%cond3A_67, %dma_start3A, %dma_start3A_80] : memref<2x128x128xf32, #tpu.memory_space<vmem>> -> memref<1x128x128xf32, #tpu.memory_space<vmem>>
        %dma_start3A_82 = tpu.memref_squeeze %dma_start3A_81 : memref<1x128x128xf32, #tpu.memory_space<vmem>> -> memref<128x128xf32, #tpu.memory_space<vmem>>
        %dma_start3A_83 = arith.constant 0 : i32
        %dma_start3A_84 = tpu.memref_slice %arg7[%add3A_59, %dma_start3A_83] : memref<40x128xi32, #tpu.memory_space<vmem>> -> memref<1x128xi32, #tpu.memory_space<vmem>>
        %dma_start3A_85 = tpu.memref_squeeze %dma_start3A_84 : memref<1x128xi32, #tpu.memory_space<vmem>> -> memref<128xi32, #tpu.memory_space<vmem>>
        %dma_start3A_86 = arith.constant 0 : i32
        %dma_start3A_87 = arith.constant 0 : i32
        %dma_start3A_88 = tpu.memref_slice %arg2[%dma_start3A_86, %dma_start3A_87] : memref<10000x128xf32, #tpu.memory_space<hbm>> -> memref<10000x128xf32, #tpu.memory_space<hbm>>
        tpu.enqueue_indirect_dma source(%dma_start3A_88 : memref<10000x128xf32, #tpu.memory_space<hbm>>) target(%dma_start3A_82 : memref<128x128xf32, #tpu.memory_space<vmem>>) offsets(%dma_start3A_85 : memref<128xi32, #tpu.memory_space<vmem>>) semaphore(%arg12 : memref<!tpu.dma_semaphore, #tpu.memory_space<semaphore_mem>>)
      } else {
      }
      %lt3A_70 = arith.cmpi slt, %mul3A_55, %min3A_40 : i32
      %convert_element_type3A_71 = arith.extui %lt3A_70 : i1 to i32
      %cond3A_72 = arith.constant 0 : i32
      %cond3A_73 = arith.constant 0 : i32
      %cond3A_74 = arith.cmpi ne, %convert_element_type3A_71, %cond3A_73 : i32
      scf.if %cond3A_74 {
        %dma_wait3A = arith.constant 0 : i32
        %dma_wait3A_80 = arith.constant 0 : i32
        %dma_wait3A_81 = tpu.memref_slice %arg9[%cond3A_72, %dma_wait3A, %dma_wait3A_80] : memref<2x128x128xf32, #tpu.memory_space<vmem>> -> memref<1x128x128xf32, #tpu.memory_space<vmem>>
        %dma_wait3A_82 = tpu.memref_squeeze %dma_wait3A_81 : memref<1x128x128xf32, #tpu.memory_space<vmem>> -> memref<128x128xf32, #tpu.memory_space<vmem>>
        %dma_wait3A_83 = arith.constant 0 : i32
        %dma_wait3A_84 = tpu.memref_slice %arg7[%mul3A_55, %dma_wait3A_83] : memref<40x128xi32, #tpu.memory_space<vmem>> -> memref<1x128xi32, #tpu.memory_space<vmem>>
        %dma_wait3A_85 = tpu.memref_squeeze %dma_wait3A_84 : memref<1x128xi32, #tpu.memory_space<vmem>> -> memref<128xi32, #tpu.memory_space<vmem>>
        %dma_wait3A_86 = arith.constant 0 : i32
        %dma_wait3A_87 = arith.constant 0 : i32
        %dma_wait3A_88 = tpu.memref_slice %arg2[%dma_wait3A_86, %dma_wait3A_87] : memref<10000x128xf32, #tpu.memory_space<hbm>> -> memref<10000x128xf32, #tpu.memory_space<hbm>>
        tpu.wait_indirect_dma semaphore(%arg11 : memref<!tpu.dma_semaphore, #tpu.memory_space<semaphore_mem>>) src(%dma_wait3A_88 : memref<10000x128xf32, #tpu.memory_space<hbm>>) dst(%dma_wait3A_82 : memref<128x128xf32, #tpu.memory_space<vmem>>)
        %run_scoped3A = arith.constant 0 : i32
        "tpu.region"() ({
          %run_scoped3A_89 = tpu.sem_alloc : memref<!tpu.dma_semaphore, #tpu.memory_space<semaphore_mem>>
          %dma_start3A = arith.constant 0 : i32
          %dma_start3A_90 = arith.constant 0 : i32
          %dma_start3A_91 = tpu.memref_slice %arg9[%run_scoped3A, %dma_start3A, %dma_start3A_90] : memref<2x128x128xf32, #tpu.memory_space<vmem>> -> memref<1x128x128xf32, #tpu.memory_space<vmem>>
          %dma_start3A_92 = tpu.memref_squeeze %dma_start3A_91 : memref<1x128x128xf32, #tpu.memory_space<vmem>> -> memref<128x128xf32, #tpu.memory_space<vmem>>
          %dma_start3A_93 = arith.constant 0 : i32
          %dma_start3A_94 = tpu.memref_slice %arg8[%mul3A_55, %dma_start3A_93] : memref<40x128xi32, #tpu.memory_space<vmem>> -> memref<1x128xi32, #tpu.memory_space<vmem>>
          %dma_start3A_95 = tpu.memref_squeeze %dma_start3A_94 : memref<1x128xi32, #tpu.memory_space<vmem>> -> memref<128xi32, #tpu.memory_space<vmem>>
          %dma_start3A_96 = arith.constant 0 : i32
          %dma_start3A_97 = arith.constant 0 : i32
          %dma_start3A_98 = tpu.memref_slice %arg10[%dma_start3A_96, %dma_start3A_97] : memref<10000x128xf32, #tpu.memory_space<vmem_shared>> -> memref<10000x128xf32, #tpu.memory_space<vmem_shared>>
          tpu.enqueue_indirect_dma source(%dma_start3A_92 : memref<128x128xf32, #tpu.memory_space<vmem>>) target(%dma_start3A_98 : memref<10000x128xf32, #tpu.memory_space<vmem_shared>>) offsets(%dma_start3A_95 : memref<128xi32, #tpu.memory_space<vmem>>) semaphore(%run_scoped3A_89 : memref<!tpu.dma_semaphore, #tpu.memory_space<semaphore_mem>>) {add = true}
          %dma_wait3A_99 = arith.constant 0 : i32
          %dma_wait3A_100 = arith.constant 0 : i32
          %dma_wait3A_101 = tpu.memref_slice %arg9[%run_scoped3A, %dma_wait3A_99, %dma_wait3A_100] : memref<2x128x128xf32, #tpu.memory_space<vmem>> -> memref<1x128x128xf32, #tpu.memory_space<vmem>>
          %dma_wait3A_102 = tpu.memref_squeeze %dma_wait3A_101 : memref<1x128x128xf32, #tpu.memory_space<vmem>> -> memref<128x128xf32, #tpu.memory_space<vmem>>
          %dma_wait3A_103 = arith.constant 0 : i32
          %dma_wait3A_104 = tpu.memref_slice %arg8[%mul3A_55, %dma_wait3A_103] : memref<40x128xi32, #tpu.memory_space<vmem>> -> memref<1x128xi32, #tpu.memory_space<vmem>>
          %dma_wait3A_105 = tpu.memref_squeeze %dma_wait3A_104 : memref<1x128xi32, #tpu.memory_space<vmem>> -> memref<128xi32, #tpu.memory_space<vmem>>
          %dma_wait3A_106 = arith.constant 0 : i32
          %dma_wait3A_107 = arith.constant 0 : i32
          %dma_wait3A_108 = tpu.memref_slice %arg10[%dma_wait3A_106, %dma_wait3A_107] : memref<10000x128xf32, #tpu.memory_space<vmem_shared>> -> memref<10000x128xf32, #tpu.memory_space<vmem_shared>>
          tpu.wait_indirect_dma semaphore(%run_scoped3A_89 : memref<!tpu.dma_semaphore, #tpu.memory_space<semaphore_mem>>) src(%dma_wait3A_102 : memref<128x128xf32, #tpu.memory_space<vmem>>) dst(%dma_wait3A_108 : memref<10000x128xf32, #tpu.memory_space<vmem_shared>>)
          tpu.yield
        }) : () -> ()
      } else {
      }
      %lt3A_75 = arith.cmpi slt, %add3A_59, %min3A_40 : i32
      %convert_element_type3A_76 = arith.extui %lt3A_75 : i1 to i32
      %cond3A_77 = arith.constant 1 : i32
      %cond3A_78 = arith.constant 0 : i32
      %cond3A_79 = arith.cmpi ne, %convert_element_type3A_76, %cond3A_78 : i32
      scf.if %cond3A_79 {
        %dma_wait3A = arith.constant 0 : i32
        %dma_wait3A_80 = arith.constant 0 : i32
        %dma_wait3A_81 = tpu.memref_slice %arg9[%cond3A_77, %dma_wait3A, %dma_wait3A_80] : memref<2x128x128xf32, #tpu.memory_space<vmem>> -> memref<1x128x128xf32, #tpu.memory_space<vmem>>
        %dma_wait3A_82 = tpu.memref_squeeze %dma_wait3A_81 : memref<1x128x128xf32, #tpu.memory_space<vmem>> -> memref<128x128xf32, #tpu.memory_space<vmem>>
        %dma_wait3A_83 = arith.constant 0 : i32
        %dma_wait3A_84 = tpu.memref_slice %arg7[%add3A_59, %dma_wait3A_83] : memref<40x128xi32, #tpu.memory_space<vmem>> -> memref<1x128xi32, #tpu.memory_space<vmem>>
        %dma_wait3A_85 = tpu.memref_squeeze %dma_wait3A_84 : memref<1x128xi32, #tpu.memory_space<vmem>> -> memref<128xi32, #tpu.memory_space<vmem>>
        %dma_wait3A_86 = arith.constant 0 : i32
        %dma_wait3A_87 = arith.constant 0 : i32
        %dma_wait3A_88 = tpu.memref_slice %arg2[%dma_wait3A_86, %dma_wait3A_87] : memref<10000x128xf32, #tpu.memory_space<hbm>> -> memref<10000x128xf32, #tpu.memory_space<hbm>>
        tpu.wait_indirect_dma semaphore(%arg12 : memref<!tpu.dma_semaphore, #tpu.memory_space<semaphore_mem>>) src(%dma_wait3A_88 : memref<10000x128xf32, #tpu.memory_space<hbm>>) dst(%dma_wait3A_82 : memref<128x128xf32, #tpu.memory_space<vmem>>)
        %run_scoped3A = arith.constant 1 : i32
        "tpu.region"() ({
          %run_scoped3A_89 = tpu.sem_alloc : memref<!tpu.dma_semaphore, #tpu.memory_space<semaphore_mem>>
          %dma_start3A = arith.constant 0 : i32
          %dma_start3A_90 = arith.constant 0 : i32
          %dma_start3A_91 = tpu.memref_slice %arg9[%run_scoped3A, %dma_start3A, %dma_start3A_90] : memref<2x128x128xf32, #tpu.memory_space<vmem>> -> memref<1x128x128xf32, #tpu.memory_space<vmem>>
          %dma_start3A_92 = tpu.memref_squeeze %dma_start3A_91 : memref<1x128x128xf32, #tpu.memory_space<vmem>> -> memref<128x128xf32, #tpu.memory_space<vmem>>
          %dma_start3A_93 = arith.constant 0 : i32
          %dma_start3A_94 = tpu.memref_slice %arg8[%add3A_59, %dma_start3A_93] : memref<40x128xi32, #tpu.memory_space<vmem>> -> memref<1x128xi32, #tpu.memory_space<vmem>>
          %dma_start3A_95 = tpu.memref_squeeze %dma_start3A_94 : memref<1x128xi32, #tpu.memory_space<vmem>> -> memref<128xi32, #tpu.memory_space<vmem>>
          %dma_start3A_96 = arith.constant 0 : i32
          %dma_start3A_97 = arith.constant 0 : i32
          %dma_start3A_98 = tpu.memref_slice %arg10[%dma_start3A_96, %dma_start3A_97] : memref<10000x128xf32, #tpu.memory_space<vmem_shared>> -> memref<10000x128xf32, #tpu.memory_space<vmem_shared>>
          tpu.enqueue_indirect_dma source(%dma_start3A_92 : memref<128x128xf32, #tpu.memory_space<vmem>>) target(%dma_start3A_98 : memref<10000x128xf32, #tpu.memory_space<vmem_shared>>) offsets(%dma_start3A_95 : memref<128xi32, #tpu.memory_space<vmem>>) semaphore(%run_scoped3A_89 : memref<!tpu.dma_semaphore, #tpu.memory_space<semaphore_mem>>) {add = true}
          %dma_wait3A_99 = arith.constant 0 : i32
          %dma_wait3A_100 = arith.constant 0 : i32
          %dma_wait3A_101 = tpu.memref_slice %arg9[%run_scoped3A, %dma_wait3A_99, %dma_wait3A_100] : memref<2x128x128xf32, #tpu.memory_space<vmem>> -> memref<1x128x128xf32, #tpu.memory_space<vmem>>
          %dma_wait3A_102 = tpu.memref_squeeze %dma_wait3A_101 : memref<1x128x128xf32, #tpu.memory_space<vmem>> -> memref<128x128xf32, #tpu.memory_space<vmem>>
          %dma_wait3A_103 = arith.constant 0 : i32
          %dma_wait3A_104 = tpu.memref_slice %arg8[%add3A_59, %dma_wait3A_103] : memref<40x128xi32, #tpu.memory_space<vmem>> -> memref<1x128xi32, #tpu.memory_space<vmem>>
          %dma_wait3A_105 = tpu.memref_squeeze %dma_wait3A_104 : memref<1x128xi32, #tpu.memory_space<vmem>> -> memref<128xi32, #tpu.memory_space<vmem>>
          %dma_wait3A_106 = arith.constant 0 : i32
          %dma_wait3A_107 = arith.constant 0 : i32
          %dma_wait3A_108 = tpu.memref_slice %arg10[%dma_wait3A_106, %dma_wait3A_107] : memref<10000x128xf32, #tpu.memory_space<vmem_shared>> -> memref<10000x128xf32, #tpu.memory_space<vmem_shared>>
          tpu.wait_indirect_dma semaphore(%run_scoped3A_89 : memref<!tpu.dma_semaphore, #tpu.memory_space<semaphore_mem>>) src(%dma_wait3A_102 : memref<128x128xf32, #tpu.memory_space<vmem>>) dst(%dma_wait3A_108 : memref<10000x128xf32, #tpu.memory_space<vmem_shared>>)
          tpu.yield
        }) : () -> ()
      } else {
      }
    }
    %scan3A_46 = arith.constant 20 : i32
    %barrier3A_47 = arith.constant 0 : index
    tpu.barrier barrier_id(%barrier3A_47)
    %eq3A_48 = arith.constant 0 : i32
    %eq3A_49 = arith.cmpi eq, %arg1, %eq3A_48 : i32
    %convert_element_type3A_50 = arith.extui %eq3A_49 : i1 to i32
    %cond3A_51 = arith.constant 0 : i32
    %cond3A_52 = arith.cmpi ne, %convert_element_type3A_50, %cond3A_51 : i32
    scf.if %cond3A_52 {
      "tpu.region"() ({
        %run_scoped3A = tpu.sem_alloc : memref<!tpu.dma_semaphore, #tpu.memory_space<semaphore_mem>>
        %dma_start3A = arith.constant 0 : i32
        %dma_start3A_53 = arith.constant 0 : i32
        %dma_start3A_54 = tpu.memref_slice %arg6[%arg0, %dma_start3A, %dma_start3A_53] : memref<2x10000x128xf32, #tpu.memory_space<hbm>> -> memref<1x10000x128xf32, #tpu.memory_space<hbm>>
        %dma_start3A_55 = tpu.memref_squeeze %dma_start3A_54 : memref<1x10000x128xf32, #tpu.memory_space<hbm>> -> memref<10000x128xf32, #tpu.memory_space<hbm>>
        tpu.enqueue_dma source(%arg10 : memref<10000x128xf32, #tpu.memory_space<vmem_shared>>) target(%dma_start3A_55 : memref<10000x128xf32, #tpu.memory_space<hbm>>) target_semaphore(%run_scoped3A : memref<!tpu.dma_semaphore, #tpu.memory_space<semaphore_mem>>)
        %dma_wait3A = arith.constant 0 : i32
        %dma_wait3A_56 = arith.constant 0 : i32
        %dma_wait3A_57 = tpu.memref_slice %arg6[%arg0, %dma_wait3A, %dma_wait3A_56] : memref<2x10000x128xf32, #tpu.memory_space<hbm>> -> memref<1x10000x128xf32, #tpu.memory_space<hbm>>
        %dma_wait3A_58 = tpu.memref_squeeze %dma_wait3A_57 : memref<1x10000x128xf32, #tpu.memory_space<hbm>> -> memref<10000x128xf32, #tpu.memory_space<hbm>>
        tpu.wait_dma2 semaphore(%run_scoped3A : memref<!tpu.dma_semaphore, #tpu.memory_space<semaphore_mem>>) src(%arg10 : memref<10000x128xf32, #tpu.memory_space<vmem_shared>>) dst(%dma_wait3A_58 : memref<10000x128xf32, #tpu.memory_space<hbm>>)
        tpu.yield
      }) : () -> ()
    } else {
    }
    return
  }
}

module attributes {stable_mosaic.version = 14 : i64} {
  func.func @body(%arg0: i32, %arg1: memref<400x128xf32, #tpu.memory_space<vmem>>, %arg2: memref<400x1xi32, #tpu.memory_space<vmem>>, %arg3: memref<64x128xf32, #tpu.memory_space<vmem>>, %arg4: memref<400x1xf32, #tpu.memory_space<vmem>>, %arg5: memref<128x128xf32, #tpu.memory_space<vmem>>, %arg6: memref<1x128xf32, #tpu.memory_space<vmem>>, %arg7: memref<1x128xf32, #tpu.memory_space<vmem>>, %arg8: memref<400x128xf32, #tpu.memory_space<vmem>>, %arg9: memref<64x128xf32, #tpu.memory_space<vmem>>, %arg10: memref<64x128xf32, #tpu.memory_space<vmem>>) attributes {dimension_semantics = [#tpu.dimension_semantics<arbitrary>], iteration_bounds = array<i64: 25>, scalar_prefetch = 0 : i64, scratch_operands = 1 : i64, tpu.core_type = #tpu.core_type<tc>, window_params = [{transform_indices = @transform_0, window_bounds = array<i64: 400, 128>}, {transform_indices = @transform_1, window_bounds = array<i64: 400, 1>}, {pipeline_mode = #tpu.pipeline_mode<synchronous>, transform_indices = @transform_2, window_bounds = array<i64: 64, 128>}, {transform_indices = @transform_3, window_bounds = array<i64: 400, 1>}, {pipeline_mode = #tpu.pipeline_mode<synchronous>, transform_indices = @transform_4, window_bounds = array<i64: 128, 128>}, {pipeline_mode = #tpu.pipeline_mode<synchronous>, transform_indices = @transform_5, window_bounds = array<i64: 1, 128>}, {pipeline_mode = #tpu.pipeline_mode<synchronous>, transform_indices = @transform_6, window_bounds = array<i64: 1, 128>}, {transform_indices = @transform_7, window_bounds = array<i64: 400, 128>}, {pipeline_mode = #tpu.pipeline_mode<synchronous>, transform_indices = @transform_8, window_bounds = array<i64: 64, 128>}]} {
    %get3A = arith.constant 0 : index
    %get3A_0 = arith.constant 0 : index
    %get3A_1 = vector.load %arg1[%get3A, %get3A_0] : memref<400x128xf32, #tpu.memory_space<vmem>>, vector<400x128xf32>
    %get3A_2 = arith.constant 0 : index
    %get3A_3 = arith.constant 0 : index
    %get3A_4 = vector.load %arg5[%get3A_2, %get3A_3] : memref<128x128xf32, #tpu.memory_space<vmem>>, vector<128x128xf32>
    %dot_general3A = arith.constant dense<0.000000e+00> : vector<400x128xf32>
    %dot_general3A_5 = tpu.matmul %get3A_1, %get3A_4, %dot_general3A {dimension_numbers = #tpu.dot_dimension_numbers<[1], [0], [0], [1], [0, 0, 1, 1], [], []>, transpose_lhs_hint = false} : vector<400x128xf32>, vector<128x128xf32>, vector<400x128xf32> -> vector<400x128xf32>
    %get3A_6 = arith.constant 0 : index
    %get3A_7 = arith.constant 0 : index
    %get3A_8 = vector.load %arg6[%get3A_6, %get3A_7] : memref<1x128xf32, #tpu.memory_space<vmem>>, vector<1x128xf32>
    %add3A = vector.broadcast %get3A_8 : vector<1x128xf32> to vector<400x128xf32>
    %add3A_9 = arith.addf %dot_general3A_5, %add3A : vector<400x128xf32>
    %iota3A = tpu.iota {dimensions = array<i32: 1>} : vector<400x64xi32>
    %get3A_10 = arith.constant 0 : index
    %get3A_11 = arith.constant 0 : index
    %get3A_12 = vector.load %arg2[%get3A_10, %get3A_11] : memref<400x1xi32, #tpu.memory_space<vmem>>, vector<400x1xi32>
    %eq3A = vector.broadcast %get3A_12 : vector<400x1xi32> to vector<400x64xi32>
    %eq3A_13 = arith.cmpi eq, %eq3A, %iota3A : vector<400x64xi32>
    %convert_element_type3A = arith.extui %eq3A_13 : vector<400x64xi1> to vector<400x64xi32>
    %convert_element_type3A_14 = arith.sitofp %convert_element_type3A : vector<400x64xi32> to vector<400x64xf32>
    %get3A_15 = arith.constant 0 : index
    %get3A_16 = arith.constant 0 : index
    %get3A_17 = vector.load %arg3[%get3A_15, %get3A_16] : memref<64x128xf32, #tpu.memory_space<vmem>>, vector<64x128xf32>
    %dot_general3A_18 = arith.constant dense<0.000000e+00> : vector<400x128xf32>
    %dot_general3A_19 = tpu.matmul %convert_element_type3A_14, %get3A_17, %dot_general3A_18 {dimension_numbers = #tpu.dot_dimension_numbers<[1], [0], [0], [1], [0, 0, 1, 1], [], []>, precision = #tpu.contract_precision<fp32>, transpose_lhs_hint = false} : vector<400x64xf32>, vector<64x128xf32>, vector<400x128xf32> -> vector<400x128xf32>
    %add3A_20 = arith.addf %add3A_9, %dot_general3A_19 : vector<400x128xf32>
    %get3A_21 = arith.constant 0 : index
    %get3A_22 = arith.constant 0 : index
    %get3A_23 = vector.load %arg4[%get3A_21, %get3A_22] : memref<400x1xf32, #tpu.memory_space<vmem>>, vector<400x1xf32>
    %mul3A = vector.broadcast %get3A_23 : vector<400x1xf32> to vector<400x128xf32>
    %mul3A_24 = arith.mulf %mul3A, %add3A_20 : vector<400x128xf32>
    %swap3A = arith.constant 0 : index
    %swap3A_25 = arith.constant 0 : index
    %swap3A_26 = vector.load %arg8[%swap3A, %swap3A_25] : memref<400x128xf32, #tpu.memory_space<vmem>>, vector<400x128xf32>
    tpu.vector_store %arg8[%swap3A, %swap3A_25], %mul3A_24 {strides = array<i32>} : memref<400x128xf32, #tpu.memory_space<vmem>>, vector<400x128xf32>,
    %dot_general3A_27 = arith.constant dense<0.000000e+00> : vector<64x128xf32>
    %dot_general3A_28 = tpu.matmul %convert_element_type3A_14, %add3A_20, %dot_general3A_27 {dimension_numbers = #tpu.dot_dimension_numbers<[0], [0], [1], [1], [0, 1, 1, 1], [], []>, precision = #tpu.contract_precision<fp32>, transpose_lhs_hint = false} : vector<400x64xf32>, vector<400x128xf32>, vector<64x128xf32> -> vector<64x128xf32>
    %eq3A_29 = arith.constant 0 : i32
    %eq3A_30 = arith.cmpi eq, %arg0, %eq3A_29 : i32
    %convert_element_type3A_31 = arith.extui %eq3A_30 : i1 to i32
    %cond3A = arith.constant 0 : i32
    %cond3A_32 = arith.cmpi ne, %convert_element_type3A_31, %cond3A : i32
    scf.if %cond3A_32 {
      %broadcast_in_dim3A = arith.constant 0.000000e+00 : f32
      %broadcast_in_dim3A_46 = vector.broadcast %broadcast_in_dim3A : f32 to vector<64x128xf32>
      %swap3A_47 = arith.constant 0 : index
      %swap3A_48 = arith.constant 0 : index
      %swap3A_49 = vector.load %arg10[%swap3A_47, %swap3A_48] : memref<64x128xf32, #tpu.memory_space<vmem>>, vector<64x128xf32>
      tpu.vector_store %arg10[%swap3A_47, %swap3A_48], %broadcast_in_dim3A_46 {strides = array<i32>} : memref<64x128xf32, #tpu.memory_space<vmem>>, vector<64x128xf32>,
    } else {
    }
    %get3A_33 = arith.constant 0 : index
    %get3A_34 = arith.constant 0 : index
    %get3A_35 = vector.load %arg10[%get3A_33, %get3A_34] : memref<64x128xf32, #tpu.memory_space<vmem>>, vector<64x128xf32>
    %add3A_36 = arith.addf %get3A_35, %dot_general3A_28 : vector<64x128xf32>
    %swap3A_37 = arith.constant 0 : index
    %swap3A_38 = arith.constant 0 : index
    %swap3A_39 = vector.load %arg10[%swap3A_37, %swap3A_38] : memref<64x128xf32, #tpu.memory_space<vmem>>, vector<64x128xf32>
    tpu.vector_store %arg10[%swap3A_37, %swap3A_38], %add3A_36 {strides = array<i32>} : memref<64x128xf32, #tpu.memory_space<vmem>>, vector<64x128xf32>,
    %get3A_40 = arith.constant 0 : index
    %get3A_41 = arith.constant 0 : index
    %get3A_42 = vector.load %arg10[%get3A_40, %get3A_41] : memref<64x128xf32, #tpu.memory_space<vmem>>, vector<64x128xf32>
    %swap3A_43 = arith.constant 0 : index
    %swap3A_44 = arith.constant 0 : index
    %swap3A_45 = vector.load %arg9[%swap3A_43, %swap3A_44] : memref<64x128xf32, #tpu.memory_space<vmem>>, vector<64x128xf32>
    tpu.vector_store %arg9[%swap3A_43, %swap3A_44], %get3A_42 {strides = array<i32>} : memref<64x128xf32, #tpu.memory_space<vmem>>, vector<64x128xf32>,
    return
  }
  func.func @transform_0(%arg0: i32) -> (i32, i32) {
    %c0_i32 = arith.constant 0 : i32
    %c0_i32_0 = arith.constant 0 : i32
    return %arg0, %c0_i32 : i32, i32
  }
  func.func @transform_1(%arg0: i32) -> (i32, i32) {
    %c0_i32 = arith.constant 0 : i32
    %c0_i32_0 = arith.constant 0 : i32
    return %arg0, %c0_i32 : i32, i32
  }
  func.func @transform_2(%arg0: i32) -> (i32, i32) {
    %c0_i32 = arith.constant 0 : i32
    %c0_i32_0 = arith.constant 0 : i32
    %c0_i32_1 = arith.constant 0 : i32
    return %c0_i32, %c0_i32_0 : i32, i32
  }
  func.func @transform_3(%arg0: i32) -> (i32, i32) {
    %c0_i32 = arith.constant 0 : i32
    %c0_i32_0 = arith.constant 0 : i32
    return %arg0, %c0_i32 : i32, i32
  }
  func.func @transform_4(%arg0: i32) -> (i32, i32) {
    %c0_i32 = arith.constant 0 : i32
    %c0_i32_0 = arith.constant 0 : i32
    %c0_i32_1 = arith.constant 0 : i32
    return %c0_i32, %c0_i32_0 : i32, i32
  }
  func.func @transform_5(%arg0: i32) -> (i32, i32) {
    %c0_i32 = arith.constant 0 : i32
    %c0_i32_0 = arith.constant 0 : i32
    %c0_i32_1 = arith.constant 0 : i32
    return %c0_i32, %c0_i32_0 : i32, i32
  }
  func.func @transform_6(%arg0: i32) -> (i32, i32) {
    %c0_i32 = arith.constant 0 : i32
    %c0_i32_0 = arith.constant 0 : i32
    %c0_i32_1 = arith.constant 0 : i32
    return %c0_i32, %c0_i32_0 : i32, i32
  }
  func.func @transform_7(%arg0: i32) -> (i32, i32) {
    %c0_i32 = arith.constant 0 : i32
    %c0_i32_0 = arith.constant 0 : i32
    return %arg0, %c0_i32 : i32, i32
  }
  func.func @transform_8(%arg0: i32) -> (i32, i32) {
    %c0_i32 = arith.constant 0 : i32
    %c0_i32_0 = arith.constant 0 : i32
    %c0_i32_1 = arith.constant 0 : i32
    return %c0_i32, %c0_i32_0 : i32, i32
  }
}

module attributes {stable_mosaic.version = 14 : i64} {
  func.func @body(%arg0: i32, %arg1: memref<2000x128xf32, #tpu.memory_space<vmem>>, %arg2: memref<128x128xf32, #tpu.memory_space<vmem>>, %arg3: memref<1x128xf32, #tpu.memory_space<vmem>>, %arg4: memref<2000x1xf32, #tpu.memory_space<vmem>>, %arg5: memref<2000x128xf32, #tpu.memory_space<vmem>>) attributes {dimension_semantics = [#tpu.dimension_semantics<arbitrary>], iteration_bounds = array<i64: 160>, scalar_prefetch = 0 : i64, scratch_operands = 0 : i64, tpu.core_type = #tpu.core_type<tc>, window_params = [{transform_indices = @transform_0, window_bounds = array<i64: 2000, 128>}, {pipeline_mode = #tpu.pipeline_mode<synchronous>, transform_indices = @transform_1, window_bounds = array<i64: 128, 128>}, {pipeline_mode = #tpu.pipeline_mode<synchronous>, transform_indices = @transform_2, window_bounds = array<i64: 1, 128>}, {transform_indices = @transform_3, window_bounds = array<i64: 2000, 1>}, {transform_indices = @transform_4, window_bounds = array<i64: 2000, 128>}]} {
    %get3A = arith.constant 0 : index
    %get3A_0 = arith.constant 0 : index
    %get3A_1 = vector.load %arg1[%get3A, %get3A_0] : memref<2000x128xf32, #tpu.memory_space<vmem>>, vector<2000x128xf32>
    %get3A_2 = arith.constant 0 : index
    %get3A_3 = arith.constant 0 : index
    %get3A_4 = vector.load %arg2[%get3A_2, %get3A_3] : memref<128x128xf32, #tpu.memory_space<vmem>>, vector<128x128xf32>
    %dot_general3A = arith.constant dense<0.000000e+00> : vector<2000x128xf32>
    %dot_general3A_5 = tpu.matmul %get3A_1, %get3A_4, %dot_general3A {dimension_numbers = #tpu.dot_dimension_numbers<[1], [0], [0], [1], [0, 0, 1, 1], [], []>, transpose_lhs_hint = false} : vector<2000x128xf32>, vector<128x128xf32>, vector<2000x128xf32> -> vector<2000x128xf32>
    %get3A_6 = arith.constant 0 : index
    %get3A_7 = arith.constant 0 : index
    %get3A_8 = vector.load %arg3[%get3A_6, %get3A_7] : memref<1x128xf32, #tpu.memory_space<vmem>>, vector<1x128xf32>
    %add3A = vector.broadcast %get3A_8 : vector<1x128xf32> to vector<2000x128xf32>
    %add3A_9 = arith.addf %dot_general3A_5, %add3A : vector<2000x128xf32>
    %get3A_10 = arith.constant 0 : index
    %get3A_11 = arith.constant 0 : index
    %get3A_12 = vector.load %arg4[%get3A_10, %get3A_11] : memref<2000x1xf32, #tpu.memory_space<vmem>>, vector<2000x1xf32>
    %mul3A = vector.broadcast %get3A_12 : vector<2000x1xf32> to vector<2000x128xf32>
    %mul3A_13 = arith.mulf %add3A_9, %mul3A : vector<2000x128xf32>
    %swap3A = arith.constant 0 : index
    %swap3A_14 = arith.constant 0 : index
    %swap3A_15 = vector.load %arg5[%swap3A, %swap3A_14] : memref<2000x128xf32, #tpu.memory_space<vmem>>, vector<2000x128xf32>
    tpu.vector_store %arg5[%swap3A, %swap3A_14], %mul3A_13 {strides = array<i32>} : memref<2000x128xf32, #tpu.memory_space<vmem>>, vector<2000x128xf32>,
    return
  }
  func.func @transform_0(%arg0: i32) -> (i32, i32) {
    %c0_i32 = arith.constant 0 : i32
    %c0_i32_0 = arith.constant 0 : i32
    return %arg0, %c0_i32 : i32, i32
  }
  func.func @transform_1(%arg0: i32) -> (i32, i32) {
    %c0_i32 = arith.constant 0 : i32
    %c0_i32_0 = arith.constant 0 : i32
    %c0_i32_1 = arith.constant 0 : i32
    return %c0_i32, %c0_i32_0 : i32, i32
  }
  func.func @transform_2(%arg0: i32) -> (i32, i32) {
    %c0_i32 = arith.constant 0 : i32
    %c0_i32_0 = arith.constant 0 : i32
    %c0_i32_1 = arith.constant 0 : i32
    return %c0_i32, %c0_i32_0 : i32, i32
  }
  func.func @transform_3(%arg0: i32) -> (i32, i32) {
    %c0_i32 = arith.constant 0 : i32
    %c0_i32_0 = arith.constant 0 : i32
    return %arg0, %c0_i32 : i32, i32
  }
  func.func @transform_4(%arg0: i32) -> (i32, i32) {
    %c0_i32 = arith.constant 0 : i32
    %c0_i32_0 = arith.constant 0 : i32
    return %arg0, %c0_i32 : i32, i32
  }
}

module attributes {stable_mosaic.version = 14 : i64} {
  func.func @body(%arg0: memref<64x128xf32, #tpu.memory_space<vmem>>, %arg1: memref<64x128xf32, #tpu.memory_space<vmem>>, %arg2: memref<128x256xf32, #tpu.memory_space<vmem>>, %arg3: memref<1x256xf32, #tpu.memory_space<vmem>>, %arg4: memref<1x256xf32, #tpu.memory_space<vmem>>, %arg5: memref<1x256xf32, #tpu.memory_space<vmem>>, %arg6: memref<256x128xf32, #tpu.memory_space<vmem>>, %arg7: memref<1x128xf32, #tpu.memory_space<vmem>>, %arg8: memref<1x128xf32, #tpu.memory_space<vmem>>, %arg9: memref<1x128xf32, #tpu.memory_space<vmem>>, %arg10: memref<64x1xf32, #tpu.memory_space<vmem>>, %arg11: memref<64x128xf32, #tpu.memory_space<vmem>>) attributes {dimension_semantics = [], scalar_prefetch = 0 : i64, scratch_operands = 0 : i64, tpu.core_type = #tpu.core_type<tc>} {
    %get3A = arith.constant 0 : index
    %get3A_0 = arith.constant 0 : index
    %get3A_1 = vector.load %arg10[%get3A, %get3A_0] : memref<64x1xf32, #tpu.memory_space<vmem>>, vector<64x1xf32>
    %reduce_sum3A = vector.shape_cast %get3A_1 : vector<64x1xf32> to vector<1x64x1xf32>
    %reduce_sum3A_2 = arith.constant dense<0.000000e+00> : vector<1xf32>
    %reduce_sum3A_3 = vector.multi_reduction <add>, %reduce_sum3A, %reduce_sum3A_2 [1, 2] : vector<1x64x1xf32> to vector<1xf32>
    %reduce_sum3A_4 = vector.shape_cast %reduce_sum3A_3 : vector<1xf32> to vector<1x1x1xf32>
    %reduce_sum3A_5 = vector.extract %reduce_sum3A_4[0, 0, 0] : f32 from vector<1x1x1xf32>
    %get3A_6 = arith.constant 0 : index
    %get3A_7 = arith.constant 0 : index
    %get3A_8 = vector.load %arg0[%get3A_6, %get3A_7] : memref<64x128xf32, #tpu.memory_space<vmem>>, vector<64x128xf32>
    %get3A_9 = arith.constant 0 : index
    %get3A_10 = arith.constant 0 : index
    %get3A_11 = vector.load %arg1[%get3A_9, %get3A_10] : memref<64x128xf32, #tpu.memory_space<vmem>>, vector<64x128xf32>
    %add3A = arith.addf %get3A_8, %get3A_11 : vector<64x128xf32>
    %get3A_12 = arith.constant 0 : index
    %get3A_13 = arith.constant 0 : index
    %get3A_14 = vector.load %arg2[%get3A_12, %get3A_13] : memref<128x256xf32, #tpu.memory_space<vmem>>, vector<128x256xf32>
    %dot_general3A = arith.constant dense<0.000000e+00> : vector<64x256xf32>
    %dot_general3A_15 = tpu.matmul %add3A, %get3A_14, %dot_general3A {dimension_numbers = #tpu.dot_dimension_numbers<[1], [0], [0], [1], [0, 0, 1, 1], [], []>, transpose_lhs_hint = false} : vector<64x128xf32>, vector<128x256xf32>, vector<64x256xf32> -> vector<64x256xf32>
    %get3A_16 = arith.constant 0 : index
    %get3A_17 = arith.constant 0 : index
    %get3A_18 = vector.load %arg3[%get3A_16, %get3A_17] : memref<1x256xf32, #tpu.memory_space<vmem>>, vector<1x256xf32>
    %add3A_19 = vector.broadcast %get3A_18 : vector<1x256xf32> to vector<64x256xf32>
    %add3A_20 = arith.addf %dot_general3A_15, %add3A_19 : vector<64x256xf32>
    %mul3A = vector.broadcast %get3A_1 : vector<64x1xf32> to vector<64x256xf32>
    %mul3A_21 = arith.mulf %add3A_20, %mul3A : vector<64x256xf32>
    %reduce_sum3A_22 = arith.constant dense<0.000000e+00> : vector<256xf32>
    %reduce_sum3A_23 = vector.multi_reduction <add>, %mul3A_21, %reduce_sum3A_22 [0] : vector<64x256xf32> to vector<256xf32>
    %broadcast_in_dim3A = vector.shape_cast %reduce_sum3A_23 : vector<256xf32> to vector<1x256xf32>
    %div3A = vector.broadcast %reduce_sum3A_5 : f32 to vector<1x256xf32>
    %div3A_24 = arith.divf %broadcast_in_dim3A, %div3A : vector<1x256xf32>
    %sub3A = vector.broadcast %div3A_24 : vector<1x256xf32> to vector<64x256xf32>
    %sub3A_25 = arith.subf %add3A_20, %sub3A : vector<64x256xf32>
    %integer_pow3A = arith.mulf %sub3A_25, %sub3A_25 : vector<64x256xf32>
    %mul3A_26 = vector.broadcast %get3A_1 : vector<64x1xf32> to vector<64x256xf32>
    %mul3A_27 = arith.mulf %integer_pow3A, %mul3A_26 : vector<64x256xf32>
    %reduce_sum3A_28 = arith.constant dense<0.000000e+00> : vector<256xf32>
    %reduce_sum3A_29 = vector.multi_reduction <add>, %mul3A_27, %reduce_sum3A_28 [0] : vector<64x256xf32> to vector<256xf32>
    %broadcast_in_dim3A_30 = vector.shape_cast %reduce_sum3A_29 : vector<256xf32> to vector<1x256xf32>
    %div3A_31 = vector.broadcast %reduce_sum3A_5 : f32 to vector<1x256xf32>
    %div3A_32 = arith.divf %broadcast_in_dim3A_30, %div3A_31 : vector<1x256xf32>
    %sub3A_33 = vector.broadcast %div3A_24 : vector<1x256xf32> to vector<64x256xf32>
    %sub3A_34 = arith.subf %add3A_20, %sub3A_33 : vector<64x256xf32>
    %add3A_35 = arith.constant 9.99999974E-6 : f32
    %add3A_36 = vector.broadcast %add3A_35 : f32 to vector<1x256xf32>
    %add3A_37 = arith.addf %div3A_32, %add3A_36 : vector<1x256xf32>
    %rsqrt3A = math.rsqrt %add3A_37 : vector<1x256xf32>
    %mul3A_38 = vector.broadcast %rsqrt3A : vector<1x256xf32> to vector<64x256xf32>
    %mul3A_39 = arith.mulf %sub3A_34, %mul3A_38 : vector<64x256xf32>
    %get3A_40 = arith.constant 0 : index
    %get3A_41 = arith.constant 0 : index
    %get3A_42 = vector.load %arg4[%get3A_40, %get3A_41] : memref<1x256xf32, #tpu.memory_space<vmem>>, vector<1x256xf32>
    %mul3A_43 = vector.broadcast %get3A_42 : vector<1x256xf32> to vector<64x256xf32>
    %mul3A_44 = arith.mulf %mul3A_39, %mul3A_43 : vector<64x256xf32>
    %get3A_45 = arith.constant 0 : index
    %get3A_46 = arith.constant 0 : index
    %get3A_47 = vector.load %arg5[%get3A_45, %get3A_46] : memref<1x256xf32, #tpu.memory_space<vmem>>, vector<1x256xf32>
    %add3A_48 = vector.broadcast %get3A_47 : vector<1x256xf32> to vector<64x256xf32>
    %add3A_49 = arith.addf %mul3A_44, %add3A_48 : vector<64x256xf32>
    %max3A = arith.constant 0.000000e+00 : f32
    %max3A_50 = vector.broadcast %max3A : f32 to vector<64x256xf32>
    %max3A_51 = arith.maximumf %add3A_49, %max3A_50 : vector<64x256xf32>
    %get3A_52 = arith.constant 0 : index
    %get3A_53 = arith.constant 0 : index
    %get3A_54 = vector.load %arg6[%get3A_52, %get3A_53] : memref<256x128xf32, #tpu.memory_space<vmem>>, vector<256x128xf32>
    %dot_general3A_55 = arith.constant dense<0.000000e+00> : vector<64x128xf32>
    %dot_general3A_56 = tpu.matmul %max3A_51, %get3A_54, %dot_general3A_55 {dimension_numbers = #tpu.dot_dimension_numbers<[1], [0], [0], [1], [0, 0, 1, 1], [], []>, transpose_lhs_hint = false} : vector<64x256xf32>, vector<256x128xf32>, vector<64x128xf32> -> vector<64x128xf32>
    %get3A_57 = arith.constant 0 : index
    %get3A_58 = arith.constant 0 : index
    %get3A_59 = vector.load %arg7[%get3A_57, %get3A_58] : memref<1x128xf32, #tpu.memory_space<vmem>>, vector<1x128xf32>
    %add3A_60 = vector.broadcast %get3A_59 : vector<1x128xf32> to vector<64x128xf32>
    %add3A_61 = arith.addf %dot_general3A_56, %add3A_60 : vector<64x128xf32>
    %mul3A_62 = vector.broadcast %get3A_1 : vector<64x1xf32> to vector<64x128xf32>
    %mul3A_63 = arith.mulf %add3A_61, %mul3A_62 : vector<64x128xf32>
    %reduce_sum3A_64 = arith.constant dense<0.000000e+00> : vector<128xf32>
    %reduce_sum3A_65 = vector.multi_reduction <add>, %mul3A_63, %reduce_sum3A_64 [0] : vector<64x128xf32> to vector<128xf32>
    %broadcast_in_dim3A_66 = vector.shape_cast %reduce_sum3A_65 : vector<128xf32> to vector<1x128xf32>
    %div3A_67 = vector.broadcast %reduce_sum3A_5 : f32 to vector<1x128xf32>
    %div3A_68 = arith.divf %broadcast_in_dim3A_66, %div3A_67 : vector<1x128xf32>
    %sub3A_69 = vector.broadcast %div3A_68 : vector<1x128xf32> to vector<64x128xf32>
    %sub3A_70 = arith.subf %add3A_61, %sub3A_69 : vector<64x128xf32>
    %integer_pow3A_71 = arith.mulf %sub3A_70, %sub3A_70 : vector<64x128xf32>
    %mul3A_72 = vector.broadcast %get3A_1 : vector<64x1xf32> to vector<64x128xf32>
    %mul3A_73 = arith.mulf %integer_pow3A_71, %mul3A_72 : vector<64x128xf32>
    %reduce_sum3A_74 = arith.constant dense<0.000000e+00> : vector<128xf32>
    %reduce_sum3A_75 = vector.multi_reduction <add>, %mul3A_73, %reduce_sum3A_74 [0] : vector<64x128xf32> to vector<128xf32>
    %broadcast_in_dim3A_76 = vector.shape_cast %reduce_sum3A_75 : vector<128xf32> to vector<1x128xf32>
    %div3A_77 = vector.broadcast %reduce_sum3A_5 : f32 to vector<1x128xf32>
    %div3A_78 = arith.divf %broadcast_in_dim3A_76, %div3A_77 : vector<1x128xf32>
    %sub3A_79 = vector.broadcast %div3A_68 : vector<1x128xf32> to vector<64x128xf32>
    %sub3A_80 = arith.subf %add3A_61, %sub3A_79 : vector<64x128xf32>
    %add3A_81 = arith.constant 9.99999974E-6 : f32
    %add3A_82 = vector.broadcast %add3A_81 : f32 to vector<1x128xf32>
    %add3A_83 = arith.addf %div3A_78, %add3A_82 : vector<1x128xf32>
    %rsqrt3A_84 = math.rsqrt %add3A_83 : vector<1x128xf32>
    %mul3A_85 = vector.broadcast %rsqrt3A_84 : vector<1x128xf32> to vector<64x128xf32>
    %mul3A_86 = arith.mulf %sub3A_80, %mul3A_85 : vector<64x128xf32>
    %get3A_87 = arith.constant 0 : index
    %get3A_88 = arith.constant 0 : index
    %get3A_89 = vector.load %arg8[%get3A_87, %get3A_88] : memref<1x128xf32, #tpu.memory_space<vmem>>, vector<1x128xf32>
    %mul3A_90 = vector.broadcast %get3A_89 : vector<1x128xf32> to vector<64x128xf32>
    %mul3A_91 = arith.mulf %mul3A_86, %mul3A_90 : vector<64x128xf32>
    %get3A_92 = arith.constant 0 : index
    %get3A_93 = arith.constant 0 : index
    %get3A_94 = vector.load %arg9[%get3A_92, %get3A_93] : memref<1x128xf32, #tpu.memory_space<vmem>>, vector<1x128xf32>
    %add3A_95 = vector.broadcast %get3A_94 : vector<1x128xf32> to vector<64x128xf32>
    %add3A_96 = arith.addf %mul3A_91, %add3A_95 : vector<64x128xf32>
    %max3A_97 = arith.constant 0.000000e+00 : f32
    %max3A_98 = vector.broadcast %max3A_97 : f32 to vector<64x128xf32>
    %max3A_99 = arith.maximumf %add3A_96, %max3A_98 : vector<64x128xf32>
    %swap3A = arith.constant 0 : index
    %swap3A_100 = arith.constant 0 : index
    %swap3A_101 = vector.load %arg11[%swap3A, %swap3A_100] : memref<64x128xf32, #tpu.memory_space<vmem>>, vector<64x128xf32>
    tpu.vector_store %arg11[%swap3A, %swap3A_100], %max3A_99 {strides = array<i32>} : memref<64x128xf32, #tpu.memory_space<vmem>>, vector<64x128xf32>,
    return
  }
}

module attributes {stable_mosaic.version = 14 : i64} {
  func.func @body(%arg0: i32, %arg1: memref<2x400x128xf32, #tpu.memory_space<vmem>>, %arg2: memref<2x400x128xf32, #tpu.memory_space<vmem>>, %arg3: memref<128x128xf32, #tpu.memory_space<vmem>>, %arg4: memref<400x128xf32, #tpu.memory_space<vmem>>, %arg5: memref<400x1xf32, #tpu.memory_space<vmem>>, %arg6: memref<1x128xf32, #tpu.memory_space<vmem>>, %arg7: memref<400x128xf32, #tpu.memory_space<vmem>>, %arg8: memref<2x128xf32, #tpu.memory_space<vmem>>, %arg9: memref<2x128xf32, #tpu.memory_space<vmem>>) attributes {dimension_semantics = [#tpu.dimension_semantics<arbitrary>], iteration_bounds = array<i64: 25>, scalar_prefetch = 0 : i64, scratch_operands = 1 : i64, tpu.core_type = #tpu.core_type<tc>, window_params = [{transform_indices = @transform_0, window_bounds = array<i64: 2, 400, 128>}, {transform_indices = @transform_1, window_bounds = array<i64: 2, 400, 128>}, {pipeline_mode = #tpu.pipeline_mode<synchronous>, transform_indices = @transform_2, window_bounds = array<i64: 128, 128>}, {transform_indices = @transform_3, window_bounds = array<i64: 400, 128>}, {transform_indices = @transform_4, window_bounds = array<i64: 400, 1>}, {pipeline_mode = #tpu.pipeline_mode<synchronous>, transform_indices = @transform_5, window_bounds = array<i64: 1, 128>}, {transform_indices = @transform_6, window_bounds = array<i64: 400, 128>}, {pipeline_mode = #tpu.pipeline_mode<synchronous>, transform_indices = @transform_7, window_bounds = array<i64: 2, 128>}]} {
    %get3A = arith.constant 0 : index
    %get3A_0 = arith.constant 0 : index
    %get3A_1 = arith.constant 0 : index
    %get3A_2 = vector.load %arg1[%get3A, %get3A_0, %get3A_1] : memref<2x400x128xf32, #tpu.memory_space<vmem>>, vector<1x400x128xf32>
    %get3A_3 = vector.shape_cast %get3A_2 : vector<1x400x128xf32> to vector<400x128xf32>
    %get3A_4 = arith.constant 1 : index
    %get3A_5 = arith.constant 0 : index
    %get3A_6 = arith.constant 0 : index
    %get3A_7 = vector.load %arg1[%get3A_4, %get3A_5, %get3A_6] : memref<2x400x128xf32, #tpu.memory_space<vmem>>, vector<1x400x128xf32>
    %get3A_8 = vector.shape_cast %get3A_7 : vector<1x400x128xf32> to vector<400x128xf32>
    %add3A = arith.addf %get3A_3, %get3A_8 : vector<400x128xf32>
    %get3A_9 = arith.constant 0 : index
    %get3A_10 = arith.constant 0 : index
    %get3A_11 = arith.constant 0 : index
    %get3A_12 = vector.load %arg2[%get3A_9, %get3A_10, %get3A_11] : memref<2x400x128xf32, #tpu.memory_space<vmem>>, vector<1x400x128xf32>
    %get3A_13 = vector.shape_cast %get3A_12 : vector<1x400x128xf32> to vector<400x128xf32>
    %add3A_14 = arith.addf %add3A, %get3A_13 : vector<400x128xf32>
    %get3A_15 = arith.constant 1 : index
    %get3A_16 = arith.constant 0 : index
    %get3A_17 = arith.constant 0 : index
    %get3A_18 = vector.load %arg2[%get3A_15, %get3A_16, %get3A_17] : memref<2x400x128xf32, #tpu.memory_space<vmem>>, vector<1x400x128xf32>
    %get3A_19 = vector.shape_cast %get3A_18 : vector<1x400x128xf32> to vector<400x128xf32>
    %add3A_20 = arith.addf %add3A_14, %get3A_19 : vector<400x128xf32>
    %get3A_21 = arith.constant 0 : index
    %get3A_22 = arith.constant 0 : index
    %get3A_23 = vector.load %arg5[%get3A_21, %get3A_22] : memref<400x1xf32, #tpu.memory_space<vmem>>, vector<400x1xf32>
    %mul3A = vector.broadcast %get3A_23 : vector<400x1xf32> to vector<400x128xf32>
    %mul3A_24 = arith.mulf %mul3A, %add3A_20 : vector<400x128xf32>
    %get3A_25 = arith.constant 0 : index
    %get3A_26 = arith.constant 0 : index
    %get3A_27 = vector.load %arg5[%get3A_25, %get3A_26] : memref<400x1xf32, #tpu.memory_space<vmem>>, vector<400x1xf32>
    %get3A_28 = arith.constant 0 : index
    %get3A_29 = arith.constant 0 : index
    %get3A_30 = vector.load %arg4[%get3A_28, %get3A_29] : memref<400x128xf32, #tpu.memory_space<vmem>>, vector<400x128xf32>
    %mul3A_31 = vector.broadcast %get3A_27 : vector<400x1xf32> to vector<400x128xf32>
    %mul3A_32 = arith.mulf %mul3A_31, %get3A_30 : vector<400x128xf32>
    %add3A_33 = arith.addf %mul3A_24, %mul3A_32 : vector<400x128xf32>
    %get3A_34 = arith.constant 0 : index
    %get3A_35 = arith.constant 0 : index
    %get3A_36 = vector.load %arg3[%get3A_34, %get3A_35] : memref<128x128xf32, #tpu.memory_space<vmem>>, vector<128x128xf32>
    %dot_general3A = arith.constant dense<0.000000e+00> : vector<400x128xf32>
    %dot_general3A_37 = tpu.matmul %add3A_33, %get3A_36, %dot_general3A {dimension_numbers = #tpu.dot_dimension_numbers<[1], [0], [0], [1], [0, 0, 1, 1], [], []>, transpose_lhs_hint = false} : vector<400x128xf32>, vector<128x128xf32>, vector<400x128xf32> -> vector<400x128xf32>
    %get3A_38 = arith.constant 0 : index
    %get3A_39 = arith.constant 0 : index
    %get3A_40 = vector.load %arg6[%get3A_38, %get3A_39] : memref<1x128xf32, #tpu.memory_space<vmem>>, vector<1x128xf32>
    %add3A_41 = vector.broadcast %get3A_40 : vector<1x128xf32> to vector<400x128xf32>
    %add3A_42 = arith.addf %dot_general3A_37, %add3A_41 : vector<400x128xf32>
    %swap3A = arith.constant 0 : index
    %swap3A_43 = arith.constant 0 : index
    %swap3A_44 = vector.load %arg7[%swap3A, %swap3A_43] : memref<400x128xf32, #tpu.memory_space<vmem>>, vector<400x128xf32>
    tpu.vector_store %arg7[%swap3A, %swap3A_43], %add3A_42 {strides = array<i32>} : memref<400x128xf32, #tpu.memory_space<vmem>>, vector<400x128xf32>,
    %eq3A = arith.constant 0 : i32
    %eq3A_45 = arith.cmpi eq, %arg0, %eq3A : i32
    %convert_element_type3A = arith.extui %eq3A_45 : i1 to i32
    %cond3A = arith.constant 0 : i32
    %cond3A_46 = arith.cmpi ne, %convert_element_type3A, %cond3A : i32
    scf.if %cond3A_46 {
      %broadcast_in_dim3A_72 = arith.constant 0.000000e+00 : f32
      %broadcast_in_dim3A_73 = vector.broadcast %broadcast_in_dim3A_72 : f32 to vector<2x128xf32>
      %swap3A_74 = arith.constant 0 : index
      %swap3A_75 = arith.constant 0 : index
      %swap3A_76 = vector.load %arg9[%swap3A_74, %swap3A_75] : memref<2x128xf32, #tpu.memory_space<vmem>>, vector<2x128xf32>
      tpu.vector_store %arg9[%swap3A_74, %swap3A_75], %broadcast_in_dim3A_73 {strides = array<i32>} : memref<2x128xf32, #tpu.memory_space<vmem>>, vector<2x128xf32>,
    } else {
    }
    %get3A_47 = arith.constant 0 : index
    %get3A_48 = arith.constant 0 : index
    %get3A_49 = vector.load %arg9[%get3A_47, %get3A_48] : memref<2x128xf32, #tpu.memory_space<vmem>>, vector<1x128xf32>
    %reduce_sum3A = arith.constant dense<0.000000e+00> : vector<128xf32>
    %reduce_sum3A_50 = vector.multi_reduction <add>, %add3A_42, %reduce_sum3A [0] : vector<400x128xf32> to vector<128xf32>
    %broadcast_in_dim3A = vector.shape_cast %reduce_sum3A_50 : vector<128xf32> to vector<1x128xf32>
    %add3A_51 = arith.addf %get3A_49, %broadcast_in_dim3A : vector<1x128xf32>
    %swap3A_52 = arith.constant 0 : index
    %swap3A_53 = arith.constant 0 : index
    %swap3A_54 = vector.load %arg9[%swap3A_52, %swap3A_53] : memref<2x128xf32, #tpu.memory_space<vmem>>, vector<1x128xf32>
    tpu.vector_store %arg9[%swap3A_52, %swap3A_53], %add3A_51 {strides = array<i32>} : memref<2x128xf32, #tpu.memory_space<vmem>>, vector<1x128xf32>,
    %get3A_55 = arith.constant 1 : index
    %get3A_56 = arith.constant 0 : index
    %get3A_57 = vector.load %arg9[%get3A_55, %get3A_56] : memref<2x128xf32, #tpu.memory_space<vmem>>, vector<1x128xf32>
    %mul3A_58 = arith.mulf %add3A_42, %add3A_42 : vector<400x128xf32>
    %reduce_sum3A_59 = arith.constant dense<0.000000e+00> : vector<128xf32>
    %reduce_sum3A_60 = vector.multi_reduction <add>, %mul3A_58, %reduce_sum3A_59 [0] : vector<400x128xf32> to vector<128xf32>
    %broadcast_in_dim3A_61 = vector.shape_cast %reduce_sum3A_60 : vector<128xf32> to vector<1x128xf32>
    %add3A_62 = arith.addf %get3A_57, %broadcast_in_dim3A_61 : vector<1x128xf32>
    %swap3A_63 = arith.constant 1 : index
    %swap3A_64 = arith.constant 0 : index
    %swap3A_65 = vector.load %arg9[%swap3A_63, %swap3A_64] : memref<2x128xf32, #tpu.memory_space<vmem>>, vector<1x128xf32>
    tpu.vector_store %arg9[%swap3A_63, %swap3A_64], %add3A_62 {strides = array<i32>} : memref<2x128xf32, #tpu.memory_space<vmem>>, vector<1x128xf32>,
    %get3A_66 = arith.constant 0 : index
    %get3A_67 = arith.constant 0 : index
    %get3A_68 = vector.load %arg9[%get3A_66, %get3A_67] : memref<2x128xf32, #tpu.memory_space<vmem>>, vector<2x128xf32>
    %swap3A_69 = arith.constant 0 : index
    %swap3A_70 = arith.constant 0 : index
    %swap3A_71 = vector.load %arg8[%swap3A_69, %swap3A_70] : memref<2x128xf32, #tpu.memory_space<vmem>>, vector<2x128xf32>
    tpu.vector_store %arg8[%swap3A_69, %swap3A_70], %get3A_68 {strides = array<i32>} : memref<2x128xf32, #tpu.memory_space<vmem>>, vector<2x128xf32>,
    return
  }
  func.func @transform_0(%arg0: i32) -> (i32, i32, i32) {
    %c0_i32 = arith.constant 0 : i32
    %c0_i32_0 = arith.constant 0 : i32
    %c0_i32_1 = arith.constant 0 : i32
    return %c0_i32, %arg0, %c0_i32_0 : i32, i32, i32
  }
  func.func @transform_1(%arg0: i32) -> (i32, i32, i32) {
    %c0_i32 = arith.constant 0 : i32
    %c0_i32_0 = arith.constant 0 : i32
    %c0_i32_1 = arith.constant 0 : i32
    return %c0_i32, %arg0, %c0_i32_0 : i32, i32, i32
  }
  func.func @transform_2(%arg0: i32) -> (i32, i32) {
    %c0_i32 = arith.constant 0 : i32
    %c0_i32_0 = arith.constant 0 : i32
    %c0_i32_1 = arith.constant 0 : i32
    return %c0_i32, %c0_i32_0 : i32, i32
  }
  func.func @transform_3(%arg0: i32) -> (i32, i32) {
    %c0_i32 = arith.constant 0 : i32
    %c0_i32_0 = arith.constant 0 : i32
    return %arg0, %c0_i32 : i32, i32
  }
  func.func @transform_4(%arg0: i32) -> (i32, i32) {
    %c0_i32 = arith.constant 0 : i32
    %c0_i32_0 = arith.constant 0 : i32
    return %arg0, %c0_i32 : i32, i32
  }
  func.func @transform_5(%arg0: i32) -> (i32, i32) {
    %c0_i32 = arith.constant 0 : i32
    %c0_i32_0 = arith.constant 0 : i32
    %c0_i32_1 = arith.constant 0 : i32
    return %c0_i32, %c0_i32_0 : i32, i32
  }
  func.func @transform_6(%arg0: i32) -> (i32, i32) {
    %c0_i32 = arith.constant 0 : i32
    %c0_i32_0 = arith.constant 0 : i32
    return %arg0, %c0_i32 : i32, i32
  }
  func.func @transform_7(%arg0: i32) -> (i32, i32) {
    %c0_i32 = arith.constant 0 : i32
    %c0_i32_0 = arith.constant 0 : i32
    %c0_i32_1 = arith.constant 0 : i32
    return %c0_i32, %c0_i32_0 : i32, i32
  }
}

module attributes {stable_mosaic.version = 14 : i64} {
  func.func @body(%arg0: i32, %arg1: memref<400x128xf32, #tpu.memory_space<vmem>>, %arg2: memref<400x1xi32, #tpu.memory_space<vmem>>, %arg3: memref<64x128xf32, #tpu.memory_space<vmem>>, %arg4: memref<400x1xf32, #tpu.memory_space<vmem>>, %arg5: memref<2x128xf32, #tpu.memory_space<vmem>>, %arg6: memref<1x128xf32, #tpu.memory_space<vmem>>, %arg7: memref<1x128xf32, #tpu.memory_space<vmem>>, %arg8: memref<400x128xf32, #tpu.memory_space<vmem>>, %arg9: memref<64x128xf32, #tpu.memory_space<vmem>>, %arg10: memref<64x128xf32, #tpu.memory_space<vmem>>) attributes {dimension_semantics = [#tpu.dimension_semantics<arbitrary>], iteration_bounds = array<i64: 25>, scalar_prefetch = 0 : i64, scratch_operands = 1 : i64, tpu.core_type = #tpu.core_type<tc>, window_params = [{transform_indices = @transform_0, window_bounds = array<i64: 400, 128>}, {transform_indices = @transform_1, window_bounds = array<i64: 400, 1>}, {pipeline_mode = #tpu.pipeline_mode<synchronous>, transform_indices = @transform_2, window_bounds = array<i64: 64, 128>}, {transform_indices = @transform_3, window_bounds = array<i64: 400, 1>}, {pipeline_mode = #tpu.pipeline_mode<synchronous>, transform_indices = @transform_4, window_bounds = array<i64: 2, 128>}, {pipeline_mode = #tpu.pipeline_mode<synchronous>, transform_indices = @transform_5, window_bounds = array<i64: 1, 128>}, {pipeline_mode = #tpu.pipeline_mode<synchronous>, transform_indices = @transform_6, window_bounds = array<i64: 1, 128>}, {transform_indices = @transform_7, window_bounds = array<i64: 400, 128>}, {pipeline_mode = #tpu.pipeline_mode<synchronous>, transform_indices = @transform_8, window_bounds = array<i64: 64, 128>}]} {
    %get3A = arith.constant 0 : index
    %get3A_0 = arith.constant 0 : index
    %get3A_1 = vector.load %arg5[%get3A, %get3A_0] : memref<2x128xf32, #tpu.memory_space<vmem>>, vector<2x128xf32>
    %slice3A = vector.extract_strided_slice %get3A_1 {offsets = [0, 0], sizes = [1, 128], strides = [1, 1]} : vector<2x128xf32> to vector<1x128xf32>
    %mul3A = arith.constant 9.99999974E-5 : f32
    %mul3A_2 = vector.broadcast %mul3A : f32 to vector<1x128xf32>
    %mul3A_3 = arith.mulf %slice3A, %mul3A_2 : vector<1x128xf32>
    %slice3A_4 = vector.extract_strided_slice %get3A_1 {offsets = [1, 0], sizes = [1, 128], strides = [1, 1]} : vector<2x128xf32> to vector<1x128xf32>
    %mul3A_5 = arith.constant 9.99999974E-5 : f32
    %mul3A_6 = vector.broadcast %mul3A_5 : f32 to vector<1x128xf32>
    %mul3A_7 = arith.mulf %slice3A_4, %mul3A_6 : vector<1x128xf32>
    %mul3A_8 = arith.mulf %mul3A_3, %mul3A_3 : vector<1x128xf32>
    %sub3A = arith.subf %mul3A_7, %mul3A_8 : vector<1x128xf32>
    %get3A_9 = arith.constant 0 : index
    %get3A_10 = arith.constant 0 : index
    %get3A_11 = vector.load %arg1[%get3A_9, %get3A_10] : memref<400x128xf32, #tpu.memory_space<vmem>>, vector<400x128xf32>
    %sub3A_12 = vector.broadcast %mul3A_3 : vector<1x128xf32> to vector<400x128xf32>
    %sub3A_13 = arith.subf %get3A_11, %sub3A_12 : vector<400x128xf32>
    %add3A = arith.constant 9.99999974E-6 : f32
    %add3A_14 = vector.broadcast %add3A : f32 to vector<1x128xf32>
    %add3A_15 = arith.addf %sub3A, %add3A_14 : vector<1x128xf32>
    %rsqrt3A = math.rsqrt %add3A_15 : vector<1x128xf32>
    %mul3A_16 = vector.broadcast %rsqrt3A : vector<1x128xf32> to vector<400x128xf32>
    %mul3A_17 = arith.mulf %sub3A_13, %mul3A_16 : vector<400x128xf32>
    %get3A_18 = arith.constant 0 : index
    %get3A_19 = arith.constant 0 : index
    %get3A_20 = vector.load %arg6[%get3A_18, %get3A_19] : memref<1x128xf32, #tpu.memory_space<vmem>>, vector<1x128xf32>
    %mul3A_21 = vector.broadcast %get3A_20 : vector<1x128xf32> to vector<400x128xf32>
    %mul3A_22 = arith.mulf %mul3A_17, %mul3A_21 : vector<400x128xf32>
    %get3A_23 = arith.constant 0 : index
    %get3A_24 = arith.constant 0 : index
    %get3A_25 = vector.load %arg7[%get3A_23, %get3A_24] : memref<1x128xf32, #tpu.memory_space<vmem>>, vector<1x128xf32>
    %add3A_26 = vector.broadcast %get3A_25 : vector<1x128xf32> to vector<400x128xf32>
    %add3A_27 = arith.addf %mul3A_22, %add3A_26 : vector<400x128xf32>
    %max3A = arith.constant 0.000000e+00 : f32
    %max3A_28 = vector.broadcast %max3A : f32 to vector<400x128xf32>
    %max3A_29 = arith.maximumf %add3A_27, %max3A_28 : vector<400x128xf32>
    %iota3A = tpu.iota {dimensions = array<i32: 1>} : vector<400x64xi32>
    %get3A_30 = arith.constant 0 : index
    %get3A_31 = arith.constant 0 : index
    %get3A_32 = vector.load %arg2[%get3A_30, %get3A_31] : memref<400x1xi32, #tpu.memory_space<vmem>>, vector<400x1xi32>
    %eq3A = vector.broadcast %get3A_32 : vector<400x1xi32> to vector<400x64xi32>
    %eq3A_33 = arith.cmpi eq, %eq3A, %iota3A : vector<400x64xi32>
    %convert_element_type3A = arith.extui %eq3A_33 : vector<400x64xi1> to vector<400x64xi32>
    %convert_element_type3A_34 = arith.sitofp %convert_element_type3A : vector<400x64xi32> to vector<400x64xf32>
    %get3A_35 = arith.constant 0 : index
    %get3A_36 = arith.constant 0 : index
    %get3A_37 = vector.load %arg3[%get3A_35, %get3A_36] : memref<64x128xf32, #tpu.memory_space<vmem>>, vector<64x128xf32>
    %dot_general3A = arith.constant dense<0.000000e+00> : vector<400x128xf32>
    %dot_general3A_38 = tpu.matmul %convert_element_type3A_34, %get3A_37, %dot_general3A {dimension_numbers = #tpu.dot_dimension_numbers<[1], [0], [0], [1], [0, 0, 1, 1], [], []>, precision = #tpu.contract_precision<fp32>, transpose_lhs_hint = false} : vector<400x64xf32>, vector<64x128xf32>, vector<400x128xf32> -> vector<400x128xf32>
    %add3A_39 = arith.addf %max3A_29, %dot_general3A_38 : vector<400x128xf32>
    %get3A_40 = arith.constant 0 : index
    %get3A_41 = arith.constant 0 : index
    %get3A_42 = vector.load %arg4[%get3A_40, %get3A_41] : memref<400x1xf32, #tpu.memory_space<vmem>>, vector<400x1xf32>
    %mul3A_43 = vector.broadcast %get3A_42 : vector<400x1xf32> to vector<400x128xf32>
    %mul3A_44 = arith.mulf %mul3A_43, %add3A_39 : vector<400x128xf32>
    %swap3A = arith.constant 0 : index
    %swap3A_45 = arith.constant 0 : index
    %swap3A_46 = vector.load %arg8[%swap3A, %swap3A_45] : memref<400x128xf32, #tpu.memory_space<vmem>>, vector<400x128xf32>
    tpu.vector_store %arg8[%swap3A, %swap3A_45], %mul3A_44 {strides = array<i32>} : memref<400x128xf32, #tpu.memory_space<vmem>>, vector<400x128xf32>,
    %dot_general3A_47 = arith.constant dense<0.000000e+00> : vector<64x128xf32>
    %dot_general3A_48 = tpu.matmul %convert_element_type3A_34, %add3A_39, %dot_general3A_47 {dimension_numbers = #tpu.dot_dimension_numbers<[0], [0], [1], [1], [0, 1, 1, 1], [], []>, precision = #tpu.contract_precision<fp32>, transpose_lhs_hint = false} : vector<400x64xf32>, vector<400x128xf32>, vector<64x128xf32> -> vector<64x128xf32>
    %eq3A_49 = arith.constant 0 : i32
    %eq3A_50 = arith.cmpi eq, %arg0, %eq3A_49 : i32
    %convert_element_type3A_51 = arith.extui %eq3A_50 : i1 to i32
    %cond3A = arith.constant 0 : i32
    %cond3A_52 = arith.cmpi ne, %convert_element_type3A_51, %cond3A : i32
    scf.if %cond3A_52 {
      %broadcast_in_dim3A = arith.constant 0.000000e+00 : f32
      %broadcast_in_dim3A_66 = vector.broadcast %broadcast_in_dim3A : f32 to vector<64x128xf32>
      %swap3A_67 = arith.constant 0 : index
      %swap3A_68 = arith.constant 0 : index
      %swap3A_69 = vector.load %arg10[%swap3A_67, %swap3A_68] : memref<64x128xf32, #tpu.memory_space<vmem>>, vector<64x128xf32>
      tpu.vector_store %arg10[%swap3A_67, %swap3A_68], %broadcast_in_dim3A_66 {strides = array<i32>} : memref<64x128xf32, #tpu.memory_space<vmem>>, vector<64x128xf32>,
    } else {
    }
    %get3A_53 = arith.constant 0 : index
    %get3A_54 = arith.constant 0 : index
    %get3A_55 = vector.load %arg10[%get3A_53, %get3A_54] : memref<64x128xf32, #tpu.memory_space<vmem>>, vector<64x128xf32>
    %add3A_56 = arith.addf %get3A_55, %dot_general3A_48 : vector<64x128xf32>
    %swap3A_57 = arith.constant 0 : index
    %swap3A_58 = arith.constant 0 : index
    %swap3A_59 = vector.load %arg10[%swap3A_57, %swap3A_58] : memref<64x128xf32, #tpu.memory_space<vmem>>, vector<64x128xf32>
    tpu.vector_store %arg10[%swap3A_57, %swap3A_58], %add3A_56 {strides = array<i32>} : memref<64x128xf32, #tpu.memory_space<vmem>>, vector<64x128xf32>,
    %get3A_60 = arith.constant 0 : index
    %get3A_61 = arith.constant 0 : index
    %get3A_62 = vector.load %arg10[%get3A_60, %get3A_61] : memref<64x128xf32, #tpu.memory_space<vmem>>, vector<64x128xf32>
    %swap3A_63 = arith.constant 0 : index
    %swap3A_64 = arith.constant 0 : index
    %swap3A_65 = vector.load %arg9[%swap3A_63, %swap3A_64] : memref<64x128xf32, #tpu.memory_space<vmem>>, vector<64x128xf32>
    tpu.vector_store %arg9[%swap3A_63, %swap3A_64], %get3A_62 {strides = array<i32>} : memref<64x128xf32, #tpu.memory_space<vmem>>, vector<64x128xf32>,
    return
  }
  func.func @transform_0(%arg0: i32) -> (i32, i32) {
    %c0_i32 = arith.constant 0 : i32
    %c0_i32_0 = arith.constant 0 : i32
    return %arg0, %c0_i32 : i32, i32
  }
  func.func @transform_1(%arg0: i32) -> (i32, i32) {
    %c0_i32 = arith.constant 0 : i32
    %c0_i32_0 = arith.constant 0 : i32
    return %arg0, %c0_i32 : i32, i32
  }
  func.func @transform_2(%arg0: i32) -> (i32, i32) {
    %c0_i32 = arith.constant 0 : i32
    %c0_i32_0 = arith.constant 0 : i32
    %c0_i32_1 = arith.constant 0 : i32
    return %c0_i32, %c0_i32_0 : i32, i32
  }
  func.func @transform_3(%arg0: i32) -> (i32, i32) {
    %c0_i32 = arith.constant 0 : i32
    %c0_i32_0 = arith.constant 0 : i32
    return %arg0, %c0_i32 : i32, i32
  }
  func.func @transform_4(%arg0: i32) -> (i32, i32) {
    %c0_i32 = arith.constant 0 : i32
    %c0_i32_0 = arith.constant 0 : i32
    %c0_i32_1 = arith.constant 0 : i32
    return %c0_i32, %c0_i32_0 : i32, i32
  }
  func.func @transform_5(%arg0: i32) -> (i32, i32) {
    %c0_i32 = arith.constant 0 : i32
    %c0_i32_0 = arith.constant 0 : i32
    %c0_i32_1 = arith.constant 0 : i32
    return %c0_i32, %c0_i32_0 : i32, i32
  }
  func.func @transform_6(%arg0: i32) -> (i32, i32) {
    %c0_i32 = arith.constant 0 : i32
    %c0_i32_0 = arith.constant 0 : i32
    %c0_i32_1 = arith.constant 0 : i32
    return %c0_i32, %c0_i32_0 : i32, i32
  }
  func.func @transform_7(%arg0: i32) -> (i32, i32) {
    %c0_i32 = arith.constant 0 : i32
    %c0_i32_0 = arith.constant 0 : i32
    return %arg0, %c0_i32 : i32, i32
  }
  func.func @transform_8(%arg0: i32) -> (i32, i32) {
    %c0_i32 = arith.constant 0 : i32
    %c0_i32_0 = arith.constant 0 : i32
    %c0_i32_1 = arith.constant 0 : i32
    return %c0_i32, %c0_i32_0 : i32, i32
  }
}

module attributes {stable_mosaic.version = 14 : i64} {
  func.func @body(%arg0: i32, %arg1: memref<400x128xf32, #tpu.memory_space<vmem>>, %arg2: memref<400x1xi32, #tpu.memory_space<vmem>>, %arg3: memref<64x128xf32, #tpu.memory_space<vmem>>, %arg4: memref<400x1xf32, #tpu.memory_space<vmem>>, %arg5: memref<2x128xf32, #tpu.memory_space<vmem>>, %arg6: memref<1x128xf32, #tpu.memory_space<vmem>>, %arg7: memref<1x128xf32, #tpu.memory_space<vmem>>, %arg8: memref<400x128xf32, #tpu.memory_space<vmem>>, %arg9: memref<64x128xf32, #tpu.memory_space<vmem>>, %arg10: memref<64x128xf32, #tpu.memory_space<vmem>>) attributes {dimension_semantics = [#tpu.dimension_semantics<arbitrary>], iteration_bounds = array<i64: 25>, scalar_prefetch = 0 : i64, scratch_operands = 1 : i64, tpu.core_type = #tpu.core_type<tc>, window_params = [{transform_indices = @transform_0, window_bounds = array<i64: 400, 128>}, {transform_indices = @transform_1, window_bounds = array<i64: 400, 1>}, {pipeline_mode = #tpu.pipeline_mode<synchronous>, transform_indices = @transform_2, window_bounds = array<i64: 64, 128>}, {transform_indices = @transform_3, window_bounds = array<i64: 400, 1>}, {pipeline_mode = #tpu.pipeline_mode<synchronous>, transform_indices = @transform_4, window_bounds = array<i64: 2, 128>}, {pipeline_mode = #tpu.pipeline_mode<synchronous>, transform_indices = @transform_5, window_bounds = array<i64: 1, 128>}, {pipeline_mode = #tpu.pipeline_mode<synchronous>, transform_indices = @transform_6, window_bounds = array<i64: 1, 128>}, {transform_indices = @transform_7, window_bounds = array<i64: 400, 128>}, {pipeline_mode = #tpu.pipeline_mode<synchronous>, transform_indices = @transform_8, window_bounds = array<i64: 64, 128>}]} {
    %get3A = arith.constant 0 : index
    %get3A_0 = arith.constant 0 : index
    %get3A_1 = vector.load %arg5[%get3A, %get3A_0] : memref<2x128xf32, #tpu.memory_space<vmem>>, vector<2x128xf32>
    %slice3A = vector.extract_strided_slice %get3A_1 {offsets = [0, 0], sizes = [1, 128], strides = [1, 1]} : vector<2x128xf32> to vector<1x128xf32>
    %mul3A = arith.constant 9.99999974E-5 : f32
    %mul3A_2 = vector.broadcast %mul3A : f32 to vector<1x128xf32>
    %mul3A_3 = arith.mulf %slice3A, %mul3A_2 : vector<1x128xf32>
    %slice3A_4 = vector.extract_strided_slice %get3A_1 {offsets = [1, 0], sizes = [1, 128], strides = [1, 1]} : vector<2x128xf32> to vector<1x128xf32>
    %mul3A_5 = arith.constant 9.99999974E-5 : f32
    %mul3A_6 = vector.broadcast %mul3A_5 : f32 to vector<1x128xf32>
    %mul3A_7 = arith.mulf %slice3A_4, %mul3A_6 : vector<1x128xf32>
    %mul3A_8 = arith.mulf %mul3A_3, %mul3A_3 : vector<1x128xf32>
    %sub3A = arith.subf %mul3A_7, %mul3A_8 : vector<1x128xf32>
    %get3A_9 = arith.constant 0 : index
    %get3A_10 = arith.constant 0 : index
    %get3A_11 = vector.load %arg1[%get3A_9, %get3A_10] : memref<400x128xf32, #tpu.memory_space<vmem>>, vector<400x128xf32>
    %sub3A_12 = vector.broadcast %mul3A_3 : vector<1x128xf32> to vector<400x128xf32>
    %sub3A_13 = arith.subf %get3A_11, %sub3A_12 : vector<400x128xf32>
    %add3A = arith.constant 9.99999974E-6 : f32
    %add3A_14 = vector.broadcast %add3A : f32 to vector<1x128xf32>
    %add3A_15 = arith.addf %sub3A, %add3A_14 : vector<1x128xf32>
    %rsqrt3A = math.rsqrt %add3A_15 : vector<1x128xf32>
    %mul3A_16 = vector.broadcast %rsqrt3A : vector<1x128xf32> to vector<400x128xf32>
    %mul3A_17 = arith.mulf %sub3A_13, %mul3A_16 : vector<400x128xf32>
    %get3A_18 = arith.constant 0 : index
    %get3A_19 = arith.constant 0 : index
    %get3A_20 = vector.load %arg6[%get3A_18, %get3A_19] : memref<1x128xf32, #tpu.memory_space<vmem>>, vector<1x128xf32>
    %mul3A_21 = vector.broadcast %get3A_20 : vector<1x128xf32> to vector<400x128xf32>
    %mul3A_22 = arith.mulf %mul3A_17, %mul3A_21 : vector<400x128xf32>
    %get3A_23 = arith.constant 0 : index
    %get3A_24 = arith.constant 0 : index
    %get3A_25 = vector.load %arg7[%get3A_23, %get3A_24] : memref<1x128xf32, #tpu.memory_space<vmem>>, vector<1x128xf32>
    %add3A_26 = vector.broadcast %get3A_25 : vector<1x128xf32> to vector<400x128xf32>
    %add3A_27 = arith.addf %mul3A_22, %add3A_26 : vector<400x128xf32>
    %max3A = arith.constant 0.000000e+00 : f32
    %max3A_28 = vector.broadcast %max3A : f32 to vector<400x128xf32>
    %max3A_29 = arith.maximumf %add3A_27, %max3A_28 : vector<400x128xf32>
    %iota3A = tpu.iota {dimensions = array<i32: 1>} : vector<400x64xi32>
    %get3A_30 = arith.constant 0 : index
    %get3A_31 = arith.constant 0 : index
    %get3A_32 = vector.load %arg2[%get3A_30, %get3A_31] : memref<400x1xi32, #tpu.memory_space<vmem>>, vector<400x1xi32>
    %eq3A = vector.broadcast %get3A_32 : vector<400x1xi32> to vector<400x64xi32>
    %eq3A_33 = arith.cmpi eq, %eq3A, %iota3A : vector<400x64xi32>
    %convert_element_type3A = arith.extui %eq3A_33 : vector<400x64xi1> to vector<400x64xi32>
    %convert_element_type3A_34 = arith.sitofp %convert_element_type3A : vector<400x64xi32> to vector<400x64xf32>
    %get3A_35 = arith.constant 0 : index
    %get3A_36 = arith.constant 0 : index
    %get3A_37 = vector.load %arg3[%get3A_35, %get3A_36] : memref<64x128xf32, #tpu.memory_space<vmem>>, vector<64x128xf32>
    %dot_general3A = arith.constant dense<0.000000e+00> : vector<400x128xf32>
    %dot_general3A_38 = tpu.matmul %convert_element_type3A_34, %get3A_37, %dot_general3A {dimension_numbers = #tpu.dot_dimension_numbers<[1], [0], [0], [1], [0, 0, 1, 1], [], []>, precision = #tpu.contract_precision<fp32>, transpose_lhs_hint = false} : vector<400x64xf32>, vector<64x128xf32>, vector<400x128xf32> -> vector<400x128xf32>
    %add3A_39 = arith.addf %max3A_29, %dot_general3A_38 : vector<400x128xf32>
    %get3A_40 = arith.constant 0 : index
    %get3A_41 = arith.constant 0 : index
    %get3A_42 = vector.load %arg4[%get3A_40, %get3A_41] : memref<400x1xf32, #tpu.memory_space<vmem>>, vector<400x1xf32>
    %mul3A_43 = vector.broadcast %get3A_42 : vector<400x1xf32> to vector<400x128xf32>
    %mul3A_44 = arith.mulf %mul3A_43, %add3A_39 : vector<400x128xf32>
    %swap3A = arith.constant 0 : index
    %swap3A_45 = arith.constant 0 : index
    %swap3A_46 = vector.load %arg8[%swap3A, %swap3A_45] : memref<400x128xf32, #tpu.memory_space<vmem>>, vector<400x128xf32>
    tpu.vector_store %arg8[%swap3A, %swap3A_45], %mul3A_44 {strides = array<i32>} : memref<400x128xf32, #tpu.memory_space<vmem>>, vector<400x128xf32>,
    %dot_general3A_47 = arith.constant dense<0.000000e+00> : vector<64x128xf32>
    %dot_general3A_48 = tpu.matmul %convert_element_type3A_34, %add3A_39, %dot_general3A_47 {dimension_numbers = #tpu.dot_dimension_numbers<[0], [0], [1], [1], [0, 1, 1, 1], [], []>, precision = #tpu.contract_precision<fp32>, transpose_lhs_hint = false} : vector<400x64xf32>, vector<400x128xf32>, vector<64x128xf32> -> vector<64x128xf32>
    %eq3A_49 = arith.constant 0 : i32
    %eq3A_50 = arith.cmpi eq, %arg0, %eq3A_49 : i32
    %convert_element_type3A_51 = arith.extui %eq3A_50 : i1 to i32
    %cond3A = arith.constant 0 : i32
    %cond3A_52 = arith.cmpi ne, %convert_element_type3A_51, %cond3A : i32
    scf.if %cond3A_52 {
      %broadcast_in_dim3A = arith.constant 0.000000e+00 : f32
      %broadcast_in_dim3A_66 = vector.broadcast %broadcast_in_dim3A : f32 to vector<64x128xf32>
      %swap3A_67 = arith.constant 0 : index
      %swap3A_68 = arith.constant 0 : index
      %swap3A_69 = vector.load %arg10[%swap3A_67, %swap3A_68] : memref<64x128xf32, #tpu.memory_space<vmem>>, vector<64x128xf32>
      tpu.vector_store %arg10[%swap3A_67, %swap3A_68], %broadcast_in_dim3A_66 {strides = array<i32>} : memref<64x128xf32, #tpu.memory_space<vmem>>, vector<64x128xf32>,
    } else {
    }
    %get3A_53 = arith.constant 0 : index
    %get3A_54 = arith.constant 0 : index
    %get3A_55 = vector.load %arg10[%get3A_53, %get3A_54] : memref<64x128xf32, #tpu.memory_space<vmem>>, vector<64x128xf32>
    %add3A_56 = arith.addf %get3A_55, %dot_general3A_48 : vector<64x128xf32>
    %swap3A_57 = arith.constant 0 : index
    %swap3A_58 = arith.constant 0 : index
    %swap3A_59 = vector.load %arg10[%swap3A_57, %swap3A_58] : memref<64x128xf32, #tpu.memory_space<vmem>>, vector<64x128xf32>
    tpu.vector_store %arg10[%swap3A_57, %swap3A_58], %add3A_56 {strides = array<i32>} : memref<64x128xf32, #tpu.memory_space<vmem>>, vector<64x128xf32>,
    %get3A_60 = arith.constant 0 : index
    %get3A_61 = arith.constant 0 : index
    %get3A_62 = vector.load %arg10[%get3A_60, %get3A_61] : memref<64x128xf32, #tpu.memory_space<vmem>>, vector<64x128xf32>
    %swap3A_63 = arith.constant 0 : index
    %swap3A_64 = arith.constant 0 : index
    %swap3A_65 = vector.load %arg9[%swap3A_63, %swap3A_64] : memref<64x128xf32, #tpu.memory_space<vmem>>, vector<64x128xf32>
    tpu.vector_store %arg9[%swap3A_63, %swap3A_64], %get3A_62 {strides = array<i32>} : memref<64x128xf32, #tpu.memory_space<vmem>>, vector<64x128xf32>,
    return
  }
  func.func @transform_0(%arg0: i32) -> (i32, i32) {
    %c0_i32 = arith.constant 0 : i32
    %c0_i32_0 = arith.constant 0 : i32
    return %arg0, %c0_i32 : i32, i32
  }
  func.func @transform_1(%arg0: i32) -> (i32, i32) {
    %c0_i32 = arith.constant 0 : i32
    %c0_i32_0 = arith.constant 0 : i32
    return %arg0, %c0_i32 : i32, i32
  }
  func.func @transform_2(%arg0: i32) -> (i32, i32) {
    %c0_i32 = arith.constant 0 : i32
    %c0_i32_0 = arith.constant 0 : i32
    %c0_i32_1 = arith.constant 0 : i32
    return %c0_i32, %c0_i32_0 : i32, i32
  }
  func.func @transform_3(%arg0: i32) -> (i32, i32) {
    %c0_i32 = arith.constant 0 : i32
    %c0_i32_0 = arith.constant 0 : i32
    return %arg0, %c0_i32 : i32, i32
  }
  func.func @transform_4(%arg0: i32) -> (i32, i32) {
    %c0_i32 = arith.constant 0 : i32
    %c0_i32_0 = arith.constant 0 : i32
    %c0_i32_1 = arith.constant 0 : i32
    return %c0_i32, %c0_i32_0 : i32, i32
  }
  func.func @transform_5(%arg0: i32) -> (i32, i32) {
    %c0_i32 = arith.constant 0 : i32
    %c0_i32_0 = arith.constant 0 : i32
    %c0_i32_1 = arith.constant 0 : i32
    return %c0_i32, %c0_i32_0 : i32, i32
  }
  func.func @transform_6(%arg0: i32) -> (i32, i32) {
    %c0_i32 = arith.constant 0 : i32
    %c0_i32_0 = arith.constant 0 : i32
    %c0_i32_1 = arith.constant 0 : i32
    return %c0_i32, %c0_i32_0 : i32, i32
  }
  func.func @transform_7(%arg0: i32) -> (i32, i32) {
    %c0_i32 = arith.constant 0 : i32
    %c0_i32_0 = arith.constant 0 : i32
    return %arg0, %c0_i32 : i32, i32
  }
  func.func @transform_8(%arg0: i32) -> (i32, i32) {
    %c0_i32 = arith.constant 0 : i32
    %c0_i32_0 = arith.constant 0 : i32
    %c0_i32_1 = arith.constant 0 : i32
    return %c0_i32, %c0_i32_0 : i32, i32
  }
}

module attributes {stable_mosaic.version = 14 : i64} {
  func.func @body(%arg0: i32, %arg1: memref<400x128xf32, #tpu.memory_space<vmem>>, %arg2: memref<2x128xf32, #tpu.memory_space<vmem>>, %arg3: memref<1x128xf32, #tpu.memory_space<vmem>>, %arg4: memref<1x128xf32, #tpu.memory_space<vmem>>, %arg5: memref<400x128xf32, #tpu.memory_space<vmem>>) attributes {dimension_semantics = [#tpu.dimension_semantics<arbitrary>], iteration_bounds = array<i64: 25>, scalar_prefetch = 0 : i64, scratch_operands = 0 : i64, tpu.core_type = #tpu.core_type<tc>, window_params = [{transform_indices = @transform_0, window_bounds = array<i64: 400, 128>}, {pipeline_mode = #tpu.pipeline_mode<synchronous>, transform_indices = @transform_1, window_bounds = array<i64: 2, 128>}, {pipeline_mode = #tpu.pipeline_mode<synchronous>, transform_indices = @transform_2, window_bounds = array<i64: 1, 128>}, {pipeline_mode = #tpu.pipeline_mode<synchronous>, transform_indices = @transform_3, window_bounds = array<i64: 1, 128>}, {transform_indices = @transform_4, window_bounds = array<i64: 400, 128>}]} {
    %get3A = arith.constant 0 : index
    %get3A_0 = arith.constant 0 : index
    %get3A_1 = vector.load %arg2[%get3A, %get3A_0] : memref<2x128xf32, #tpu.memory_space<vmem>>, vector<2x128xf32>
    %slice3A = vector.extract_strided_slice %get3A_1 {offsets = [0, 0], sizes = [1, 128], strides = [1, 1]} : vector<2x128xf32> to vector<1x128xf32>
    %mul3A = arith.constant 9.99999974E-5 : f32
    %mul3A_2 = vector.broadcast %mul3A : f32 to vector<1x128xf32>
    %mul3A_3 = arith.mulf %slice3A, %mul3A_2 : vector<1x128xf32>
    %slice3A_4 = vector.extract_strided_slice %get3A_1 {offsets = [1, 0], sizes = [1, 128], strides = [1, 1]} : vector<2x128xf32> to vector<1x128xf32>
    %mul3A_5 = arith.constant 9.99999974E-5 : f32
    %mul3A_6 = vector.broadcast %mul3A_5 : f32 to vector<1x128xf32>
    %mul3A_7 = arith.mulf %slice3A_4, %mul3A_6 : vector<1x128xf32>
    %mul3A_8 = arith.mulf %mul3A_3, %mul3A_3 : vector<1x128xf32>
    %sub3A = arith.subf %mul3A_7, %mul3A_8 : vector<1x128xf32>
    %get3A_9 = arith.constant 0 : index
    %get3A_10 = arith.constant 0 : index
    %get3A_11 = vector.load %arg1[%get3A_9, %get3A_10] : memref<400x128xf32, #tpu.memory_space<vmem>>, vector<400x128xf32>
    %sub3A_12 = vector.broadcast %mul3A_3 : vector<1x128xf32> to vector<400x128xf32>
    %sub3A_13 = arith.subf %get3A_11, %sub3A_12 : vector<400x128xf32>
    %add3A = arith.constant 9.99999974E-6 : f32
    %add3A_14 = vector.broadcast %add3A : f32 to vector<1x128xf32>
    %add3A_15 = arith.addf %sub3A, %add3A_14 : vector<1x128xf32>
    %rsqrt3A = math.rsqrt %add3A_15 : vector<1x128xf32>
    %mul3A_16 = vector.broadcast %rsqrt3A : vector<1x128xf32> to vector<400x128xf32>
    %mul3A_17 = arith.mulf %sub3A_13, %mul3A_16 : vector<400x128xf32>
    %get3A_18 = arith.constant 0 : index
    %get3A_19 = arith.constant 0 : index
    %get3A_20 = vector.load %arg3[%get3A_18, %get3A_19] : memref<1x128xf32, #tpu.memory_space<vmem>>, vector<1x128xf32>
    %mul3A_21 = vector.broadcast %get3A_20 : vector<1x128xf32> to vector<400x128xf32>
    %mul3A_22 = arith.mulf %mul3A_17, %mul3A_21 : vector<400x128xf32>
    %get3A_23 = arith.constant 0 : index
    %get3A_24 = arith.constant 0 : index
    %get3A_25 = vector.load %arg4[%get3A_23, %get3A_24] : memref<1x128xf32, #tpu.memory_space<vmem>>, vector<1x128xf32>
    %add3A_26 = vector.broadcast %get3A_25 : vector<1x128xf32> to vector<400x128xf32>
    %add3A_27 = arith.addf %mul3A_22, %add3A_26 : vector<400x128xf32>
    %swap3A = arith.constant 0 : index
    %swap3A_28 = arith.constant 0 : index
    %swap3A_29 = vector.load %arg5[%swap3A, %swap3A_28] : memref<400x128xf32, #tpu.memory_space<vmem>>, vector<400x128xf32>
    tpu.vector_store %arg5[%swap3A, %swap3A_28], %add3A_27 {strides = array<i32>} : memref<400x128xf32, #tpu.memory_space<vmem>>, vector<400x128xf32>,
    return
  }
  func.func @transform_0(%arg0: i32) -> (i32, i32) {
    %c0_i32 = arith.constant 0 : i32
    %c0_i32_0 = arith.constant 0 : i32
    return %arg0, %c0_i32 : i32, i32
  }
  func.func @transform_1(%arg0: i32) -> (i32, i32) {
    %c0_i32 = arith.constant 0 : i32
    %c0_i32_0 = arith.constant 0 : i32
    %c0_i32_1 = arith.constant 0 : i32
    return %c0_i32, %c0_i32_0 : i32, i32
  }
  func.func @transform_2(%arg0: i32) -> (i32, i32) {
    %c0_i32 = arith.constant 0 : i32
    %c0_i32_0 = arith.constant 0 : i32
    %c0_i32_1 = arith.constant 0 : i32
    return %c0_i32, %c0_i32_0 : i32, i32
  }
  func.func @transform_3(%arg0: i32) -> (i32, i32) {
    %c0_i32 = arith.constant 0 : i32
    %c0_i32_0 = arith.constant 0 : i32
    %c0_i32_1 = arith.constant 0 : i32
    return %c0_i32, %c0_i32_0 : i32, i32
  }
  func.func @transform_4(%arg0: i32) -> (i32, i32) {
    %c0_i32 = arith.constant 0 : i32
    %c0_i32_0 = arith.constant 0 : i32
    return %arg0, %c0_i32 : i32, i32
  }
}

</mosaic_0001>

<sc_bundles>
// kernel: kernel.18.cloned.1.call-start
scs
__scs_entry_jumppad:
0x0: {  	(pc) =	sbr.rel $0x88, $3  }
0x1: {  	(tag) =	ssettag $0x0;
	lr =	simm.s32 $0x1  }
0x2: {  	[smem:$0x3F7E] =	sst lr;
	_ =	strace $0xD0000000  }
0x3: {  	_ = 	snop  }
0x4: {  	_ = 	snop  }
0x5: {  	_ = 	snop  }
0x6: {  	_ = 	snop  }
0x7: {  	_ = 	snop  }
__scs_overlays_trampoline_lowered:
0x8: {  	[smem:$0x3F8D] =	sst s0  }
0x9: {  	[smem:$0x3F8E] =	sst s1  }
0xa: {  	[smem:$0x3F8F] =	sst s2  }
0xb: {  	[smem:$0x3F90] =	sst s3  }
0xc: {  	[smem:$0x3F91] =	sst s4  }
0xd: {  	[smem:$0x3F92] =	sst s5  }
0xe: {  	[smem:$0x3F93] =	sst s6  }
0xf: {  	[smem:$0x3F94] =	sst s7  }
0x10: {  	[smem:$0x3F95] =	sst s8  }
0x11: {  	[smem:$0x3F96] =	sst s9;
	s0 =	simm.s32 @!p0 $0x0  }
0x12: {  	s1 =	sld [smem:$0x3F7C];
	s0 =	simm.s32 @p0 $0x1  }
0x13: {  	[smem:$0x3F97] =	sst s0;
	s0 =	simm.s32 @!p1 $0x0  }
0x14: {  	s2 =	sld [smem:$0x3F7B];
	s0 =	simm.s32 @p1 $0x1  }
0x15: {  	[smem:$0x3F98] =	sst s0;
	s0 =	simm.s32 @!p2 $0x0  }
0x16: {  	s3 =	sld [smem:$0x3FDB];
	s0 =	simm.s32 @p2 $0x1  }
0x17: {  	s4 =	simm.s32 $0x1BF5;
	[smem:$0x3F9A] =	sst s0  }
0x18: {  	s0 =	sld [smem:$0x3F7D];
	_ =	swait.ge [sflag:s4], $0x0  }
0x19: {  	s7 =	sld [smem:$0x3F7E]  }
0x1a: {  	s8 =	sadd.s32 $0xFFFFE003, lr  }
0x1b: {  	s9 =	sadd.s32 $0xFFFFFEF7, lr;
	s5 =	simm.s32 $0xFFFFFFFF;
	p2 =	slt.u32 s8, $0xFFFFF086  }
0x1c: {  	p1 =	slt.u32 s9, $0xF7A;
	s5 =	simm.s32 @!p2 $0x0  }
0x1d: {  	s5 =	simm.s32 @p1 $0x1;
	p0 =	seq.s32 s7, s2  }
0x1e: {  	s7 =	smul.u32 @!p0 $0xF7A, s2;
	p2 =	seq.s32 @!p0 s5, $0x0  }
0x1f: {  	s9 =	smul.u32 $0xF7A, s1;
	s8 =	simm.s32 @!p0 $0x1BF5;
	p2 =	por !p2, p0  }
0x20: {  	[sflag:s8] =	ssyncset.s32 @!p0 $0xFFFFF086;
	s6 =	sadd.s32 @!p0 s3, s7;
	s7 =	simm.s32 @!p0 $0x108  }
0x21: {  	s3 =	sadd.s32 s3, s9;
	s6 =	sadd.s32 @!p0 $0x88, s6;
	s7 =	simm.s32 @p2 $0x1082  }
0x22: {  	[simem:s7], [sflag:s8] =	dma.local @!p0 [hbm:s6], $0xF7A  }
0x23: {  	s9 =	sor.u32 $0xD0000000, s2;
	s6 =	simm.s32 $0x108;
	_ =	swait.ge @!p0 [sflag:s8], $0x0  }
0x24: {  	s3 =	sadd.s32 $0x88, s3;
	s6 =	simm.s32 @!p1 $0x1082;
	[sflag:s4] =	ssyncset.s32 $0xFFFFF086  }
0x25: {  	[simem:s6], [sflag:s4] =	dma.local [hbm:s3], $0xF7A  }
0x26: {  	[smem:$0x3F7E] =	sst s1;
	(tag) =	ssettag s2;
	_ =	strace s9  }
0x27: {  	s1 =	sld [smem:$0x3F8E]  }
0x28: {  	s2 =	sld [smem:$0x3F8F]  }
0x29: {  	s4 =	sld [smem:$0x3F91]  }
0x2a: {  	p0 =	seq.s32 s5, $0x0;
	s5 =	sld [smem:$0x3F92]  }
0x2b: {  	s6 =	sld [smem:$0x3F93]  }
0x2c: {  	s7 =	sld [smem:$0x3F94]  }
0x2d: {  	s3 =	simm.s32 $0x108;
	s8 =	sld [smem:$0x3F95]  }
0x2e: {  	s3 =	simm.s32 @!p0 $0x1082;
	s9 =	sld [smem:$0x3F96]  }
0x2f: {  	lr =	sadd.s32 s0, s3;
	s0 =	sld [smem:$0x3F8D]  }
0x30: {  	s3 =	sld [smem:$0x3F90]  }
0x31: {  	[smem:$0x3F99] =	sst s10  }
0x32: {  	s10 =	sld [smem:$0x3F97];
	_ =	sdelay $0x3  }
0x33: {  	p0 =	seq.s32 s10, $0x1;
	s10 =	sld [smem:$0x3F99];
	_ =	sdelay $0x3  }
0x34: {  	[smem:$0x3F99] =	sst s10  }
0x35: {  	s10 =	sld [smem:$0x3F98];
	_ =	sdelay $0x3  }
0x36: {  	p1 =	seq.s32 s10, $0x1;
	s10 =	sld [smem:$0x3F99];
	_ =	sdelay $0x3  }
0x37: {  	[smem:$0x3F99] =	sst s10  }
0x38: {  	s10 =	sld [smem:$0x3F9A]  }
0x39: {  	_ = 	snop;
	(pc) =	sbr.ind lr, $3  }
0x3a: {  	_ = 	snop  }
0x3b: {  	_ = 	snop  }
0x3c: {  	p2 =	seq.s32 s10, $0x1;
	s10 =	sld [smem:$0x3F99]  }
0x3d: {  	_ =	shalt  }
0x3e: {  	_ =	shalt  }
0x3f: {  	_ =	shalt  }
0x40: {  	_ =	shalt  }
0x41: {  	_ =	shalt  }
0x42: {  	_ =	shalt  }
0x43: {  	_ =	shalt  }
0x44: {  	_ =	shalt  }
0x45: {  	_ =	shalt  }
0x46: {  	_ =	shalt  }
0x47: {  	_ =	shalt  }
0x48: {  	_ =	shalt  }
0x49: {  	_ =	shalt  }
0x4a: {  	_ =	shalt  }
0x4b: {  	_ =	shalt  }
0x4c: {  	_ =	shalt  }
0x4d: {  	_ =	shalt  }
0x4e: {  	_ =	shalt  }
0x4f: {  	_ =	shalt  }
0x50: {  	_ =	shalt  }
0x51: {  	_ =	shalt  }
0x52: {  	_ =	shalt  }
0x53: {  	_ =	shalt  }
0x54: {  	_ =	shalt  }
0x55: {  	_ =	shalt  }
0x56: {  	_ =	shalt  }
0x57: {  	_ =	shalt  }
0x58: {  	_ =	shalt  }
0x59: {  	_ =	shalt  }
0x5a: {  	_ =	shalt  }
0x5b: {  	_ =	shalt  }
0x5c: {  	_ =	shalt  }
0x5d: {  	_ =	shalt  }
0x5e: {  	_ =	shalt  }
0x5f: {  	_ =	shalt  }
0x60: {  	_ =	shalt  }
0x61: {  	_ =	shalt  }
0x62: {  	_ =	shalt  }
0x63: {  	_ =	shalt  }
0x64: {  	_ =	shalt  }
0x65: {  	_ =	shalt  }
0x66: {  	_ =	shalt  }
0x67: {  	_ =	shalt  }
0x68: {  	_ =	shalt  }
0x69: {  	_ =	shalt  }
0x6a: {  	_ =	shalt  }
0x6b: {  	_ =	shalt  }
0x6c: {  	_ =	shalt  }
0x6d: {  	_ =	shalt  }
0x6e: {  	_ =	shalt  }
0x6f: {  	_ =	shalt  }
0x70: {  	_ =	shalt  }
0x71: {  	_ =	shalt  }
0x72: {  	_ =	shalt  }
0x73: {  	_ =	shalt  }
0x74: {  	_ =	shalt  }
0x75: {  	_ =	shalt  }
0x76: {  	_ =	shalt  }
0x77: {  	_ =	shalt  }
0x78: {  	_ =	shalt  }
0x79: {  	_ =	shalt  }
0x7a: {  	_ =	shalt  }
0x7b: {  	_ =	shalt  }
0x7c: {  	_ =	shalt  }
0x7d: {  	_ =	shalt  }
0x7e: {  	_ =	shalt  }
0x7f: {  	_ =	shalt  }
0x80: {  	_ =	shalt  }
0x81: {  	_ =	shalt  }
0x82: {  	_ =	shalt  }
0x83: {  	_ =	shalt  }
0x84: {  	_ =	shalt  }
0x85: {  	_ =	shalt  }
0x86: {  	_ =	shalt  }
0x87: {  	_ =	shalt  }
.Lfunc_end0:
.L_simem_size_0:
called_computation_lowered:
.L_overlay_start_0:
0x88: {  	s2 =	sld [smem:$0x3FD9]  }
0x89: {  	s3 =	sld [smem:$0x3FFE];
	_ =	sdelay $0x1  }
0x8a: {  	s1 =	srdreg.scid  }
0x8b: {  	s0 =	sand.u32 $0x1, s1  }
0x8c: {  	s17 =	sshll.u32 s0, $0xA;
	s2 =	sadd.s32 s3, s2  }
0x8d: {  	s2 =	sadd.s32 s2, s17  }
0x8e: {  	[smem:$0x3FA5] =	sst s2  }
0x8f: {  	_ = 	snop  }
0x90: {  	s2 =	sld [smem:$0x3FD0];
	(tm) =	ssettm $0x1  }
0x91: {  	s18 =	sld [smem:$0x3FFB];
	_ =	sdelay $0x3  }
0x92: {  	_ =	strace s18  }
0x93: {  	s3 =	sld [smem:$0x3FFC];
	_ =	sdelay $0x3  }
0x94: {  	_ =	strace s3  }
0x95: {  	s3 =	sld [smem:$0x3FFD];
	_ =	sdelay $0x3  }
0x96: {  	_ =	strace s3  }
0x97: {  	_ =	strace $0x8FFFFFFF  }
0x98: {  	s19 =	sld [smem:$0x3FDB];
	_ =	sdelay $0x1  }
0x99: {  	s4 =	simm.s32 $_scs_section_size  }
0x9a: {  	s5 =	simm.s32 $_size__tile_overlayer_lowered;
	s6 =	simm.s32 $_tile_overlayer_lowered  }
0x9b: {  	s22 =	simm.s32 $0x1BFF;
	s21 =	sshll.u32 s6, $0x1;
	s3 =	sadd.s32 s4, s19  }
0x9c: {  	s7 =	simm.s32 $0x0;
	s20 =	sshll.u32 s5, $0x1;
	s5 =	sadd.s32 s21, s3  }
0x9d: {  	[timem:s7], [sflag:s22] =	dma.local [hbm:s5], s20  }
0x9e: {  	_ =	swait.ge [sflag:s22], s20  }
0x9f: {  	s4 =	ssub.s32 $0x0, s20;
	[sflag:s22] =	ssyncset.done $0x0  }
0xa0: {  	[sflag:s22] =	ssyncadd.s32 s4;
	_ =	sdelay $0x1  }
0xa1: {  	s23 =	simm.s32 $0x1B8B  }
0xa2: {  	_ =	swait.ge [sflag:s23], $0x1  }
0xa3: {  	[sflag:s23] =	ssyncset.done $0x0  }
0xa4: {  	s25 =	simm.s32 $0x1B8E;
	s24 =	sld [smem:$0x3FFE];
	[sflag:s23] =	ssyncadd.s32 $0xFFFFFFFF  }
0xa5: {  	s26 =	simm.s32 $execute0_lowered;
	[smem:$0x3FD2] =	sst s25  }
0xa6: {  	s5 =	sshll.u32 s26, $0x1;
	_ =	strace $0x80000046;
	[dreg:$0x1] =	wrdreg $0xFFFFFFFF  }
0xa7: {  	s28 =	simm.s32 $_size_execute0_lowered;
	s3 =	sadd.s32 s3, s5;
	[dreg:$0x0] =	wrdreg $0x0  }
0xa8: {  	s5 =	sshll.u32 s28, $0x1;
	[dreg:$0x2] =	wrdreg s3  }
0xa9: {  	[dreg:$0x3] =	wrdreg s5  }
0xaa: {  	[dreg:$0x4] =	wrdreg $0xC0  }
0xab: {  	_ =	task [dreg:s7], $0x5FFFF  }
0xac: {  	[dreg:$0x1] =	wrdreg $0xFFFFFFFF  }
0xad: {  	[dreg:$0x0] =	wrdreg $0x60  }
0xae: {  	[dreg:$0x2] =	wrdreg s24  }
0xaf: {  	[dreg:$0x3] =	wrdreg s2  }
0xb0: {  	[dreg:$0x4] =	wrdreg $0x28800  }
0xb1: {  	[dreg:$0x5] =	wrdreg $0x9  }
0xb2: {  	_ =	task.clear_ibuf [dreg:s7], $0x6FFFF;
	_ =	strace $0x90000046  }
0xb3: {  	s29 =	simm.s32 $0x9;
	_ =	strace $0x80000048  }
0xb4: {  	_ =	swait.ge [sflag:s29], $0x1  }
0xb5: {  	[sflag:s29] =	ssyncadd.s32 $0xFFFFFFFF  }
0xb6: {  	_ =	strace $0x90000048  }
0xb7: {  	_ =	sfence  }
0xb8: {  	s30 =	sld [smem:$0x0];
	_ =	sdelay $0x2  }
0xb9: {  	s31 =	sshll.u32 s1, $0xD;
	s1 =	sshrl.u32 s1, $0x2  }
0xba: {  	s3 =	sand.u32 $0x4000, s31;
	s1 =	sadd.s32 s1, s30  }
0xbb: {  	s0 =	sor.u32 s3, s0;
	s1 =	sshll.u32 s1, $0x11  }
0xbc: {  	s0 =	sor.u32 s1, s0  }
0xbd: {  	s0 =	sadd.s32 $0x8F2B, s0  }
0xbe: {  	[sflag:s0] =	ssyncadd.remote.s32 $0x1  }
0xbf: {  	_ =	sfence.sel $0xFFFF  }
0xc0: {  	[dreg:$0x0] =	wrdreg $0xFFFFFFFF;
	(pc) =	sbr.abs _section_cstart, $3  }
0xc1: {  	[dreg:$0x1] =	wrdreg $0xFFFFFFFF  }
0xc2: {  	_ =	task.clear_ibuf [dreg:s7], $0x2FFFF;
	_ =	strace $0x9FFFFFFF  }
0xc3: {  	(tm) =	ssettm $0x7FFFFFFF  }
tec
execute0_lowered:
.L_overlay_start_1:
0x0: {  	(tag) =	ssettag $0x1  }
0x1: {  	s0 =	srdreg.scid;
	s7 =	stileid.u32  }
0x2: {  	s4 =	rddreg [dreg:$0x0];
	s8 =	sand.u32 $0x1, s0;
	s31 =	sshll.u32 s7, $0x1  }
0x3: {  	s9 =	rddreg [dreg:$0x1];
	s0 =	sor.u32 s8, s31  }
0x4: {  	s1 =	rddreg [dreg:$0x2];
	s11 =	simm.s32 $0x50;
	s2 =	smul.u32 $0x48, s0  }
0x5: {  	s10 =	ssub.s32 $0x2, s8;
	s8 =	sshll.u32 s8, $0x4;
	s3 =	smul.u32 $0x50, s0  }
0x6: {  	p0 =	slt.u32 s0, $0x19;
	s0 =	rddreg [dreg:$0x3];
	s12 =	sshrl.u32 s10, $0x1  }
0x7: {  	s11 =	simm.s32 @!p0 $0x48;
	s10 =	ssub.s32 s10, s12;
	s5 =	sadd.s32 $0xC8, s2  }
0x8: {  	s12 =	simm.s32 $0x0;
	s2 =	simm.s32 $0x0;
	s5 =	smov.u32 @p0 s3  }
0x9: {  	[smem:$0x7FF] =	sst s2;
	p0 =	sne.s32 s7, $0x0;
	s7 =	sadd.s32 s9, s8  }
0xa: {  	s8 =	smax.u32 s10, $0x1;
	s10 =	simm.s32 $0x2800;
	s3 =	sshll.u32 s5, $0x4  }
0xb: {  	_ =	strace $0x80000047;
	s5 =	ssub.s32 $0x9C4, s5;
	s9 =	sshrl.u32 @!p0 s1, $0x3  }
0xc: {  	s6 =	sadd.s32 s3, s4;
	s3 =	sadd.s32 $0x12000, s4;
	s4 =	sadd.s32 $0x12200, s4  }
0xd: {  	s5 =	smin.u32 s11, s5;
	s11 =	simm.s32 $0x1;
	s6 =	sadd.s32 $0x8200, s6  }
.LBB2_1:
0xe: {  	s13 =	simm.s32 @!p0 $0x1C01  }
0xf: {  	[spmem:s9], [sflag:s13] =	dma.local @!p0 [hbm:s4], $0x4F0  }
0x10: {  	s13 =	simm.s32 @!p0 $0x1  }
0x11: {  	_ =	swait.ge @!p0 [sflag:s13], $0x4F0  }
0x12: {  	[sflag:s13] =	ssyncset.done @!p0 $0x0  }
0x13: {  	[sflag:s13] =	ssyncadd.s32 @!p0 $0xFFFFFB10  }
0x14: {  	[tilespmem:s10], [sflag:$0x1] =	stream.linear.gather [hbm4b:s3+s2], $0x80, $0x38;
	[tilespmem:$0x2AF8] =	vst v63  }
0x15: {  	_ =	swait.ge [sflag:s11], $0x80  }
0x16: {  	[sflag:s11] =	ssyncset.done $0x0  }
0x17: {  	[sflag:s11] =	ssyncadd.s32 $0xFFFFFF80  }
0x18: {  	[tilespmem:s2], [sflag:$0x1] =	stream.linear.gather [hbm4b:s6+s2], $0x2800, $0x38;
	[tilespmem:$0x2AF8] =	vst v63  }
0x19: {  	_ =	swait.ge [sflag:s11], $0x2800  }
0x1a: {  	p1 =	sle.u32 s5, $0x0;
	[sflag:s11] =	ssyncset.done $0x0  }
0x1b: {  	s14 =	simm.s32 @!p1 $0x2800;
	[sflag:s11] =	ssyncadd.s32 $0xFFFFD800  }
0x1c: {  	s15 =	simm.s32 @!p1 $0x1;
	s13 =	simm.s32 @!p1 $0x80;
	[bflag:$0x0] =	sbarrier.arrive $0xFFFF  }
0x1d: {  	[spmem:s1] =	stream.indirect.scatter.add.f32 @!p1 [tilespmem:s14], [sflag:$0x1], $0x1, s2, s13, $0xb8;
	[tilespmem:$0x2AF8] =	vst v63  }
0x1e: {  	_ =	swait.ge @!p1 [sflag:s15], $0x80  }
0x1f: {  	s13 =	simm.s32 $0x1;
	s14 =	simm.s32 $0x0;
	[sflag:s15] =	ssyncset.done @!p1 $0x0  }
.LBB2_2:
0x20: {  	[sflag:s15] =	ssyncadd.s32 @!p1 $0xFFFFFF80;
	s15 =	smov.u32 s13;
	s13 =	sadd.s32 $0x1, s13  }
0x21: {  	s14 =	sadd.s32 $0x80, s14;
	p2 =	sne.s32 s13, $0x50  }
.Ltmp0:
0x22: {  	p1 =	sge.u32 s15, s5;
	(pc) =	sbr.rel @p2 .LBB2_2-.Ltmp0, $4  }
0x23: {  	s16 =	simm.s32 @!p1 $0x80;
	s17 =	simm.s32 @!p1 $0x2800;
	s15 =	simm.s32 @!p1 $0x1  }
0x24: {  	[spmem:s1] =	stream.indirect.scatter.add.f32 @!p1 [tilespmem:s17], [sflag:$0x1], $0x1, s14, s16, $0xb8;
	[tilespmem:$0x2AF8] =	vst v63  }
0x25: {  	_ =	swait.ge @!p1 [sflag:s15], $0x80  }
0x26: {  	[sflag:s15] =	ssyncset.done @!p1 $0x0  }
0x27: {  	[sflag:s15] =	ssyncadd.s32 @!p1 $0xFFFFFF80;
	s13 =	simm.s32 @!p0 $0x1;
	s12 =	sadd.s32 $0x1, s12  }
0x28: {  	s14 =	simm.s32 @!p0 $0x20;
	s15 =	simm.s32 @!p0 $0x10;
	p1 =	sne.s32 s12, s8  }
.Ltmp1:
0x29: {  	s16 =	simm.s32 @!p0 $0x1C01;
	[bflag:$0x0] =	sbarrier.arrive $0xFFFF;
	(pc) =	sbr.rel @p1 .LBB2_1-.Ltmp1, $4  }
0x2a: {  	[hbm:s7@s14], [sflag:s16] =	dma.strided @!p0 [spmem:s9@s15], $0x4F0, s13, $0x10   }
0x2b: {  	_ =	swait.ge @!p0 [sflag:s13], $0x4F0  }
0x2c: {  	[sflag:s13] =	ssyncset.done @!p0 $0x0  }
0x2d: {  	[sflag:s13] =	ssyncadd.s32 @!p0 $0xFFFFFB10  }
0x2e: {  	_ =	sfence.sel $0x180000  }
0x2f: {  	[bflag:$0x0] =	sbarrier.arrive $0xFFFF  }
0x30: {  	_ =	strace $0x90000047  }
0x31: {  	s0 =	sadd.s32 @!p0 $0x100000, s0;
	[bflag:$0x2] =	sbarrier.arrive $0xFFFF  }
0x32: {  	[sflag:s0] =	ssyncadd.tile.s32 @!p0 $0x1;
	_ =	shalt  }
.Lfunc_end2:
_tile_overlayer_lowered:
.L_overlay_start_2:
0x33: {  	(tag) =	ssettag $0x2  }
0x34: {  	s0 =	rddreg [dreg:$0x0];
	s2 =	stileid.u32  }
0x35: {  	s1 =	rddreg [dreg:$0x1];
	p0 =	sne.s32 s2, $0x0  }
0x36: {  	s3 =	rddreg [dreg:$0x2];
	[bflag:$0x3] =	sbarrier.arrive $0xFFFF;
	s2 =	simm.s32 @!p0 $0x1C01  }
0x37: {  	[timem:s3], [sflag:s2] =	dma.local @!p0 [hbm:s0], s1  }
0x38: {  	s0 =	simm.s32 @!p0 $0x1  }
0x39: {  	_ =	swait.ge @!p0 [sflag:s0], s1  }
0x3a: {  	s1 =	ssub.s32 @!p0 $0x0, s1;
	[sflag:s0] =	ssyncset.done @!p0 $0x0  }
0x3b: {  	[sflag:s0] =	ssyncadd.s32 @!p0 s1  }
0x3c: {  	[bflag:$0x3] =	sbarrier.arrive $0xFFFF  }
0x3d: {  	_ =	shalt  }

// kernel: kernel.21.cloned.1.call-start
scs
__scs_entry_jumppad:
0x0: {  	(pc) =	sbr.rel $0x88, $3  }
0x1: {  	(tag) =	ssettag $0x0;
	lr =	simm.s32 $0x1  }
0x2: {  	[smem:$0x3F7E] =	sst lr;
	_ =	strace $0xD0000000  }
0x3: {  	_ = 	snop  }
0x4: {  	_ = 	snop  }
0x5: {  	_ = 	snop  }
0x6: {  	_ = 	snop  }
0x7: {  	_ = 	snop  }
__scs_overlays_trampoline_lowered:
0x8: {  	[smem:$0x3F8D] =	sst s0  }
0x9: {  	[smem:$0x3F8E] =	sst s1  }
0xa: {  	[smem:$0x3F8F] =	sst s2  }
0xb: {  	[smem:$0x3F90] =	sst s3  }
0xc: {  	[smem:$0x3F91] =	sst s4  }
0xd: {  	[smem:$0x3F92] =	sst s5  }
0xe: {  	[smem:$0x3F93] =	sst s6  }
0xf: {  	[smem:$0x3F94] =	sst s7  }
0x10: {  	[smem:$0x3F95] =	sst s8  }
0x11: {  	[smem:$0x3F96] =	sst s9;
	s0 =	simm.s32 @!p0 $0x0  }
0x12: {  	s1 =	sld [smem:$0x3F7C];
	s0 =	simm.s32 @p0 $0x1  }
0x13: {  	[smem:$0x3F97] =	sst s0;
	s0 =	simm.s32 @!p1 $0x0  }
0x14: {  	s2 =	sld [smem:$0x3F7B];
	s0 =	simm.s32 @p1 $0x1  }
0x15: {  	[smem:$0x3F98] =	sst s0;
	s0 =	simm.s32 @!p2 $0x0  }
0x16: {  	s3 =	sld [smem:$0x3FDB];
	s0 =	simm.s32 @p2 $0x1  }
0x17: {  	s4 =	simm.s32 $0x1BF5;
	[smem:$0x3F9A] =	sst s0  }
0x18: {  	s0 =	sld [smem:$0x3F7D];
	_ =	swait.ge [sflag:s4], $0x0  }
0x19: {  	s7 =	sld [smem:$0x3F7E]  }
0x1a: {  	s8 =	sadd.s32 $0xFFFFE003, lr  }
0x1b: {  	s9 =	sadd.s32 $0xFFFFFEF7, lr;
	s5 =	simm.s32 $0xFFFFFFFF;
	p2 =	slt.u32 s8, $0xFFFFF086  }
0x1c: {  	p1 =	slt.u32 s9, $0xF7A;
	s5 =	simm.s32 @!p2 $0x0  }
0x1d: {  	s5 =	simm.s32 @p1 $0x1;
	p0 =	seq.s32 s7, s2  }
0x1e: {  	s7 =	smul.u32 @!p0 $0xF7A, s2;
	p2 =	seq.s32 @!p0 s5, $0x0  }
0x1f: {  	s9 =	smul.u32 $0xF7A, s1;
	s8 =	simm.s32 @!p0 $0x1BF5;
	p2 =	por !p2, p0  }
0x20: {  	[sflag:s8] =	ssyncset.s32 @!p0 $0xFFFFF086;
	s6 =	sadd.s32 @!p0 s3, s7;
	s7 =	simm.s32 @!p0 $0x108  }
0x21: {  	s3 =	sadd.s32 s3, s9;
	s6 =	sadd.s32 @!p0 $0x88, s6;
	s7 =	simm.s32 @p2 $0x1082  }
0x22: {  	[simem:s7], [sflag:s8] =	dma.local @!p0 [hbm:s6], $0xF7A  }
0x23: {  	s9 =	sor.u32 $0xD0000000, s2;
	s6 =	simm.s32 $0x108;
	_ =	swait.ge @!p0 [sflag:s8], $0x0  }
0x24: {  	s3 =	sadd.s32 $0x88, s3;
	s6 =	simm.s32 @!p1 $0x1082;
	[sflag:s4] =	ssyncset.s32 $0xFFFFF086  }
0x25: {  	[simem:s6], [sflag:s4] =	dma.local [hbm:s3], $0xF7A  }
0x26: {  	[smem:$0x3F7E] =	sst s1;
	(tag) =	ssettag s2;
	_ =	strace s9  }
0x27: {  	s1 =	sld [smem:$0x3F8E]  }
0x28: {  	s2 =	sld [smem:$0x3F8F]  }
0x29: {  	s4 =	sld [smem:$0x3F91]  }
0x2a: {  	p0 =	seq.s32 s5, $0x0;
	s5 =	sld [smem:$0x3F92]  }
0x2b: {  	s6 =	sld [smem:$0x3F93]  }
0x2c: {  	s7 =	sld [smem:$0x3F94]  }
0x2d: {  	s3 =	simm.s32 $0x108;
	s8 =	sld [smem:$0x3F95]  }
0x2e: {  	s3 =	simm.s32 @!p0 $0x1082;
	s9 =	sld [smem:$0x3F96]  }
0x2f: {  	lr =	sadd.s32 s0, s3;
	s0 =	sld [smem:$0x3F8D]  }
0x30: {  	s3 =	sld [smem:$0x3F90]  }
0x31: {  	[smem:$0x3F99] =	sst s10  }
0x32: {  	s10 =	sld [smem:$0x3F97];
	_ =	sdelay $0x3  }
0x33: {  	p0 =	seq.s32 s10, $0x1;
	s10 =	sld [smem:$0x3F99];
	_ =	sdelay $0x3  }
0x34: {  	[smem:$0x3F99] =	sst s10  }
0x35: {  	s10 =	sld [smem:$0x3F98];
	_ =	sdelay $0x3  }
0x36: {  	p1 =	seq.s32 s10, $0x1;
	s10 =	sld [smem:$0x3F99];
	_ =	sdelay $0x3  }
0x37: {  	[smem:$0x3F99] =	sst s10  }
0x38: {  	s10 =	sld [smem:$0x3F9A]  }
0x39: {  	_ = 	snop;
	(pc) =	sbr.ind lr, $3  }
0x3a: {  	_ = 	snop  }
0x3b: {  	_ = 	snop  }
0x3c: {  	p2 =	seq.s32 s10, $0x1;
	s10 =	sld [smem:$0x3F99]  }
0x3d: {  	_ =	shalt  }
0x3e: {  	_ =	shalt  }
0x3f: {  	_ =	shalt  }
0x40: {  	_ =	shalt  }
0x41: {  	_ =	shalt  }
0x42: {  	_ =	shalt  }
0x43: {  	_ =	shalt  }
0x44: {  	_ =	shalt  }
0x45: {  	_ =	shalt  }
0x46: {  	_ =	shalt  }
0x47: {  	_ =	shalt  }
0x48: {  	_ =	shalt  }
0x49: {  	_ =	shalt  }
0x4a: {  	_ =	shalt  }
0x4b: {  	_ =	shalt  }
0x4c: {  	_ =	shalt  }
0x4d: {  	_ =	shalt  }
0x4e: {  	_ =	shalt  }
0x4f: {  	_ =	shalt  }
0x50: {  	_ =	shalt  }
0x51: {  	_ =	shalt  }
0x52: {  	_ =	shalt  }
0x53: {  	_ =	shalt  }
0x54: {  	_ =	shalt  }
0x55: {  	_ =	shalt  }
0x56: {  	_ =	shalt  }
0x57: {  	_ =	shalt  }
0x58: {  	_ =	shalt  }
0x59: {  	_ =	shalt  }
0x5a: {  	_ =	shalt  }
0x5b: {  	_ =	shalt  }
0x5c: {  	_ =	shalt  }
0x5d: {  	_ =	shalt  }
0x5e: {  	_ =	shalt  }
0x5f: {  	_ =	shalt  }
0x60: {  	_ =	shalt  }
0x61: {  	_ =	shalt  }
0x62: {  	_ =	shalt  }
0x63: {  	_ =	shalt  }
0x64: {  	_ =	shalt  }
0x65: {  	_ =	shalt  }
0x66: {  	_ =	shalt  }
0x67: {  	_ =	shalt  }
0x68: {  	_ =	shalt  }
0x69: {  	_ =	shalt  }
0x6a: {  	_ =	shalt  }
0x6b: {  	_ =	shalt  }
0x6c: {  	_ =	shalt  }
0x6d: {  	_ =	shalt  }
0x6e: {  	_ =	shalt  }
0x6f: {  	_ =	shalt  }
0x70: {  	_ =	shalt  }
0x71: {  	_ =	shalt  }
0x72: {  	_ =	shalt  }
0x73: {  	_ =	shalt  }
0x74: {  	_ =	shalt  }
0x75: {  	_ =	shalt  }
0x76: {  	_ =	shalt  }
0x77: {  	_ =	shalt  }
0x78: {  	_ =	shalt  }
0x79: {  	_ =	shalt  }
0x7a: {  	_ =	shalt  }
0x7b: {  	_ =	shalt  }
0x7c: {  	_ =	shalt  }
0x7d: {  	_ =	shalt  }
0x7e: {  	_ =	shalt  }
0x7f: {  	_ =	shalt  }
0x80: {  	_ =	shalt  }
0x81: {  	_ =	shalt  }
0x82: {  	_ =	shalt  }
0x83: {  	_ =	shalt  }
0x84: {  	_ =	shalt  }
0x85: {  	_ =	shalt  }
0x86: {  	_ =	shalt  }
0x87: {  	_ =	shalt  }
.Lfunc_end0:
.L_simem_size_0:
called_computation.1_lowered:
.L_overlay_start_0:
0x88: {  	s2 =	sld [smem:$0x3FD9]  }
0x89: {  	s3 =	sld [smem:$0x3FFE];
	_ =	sdelay $0x1  }
0x8a: {  	s1 =	srdreg.scid  }
0x8b: {  	s0 =	sand.u32 $0x1, s1  }
0x8c: {  	s16 =	sshll.u32 s0, $0xA;
	s2 =	sadd.s32 s3, s2  }
0x8d: {  	s2 =	sadd.s32 s2, s16  }
0x8e: {  	[smem:$0x3FA5] =	sst s2  }
0x8f: {  	_ = 	snop  }
0x90: {  	(tm) =	ssettm $0x1  }
0x91: {  	s17 =	sld [smem:$0x3FFB];
	_ =	sdelay $0x3  }
0x92: {  	_ =	strace s17  }
0x93: {  	s2 =	sld [smem:$0x3FFC];
	_ =	sdelay $0x3  }
0x94: {  	_ =	strace s2  }
0x95: {  	s2 =	sld [smem:$0x3FFD];
	_ =	sdelay $0x3  }
0x96: {  	_ =	strace s2  }
0x97: {  	_ =	strace $0x8FFFFFFF  }
0x98: {  	s18 =	sld [smem:$0x3FDB];
	_ =	sdelay $0x1  }
0x99: {  	s19 =	simm.s32 $_scs_section_size  }
0x9a: {  	s4 =	simm.s32 $_size__tile_overlayer_lowered;
	s5 =	simm.s32 $_tile_overlayer_lowered  }
0x9b: {  	s22 =	simm.s32 $0x1BFF;
	s21 =	sshll.u32 s5, $0x1;
	s2 =	sadd.s32 s19, s18  }
0x9c: {  	s6 =	simm.s32 $0x0;
	s20 =	sshll.u32 s4, $0x1;
	s4 =	sadd.s32 s21, s2  }
0x9d: {  	[timem:s6], [sflag:s22] =	dma.local [hbm:s4], s20  }
0x9e: {  	_ =	swait.ge [sflag:s22], s20  }
0x9f: {  	s3 =	ssub.s32 $0x0, s20;
	[sflag:s22] =	ssyncset.done $0x0  }
0xa0: {  	[sflag:s22] =	ssyncadd.s32 s3;
	_ =	sdelay $0x1  }
0xa1: {  	s23 =	simm.s32 $0x1B8B  }
0xa2: {  	_ =	swait.ge [sflag:s23], $0x1  }
0xa3: {  	[sflag:s23] =	ssyncset.done $0x0  }
0xa4: {  	s25 =	simm.s32 $0x1B8E;
	s24 =	sld [smem:$0x3FFE];
	[sflag:s23] =	ssyncadd.s32 $0xFFFFFFFF  }
0xa5: {  	s26 =	simm.s32 $execute0_lowered;
	[smem:$0x3FD2] =	sst s25  }
0xa6: {  	s4 =	sshll.u32 s26, $0x1;
	_ =	strace $0x80000049;
	[dreg:$0x1] =	wrdreg $0xFFFFFFFF  }
0xa7: {  	s28 =	simm.s32 $_size_execute0_lowered;
	s2 =	sadd.s32 s2, s4;
	[dreg:$0x0] =	wrdreg $0x0  }
0xa8: {  	s4 =	sshll.u32 s28, $0x1;
	[dreg:$0x2] =	wrdreg s2  }
0xa9: {  	[dreg:$0x3] =	wrdreg s4  }
0xaa: {  	[dreg:$0x4] =	wrdreg $0xC0  }
0xab: {  	_ =	task [dreg:s6], $0x5FFFF  }
0xac: {  	[dreg:$0x1] =	wrdreg $0xFFFFFFFF  }
0xad: {  	[dreg:$0x0] =	wrdreg $0x60  }
0xae: {  	[dreg:$0x2] =	wrdreg s24  }
0xaf: {  	[dreg:$0x3] =	wrdreg $0xA  }
0xb0: {  	_ =	task.clear_ibuf [dreg:s6], $0x4FFFF;
	_ =	strace $0x90000049  }
0xb1: {  	s29 =	simm.s32 $0xA;
	_ =	strace $0x8000004B  }
0xb2: {  	_ =	swait.ge [sflag:s29], $0x1  }
0xb3: {  	[sflag:s29] =	ssyncadd.s32 $0xFFFFFFFF  }
0xb4: {  	_ =	strace $0x9000004B  }
0xb5: {  	_ =	sfence  }
0xb6: {  	s30 =	sld [smem:$0x0];
	_ =	sdelay $0x2  }
0xb7: {  	s31 =	sshll.u32 s1, $0xD;
	s1 =	sshrl.u32 s1, $0x2  }
0xb8: {  	s3 =	sand.u32 $0x4000, s31;
	s1 =	sadd.s32 s1, s30  }
0xb9: {  	s0 =	sor.u32 s3, s0;
	s1 =	sshll.u32 s1, $0x11  }
0xba: {  	s0 =	sor.u32 s1, s0  }
0xbb: {  	s0 =	sadd.s32 $0x8F2B, s0  }
0xbc: {  	[sflag:s0] =	ssyncadd.remote.s32 $0x1  }
0xbd: {  	_ =	sfence.sel $0xFFFF  }
0xbe: {  	[dreg:$0x0] =	wrdreg $0xFFFFFFFF;
	(pc) =	sbr.abs _section_cstart, $3  }
0xbf: {  	[dreg:$0x1] =	wrdreg $0xFFFFFFFF  }
0xc0: {  	_ =	task.clear_ibuf [dreg:s6], $0x2FFFF;
	_ =	strace $0x9FFFFFFF  }
0xc1: {  	(tm) =	ssettm $0x7FFFFFFF  }
tec
execute0_lowered:
.L_overlay_start_1:
0x0: {  	(tag) =	ssettag $0x1  }
0x1: {  	s1 =	srdreg.scid  }
0x2: {  	s0 =	stileid.u32;
	s5 =	rddreg [dreg:$0x0]  }
0x3: {  	s2 =	simm.s32 $0x0;
	s4 =	sand.u32 $0x1, s1;
	s29 =	sshll.u32 s0, $0x1  }
0x4: {  	s8 =	simm.s32 $0x50;
	[smem:$0x7FF] =	sst s2;
	s3 =	sor.u32 s4, s29  }
0x5: {  	s1 =	rddreg [dreg:$0x1];
	_ =	strace $0x8000004A;
	s6 =	smul.u32 $0x48, s3  }
0x6: {  	s4 =	ssub.s32 $0x2, s4;
	s7 =	smul.u32 $0x50, s3;
	p0 =	slt.u32 s3, $0x19  }
0x7: {  	s3 =	sadd.s32 $0x12000, s5;
	s30 =	sshrl.u32 s4, $0x1;
	s6 =	sadd.s32 $0xC8, s6  }
0x8: {  	s9 =	ssub.s32 s4, s30;
	s8 =	simm.s32 @!p0 $0x48;
	s6 =	smov.u32 @p0 s7  }
0x9: {  	s7 =	sshll.u32 s6, $0x4;
	s31 =	ssub.s32 $0x9C4, s6;
	s6 =	smax.u32 s9, $0x1  }
0xa: {  	s9 =	simm.s32 $0x0;
	s7 =	sadd.s32 s7, s5;
	s4 =	smin.u32 s8, s31  }
0xb: {  	s8 =	simm.s32 $0x1;
	s5 =	sadd.s32 $0x8200, s7;
	s7 =	sadd.s32 $0x12600, s7  }
.LBB2_1:
0xc: {  	[tilespmem:s2], [sflag:$0x1] =	stream.linear.gather [hbm4b:s5+s2], $0x2800, $0x38;
	[tilespmem:$0x2880] =	vst v63  }
0xd: {  	p0 =	sle.u32 s4, $0x0;
	_ =	swait.ge [sflag:s8], $0x2800  }
0xe: {  	s10 =	simm.s32 @!p0 $0x80;
	[sflag:s8] =	ssyncset.done $0x0  }
0xf: {  	s11 =	simm.s32 @!p0 $0x2800;
	s12 =	simm.s32 @!p0 $0x2;
	[sflag:s8] =	ssyncadd.s32 $0xFFFFD800  }
0x10: {  	[tilespmem:s11], [sflag:$0x2] =	stream.indirect.gather @!p0 [hbm4b:s3+s10], $0x1, s2, s10, $0xb8;
	[tilespmem:$0x2880] =	vst v63  }
0x11: {  	_ =	swait.ge @!p0 [sflag:s12], $0x80  }
0x12: {  	[sflag:s12] =	ssyncset.done @!p0 $0x0;
	p0 =	por p0, p0  }
0x13: {  	p1 =	sle.u32 s4, $0x1;
	[sflag:s12] =	ssyncadd.s32 @!p0 $0xFFFFFF80  }
0x14: {  	s10 =	simm.s32 @!p0 $0x0;
	s12 =	simm.s32 $0x2;
	s13 =	simm.s32 @!p0 $0x1  }
0x15: {  	[hbm4b:s7+s10] =	stream.linear.scatter @!p0 [tilespmem:s11], [sflag:$0x1], $0x80, $0x38;
	[tilespmem:$0x2880] =	vst v63  }
0x16: {  	s10 =	sadd.s32 $0x10, s7;
	s11 =	simm.s32 $0x80;
	_ =	swait.ge @!p0 [sflag:s13], $0x80  }
.LBB2_2:
0x17: {  	s14 =	simm.s32 @!p1 $0x80;
	s15 =	simm.s32 @!p1 $0x2800;
	[sflag:s13] =	ssyncset.done @!p0 $0x0  }
0x18: {  	s16 =	smov.u32 s12;
	s17 =	smov.u32 s10;
	s12 =	sadd.s32 $0x1, s12  }
0x19: {  	s18 =	simm.s32 @!p1 $0x2;
	[sflag:s13] =	ssyncadd.s32 @!p0 $0xFFFFFF80;
	p2 =	sne.s32 s12, $0x50  }
0x1a: {  	[tilespmem:s15], [sflag:$0x2] =	stream.indirect.gather @!p1 [hbm4b:s3+s14], $0x1, s11, s14, $0xb8;
	[tilespmem:$0x2880] =	vst v63  }
.Ltmp0:
0x1b: {  	_ =	swait.ge @!p1 [sflag:s18], $0x80;
	(pc) =	sbr.rel @p2 .LBB2_2-.Ltmp0, $4  }
0x1c: {  	s10 =	sadd.s32 $0x10, s10;
	p0 =	por p1, p1;
	[sflag:s18] =	ssyncset.done @!p1 $0x0  }
0x1d: {  	s14 =	simm.s32 @!p0 $0x0;
	s13 =	simm.s32 @!p0 $0x1;
	[sflag:s18] =	ssyncadd.s32 @!p0 $0xFFFFFF80  }
0x1e: {  	[hbm4b:s17+s14] =	stream.linear.scatter @!p0 [tilespmem:s15], [sflag:$0x1], $0x80, $0x38;
	[tilespmem:$0x2880] =	vst v63  }
0x1f: {  	s11 =	sadd.s32 $0x80, s11;
	p1 =	sge.u32 s16, s4;
	_ =	swait.ge @!p0 [sflag:s13], $0x80  }
0x20: {  	s12 =	simm.s32 @!p1 $0x80;
	[sflag:s13] =	ssyncset.done @!p0 $0x0  }
0x21: {  	s14 =	simm.s32 @!p1 $0x2800;
	s15 =	simm.s32 @!p1 $0x2;
	[sflag:s13] =	ssyncadd.s32 @!p0 $0xFFFFFF80  }
0x22: {  	[tilespmem:s14], [sflag:$0x2] =	stream.indirect.gather @!p1 [hbm4b:s3+s12], $0x1, s11, s12, $0xb8;
	[tilespmem:$0x2880] =	vst v63  }
0x23: {  	s9 =	sadd.s32 $0x1, s9;
	p0 =	por p1, p1;
	_ =	swait.ge @!p1 [sflag:s15], $0x80  }
0x24: {  	s11 =	simm.s32 @!p0 $0x0;
	[sflag:s15] =	ssyncset.done @!p1 $0x0;
	p1 =	sne.s32 s9, s6  }
.Ltmp1:
0x25: {  	s12 =	simm.s32 @!p0 $0x1;
	[sflag:s15] =	ssyncadd.s32 @!p0 $0xFFFFFF80;
	(pc) =	sbr.rel @p1 .LBB2_1-.Ltmp1, $4  }
0x26: {  	[hbm4b:s10+s11] =	stream.linear.scatter @!p0 [tilespmem:s14], [sflag:$0x1], $0x80, $0x38;
	[tilespmem:$0x2880] =	vst v63  }
0x27: {  	_ =	swait.ge @!p0 [sflag:s12], $0x80  }
0x28: {  	[sflag:s12] =	ssyncset.done @!p0 $0x0  }
0x29: {  	[sflag:s12] =	ssyncadd.s32 @!p0 $0xFFFFFF80  }
0x2a: {  	_ =	sfence.sel $0x180000  }
0x2b: {  	[bflag:$0x0] =	sbarrier.arrive $0xFFFF  }
0x2c: {  	p0 =	sne.s32 s0, $0x0;
	_ =	strace $0x9000004A  }
0x2d: {  	s0 =	sadd.s32 @!p0 $0x100000, s1;
	[bflag:$0x2] =	sbarrier.arrive $0xFFFF  }
0x2e: {  	[sflag:s0] =	ssyncadd.tile.s32 @!p0 $0x1;
	_ =	shalt  }
.Lfunc_end2:
_tile_overlayer_lowered:
.L_overlay_start_2:
0x2f: {  	(tag) =	ssettag $0x2  }
0x30: {  	s0 =	rddreg [dreg:$0x0];
	s2 =	stileid.u32  }
0x31: {  	s1 =	rddreg [dreg:$0x1];
	p0 =	sne.s32 s2, $0x0  }
0x32: {  	s3 =	rddreg [dreg:$0x2];
	[bflag:$0x3] =	sbarrier.arrive $0xFFFF;
	s2 =	simm.s32 @!p0 $0x1C01  }
0x33: {  	[timem:s3], [sflag:s2] =	dma.local @!p0 [hbm:s0], s1  }
0x34: {  	s0 =	simm.s32 @!p0 $0x1  }
0x35: {  	_ =	swait.ge @!p0 [sflag:s0], s1  }
0x36: {  	s1 =	ssub.s32 @!p0 $0x0, s1;
	[sflag:s0] =	ssyncset.done @!p0 $0x0  }
0x37: {  	[sflag:s0] =	ssyncadd.s32 @!p0 s1  }
0x38: {  	[bflag:$0x3] =	sbarrier.arrive $0xFFFF  }
0x39: {  	_ =	shalt  }

// kernel: kernel.24.cloned.1.call-start
scs
__scs_entry_jumppad:
0x0: {  	(pc) =	sbr.rel $0x88, $3  }
0x1: {  	(tag) =	ssettag $0x0;
	lr =	simm.s32 $0x1  }
0x2: {  	[smem:$0x3F7E] =	sst lr;
	_ =	strace $0xD0000000  }
0x3: {  	_ = 	snop  }
0x4: {  	_ = 	snop  }
0x5: {  	_ = 	snop  }
0x6: {  	_ = 	snop  }
0x7: {  	_ = 	snop  }
__scs_overlays_trampoline_lowered:
0x8: {  	[smem:$0x3F8D] =	sst s0  }
0x9: {  	[smem:$0x3F8E] =	sst s1  }
0xa: {  	[smem:$0x3F8F] =	sst s2  }
0xb: {  	[smem:$0x3F90] =	sst s3  }
0xc: {  	[smem:$0x3F91] =	sst s4  }
0xd: {  	[smem:$0x3F92] =	sst s5  }
0xe: {  	[smem:$0x3F93] =	sst s6  }
0xf: {  	[smem:$0x3F94] =	sst s7  }
0x10: {  	[smem:$0x3F95] =	sst s8  }
0x11: {  	[smem:$0x3F96] =	sst s9;
	s0 =	simm.s32 @!p0 $0x0  }
0x12: {  	s1 =	sld [smem:$0x3F7C];
	s0 =	simm.s32 @p0 $0x1  }
0x13: {  	[smem:$0x3F97] =	sst s0;
	s0 =	simm.s32 @!p1 $0x0  }
0x14: {  	s2 =	sld [smem:$0x3F7B];
	s0 =	simm.s32 @p1 $0x1  }
0x15: {  	[smem:$0x3F98] =	sst s0;
	s0 =	simm.s32 @!p2 $0x0  }
0x16: {  	s3 =	sld [smem:$0x3FDB];
	s0 =	simm.s32 @p2 $0x1  }
0x17: {  	s4 =	simm.s32 $0x1BF5;
	[smem:$0x3F9A] =	sst s0  }
0x18: {  	s0 =	sld [smem:$0x3F7D];
	_ =	swait.ge [sflag:s4], $0x0  }
0x19: {  	s7 =	sld [smem:$0x3F7E]  }
0x1a: {  	s8 =	sadd.s32 $0xFFFFE003, lr  }
0x1b: {  	s9 =	sadd.s32 $0xFFFFFEF7, lr;
	s5 =	simm.s32 $0xFFFFFFFF;
	p2 =	slt.u32 s8, $0xFFFFF086  }
0x1c: {  	p1 =	slt.u32 s9, $0xF7A;
	s5 =	simm.s32 @!p2 $0x0  }
0x1d: {  	s5 =	simm.s32 @p1 $0x1;
	p0 =	seq.s32 s7, s2  }
0x1e: {  	s7 =	smul.u32 @!p0 $0xF7A, s2;
	p2 =	seq.s32 @!p0 s5, $0x0  }
0x1f: {  	s9 =	smul.u32 $0xF7A, s1;
	s8 =	simm.s32 @!p0 $0x1BF5;
	p2 =	por !p2, p0  }
0x20: {  	[sflag:s8] =	ssyncset.s32 @!p0 $0xFFFFF086;
	s6 =	sadd.s32 @!p0 s3, s7;
	s7 =	simm.s32 @!p0 $0x108  }
0x21: {  	s3 =	sadd.s32 s3, s9;
	s6 =	sadd.s32 @!p0 $0x88, s6;
	s7 =	simm.s32 @p2 $0x1082  }
0x22: {  	[simem:s7], [sflag:s8] =	dma.local @!p0 [hbm:s6], $0xF7A  }
0x23: {  	s9 =	sor.u32 $0xD0000000, s2;
	s6 =	simm.s32 $0x108;
	_ =	swait.ge @!p0 [sflag:s8], $0x0  }
0x24: {  	s3 =	sadd.s32 $0x88, s3;
	s6 =	simm.s32 @!p1 $0x1082;
	[sflag:s4] =	ssyncset.s32 $0xFFFFF086  }
0x25: {  	[simem:s6], [sflag:s4] =	dma.local [hbm:s3], $0xF7A  }
0x26: {  	[smem:$0x3F7E] =	sst s1;
	(tag) =	ssettag s2;
	_ =	strace s9  }
0x27: {  	s1 =	sld [smem:$0x3F8E]  }
0x28: {  	s2 =	sld [smem:$0x3F8F]  }
0x29: {  	s4 =	sld [smem:$0x3F91]  }
0x2a: {  	p0 =	seq.s32 s5, $0x0;
	s5 =	sld [smem:$0x3F92]  }
0x2b: {  	s6 =	sld [smem:$0x3F93]  }
0x2c: {  	s7 =	sld [smem:$0x3F94]  }
0x2d: {  	s3 =	simm.s32 $0x108;
	s8 =	sld [smem:$0x3F95]  }
0x2e: {  	s3 =	simm.s32 @!p0 $0x1082;
	s9 =	sld [smem:$0x3F96]  }
0x2f: {  	lr =	sadd.s32 s0, s3;
	s0 =	sld [smem:$0x3F8D]  }
0x30: {  	s3 =	sld [smem:$0x3F90]  }
0x31: {  	[smem:$0x3F99] =	sst s10  }
0x32: {  	s10 =	sld [smem:$0x3F97];
	_ =	sdelay $0x3  }
0x33: {  	p0 =	seq.s32 s10, $0x1;
	s10 =	sld [smem:$0x3F99];
	_ =	sdelay $0x3  }
0x34: {  	[smem:$0x3F99] =	sst s10  }
0x35: {  	s10 =	sld [smem:$0x3F98];
	_ =	sdelay $0x3  }
0x36: {  	p1 =	seq.s32 s10, $0x1;
	s10 =	sld [smem:$0x3F99];
	_ =	sdelay $0x3  }
0x37: {  	[smem:$0x3F99] =	sst s10  }
0x38: {  	s10 =	sld [smem:$0x3F9A]  }
0x39: {  	_ = 	snop;
	(pc) =	sbr.ind lr, $3  }
0x3a: {  	_ = 	snop  }
0x3b: {  	_ = 	snop  }
0x3c: {  	p2 =	seq.s32 s10, $0x1;
	s10 =	sld [smem:$0x3F99]  }
0x3d: {  	_ =	shalt  }
0x3e: {  	_ =	shalt  }
0x3f: {  	_ =	shalt  }
0x40: {  	_ =	shalt  }
0x41: {  	_ =	shalt  }
0x42: {  	_ =	shalt  }
0x43: {  	_ =	shalt  }
0x44: {  	_ =	shalt  }
0x45: {  	_ =	shalt  }
0x46: {  	_ =	shalt  }
0x47: {  	_ =	shalt  }
0x48: {  	_ =	shalt  }
0x49: {  	_ =	shalt  }
0x4a: {  	_ =	shalt  }
0x4b: {  	_ =	shalt  }
0x4c: {  	_ =	shalt  }
0x4d: {  	_ =	shalt  }
0x4e: {  	_ =	shalt  }
0x4f: {  	_ =	shalt  }
0x50: {  	_ =	shalt  }
0x51: {  	_ =	shalt  }
0x52: {  	_ =	shalt  }
0x53: {  	_ =	shalt  }
0x54: {  	_ =	shalt  }
0x55: {  	_ =	shalt  }
0x56: {  	_ =	shalt  }
0x57: {  	_ =	shalt  }
0x58: {  	_ =	shalt  }
0x59: {  	_ =	shalt  }
0x5a: {  	_ =	shalt  }
0x5b: {  	_ =	shalt  }
0x5c: {  	_ =	shalt  }
0x5d: {  	_ =	shalt  }
0x5e: {  	_ =	shalt  }
0x5f: {  	_ =	shalt  }
0x60: {  	_ =	shalt  }
0x61: {  	_ =	shalt  }
0x62: {  	_ =	shalt  }
0x63: {  	_ =	shalt  }
0x64: {  	_ =	shalt  }
0x65: {  	_ =	shalt  }
0x66: {  	_ =	shalt  }
0x67: {  	_ =	shalt  }
0x68: {  	_ =	shalt  }
0x69: {  	_ =	shalt  }
0x6a: {  	_ =	shalt  }
0x6b: {  	_ =	shalt  }
0x6c: {  	_ =	shalt  }
0x6d: {  	_ =	shalt  }
0x6e: {  	_ =	shalt  }
0x6f: {  	_ =	shalt  }
0x70: {  	_ =	shalt  }
0x71: {  	_ =	shalt  }
0x72: {  	_ =	shalt  }
0x73: {  	_ =	shalt  }
0x74: {  	_ =	shalt  }
0x75: {  	_ =	shalt  }
0x76: {  	_ =	shalt  }
0x77: {  	_ =	shalt  }
0x78: {  	_ =	shalt  }
0x79: {  	_ =	shalt  }
0x7a: {  	_ =	shalt  }
0x7b: {  	_ =	shalt  }
0x7c: {  	_ =	shalt  }
0x7d: {  	_ =	shalt  }
0x7e: {  	_ =	shalt  }
0x7f: {  	_ =	shalt  }
0x80: {  	_ =	shalt  }
0x81: {  	_ =	shalt  }
0x82: {  	_ =	shalt  }
0x83: {  	_ =	shalt  }
0x84: {  	_ =	shalt  }
0x85: {  	_ =	shalt  }
0x86: {  	_ =	shalt  }
0x87: {  	_ =	shalt  }
.Lfunc_end0:
.L_simem_size_0:
called_computation.2_lowered:
.L_overlay_start_0:
0x88: {  	s2 =	sld [smem:$0x3FD9]  }
0x89: {  	s3 =	sld [smem:$0x3FFE];
	_ =	sdelay $0x1  }
0x8a: {  	s1 =	srdreg.scid  }
0x8b: {  	s0 =	sand.u32 $0x1, s1  }
0x8c: {  	s17 =	sshll.u32 s0, $0xA;
	s2 =	sadd.s32 s3, s2  }
0x8d: {  	s2 =	sadd.s32 s2, s17  }
0x8e: {  	[smem:$0x3FA5] =	sst s2  }
0x8f: {  	_ = 	snop  }
0x90: {  	(tm) =	ssettm $0x1  }
0x91: {  	s18 =	sld [smem:$0x3FFB];
	_ =	sdelay $0x3  }
0x92: {  	_ =	strace s18  }
0x93: {  	s2 =	sld [smem:$0x3FFC];
	_ =	sdelay $0x3  }
0x94: {  	_ =	strace s2  }
0x95: {  	s2 =	sld [smem:$0x3FFD];
	_ =	sdelay $0x3  }
0x96: {  	_ =	strace s2  }
0x97: {  	_ =	strace $0x8FFFFFFF  }
0x98: {  	s19 =	sld [smem:$0x3FDB];
	_ =	sdelay $0x1  }
0x99: {  	s20 =	simm.s32 $_scs_section_size  }
0x9a: {  	s4 =	simm.s32 $_size__tile_overlayer_lowered;
	s5 =	simm.s32 $_tile_overlayer_lowered  }
0x9b: {  	s6 =	simm.s32 $0x1BFF;
	s21 =	sshll.u32 s5, $0x1;
	s3 =	sadd.s32 s20, s19  }
0x9c: {  	s22 =	simm.s32 $0x0;
	s4 =	sshll.u32 s4, $0x1;
	s5 =	sadd.s32 s21, s3  }
0x9d: {  	[timem:s22], [sflag:s6] =	dma.local [hbm:s5], s4  }
0x9e: {  	_ =	swait.ge [sflag:s6], s4  }
0x9f: {  	s4 =	ssub.s32 $0x0, s4;
	[sflag:s6] =	ssyncset.done $0x0  }
0xa0: {  	[sflag:s6] =	ssyncadd.s32 s4;
	_ =	sdelay $0x1  }
0xa1: {  	s23 =	simm.s32 $0x1B8B  }
0xa2: {  	_ =	swait.ge [sflag:s23], $0x1  }
0xa3: {  	[sflag:s23] =	ssyncset.done $0x0  }
0xa4: {  	[sflag:s23] =	ssyncadd.s32 $0xFFFFFFFF  }
0xa5: {  	s4 =	sld [smem:$0x0]  }
0xa6: {  	s5 =	sand.u32 $0xFFFFFFFE, s1  }
0xa7: {  	p0 =	sne.s32 s1, s5  }
0xa8: {  	s5 =	sshll.u32 @p0 s5, $0xE  }
0xa9: {  	s5 =	sadd.s32 @p0 $0x11B8D, s5;
	s6 =	sshll.u32 @p0 s4, $0x11  }
0xaa: {  	s5 =	sor.u32 @p0 s6, s5  }
0xab: {  	[sflag:s5] =	ssyncadd.remote.s32 @p0 $0x1;
	_ =	sdelay $0x1  }
0xac: {  	s5 =	simm.s32 @p0 $0x1B8D  }
0xad: {  	_ =	swait.eq @p0 [sflag:s5], $0x1  }
0xae: {  	[sflag:s5] =	ssyncadd.s32 @p0 $0xFFFFFFFF  }
0xaf: {  	s6 =	sshll.u32 @!p0 s1, $0xE  }
0xb0: {  	s6 =	sor.u32 @!p0 $0x4000, s6;
	s5 =	simm.s32 @!p0 $0x1B8D  }
0xb1: {  	s4 =	sshll.u32 @!p0 s4, $0x11;
	s6 =	sadd.s32 @!p0 $0x11B8D, s6;
	_ =	swait.eq @!p0 [sflag:s5], $0x1  }
0xb2: {  	s4 =	sor.u32 @!p0 s4, s6;
	[sflag:s5] =	ssyncadd.s32 @!p0 $0xFFFFFFFF  }
0xb3: {  	s25 =	simm.s32 $0x1B8E;
	s24 =	sld [smem:$0x3FFE];
	[sflag:s4] =	ssyncadd.remote.s32 @!p0 $0x1  }
0xb4: {  	s26 =	simm.s32 $execute0_lowered;
	[smem:$0x3FD2] =	sst s25  }
0xb5: {  	s5 =	sshll.u32 s26, $0x1;
	_ =	strace $0x8000004F;
	[dreg:$0x1] =	wrdreg $0xFFFFFFFF  }
0xb6: {  	s28 =	simm.s32 $_size_execute0_lowered;
	s3 =	sadd.s32 s3, s5;
	[dreg:$0x0] =	wrdreg $0x0  }
0xb7: {  	s5 =	sshll.u32 s28, $0x1;
	[dreg:$0x2] =	wrdreg s3  }
0xb8: {  	[dreg:$0x3] =	wrdreg s5  }
0xb9: {  	[dreg:$0x4] =	wrdreg $0xC0  }
0xba: {  	_ =	task [dreg:s22], $0x5FFFF  }
0xbb: {  	[dreg:$0x1] =	wrdreg $0xFFFFFFFF  }
0xbc: {  	[dreg:$0x0] =	wrdreg $0x60  }
0xbd: {  	[dreg:$0x2] =	wrdreg s24  }
0xbe: {  	[dreg:$0x3] =	wrdreg $0xA8000  }
0xbf: {  	[dreg:$0x4] =	wrdreg $0xA  }
0xc0: {  	_ =	task.clear_ibuf [dreg:s22], $0x5FFFF;
	_ =	strace $0x9000004F  }
0xc1: {  	s29 =	simm.s32 $0xA;
	_ =	strace $0x80000051  }
0xc2: {  	_ =	swait.ge [sflag:s29], $0x1  }
0xc3: {  	[sflag:s29] =	ssyncadd.s32 $0xFFFFFFFF  }
0xc4: {  	_ =	strace $0x90000051  }
0xc5: {  	_ =	sfence  }
0xc6: {  	s30 =	sld [smem:$0x0];
	_ =	sdelay $0x2  }
0xc7: {  	s31 =	sshll.u32 s1, $0xD;
	s1 =	sshrl.u32 s1, $0x2  }
0xc8: {  	s4 =	sand.u32 $0x4000, s31;
	s1 =	sadd.s32 s1, s30  }
0xc9: {  	s0 =	sor.u32 s4, s0;
	s1 =	sshll.u32 s1, $0x11  }
0xca: {  	s0 =	sor.u32 s1, s0  }
0xcb: {  	s0 =	sadd.s32 $0x8F2B, s0  }
0xcc: {  	[sflag:s0] =	ssyncadd.remote.s32 $0x1  }
0xcd: {  	_ =	sfence.sel $0xFFFF  }
0xce: {  	[dreg:$0x0] =	wrdreg $0xFFFFFFFF;
	(pc) =	sbr.abs _section_cstart, $3  }
0xcf: {  	[dreg:$0x1] =	wrdreg $0xFFFFFFFF  }
0xd0: {  	_ =	task.clear_ibuf [dreg:s22], $0x2FFFF;
	_ =	strace $0x9FFFFFFF  }
0xd1: {  	(tm) =	ssettm $0x7FFFFFFF  }
tec
execute0_lowered:
.L_overlay_start_1:
0x0: {  	(tag) =	ssettag $0x1  }
0x1: {  	s0 =	srdreg.scid  }
0x2: {  	s10 =	stileid.u32;
	s5 =	rddreg [dreg:$0x0]  }
0x3: {  	s1 =	rddreg [dreg:$0x1];
	s2 =	simm.s32 $0x0;
	s11 =	simm.s32 $0x50  }
0x4: {  	s4 =	sand.u32 $0x1, s0;
	s30 =	sshll.u32 s10, $0x1;
	s0 =	rddreg [dreg:$0x2]  }
0x5: {  	[smem:$0x7FF] =	sst s2;
	s3 =	sor.u32 s4, s30;
	s8 =	smul.u32 $0x27100, s4  }
0x6: {  	_ =	strace $0x80000050;
	s4 =	ssub.s32 $0x2, s4;
	s6 =	smul.u32 $0x48, s3  }
0x7: {  	s7 =	smul.u32 $0x50, s3;
	p0 =	slt.u32 s3, $0x19;
	s3 =	sadd.s32 $0x74E00, s5  }
0x8: {  	s12 =	sshrl.u32 s4, $0x1;
	s11 =	simm.s32 @!p0 $0x48;
	s6 =	sadd.s32 $0xC8, s6  }
0x9: {  	s8 =	sadd.s32 s8, s5;
	s12 =	ssub.s32 s4, s12;
	s6 =	smov.u32 @p0 s7  }
0xa: {  	p0 =	sne.s32 s10, $0x0;
	s31 =	sshll.u32 s6, $0xB;
	s7 =	sshll.u32 s6, $0x4  }
0xb: {  	s6 =	ssub.s32 $0x9C4, s6;
	s10 =	sshrl.u32 @!p0 s1, $0x3;
	s9 =	sadd.s32 s31, s5  }
0xc: {  	s7 =	sadd.s32 s7, s5;
	s4 =	smin.u32 s11, s6;
	s6 =	sadd.s32 $0xEA200, s8  }
0xd: {  	s11 =	simm.s32 $0x3;
	s5 =	sadd.s32 $0x1C400, s7;
	s7 =	smax.u32 s12, $0x1  }
0xe: {  	s8 =	sadd.s32 $0x5CC200, s9;
	s9 =	sadd.s32 $0x5CCA00, s9;
	s12 =	simm.s32 $0x0  }
.LBB2_1:
0xf: {  	s13 =	simm.s32 @!p0 $0x1C03  }
0x10: {  	[spmem:s10], [sflag:s13] =	dma.local @!p0 [hbm:s3], $0x27100  }
0x11: {  	s13 =	simm.s32 @!p0 $0x3  }
0x12: {  	_ =	swait.ge @!p0 [sflag:s13], $0x27100  }
0x13: {  	[sflag:s13] =	ssyncset.done @!p0 $0x0  }
0x14: {  	[sflag:s13] =	ssyncadd.s32 @!p0 $0xFFFD8F00  }
0x15: {  	[tilespmem:s2], [sflag:$0x3] =	stream.linear.gather [hbm4b:s5+s2], $0x2800, $0x38;
	[tilespmem:$0x1E080] =	vst v63  }
0x16: {  	_ =	swait.ge [sflag:s11], $0x2800  }
0x17: {  	[sflag:s11] =	ssyncset.done $0x0  }
0x18: {  	p2 =	sle.u32 s4, $0x0;
	p1 =	sle.u32 s4, $0x1;
	[sflag:s11] =	ssyncadd.s32 $0xFFFFD800  }
0x19: {  	s14 =	simm.s32 @!p2 $0x2800;
	s13 =	simm.s32 @!p2 $0x0;
	[bflag:$0x0] =	sbarrier.arrive $0xFFFF  }
0x1a: {  	[tilespmem:s14], [sflag:$0x1] =	stream.linear.gather @!p2 [hbm4b:s8+s13], $0x4000, $0x38;
	[tilespmem:$0x1E080] =	vst v63  }
0x1b: {  	s16 =	simm.s32 @!p1 $0x6800;
	s15 =	simm.s32 @!p2 $0x1;
	s13 =	simm.s32 @!p1 $0x0  }
0x1c: {  	[tilespmem:s16], [sflag:$0x2] =	stream.linear.gather @!p1 [hbm4b:s9+s13], $0x4000, $0x38;
	[tilespmem:$0x1E080] =	vst v63  }
0x1d: {  	_ =	swait.ge @!p2 [sflag:s15], $0x4000  }
0x1e: {  	[sflag:s15] =	ssyncset.done @!p2 $0x0  }
0x1f: {  	s13 =	simm.s32 @!p2 $0x80;
	[sflag:s15] =	ssyncadd.s32 @!p2 $0xFFFFC000;
	s15 =	simm.s32 @!p2 $0x4  }
0x20: {  	[spmem:s1] =	stream.indirect.scatter.add.f32 @!p2 [tilespmem:s14], [sflag:$0x4], $0x80, s2, s13, $0xb8;
	[tilespmem:$0x1E080] =	vst v63  }
0x21: {  	_ =	swait.ge @!p2 [sflag:s15], $0x4000  }
0x22: {  	p1 =	por p1, p1;
	[sflag:s15] =	ssyncset.done @!p2 $0x0  }
0x23: {  	s13 =	simm.s32 @!p1 $0x2;
	[sflag:s15] =	ssyncadd.s32 @!p2 $0xFFFFC000  }
0x24: {  	p3 =	sle.u32 s4, $0x3;
	_ =	swait.ge @!p1 [sflag:s13], $0x4000  }
0x25: {  	s17 =	simm.s32 @!p1 $0x3;
	s18 =	simm.s32 @!p1 $0x80;
	[sflag:s13] =	ssyncset.done @!p1 $0x0  }
0x26: {  	s14 =	sadd.s32 $0x1000, s8;
	[sflag:s13] =	ssyncadd.s32 @!p1 $0xFFFFC000;
	s13 =	simm.s32 @!p1 $0x80  }
0x27: {  	[spmem:s1] =	stream.indirect.scatter.add.f32 @!p1 [tilespmem:s16], [sflag:$0x3], $0x80, s13, s18, $0xb8;
	[tilespmem:$0x1E080] =	vst v63  }
0x28: {  	s15 =	simm.s32 $0x5;
	p2 =	sle.u32 s4, $0x2;
	_ =	swait.ge @!p1 [sflag:s17], $0x4000  }
0x29: {  	s16 =	sadd.s32 $0x1000, s9;
	s13 =	simm.s32 $0x100;
	[sflag:s17] =	ssyncset.done @!p1 $0x0  }
.LBB2_2:
0x2a: {  	s18 =	simm.s32 @!p2 $0x0;
	s19 =	simm.s32 @!p2 $0x2800;
	[sflag:s17] =	ssyncadd.s32 @!p1 $0xFFFFC000  }
0x2b: {  	[tilespmem:s19], [sflag:$0x1] =	stream.linear.gather @!p2 [hbm4b:s14+s18], $0x4000, $0x38;
	[tilespmem:$0x1E080] =	vst v63  }
0x2c: {  	s17 =	simm.s32 @!p3 $0x0;
	s20 =	simm.s32 @!p2 $0x1;
	s18 =	simm.s32 @!p3 $0x6800  }
0x2d: {  	[tilespmem:s18], [sflag:$0x2] =	stream.linear.gather @!p3 [hbm4b:s16+s17], $0x4000, $0x38;
	[tilespmem:$0x1E080] =	vst v63  }
0x2e: {  	s21 =	smov.u32 s15;
	s15 =	sadd.s32 $0x2, s15;
	_ =	swait.ge @!p2 [sflag:s20], $0x4000  }
0x2f: {  	p1 =	por p3, p3;
	p4 =	sne.s32 s15, $0x51;
	[sflag:s20] =	ssyncset.done @!p2 $0x0  }
0x30: {  	s17 =	simm.s32 @!p2 $0x80;
	[sflag:s20] =	ssyncadd.s32 @!p2 $0xFFFFC000;
	s20 =	simm.s32 @!p2 $0x4  }
0x31: {  	[spmem:s1] =	stream.indirect.scatter.add.f32 @!p2 [tilespmem:s19], [sflag:$0x4], $0x80, s13, s17, $0xb8;
	[tilespmem:$0x1E080] =	vst v63  }
0x32: {  	_ =	swait.ge @!p2 [sflag:s20], $0x4000  }
0x33: {  	[sflag:s20] =	ssyncset.done @!p2 $0x0  }
0x34: {  	s19 =	simm.s32 @!p1 $0x2;
	[sflag:s20] =	ssyncadd.s32 @!p2 $0xFFFFC000  }
0x35: {  	s14 =	sadd.s32 $0x1000, s14;
	s16 =	sadd.s32 $0x1000, s16;
	_ =	swait.ge @!p1 [sflag:s19], $0x4000  }
.Ltmp0:
0x36: {  	s17 =	simm.s32 @!p1 $0x3;
	[sflag:s19] =	ssyncset.done @!p1 $0x0;
	(pc) =	sbr.rel @p4 .LBB2_2-.Ltmp0, $4  }
0x37: {  	s20 =	simm.s32 @!p1 $0x80;
	[sflag:s19] =	ssyncadd.s32 @!p1 $0xFFFFC000;
	s19 =	sadd.s32 @!p1 $0x80, s13  }
0x38: {  	[spmem:s1] =	stream.indirect.scatter.add.f32 @!p1 [tilespmem:s18], [sflag:$0x3], $0x80, s19, s20, $0xb8;
	[tilespmem:$0x1E080] =	vst v63  }
0x39: {  	s13 =	sadd.s32 $0x100, s13;
	s18 =	sadd.s32 $0xFFFFFFFF, s21;
	_ =	swait.ge @!p1 [sflag:s17], $0x4000  }
0x3a: {  	p3 =	sge.u32 s21, s4;
	p2 =	sge.u32 s18, s4;
	[sflag:s17] =	ssyncset.done @!p1 $0x0  }
0x3b: {  	s15 =	simm.s32 @!p2 $0x0;
	s18 =	simm.s32 @!p2 $0x2800;
	[sflag:s17] =	ssyncadd.s32 @!p1 $0xFFFFC000  }
0x3c: {  	[tilespmem:s18], [sflag:$0x1] =	stream.linear.gather @!p2 [hbm4b:s14+s15], $0x4000, $0x38;
	[tilespmem:$0x1E080] =	vst v63  }
0x3d: {  	s17 =	simm.s32 @!p2 $0x1;
	s14 =	simm.s32 @!p3 $0x0;
	s15 =	simm.s32 @!p3 $0x6800  }
0x3e: {  	[tilespmem:s15], [sflag:$0x2] =	stream.linear.gather @!p3 [hbm4b:s16+s14], $0x4000, $0x38;
	[tilespmem:$0x1E080] =	vst v63  }
0x3f: {  	_ =	swait.ge @!p2 [sflag:s17], $0x4000  }
0x40: {  	[sflag:s17] =	ssyncset.done @!p2 $0x0  }
0x41: {  	s14 =	simm.s32 @!p2 $0x80;
	s16 =	simm.s32 @!p2 $0x4;
	[sflag:s17] =	ssyncadd.s32 @!p2 $0xFFFFC000  }
0x42: {  	[spmem:s1] =	stream.indirect.scatter.add.f32 @!p2 [tilespmem:s18], [sflag:$0x4], $0x80, s13, s14, $0xb8;
	[tilespmem:$0x1E080] =	vst v63  }
0x43: {  	_ =	swait.ge @!p2 [sflag:s16], $0x4000  }
0x44: {  	p1 =	por p3, p3;
	[sflag:s16] =	ssyncset.done @!p2 $0x0  }
0x45: {  	s14 =	simm.s32 @!p1 $0x2;
	[sflag:s16] =	ssyncadd.s32 @!p2 $0xFFFFC000  }
0x46: {  	_ =	swait.ge @!p1 [sflag:s14], $0x4000  }
0x47: {  	s13 =	sadd.s32 @!p1 $0x80, s13;
	[sflag:s14] =	ssyncset.done @!p1 $0x0  }
0x48: {  	s16 =	simm.s32 @!p1 $0x3;
	[sflag:s14] =	ssyncadd.s32 @!p1 $0xFFFFC000;
	s14 =	simm.s32 @!p1 $0x80  }
0x49: {  	[spmem:s1] =	stream.indirect.scatter.add.f32 @!p1 [tilespmem:s15], [sflag:$0x3], $0x80, s13, s14, $0xb8;
	[tilespmem:$0x1E080] =	vst v63  }
0x4a: {  	_ =	swait.ge @!p1 [sflag:s16], $0x4000  }
0x4b: {  	[sflag:s16] =	ssyncset.done @!p1 $0x0  }
0x4c: {  	s12 =	sadd.s32 $0x1, s12;
	[sflag:s16] =	ssyncadd.s32 @!p1 $0xFFFFC000  }
0x4d: {  	s13 =	simm.s32 @!p0 $0x1C03;
	p1 =	sne.s32 s12, s7;
	[bflag:$0x0] =	sbarrier.arrive $0xFFFF  }
0x4e: {  	[hbm:s6], [sflag:s13] =	dma.local @!p0 [spmem:s10], $0x27100  }
.Ltmp1:
0x4f: {  	_ = 	snop;
	(pc) =	sbr.rel @p1 .LBB2_1-.Ltmp1, $4  }
0x50: {  	s13 =	simm.s32 @!p0 $0x3  }
0x51: {  	_ =	swait.ge @!p0 [sflag:s13], $0x27100  }
0x52: {  	[sflag:s13] =	ssyncset.done @!p0 $0x0  }
0x53: {  	[sflag:s13] =	ssyncadd.s32 @!p0 $0xFFFD8F00  }
0x54: {  	_ =	sfence.sel $0x180000  }
0x55: {  	[bflag:$0x0] =	sbarrier.arrive $0xFFFF  }
0x56: {  	_ =	strace $0x90000050  }
0x57: {  	s0 =	sadd.s32 @!p0 $0x100000, s0;
	[bflag:$0x2] =	sbarrier.arrive $0xFFFF  }
0x58: {  	[sflag:s0] =	ssyncadd.tile.s32 @!p0 $0x1;
	_ =	shalt  }
.Lfunc_end2:
_tile_overlayer_lowered:
.L_overlay_start_2:
0x59: {  	(tag) =	ssettag $0x2  }
0x5a: {  	s0 =	rddreg [dreg:$0x0];
	s2 =	stileid.u32  }
0x5b: {  	s1 =	rddreg [dreg:$0x1];
	p0 =	sne.s32 s2, $0x0  }
0x5c: {  	s3 =	rddreg [dreg:$0x2];
	[bflag:$0x3] =	sbarrier.arrive $0xFFFF;
	s2 =	simm.s32 @!p0 $0x1C03  }
0x5d: {  	[timem:s3], [sflag:s2] =	dma.local @!p0 [hbm:s0], s1  }
0x5e: {  	s0 =	simm.s32 @!p0 $0x3  }
0x5f: {  	_ =	swait.ge @!p0 [sflag:s0], s1  }
0x60: {  	s1 =	ssub.s32 @!p0 $0x0, s1;
	[sflag:s0] =	ssyncset.done @!p0 $0x0  }
0x61: {  	[sflag:s0] =	ssyncadd.s32 @!p0 s1  }
0x62: {  	[bflag:$0x3] =	sbarrier.arrive $0xFFFF  }
0x63: {  	_ =	shalt  }

// kernel: kernel.27.cloned.1.call-start
scs
__scs_entry_jumppad:
0x0: {  	(pc) =	sbr.rel $0x88, $3  }
0x1: {  	(tag) =	ssettag $0x0;
	lr =	simm.s32 $0x1  }
0x2: {  	[smem:$0x3F7E] =	sst lr;
	_ =	strace $0xD0000000  }
0x3: {  	_ = 	snop  }
0x4: {  	_ = 	snop  }
0x5: {  	_ = 	snop  }
0x6: {  	_ = 	snop  }
0x7: {  	_ = 	snop  }
__scs_overlays_trampoline_lowered:
0x8: {  	[smem:$0x3F8D] =	sst s0  }
0x9: {  	[smem:$0x3F8E] =	sst s1  }
0xa: {  	[smem:$0x3F8F] =	sst s2  }
0xb: {  	[smem:$0x3F90] =	sst s3  }
0xc: {  	[smem:$0x3F91] =	sst s4  }
0xd: {  	[smem:$0x3F92] =	sst s5  }
0xe: {  	[smem:$0x3F93] =	sst s6  }
0xf: {  	[smem:$0x3F94] =	sst s7  }
0x10: {  	[smem:$0x3F95] =	sst s8  }
0x11: {  	[smem:$0x3F96] =	sst s9;
	s0 =	simm.s32 @!p0 $0x0  }
0x12: {  	s1 =	sld [smem:$0x3F7C];
	s0 =	simm.s32 @p0 $0x1  }
0x13: {  	[smem:$0x3F97] =	sst s0;
	s0 =	simm.s32 @!p1 $0x0  }
0x14: {  	s2 =	sld [smem:$0x3F7B];
	s0 =	simm.s32 @p1 $0x1  }
0x15: {  	[smem:$0x3F98] =	sst s0;
	s0 =	simm.s32 @!p2 $0x0  }
0x16: {  	s3 =	sld [smem:$0x3FDB];
	s0 =	simm.s32 @p2 $0x1  }
0x17: {  	s4 =	simm.s32 $0x1BF5;
	[smem:$0x3F9A] =	sst s0  }
0x18: {  	s0 =	sld [smem:$0x3F7D];
	_ =	swait.ge [sflag:s4], $0x0  }
0x19: {  	s7 =	sld [smem:$0x3F7E]  }
0x1a: {  	s8 =	sadd.s32 $0xFFFFE003, lr  }
0x1b: {  	s9 =	sadd.s32 $0xFFFFFEF7, lr;
	s5 =	simm.s32 $0xFFFFFFFF;
	p2 =	slt.u32 s8, $0xFFFFF086  }
0x1c: {  	p1 =	slt.u32 s9, $0xF7A;
	s5 =	simm.s32 @!p2 $0x0  }
0x1d: {  	s5 =	simm.s32 @p1 $0x1;
	p0 =	seq.s32 s7, s2  }
0x1e: {  	s7 =	smul.u32 @!p0 $0xF7A, s2;
	p2 =	seq.s32 @!p0 s5, $0x0  }
0x1f: {  	s9 =	smul.u32 $0xF7A, s1;
	s8 =	simm.s32 @!p0 $0x1BF5;
	p2 =	por !p2, p0  }
0x20: {  	[sflag:s8] =	ssyncset.s32 @!p0 $0xFFFFF086;
	s6 =	sadd.s32 @!p0 s3, s7;
	s7 =	simm.s32 @!p0 $0x108  }
0x21: {  	s3 =	sadd.s32 s3, s9;
	s6 =	sadd.s32 @!p0 $0x88, s6;
	s7 =	simm.s32 @p2 $0x1082  }
0x22: {  	[simem:s7], [sflag:s8] =	dma.local @!p0 [hbm:s6], $0xF7A  }
0x23: {  	s9 =	sor.u32 $0xD0000000, s2;
	s6 =	simm.s32 $0x108;
	_ =	swait.ge @!p0 [sflag:s8], $0x0  }
0x24: {  	s3 =	sadd.s32 $0x88, s3;
	s6 =	simm.s32 @!p1 $0x1082;
	[sflag:s4] =	ssyncset.s32 $0xFFFFF086  }
0x25: {  	[simem:s6], [sflag:s4] =	dma.local [hbm:s3], $0xF7A  }
0x26: {  	[smem:$0x3F7E] =	sst s1;
	(tag) =	ssettag s2;
	_ =	strace s9  }
0x27: {  	s1 =	sld [smem:$0x3F8E]  }
0x28: {  	s2 =	sld [smem:$0x3F8F]  }
0x29: {  	s4 =	sld [smem:$0x3F91]  }
0x2a: {  	p0 =	seq.s32 s5, $0x0;
	s5 =	sld [smem:$0x3F92]  }
0x2b: {  	s6 =	sld [smem:$0x3F93]  }
0x2c: {  	s7 =	sld [smem:$0x3F94]  }
0x2d: {  	s3 =	simm.s32 $0x108;
	s8 =	sld [smem:$0x3F95]  }
0x2e: {  	s3 =	simm.s32 @!p0 $0x1082;
	s9 =	sld [smem:$0x3F96]  }
0x2f: {  	lr =	sadd.s32 s0, s3;
	s0 =	sld [smem:$0x3F8D]  }
0x30: {  	s3 =	sld [smem:$0x3F90]  }
0x31: {  	[smem:$0x3F99] =	sst s10  }
0x32: {  	s10 =	sld [smem:$0x3F97];
	_ =	sdelay $0x3  }
0x33: {  	p0 =	seq.s32 s10, $0x1;
	s10 =	sld [smem:$0x3F99];
	_ =	sdelay $0x3  }
0x34: {  	[smem:$0x3F99] =	sst s10  }
0x35: {  	s10 =	sld [smem:$0x3F98];
	_ =	sdelay $0x3  }
0x36: {  	p1 =	seq.s32 s10, $0x1;
	s10 =	sld [smem:$0x3F99];
	_ =	sdelay $0x3  }
0x37: {  	[smem:$0x3F99] =	sst s10  }
0x38: {  	s10 =	sld [smem:$0x3F9A]  }
0x39: {  	_ = 	snop;
	(pc) =	sbr.ind lr, $3  }
0x3a: {  	_ = 	snop  }
0x3b: {  	_ = 	snop  }
0x3c: {  	p2 =	seq.s32 s10, $0x1;
	s10 =	sld [smem:$0x3F99]  }
0x3d: {  	_ =	shalt  }
0x3e: {  	_ =	shalt  }
0x3f: {  	_ =	shalt  }
0x40: {  	_ =	shalt  }
0x41: {  	_ =	shalt  }
0x42: {  	_ =	shalt  }
0x43: {  	_ =	shalt  }
0x44: {  	_ =	shalt  }
0x45: {  	_ =	shalt  }
0x46: {  	_ =	shalt  }
0x47: {  	_ =	shalt  }
0x48: {  	_ =	shalt  }
0x49: {  	_ =	shalt  }
0x4a: {  	_ =	shalt  }
0x4b: {  	_ =	shalt  }
0x4c: {  	_ =	shalt  }
0x4d: {  	_ =	shalt  }
0x4e: {  	_ =	shalt  }
0x4f: {  	_ =	shalt  }
0x50: {  	_ =	shalt  }
0x51: {  	_ =	shalt  }
0x52: {  	_ =	shalt  }
0x53: {  	_ =	shalt  }
0x54: {  	_ =	shalt  }
0x55: {  	_ =	shalt  }
0x56: {  	_ =	shalt  }
0x57: {  	_ =	shalt  }
0x58: {  	_ =	shalt  }
0x59: {  	_ =	shalt  }
0x5a: {  	_ =	shalt  }
0x5b: {  	_ =	shalt  }
0x5c: {  	_ =	shalt  }
0x5d: {  	_ =	shalt  }
0x5e: {  	_ =	shalt  }
0x5f: {  	_ =	shalt  }
0x60: {  	_ =	shalt  }
0x61: {  	_ =	shalt  }
0x62: {  	_ =	shalt  }
0x63: {  	_ =	shalt  }
0x64: {  	_ =	shalt  }
0x65: {  	_ =	shalt  }
0x66: {  	_ =	shalt  }
0x67: {  	_ =	shalt  }
0x68: {  	_ =	shalt  }
0x69: {  	_ =	shalt  }
0x6a: {  	_ =	shalt  }
0x6b: {  	_ =	shalt  }
0x6c: {  	_ =	shalt  }
0x6d: {  	_ =	shalt  }
0x6e: {  	_ =	shalt  }
0x6f: {  	_ =	shalt  }
0x70: {  	_ =	shalt  }
0x71: {  	_ =	shalt  }
0x72: {  	_ =	shalt  }
0x73: {  	_ =	shalt  }
0x74: {  	_ =	shalt  }
0x75: {  	_ =	shalt  }
0x76: {  	_ =	shalt  }
0x77: {  	_ =	shalt  }
0x78: {  	_ =	shalt  }
0x79: {  	_ =	shalt  }
0x7a: {  	_ =	shalt  }
0x7b: {  	_ =	shalt  }
0x7c: {  	_ =	shalt  }
0x7d: {  	_ =	shalt  }
0x7e: {  	_ =	shalt  }
0x7f: {  	_ =	shalt  }
0x80: {  	_ =	shalt  }
0x81: {  	_ =	shalt  }
0x82: {  	_ =	shalt  }
0x83: {  	_ =	shalt  }
0x84: {  	_ =	shalt  }
0x85: {  	_ =	shalt  }
0x86: {  	_ =	shalt  }
0x87: {  	_ =	shalt  }
.Lfunc_end0:
.L_simem_size_0:
called_computation.3_lowered:
.L_overlay_start_0:
0x88: {  	s2 =	sld [smem:$0x3FD9]  }
0x89: {  	s3 =	sld [smem:$0x3FFE];
	_ =	sdelay $0x1  }
0x8a: {  	s1 =	srdreg.scid  }
0x8b: {  	s0 =	sand.u32 $0x1, s1  }
0x8c: {  	s17 =	sshll.u32 s0, $0xA;
	s2 =	sadd.s32 s3, s2  }
0x8d: {  	s2 =	sadd.s32 s2, s17  }
0x8e: {  	[smem:$0x3FA5] =	sst s2  }
0x8f: {  	_ = 	snop  }
0x90: {  	s18 =	sld [smem:$0x3FD0];
	(tm) =	ssettm $0x1  }
0x91: {  	s19 =	sld [smem:$0x3FFB];
	_ =	sdelay $0x3  }
0x92: {  	_ =	strace s19  }
0x93: {  	s2 =	sld [smem:$0x3FFC];
	_ =	sdelay $0x3  }
0x94: {  	_ =	strace s2  }
0x95: {  	s2 =	sld [smem:$0x3FFD];
	_ =	sdelay $0x3  }
0x96: {  	_ =	strace s2  }
0x97: {  	_ =	strace $0x8FFFFFFF  }
0x98: {  	s20 =	sld [smem:$0x3FDB];
	_ =	sdelay $0x1  }
0x99: {  	s4 =	simm.s32 $_scs_section_size  }
0x9a: {  	s5 =	simm.s32 $_size__tile_overlayer_lowered;
	s6 =	simm.s32 $_tile_overlayer_lowered  }
0x9b: {  	s7 =	simm.s32 $0x1BFF;
	s21 =	sshll.u32 s6, $0x1;
	s4 =	sadd.s32 s4, s20  }
0x9c: {  	s22 =	simm.s32 $0x0;
	s5 =	sshll.u32 s5, $0x1;
	s6 =	sadd.s32 s21, s4  }
0x9d: {  	[timem:s22], [sflag:s7] =	dma.local [hbm:s6], s5  }
0x9e: {  	_ =	swait.ge [sflag:s7], s5  }
0x9f: {  	s5 =	ssub.s32 $0x0, s5;
	[sflag:s7] =	ssyncset.done $0x0  }
0xa0: {  	[sflag:s7] =	ssyncadd.s32 s5;
	_ =	sdelay $0x1  }
0xa1: {  	s23 =	simm.s32 $0x1B8B  }
0xa2: {  	_ =	swait.ge [sflag:s23], $0x1  }
0xa3: {  	[sflag:s23] =	ssyncset.done $0x0  }
0xa4: {  	[sflag:s23] =	ssyncadd.s32 $0xFFFFFFFF  }
0xa5: {  	s5 =	sld [smem:$0x0]  }
0xa6: {  	s6 =	sand.u32 $0xFFFFFFFE, s1  }
0xa7: {  	p0 =	sne.s32 s1, s6  }
0xa8: {  	s6 =	sshll.u32 @p0 s6, $0xE  }
0xa9: {  	s6 =	sadd.s32 @p0 $0x11B8D, s6;
	s7 =	sshll.u32 @p0 s5, $0x11  }
0xaa: {  	s6 =	sor.u32 @p0 s7, s6  }
0xab: {  	[sflag:s6] =	ssyncadd.remote.s32 @p0 $0x1;
	_ =	sdelay $0x1  }
0xac: {  	s6 =	simm.s32 @p0 $0x1B8D  }
0xad: {  	_ =	swait.eq @p0 [sflag:s6], $0x1  }
0xae: {  	[sflag:s6] =	ssyncadd.s32 @p0 $0xFFFFFFFF  }
0xaf: {  	s7 =	sshll.u32 @!p0 s1, $0xE  }
0xb0: {  	s7 =	sor.u32 @!p0 $0x4000, s7;
	s6 =	simm.s32 @!p0 $0x1B8D  }
0xb1: {  	s5 =	sshll.u32 @!p0 s5, $0x11;
	s7 =	sadd.s32 @!p0 $0x11B8D, s7;
	_ =	swait.eq @!p0 [sflag:s6], $0x1  }
0xb2: {  	s5 =	sor.u32 @!p0 s5, s7;
	[sflag:s6] =	ssyncadd.s32 @!p0 $0xFFFFFFFF  }
0xb3: {  	s25 =	simm.s32 $0x1B8E;
	s24 =	sld [smem:$0x3FFE];
	[sflag:s5] =	ssyncadd.remote.s32 @!p0 $0x1  }
0xb4: {  	s26 =	simm.s32 $execute0_lowered;
	[smem:$0x3FD2] =	sst s25  }
0xb5: {  	s6 =	sshll.u32 s26, $0x1;
	_ =	strace $0x8000004C;
	[dreg:$0x1] =	wrdreg $0xFFFFFFFF  }
0xb6: {  	s28 =	simm.s32 $_size_execute0_lowered;
	s4 =	sadd.s32 s4, s6;
	[dreg:$0x0] =	wrdreg $0x0  }
0xb7: {  	s6 =	sshll.u32 s28, $0x1;
	[dreg:$0x2] =	wrdreg s4  }
0xb8: {  	[dreg:$0x3] =	wrdreg s6  }
0xb9: {  	[dreg:$0x4] =	wrdreg $0xC0  }
0xba: {  	_ =	task [dreg:s22], $0x5FFFF  }
0xbb: {  	[dreg:$0x1] =	wrdreg $0xFFFFFFFF  }
0xbc: {  	[dreg:$0x0] =	wrdreg $0x60  }
0xbd: {  	[dreg:$0x2] =	wrdreg s18  }
0xbe: {  	[dreg:$0x3] =	wrdreg s24  }
0xbf: {  	[dreg:$0x4] =	wrdreg $0xA8000  }
0xc0: {  	[dreg:$0x5] =	wrdreg $0x9  }
0xc1: {  	_ =	task.clear_ibuf [dreg:s22], $0x6FFFF;
	_ =	strace $0x9000004C  }
0xc2: {  	s29 =	simm.s32 $0x9;
	_ =	strace $0x8000004E  }
0xc3: {  	_ =	swait.ge [sflag:s29], $0x1  }
0xc4: {  	[sflag:s29] =	ssyncadd.s32 $0xFFFFFFFF  }
0xc5: {  	_ =	strace $0x9000004E  }
0xc6: {  	_ =	sfence  }
0xc7: {  	s30 =	sld [smem:$0x0];
	_ =	sdelay $0x2  }
0xc8: {  	s31 =	sshll.u32 s1, $0xD;
	s1 =	sshrl.u32 s1, $0x2  }
0xc9: {  	s4 =	sand.u32 $0x4000, s31;
	s1 =	sadd.s32 s1, s30  }
0xca: {  	s0 =	sor.u32 s4, s0;
	s1 =	sshll.u32 s1, $0x11  }
0xcb: {  	s0 =	sor.u32 s1, s0  }
0xcc: {  	s0 =	sadd.s32 $0x8F2B, s0  }
0xcd: {  	[sflag:s0] =	ssyncadd.remote.s32 $0x1  }
0xce: {  	_ =	sfence.sel $0xFFFF  }
0xcf: {  	[dreg:$0x0] =	wrdreg $0xFFFFFFFF;
	(pc) =	sbr.abs _section_cstart, $3  }
0xd0: {  	[dreg:$0x1] =	wrdreg $0xFFFFFFFF  }
0xd1: {  	_ =	task.clear_ibuf [dreg:s22], $0x2FFFF;
	_ =	strace $0x9FFFFFFF  }
0xd2: {  	(tm) =	ssettm $0x7FFFFFFF  }
0xd3: {  	_ =	shalt  }
tec
execute0_lowered:
.L_overlay_start_1:
0x0: {  	(tag) =	ssettag $0x1  }
0x1: {  	s1 =	rddreg [dreg:$0x0]  }
0x2: {  	s5 =	rddreg [dreg:$0x1]  }
0x3: {  	s2 =	rddreg [dreg:$0x2]  }
0x4: {  	s0 =	rddreg [dreg:$0x3];
	s3 =	simm.s32 $0x0  }
0x5: {  	s4 =	srdreg.scid;
	s13 =	stileid.u32;
	s15 =	simm.s32 $0x0  }
0x6: {  	[smem:$0x7FF] =	sst s3;
	s6 =	sand.u32 $0x1, s4;
	s28 =	sshll.u32 s13, $0x1  }
0x7: {  	s8 =	sadd.s32 $0x8200, s5;
	s7 =	smul.u32 $0x27100, s6;
	s9 =	sor.u32 s6, s28  }
0x8: {  	s10 =	sadd.s32 $0x1C400, s5;
	s4 =	sadd.s32 $0x74E00, s5;
	s11 =	smul.u32 $0x48, s9  }
0x9: {  	_ =	strace $0x8000004D;
	s29 =	ssub.s32 $0x2, s6;
	s6 =	smul.u32 $0x50, s9  }
0xa: {  	s30 =	sshrl.u32 s29, $0x1;
	p0 =	slt.u32 s9, $0x19;
	s12 =	sadd.s32 s7, s5  }
0xb: {  	s14 =	ssub.s32 s29, s30;
	s5 =	simm.s32 $0x50;
	s9 =	sadd.s32 $0xC8, s11  }
0xc: {  	s5 =	simm.s32 @!p0 $0x48;
	s9 =	smov.u32 @p0 s6;
	p0 =	sne.s32 s13, $0x0  }
0xd: {  	s6 =	ssub.s32 $0x9C4, s9;
	s9 =	sshll.u32 s9, $0x4;
	s13 =	sshrl.u32 @!p0 s2, $0x3  }
0xe: {  	s31 =	smin.u32 s5, s6;
	s5 =	sadd.s32 s8, s9;
	s6 =	sadd.s32 s10, s9  }
0xf: {  	s9 =	sadd.s32 $0x280, s9;
	s7 =	smin.u32 s31, $0x28;
	s11 =	smax.u32 s31, $0x28  }
0x10: {  	s8 =	sadd.s32 s8, s9;
	s9 =	sadd.s32 s10, s9;
	s10 =	sadd.s32 $0xFFFFFFD8, s11  }
0x11: {  	s11 =	sadd.s32 $0x9C000, s12;
	s12 =	smax.u32 s14, $0x1;
	s14 =	simm.s32 $0x3  }
.LBB2_1:
0x12: {  	s16 =	simm.s32 @!p0 $0x1C03  }
0x13: {  	[spmem:s13], [sflag:s16] =	dma.local @!p0 [hbm:s4], $0x27100  }
0x14: {  	s16 =	simm.s32 @!p0 $0x3  }
0x15: {  	_ =	swait.ge @!p0 [sflag:s16], $0x27100  }
0x16: {  	[sflag:s16] =	ssyncset.done @!p0 $0x0  }
0x17: {  	[sflag:s16] =	ssyncadd.s32 @!p0 $0xFFFD8F00  }
0x18: {  	[bflag:$0x0] =	sbarrier.arrive $0xFFFF  }
0x19: {  	[tilespmem:s3], [sflag:$0x3] =	stream.linear.gather [hbm4b:s5+s3], $0x1400, $0x38;
	[tilespmem:$0x1E080] =	vst v63  }
0x1a: {  	_ =	swait.ge [sflag:s14], $0x1400  }
0x1b: {  	[sflag:s14] =	ssyncset.done $0x0  }
0x1c: {  	s16 =	simm.s32 $0x1400;
	[sflag:s14] =	ssyncadd.s32 $0xFFFFEC00  }
0x1d: {  	[tilespmem:s16], [sflag:$0x3] =	stream.linear.gather [hbm4b:s6+s3], $0x1400, $0x38;
	[tilespmem:$0x1E080] =	vst v63  }
0x1e: {  	p2 =	sle.u32 s7, $0x0;
	_ =	swait.ge [sflag:s14], $0x1400  }
0x1f: {  	p1 =	sle.u32 s7, $0x1;
	s17 =	simm.s32 @!p2 $0x80;
	[sflag:s14] =	ssyncset.done $0x0  }
0x20: {  	s18 =	simm.s32 @!p2 $0x2800;
	s19 =	simm.s32 @!p2 $0x1;
	[sflag:s14] =	ssyncadd.s32 $0xFFFFEC00  }
0x21: {  	[tilespmem:s18], [sflag:$0x1] =	stream.indirect.gather @!p2 [hbm4b:s1+s17], $0x80, s3, s17, $0xb8;
	[tilespmem:$0x1E080] =	vst v63  }
0x22: {  	s20 =	simm.s32 @!p1 $0x80;
	s21 =	simm.s32 @!p1 $0x80;
	s22 =	simm.s32 @!p1 $0x6800  }
0x23: {  	[tilespmem:s22], [sflag:$0x2] =	stream.indirect.gather @!p1 [hbm4b:s1+s21], $0x80, s20, s21, $0xb8;
	[tilespmem:$0x1E080] =	vst v63  }
0x24: {  	_ =	swait.ge @!p2 [sflag:s19], $0x4000  }
0x25: {  	[sflag:s19] =	ssyncset.done @!p2 $0x0  }
0x26: {  	s20 =	simm.s32 @!p2 $0x4;
	[sflag:s19] =	ssyncadd.s32 @!p2 $0xFFFFC000  }
0x27: {  	[spmem:s2] =	stream.indirect.scatter.add.f32 @!p2 [tilespmem:s18], [sflag:$0x4], $0x80, s16, s17, $0xb8;
	[tilespmem:$0x1E080] =	vst v63  }
0x28: {  	_ =	swait.ge @!p2 [sflag:s20], $0x4000  }
0x29: {  	p1 =	por p1, p1;
	[sflag:s20] =	ssyncset.done @!p2 $0x0  }
0x2a: {  	s16 =	simm.s32 @!p1 $0x2;
	[sflag:s20] =	ssyncadd.s32 @!p2 $0xFFFFC000  }
0x2b: {  	p3 =	sle.u32 s7, $0x3;
	_ =	swait.ge @!p1 [sflag:s16], $0x4000  }
0x2c: {  	s19 =	simm.s32 @!p1 $0x3;
	s18 =	simm.s32 $0x5;
	[sflag:s16] =	ssyncset.done @!p1 $0x0  }
0x2d: {  	s17 =	simm.s32 $0x100;
	[sflag:s16] =	ssyncadd.s32 @!p1 $0xFFFFC000;
	s16 =	simm.s32 @!p1 $0x1480  }
0x2e: {  	[spmem:s2] =	stream.indirect.scatter.add.f32 @!p1 [tilespmem:s22], [sflag:$0x3], $0x80, s16, s21, $0xb8;
	[tilespmem:$0x1E080] =	vst v63  }
0x2f: {  	p2 =	sle.u32 s7, $0x2;
	s16 =	simm.s32 $0x1500;
	_ =	swait.ge @!p1 [sflag:s19], $0x4000  }
.LBB2_2:
0x30: {  	s20 =	simm.s32 @!p2 $0x80;
	s21 =	simm.s32 @!p2 $0x2800  }
0x31: {  	[sflag:s19] =	ssyncset.done @!p1 $0x0;
	s22 =	smov.u32 s18;
	s23 =	smov.u32 s16  }
0x32: {  	s18 =	sadd.s32 $0x2, s18;
	s24 =	simm.s32 @!p2 $0x1;
	[sflag:s19] =	ssyncadd.s32 @!p1 $0xFFFFC000  }
0x33: {  	[tilespmem:s21], [sflag:$0x1] =	stream.indirect.gather @!p2 [hbm4b:s1+s20], $0x80, s17, s20, $0xb8;
	[tilespmem:$0x1E080] =	vst v63  }
0x34: {  	s25 =	simm.s32 @!p3 $0x80;
	s26 =	simm.s32 @!p3 $0x6800;
	s19 =	sadd.s32 @!p3 $0x80, s17  }
0x35: {  	[tilespmem:s26], [sflag:$0x2] =	stream.indirect.gather @!p3 [hbm4b:s1+s25], $0x80, s19, s25, $0xb8;
	[tilespmem:$0x1E080] =	vst v63  }
0x36: {  	p4 =	sne.s32 s18, $0x29;
	p1 =	por p3, p3;
	_ =	swait.ge @!p2 [sflag:s24], $0x4000  }
0x37: {  	s19 =	simm.s32 @!p2 $0x4;
	[sflag:s24] =	ssyncset.done @!p2 $0x0  }
0x38: {  	[sflag:s24] =	ssyncadd.s32 @!p2 $0xFFFFC000  }
0x39: {  	[spmem:s2] =	stream.indirect.scatter.add.f32 @!p2 [tilespmem:s21], [sflag:$0x4], $0x80, s16, s20, $0xb8;
	[tilespmem:$0x1E080] =	vst v63  }
0x3a: {  	_ =	swait.ge @!p2 [sflag:s19], $0x4000  }
0x3b: {  	[sflag:s19] =	ssyncset.done @!p2 $0x0  }
0x3c: {  	s20 =	simm.s32 @!p1 $0x2;
	[sflag:s19] =	ssyncadd.s32 @!p2 $0xFFFFC000  }
.Ltmp0:
0x3d: {  	s17 =	sadd.s32 $0x100, s17;
	_ =	swait.ge @!p1 [sflag:s20], $0x4000;
	(pc) =	sbr.rel @p4 .LBB2_2-.Ltmp0, $4  }
0x3e: {  	s16 =	sadd.s32 $0x100, s16;
	s19 =	simm.s32 @!p1 $0x3;
	[sflag:s20] =	ssyncset.done @!p1 $0x0  }
0x3f: {  	s21 =	sadd.s32 $0xFFFFFFFF, s22;
	[sflag:s20] =	ssyncadd.s32 @!p1 $0xFFFFC000;
	s20 =	sadd.s32 @!p1 $0x80, s23  }
0x40: {  	[spmem:s2] =	stream.indirect.scatter.add.f32 @!p1 [tilespmem:s26], [sflag:$0x3], $0x80, s20, s25, $0xb8;
	[tilespmem:$0x1E080] =	vst v63  }
0x41: {  	p3 =	sge.u32 s22, s7;
	p2 =	sge.u32 s21, s7;
	_ =	swait.ge @!p1 [sflag:s19], $0x4000  }
0x42: {  	s18 =	simm.s32 @!p2 $0x80;
	[sflag:s19] =	ssyncset.done @!p1 $0x0  }
0x43: {  	s20 =	simm.s32 @!p2 $0x2800;
	s21 =	simm.s32 @!p2 $0x1;
	[sflag:s19] =	ssyncadd.s32 @!p1 $0xFFFFC000  }
0x44: {  	[tilespmem:s20], [sflag:$0x1] =	stream.indirect.gather @!p2 [hbm4b:s1+s18], $0x80, s17, s18, $0xb8;
	[tilespmem:$0x1E080] =	vst v63  }
0x45: {  	s22 =	simm.s32 @!p3 $0x6800;
	s19 =	simm.s32 @!p3 $0x80;
	s17 =	sadd.s32 @!p3 $0x80, s17  }
0x46: {  	[tilespmem:s22], [sflag:$0x2] =	stream.indirect.gather @!p3 [hbm4b:s1+s19], $0x80, s17, s19, $0xb8;
	[tilespmem:$0x1E080] =	vst v63  }
0x47: {  	_ =	swait.ge @!p2 [sflag:s21], $0x4000  }
0x48: {  	[sflag:s21] =	ssyncset.done @!p2 $0x0  }
0x49: {  	s17 =	simm.s32 @!p2 $0x4;
	[sflag:s21] =	ssyncadd.s32 @!p2 $0xFFFFC000  }
0x4a: {  	[spmem:s2] =	stream.indirect.scatter.add.f32 @!p2 [tilespmem:s20], [sflag:$0x4], $0x80, s16, s18, $0xb8;
	[tilespmem:$0x1E080] =	vst v63  }
0x4b: {  	_ =	swait.ge @!p2 [sflag:s17], $0x4000  }
0x4c: {  	p1 =	por p3, p3;
	[sflag:s17] =	ssyncset.done @!p2 $0x0  }
0x4d: {  	[sflag:s17] =	ssyncadd.s32 @!p2 $0xFFFFC000;
	s17 =	simm.s32 @!p1 $0x2  }
0x4e: {  	_ =	swait.ge @!p1 [sflag:s17], $0x4000  }
0x4f: {  	[sflag:s17] =	ssyncset.done @!p1 $0x0  }
0x50: {  	s18 =	simm.s32 @!p1 $0x3;
	s16 =	sadd.s32 @!p1 $0x80, s16;
	[sflag:s17] =	ssyncadd.s32 @!p1 $0xFFFFC000  }
0x51: {  	[spmem:s2] =	stream.indirect.scatter.add.f32 @!p1 [tilespmem:s22], [sflag:$0x3], $0x80, s16, s19, $0xb8;
	[tilespmem:$0x1E080] =	vst v63  }
0x52: {  	_ =	swait.ge @!p1 [sflag:s18], $0x4000  }
0x53: {  	[sflag:s18] =	ssyncset.done @!p1 $0x0  }
0x54: {  	s16 =	simm.s32 $0x0;
	[sflag:s18] =	ssyncadd.s32 @!p1 $0xFFFFC000  }
0x55: {  	[tilespmem:s16], [sflag:$0x3] =	stream.linear.gather [hbm4b:s8+s16], $0x1400, $0x38;
	[tilespmem:$0x1E080] =	vst v63  }
0x56: {  	_ =	swait.ge [sflag:s14], $0x1400  }
0x57: {  	[sflag:s14] =	ssyncset.done $0x0  }
0x58: {  	s17 =	simm.s32 $0x1400;
	[sflag:s14] =	ssyncadd.s32 $0xFFFFEC00  }
0x59: {  	[tilespmem:s17], [sflag:$0x3] =	stream.linear.gather [hbm4b:s9+s16], $0x1400, $0x38;
	[tilespmem:$0x1E080] =	vst v63  }
0x5a: {  	p2 =	sle.u32 s10, $0x0;
	_ =	swait.ge [sflag:s14], $0x1400  }
0x5b: {  	s20 =	simm.s32 @!p2 $0x1;
	s19 =	simm.s32 @!p2 $0x2800;
	[sflag:s14] =	ssyncset.done $0x0  }
0x5c: {  	p1 =	sle.u32 s10, $0x1;
	s18 =	simm.s32 @!p2 $0x80;
	[sflag:s14] =	ssyncadd.s32 $0xFFFFEC00  }
0x5d: {  	[tilespmem:s19], [sflag:$0x1] =	stream.indirect.gather @!p2 [hbm4b:s1+s18], $0x80, s16, s18, $0xb8;
	[tilespmem:$0x1E080] =	vst v63  }
0x5e: {  	s21 =	simm.s32 @!p1 $0x80;
	s22 =	simm.s32 @!p1 $0x6800;
	s16 =	simm.s32 @!p1 $0x80  }
0x5f: {  	[tilespmem:s22], [sflag:$0x2] =	stream.indirect.gather @!p1 [hbm4b:s1+s21], $0x80, s16, s21, $0xb8;
	[tilespmem:$0x1E080] =	vst v63  }
0x60: {  	_ =	swait.ge @!p2 [sflag:s20], $0x4000  }
0x61: {  	[sflag:s20] =	ssyncset.done @!p2 $0x0  }
0x62: {  	s16 =	simm.s32 @!p2 $0x4;
	[sflag:s20] =	ssyncadd.s32 @!p2 $0xFFFFC000  }
0x63: {  	[spmem:s2] =	stream.indirect.scatter.add.f32 @!p2 [tilespmem:s19], [sflag:$0x4], $0x80, s17, s18, $0xb8;
	[tilespmem:$0x1E080] =	vst v63  }
0x64: {  	_ =	swait.ge @!p2 [sflag:s16], $0x4000  }
0x65: {  	p1 =	por p1, p1;
	[sflag:s16] =	ssyncset.done @!p2 $0x0  }
0x66: {  	[sflag:s16] =	ssyncadd.s32 @!p2 $0xFFFFC000;
	s16 =	simm.s32 @!p1 $0x2  }
0x67: {  	p3 =	sle.u32 s10, $0x3;
	_ =	swait.ge @!p1 [sflag:s16], $0x4000  }
0x68: {  	s18 =	simm.s32 $0x5;
	s17 =	simm.s32 $0x100;
	[sflag:s16] =	ssyncset.done @!p1 $0x0  }
0x69: {  	s19 =	simm.s32 @!p1 $0x3;
	[sflag:s16] =	ssyncadd.s32 @!p1 $0xFFFFC000;
	s16 =	simm.s32 @!p1 $0x1480  }
0x6a: {  	[spmem:s2] =	stream.indirect.scatter.add.f32 @!p1 [tilespmem:s22], [sflag:$0x3], $0x80, s16, s21, $0xb8;
	[tilespmem:$0x1E080] =	vst v63  }
0x6b: {  	p2 =	sle.u32 s10, $0x2;
	s16 =	simm.s32 $0x1500;
	_ =	swait.ge @!p1 [sflag:s19], $0x4000  }
.LBB2_4:
0x6c: {  	s20 =	simm.s32 @!p2 $0x80;
	s21 =	simm.s32 @!p2 $0x2800  }
0x6d: {  	[sflag:s19] =	ssyncset.done @!p1 $0x0;
	s22 =	smov.u32 s18;
	s23 =	smov.u32 s16  }
0x6e: {  	s18 =	sadd.s32 $0x2, s18;
	s24 =	simm.s32 @!p2 $0x1;
	[sflag:s19] =	ssyncadd.s32 @!p1 $0xFFFFC000  }
0x6f: {  	[tilespmem:s21], [sflag:$0x1] =	stream.indirect.gather @!p2 [hbm4b:s1+s20], $0x80, s17, s20, $0xb8;
	[tilespmem:$0x1E080] =	vst v63  }
0x70: {  	s25 =	simm.s32 @!p3 $0x80;
	s26 =	simm.s32 @!p3 $0x6800;
	s19 =	sadd.s32 @!p3 $0x80, s17  }
0x71: {  	[tilespmem:s26], [sflag:$0x2] =	stream.indirect.gather @!p3 [hbm4b:s1+s25], $0x80, s19, s25, $0xb8;
	[tilespmem:$0x1E080] =	vst v63  }
0x72: {  	p4 =	sne.s32 s18, $0x29;
	p1 =	por p3, p3;
	_ =	swait.ge @!p2 [sflag:s24], $0x4000  }
0x73: {  	s19 =	simm.s32 @!p2 $0x4;
	[sflag:s24] =	ssyncset.done @!p2 $0x0  }
0x74: {  	[sflag:s24] =	ssyncadd.s32 @!p2 $0xFFFFC000  }
0x75: {  	[spmem:s2] =	stream.indirect.scatter.add.f32 @!p2 [tilespmem:s21], [sflag:$0x4], $0x80, s16, s20, $0xb8;
	[tilespmem:$0x1E080] =	vst v63  }
0x76: {  	_ =	swait.ge @!p2 [sflag:s19], $0x4000  }
0x77: {  	[sflag:s19] =	ssyncset.done @!p2 $0x0  }
0x78: {  	s20 =	simm.s32 @!p1 $0x2;
	[sflag:s19] =	ssyncadd.s32 @!p2 $0xFFFFC000  }
.Ltmp1:
0x79: {  	s17 =	sadd.s32 $0x100, s17;
	_ =	swait.ge @!p1 [sflag:s20], $0x4000;
	(pc) =	sbr.rel @p4 .LBB2_4-.Ltmp1, $4  }
0x7a: {  	s16 =	sadd.s32 $0x100, s16;
	s19 =	simm.s32 @!p1 $0x3;
	[sflag:s20] =	ssyncset.done @!p1 $0x0  }
0x7b: {  	s21 =	sadd.s32 $0xFFFFFFFF, s22;
	[sflag:s20] =	ssyncadd.s32 @!p1 $0xFFFFC000;
	s20 =	sadd.s32 @!p1 $0x80, s23  }
0x7c: {  	[spmem:s2] =	stream.indirect.scatter.add.f32 @!p1 [tilespmem:s26], [sflag:$0x3], $0x80, s20, s25, $0xb8;
	[tilespmem:$0x1E080] =	vst v63  }
0x7d: {  	p3 =	sge.u32 s22, s10;
	p2 =	sge.u32 s21, s10;
	_ =	swait.ge @!p1 [sflag:s19], $0x4000  }
0x7e: {  	s18 =	simm.s32 @!p2 $0x80;
	[sflag:s19] =	ssyncset.done @!p1 $0x0  }
0x7f: {  	s20 =	simm.s32 @!p2 $0x2800;
	s21 =	simm.s32 @!p2 $0x1;
	[sflag:s19] =	ssyncadd.s32 @!p1 $0xFFFFC000  }
0x80: {  	[tilespmem:s20], [sflag:$0x1] =	stream.indirect.gather @!p2 [hbm4b:s1+s18], $0x80, s17, s18, $0xb8;
	[tilespmem:$0x1E080] =	vst v63  }
0x81: {  	s22 =	simm.s32 @!p3 $0x6800;
	s19 =	simm.s32 @!p3 $0x80;
	s17 =	sadd.s32 @!p3 $0x80, s17  }
0x82: {  	[tilespmem:s22], [sflag:$0x2] =	stream.indirect.gather @!p3 [hbm4b:s1+s19], $0x80, s17, s19, $0xb8;
	[tilespmem:$0x1E080] =	vst v63  }
0x83: {  	_ =	swait.ge @!p2 [sflag:s21], $0x4000  }
0x84: {  	[sflag:s21] =	ssyncset.done @!p2 $0x0  }
0x85: {  	s17 =	simm.s32 @!p2 $0x4;
	[sflag:s21] =	ssyncadd.s32 @!p2 $0xFFFFC000  }
0x86: {  	[spmem:s2] =	stream.indirect.scatter.add.f32 @!p2 [tilespmem:s20], [sflag:$0x4], $0x80, s16, s18, $0xb8;
	[tilespmem:$0x1E080] =	vst v63  }
0x87: {  	_ =	swait.ge @!p2 [sflag:s17], $0x4000  }
0x88: {  	p1 =	por p3, p3;
	[sflag:s17] =	ssyncset.done @!p2 $0x0  }
0x89: {  	[sflag:s17] =	ssyncadd.s32 @!p2 $0xFFFFC000;
	s17 =	simm.s32 @!p1 $0x2  }
0x8a: {  	_ =	swait.ge @!p1 [sflag:s17], $0x4000  }
0x8b: {  	[sflag:s17] =	ssyncset.done @!p1 $0x0  }
0x8c: {  	s18 =	simm.s32 @!p1 $0x3;
	s16 =	sadd.s32 @!p1 $0x80, s16;
	[sflag:s17] =	ssyncadd.s32 @!p1 $0xFFFFC000  }
0x8d: {  	[spmem:s2] =	stream.indirect.scatter.add.f32 @!p1 [tilespmem:s22], [sflag:$0x3], $0x80, s16, s19, $0xb8;
	[tilespmem:$0x1E080] =	vst v63  }
0x8e: {  	_ =	swait.ge @!p1 [sflag:s18], $0x4000  }
0x8f: {  	[sflag:s18] =	ssyncset.done @!p1 $0x0  }
0x90: {  	s15 =	sadd.s32 $0x1, s15;
	[sflag:s18] =	ssyncadd.s32 @!p1 $0xFFFFC000  }
0x91: {  	s16 =	simm.s32 @!p0 $0x1C03;
	p1 =	sne.s32 s15, s12;
	[bflag:$0x0] =	sbarrier.arrive $0xFFFF  }
0x92: {  	[hbm:s11], [sflag:s16] =	dma.local @!p0 [spmem:s13], $0x27100  }
.Ltmp2:
0x93: {  	_ = 	snop;
	(pc) =	sbr.rel @p1 .LBB2_1-.Ltmp2, $4  }
0x94: {  	s16 =	simm.s32 @!p0 $0x3  }
0x95: {  	_ =	swait.ge @!p0 [sflag:s16], $0x27100  }
0x96: {  	[sflag:s16] =	ssyncset.done @!p0 $0x0  }
0x97: {  	[sflag:s16] =	ssyncadd.s32 @!p0 $0xFFFD8F00  }
0x98: {  	_ =	sfence.sel $0x180000  }
0x99: {  	[bflag:$0x0] =	sbarrier.arrive $0xFFFF  }
0x9a: {  	_ =	strace $0x9000004D  }
0x9b: {  	s0 =	sadd.s32 @!p0 $0x100000, s0;
	[bflag:$0x2] =	sbarrier.arrive $0xFFFF  }
0x9c: {  	[sflag:s0] =	ssyncadd.tile.s32 @!p0 $0x1;
	_ =	shalt  }
.Lfunc_end2:
_tile_overlayer_lowered:
.L_overlay_start_2:
0x9d: {  	(tag) =	ssettag $0x2  }
0x9e: {  	s0 =	rddreg [dreg:$0x0];
	s2 =	stileid.u32  }
0x9f: {  	s1 =	rddreg [dreg:$0x1];
	p0 =	sne.s32 s2, $0x0  }
0xa0: {  	s3 =	rddreg [dreg:$0x2];
	[bflag:$0x3] =	sbarrier.arrive $0xFFFF;
	s2 =	simm.s32 @!p0 $0x1C03  }
0xa1: {  	[timem:s3], [sflag:s2] =	dma.local @!p0 [hbm:s0], s1  }
0xa2: {  	s0 =	simm.s32 @!p0 $0x3  }
0xa3: {  	_ =	swait.ge @!p0 [sflag:s0], s1  }
0xa4: {  	s1 =	ssub.s32 @!p0 $0x0, s1;
	[sflag:s0] =	ssyncset.done @!p0 $0x0  }
0xa5: {  	[sflag:s0] =	ssyncadd.s32 @!p0 s1  }
0xa6: {  	[bflag:$0x3] =	sbarrier.arrive $0xFFFF  }
0xa7: {  	_ =	shalt  }

// kernel: kernel.30.cloned.1.call-start
scs
__scs_entry_jumppad:
0x0: {  	(pc) =	sbr.rel $0x88, $3  }
0x1: {  	(tag) =	ssettag $0x0;
	lr =	simm.s32 $0x1  }
0x2: {  	[smem:$0x3F7E] =	sst lr;
	_ =	strace $0xD0000000  }
0x3: {  	_ = 	snop  }
0x4: {  	_ = 	snop  }
0x5: {  	_ = 	snop  }
0x6: {  	_ = 	snop  }
0x7: {  	_ = 	snop  }
__scs_overlays_trampoline_lowered:
0x8: {  	[smem:$0x3F8D] =	sst s0  }
0x9: {  	[smem:$0x3F8E] =	sst s1  }
0xa: {  	[smem:$0x3F8F] =	sst s2  }
0xb: {  	[smem:$0x3F90] =	sst s3  }
0xc: {  	[smem:$0x3F91] =	sst s4  }
0xd: {  	[smem:$0x3F92] =	sst s5  }
0xe: {  	[smem:$0x3F93] =	sst s6  }
0xf: {  	[smem:$0x3F94] =	sst s7  }
0x10: {  	[smem:$0x3F95] =	sst s8  }
0x11: {  	[smem:$0x3F96] =	sst s9;
	s0 =	simm.s32 @!p0 $0x0  }
0x12: {  	s1 =	sld [smem:$0x3F7C];
	s0 =	simm.s32 @p0 $0x1  }
0x13: {  	[smem:$0x3F97] =	sst s0;
	s0 =	simm.s32 @!p1 $0x0  }
0x14: {  	s2 =	sld [smem:$0x3F7B];
	s0 =	simm.s32 @p1 $0x1  }
0x15: {  	[smem:$0x3F98] =	sst s0;
	s0 =	simm.s32 @!p2 $0x0  }
0x16: {  	s3 =	sld [smem:$0x3FDB];
	s0 =	simm.s32 @p2 $0x1  }
0x17: {  	s4 =	simm.s32 $0x1BF5;
	[smem:$0x3F9A] =	sst s0  }
0x18: {  	s0 =	sld [smem:$0x3F7D];
	_ =	swait.ge [sflag:s4], $0x0  }
0x19: {  	s7 =	sld [smem:$0x3F7E]  }
0x1a: {  	s8 =	sadd.s32 $0xFFFFE003, lr  }
0x1b: {  	s9 =	sadd.s32 $0xFFFFFEF7, lr;
	s5 =	simm.s32 $0xFFFFFFFF;
	p2 =	slt.u32 s8, $0xFFFFF086  }
0x1c: {  	p1 =	slt.u32 s9, $0xF7A;
	s5 =	simm.s32 @!p2 $0x0  }
0x1d: {  	s5 =	simm.s32 @p1 $0x1;
	p0 =	seq.s32 s7, s2  }
0x1e: {  	s7 =	smul.u32 @!p0 $0xF7A, s2;
	p2 =	seq.s32 @!p0 s5, $0x0  }
0x1f: {  	s9 =	smul.u32 $0xF7A, s1;
	s8 =	simm.s32 @!p0 $0x1BF5;
	p2 =	por !p2, p0  }
0x20: {  	[sflag:s8] =	ssyncset.s32 @!p0 $0xFFFFF086;
	s6 =	sadd.s32 @!p0 s3, s7;
	s7 =	simm.s32 @!p0 $0x108  }
0x21: {  	s3 =	sadd.s32 s3, s9;
	s6 =	sadd.s32 @!p0 $0x88, s6;
	s7 =	simm.s32 @p2 $0x1082  }
0x22: {  	[simem:s7], [sflag:s8] =	dma.local @!p0 [hbm:s6], $0xF7A  }
0x23: {  	s9 =	sor.u32 $0xD0000000, s2;
	s6 =	simm.s32 $0x108;
	_ =	swait.ge @!p0 [sflag:s8], $0x0  }
0x24: {  	s3 =	sadd.s32 $0x88, s3;
	s6 =	simm.s32 @!p1 $0x1082;
	[sflag:s4] =	ssyncset.s32 $0xFFFFF086  }
0x25: {  	[simem:s6], [sflag:s4] =	dma.local [hbm:s3], $0xF7A  }
0x26: {  	[smem:$0x3F7E] =	sst s1;
	(tag) =	ssettag s2;
	_ =	strace s9  }
0x27: {  	s1 =	sld [smem:$0x3F8E]  }
0x28: {  	s2 =	sld [smem:$0x3F8F]  }
0x29: {  	s4 =	sld [smem:$0x3F91]  }
0x2a: {  	p0 =	seq.s32 s5, $0x0;
	s5 =	sld [smem:$0x3F92]  }
0x2b: {  	s6 =	sld [smem:$0x3F93]  }
0x2c: {  	s7 =	sld [smem:$0x3F94]  }
0x2d: {  	s3 =	simm.s32 $0x108;
	s8 =	sld [smem:$0x3F95]  }
0x2e: {  	s3 =	simm.s32 @!p0 $0x1082;
	s9 =	sld [smem:$0x3F96]  }
0x2f: {  	lr =	sadd.s32 s0, s3;
	s0 =	sld [smem:$0x3F8D]  }
0x30: {  	s3 =	sld [smem:$0x3F90]  }
0x31: {  	[smem:$0x3F99] =	sst s10  }
0x32: {  	s10 =	sld [smem:$0x3F97];
	_ =	sdelay $0x3  }
0x33: {  	p0 =	seq.s32 s10, $0x1;
	s10 =	sld [smem:$0x3F99];
	_ =	sdelay $0x3  }
0x34: {  	[smem:$0x3F99] =	sst s10  }
0x35: {  	s10 =	sld [smem:$0x3F98];
	_ =	sdelay $0x3  }
0x36: {  	p1 =	seq.s32 s10, $0x1;
	s10 =	sld [smem:$0x3F99];
	_ =	sdelay $0x3  }
0x37: {  	[smem:$0x3F99] =	sst s10  }
0x38: {  	s10 =	sld [smem:$0x3F9A]  }
0x39: {  	_ = 	snop;
	(pc) =	sbr.ind lr, $3  }
0x3a: {  	_ = 	snop  }
0x3b: {  	_ = 	snop  }
0x3c: {  	p2 =	seq.s32 s10, $0x1;
	s10 =	sld [smem:$0x3F99]  }
0x3d: {  	_ =	shalt  }
0x3e: {  	_ =	shalt  }
0x3f: {  	_ =	shalt  }
0x40: {  	_ =	shalt  }
0x41: {  	_ =	shalt  }
0x42: {  	_ =	shalt  }
0x43: {  	_ =	shalt  }
0x44: {  	_ =	shalt  }
0x45: {  	_ =	shalt  }
0x46: {  	_ =	shalt  }
0x47: {  	_ =	shalt  }
0x48: {  	_ =	shalt  }
0x49: {  	_ =	shalt  }
0x4a: {  	_ =	shalt  }
0x4b: {  	_ =	shalt  }
0x4c: {  	_ =	shalt  }
0x4d: {  	_ =	shalt  }
0x4e: {  	_ =	shalt  }
0x4f: {  	_ =	shalt  }
0x50: {  	_ =	shalt  }
0x51: {  	_ =	shalt  }
0x52: {  	_ =	shalt  }
0x53: {  	_ =	shalt  }
0x54: {  	_ =	shalt  }
0x55: {  	_ =	shalt  }
0x56: {  	_ =	shalt  }
0x57: {  	_ =	shalt  }
0x58: {  	_ =	shalt  }
0x59: {  	_ =	shalt  }
0x5a: {  	_ =	shalt  }
0x5b: {  	_ =	shalt  }
0x5c: {  	_ =	shalt  }
0x5d: {  	_ =	shalt  }
0x5e: {  	_ =	shalt  }
0x5f: {  	_ =	shalt  }
0x60: {  	_ =	shalt  }
0x61: {  	_ =	shalt  }
0x62: {  	_ =	shalt  }
0x63: {  	_ =	shalt  }
0x64: {  	_ =	shalt  }
0x65: {  	_ =	shalt  }
0x66: {  	_ =	shalt  }
0x67: {  	_ =	shalt  }
0x68: {  	_ =	shalt  }
0x69: {  	_ =	shalt  }
0x6a: {  	_ =	shalt  }
0x6b: {  	_ =	shalt  }
0x6c: {  	_ =	shalt  }
0x6d: {  	_ =	shalt  }
0x6e: {  	_ =	shalt  }
0x6f: {  	_ =	shalt  }
0x70: {  	_ =	shalt  }
0x71: {  	_ =	shalt  }
0x72: {  	_ =	shalt  }
0x73: {  	_ =	shalt  }
0x74: {  	_ =	shalt  }
0x75: {  	_ =	shalt  }
0x76: {  	_ =	shalt  }
0x77: {  	_ =	shalt  }
0x78: {  	_ =	shalt  }
0x79: {  	_ =	shalt  }
0x7a: {  	_ =	shalt  }
0x7b: {  	_ =	shalt  }
0x7c: {  	_ =	shalt  }
0x7d: {  	_ =	shalt  }
0x7e: {  	_ =	shalt  }
0x7f: {  	_ =	shalt  }
0x80: {  	_ =	shalt  }
0x81: {  	_ =	shalt  }
0x82: {  	_ =	shalt  }
0x83: {  	_ =	shalt  }
0x84: {  	_ =	shalt  }
0x85: {  	_ =	shalt  }
0x86: {  	_ =	shalt  }
0x87: {  	_ =	shalt  }
.Lfunc_end0:
.L_simem_size_0:
called_computation.4_lowered:
.L_overlay_start_0:
0x88: {  	s2 =	sld [smem:$0x3FD9]  }
0x89: {  	s3 =	sld [smem:$0x3FFE];
	_ =	sdelay $0x1  }
0x8a: {  	s1 =	srdreg.scid  }
0x8b: {  	s0 =	sand.u32 $0x1, s1  }
0x8c: {  	s17 =	sshll.u32 s0, $0xA;
	s2 =	sadd.s32 s3, s2  }
0x8d: {  	s2 =	sadd.s32 s2, s17  }
0x8e: {  	[smem:$0x3FA5] =	sst s2  }
0x8f: {  	_ = 	snop  }
0x90: {  	s2 =	sld [smem:$0x3FD0];
	(tm) =	ssettm $0x1  }
0x91: {  	s18 =	sld [smem:$0x3FFB];
	_ =	sdelay $0x3  }
0x92: {  	_ =	strace s18  }
0x93: {  	s3 =	sld [smem:$0x3FFC];
	_ =	sdelay $0x3  }
0x94: {  	_ =	strace s3  }
0x95: {  	s3 =	sld [smem:$0x3FFD];
	_ =	sdelay $0x3  }
0x96: {  	_ =	strace s3  }
0x97: {  	_ =	strace $0x8FFFFFFF  }
0x98: {  	s19 =	sld [smem:$0x3FDB];
	_ =	sdelay $0x1  }
0x99: {  	s4 =	simm.s32 $_scs_section_size  }
0x9a: {  	s5 =	simm.s32 $_size__tile_overlayer_lowered;
	s6 =	simm.s32 $_tile_overlayer_lowered  }
0x9b: {  	s22 =	simm.s32 $0x1BFF;
	s21 =	sshll.u32 s6, $0x1;
	s3 =	sadd.s32 s4, s19  }
0x9c: {  	s7 =	simm.s32 $0x0;
	s20 =	sshll.u32 s5, $0x1;
	s5 =	sadd.s32 s21, s3  }
0x9d: {  	[timem:s7], [sflag:s22] =	dma.local [hbm:s5], s20  }
0x9e: {  	_ =	swait.ge [sflag:s22], s20  }
0x9f: {  	s4 =	ssub.s32 $0x0, s20;
	[sflag:s22] =	ssyncset.done $0x0  }
0xa0: {  	[sflag:s22] =	ssyncadd.s32 s4;
	_ =	sdelay $0x1  }
0xa1: {  	s23 =	simm.s32 $0x1B8B  }
0xa2: {  	_ =	swait.ge [sflag:s23], $0x1  }
0xa3: {  	[sflag:s23] =	ssyncset.done $0x0  }
0xa4: {  	s25 =	simm.s32 $0x1B8E;
	s24 =	sld [smem:$0x3FFE];
	[sflag:s23] =	ssyncadd.s32 $0xFFFFFFFF  }
0xa5: {  	s26 =	simm.s32 $execute0_lowered;
	[smem:$0x3FD2] =	sst s25  }
0xa6: {  	s5 =	sshll.u32 s26, $0x1;
	_ =	strace $0x80000052;
	[dreg:$0x1] =	wrdreg $0xFFFFFFFF  }
0xa7: {  	s28 =	simm.s32 $_size_execute0_lowered;
	s3 =	sadd.s32 s3, s5;
	[dreg:$0x0] =	wrdreg $0x0  }
0xa8: {  	s5 =	sshll.u32 s28, $0x1;
	[dreg:$0x2] =	wrdreg s3  }
0xa9: {  	[dreg:$0x3] =	wrdreg s5  }
0xaa: {  	[dreg:$0x4] =	wrdreg $0xC0  }
0xab: {  	_ =	task [dreg:s7], $0x5FFFF  }
0xac: {  	[dreg:$0x1] =	wrdreg $0xFFFFFFFF  }
0xad: {  	[dreg:$0x0] =	wrdreg $0x60  }
0xae: {  	[dreg:$0x2] =	wrdreg s2  }
0xaf: {  	[dreg:$0x3] =	wrdreg s24  }
0xb0: {  	[dreg:$0x4] =	wrdreg $0xA8000  }
0xb1: {  	[dreg:$0x5] =	wrdreg $0x9  }
0xb2: {  	_ =	task.clear_ibuf [dreg:s7], $0x6FFFF;
	_ =	strace $0x90000052  }
0xb3: {  	s29 =	simm.s32 $0x9;
	_ =	strace $0x80000054  }
0xb4: {  	_ =	swait.ge [sflag:s29], $0x1  }
0xb5: {  	[sflag:s29] =	ssyncadd.s32 $0xFFFFFFFF  }
0xb6: {  	_ =	strace $0x90000054  }
0xb7: {  	_ =	sfence  }
0xb8: {  	s30 =	sld [smem:$0x0];
	_ =	sdelay $0x2  }
0xb9: {  	s31 =	sshll.u32 s1, $0xD;
	s1 =	sshrl.u32 s1, $0x2  }
0xba: {  	s3 =	sand.u32 $0x4000, s31;
	s1 =	sadd.s32 s1, s30  }
0xbb: {  	s0 =	sor.u32 s3, s0;
	s1 =	sshll.u32 s1, $0x11  }
0xbc: {  	s0 =	sor.u32 s1, s0  }
0xbd: {  	s0 =	sadd.s32 $0x8F2B, s0  }
0xbe: {  	[sflag:s0] =	ssyncadd.remote.s32 $0x1  }
0xbf: {  	_ =	sfence.sel $0xFFFF  }
0xc0: {  	[dreg:$0x0] =	wrdreg $0xFFFFFFFF;
	(pc) =	sbr.abs _section_cstart, $3  }
0xc1: {  	[dreg:$0x1] =	wrdreg $0xFFFFFFFF  }
0xc2: {  	_ =	task.clear_ibuf [dreg:s7], $0x2FFFF;
	_ =	strace $0x9FFFFFFF  }
0xc3: {  	(tm) =	ssettm $0x7FFFFFFF  }
tec
execute0_lowered:
.L_overlay_start_1:
0x0: {  	(tag) =	ssettag $0x1  }
0x1: {  	s1 =	rddreg [dreg:$0x0]  }
0x2: {  	s5 =	rddreg [dreg:$0x1]  }
0x3: {  	s2 =	rddreg [dreg:$0x2]  }
0x4: {  	s0 =	rddreg [dreg:$0x3];
	s3 =	simm.s32 $0x0  }
0x5: {  	s4 =	srdreg.scid;
	s13 =	stileid.u32;
	s15 =	simm.s32 $0x0  }
0x6: {  	[smem:$0x7FF] =	sst s3;
	s6 =	sand.u32 $0x1, s4;
	s28 =	sshll.u32 s13, $0x1  }
0x7: {  	s8 =	sadd.s32 $0x8200, s5;
	s7 =	smul.u32 $0x27100, s6;
	s9 =	sor.u32 s6, s28  }
0x8: {  	s10 =	sadd.s32 $0x1C400, s5;
	s4 =	sadd.s32 $0x74E00, s5;
	s11 =	smul.u32 $0x48, s9  }
0x9: {  	_ =	strace $0x80000053;
	s29 =	ssub.s32 $0x2, s6;
	s6 =	smul.u32 $0x50, s9  }
0xa: {  	s30 =	sshrl.u32 s29, $0x1;
	p0 =	slt.u32 s9, $0x19;
	s12 =	sadd.s32 s7, s5  }
0xb: {  	s14 =	ssub.s32 s29, s30;
	s5 =	simm.s32 $0x50;
	s9 =	sadd.s32 $0xC8, s11  }
0xc: {  	s5 =	simm.s32 @!p0 $0x48;
	s9 =	smov.u32 @p0 s6;
	p0 =	sne.s32 s13, $0x0  }
0xd: {  	s6 =	ssub.s32 $0x9C4, s9;
	s9 =	sshll.u32 s9, $0x4;
	s13 =	sshrl.u32 @!p0 s2, $0x3  }
0xe: {  	s31 =	smin.u32 s5, s6;
	s5 =	sadd.s32 s8, s9;
	s6 =	sadd.s32 s10, s9  }
0xf: {  	s9 =	sadd.s32 $0x280, s9;
	s7 =	smin.u32 s31, $0x28;
	s11 =	smax.u32 s31, $0x28  }
0x10: {  	s8 =	sadd.s32 s8, s9;
	s9 =	sadd.s32 s10, s9;
	s10 =	sadd.s32 $0xFFFFFFD8, s11  }
0x11: {  	s11 =	sadd.s32 $0x9C000, s12;
	s12 =	smax.u32 s14, $0x1;
	s14 =	simm.s32 $0x3  }
.LBB2_1:
0x12: {  	s16 =	simm.s32 @!p0 $0x1C03  }
0x13: {  	[spmem:s13], [sflag:s16] =	dma.local @!p0 [hbm:s4], $0x27100  }
0x14: {  	s16 =	simm.s32 @!p0 $0x3  }
0x15: {  	_ =	swait.ge @!p0 [sflag:s16], $0x27100  }
0x16: {  	[sflag:s16] =	ssyncset.done @!p0 $0x0  }
0x17: {  	[sflag:s16] =	ssyncadd.s32 @!p0 $0xFFFD8F00  }
0x18: {  	[bflag:$0x0] =	sbarrier.arrive $0xFFFF  }
0x19: {  	[tilespmem:s3], [sflag:$0x3] =	stream.linear.gather [hbm4b:s5+s3], $0x1400, $0x38;
	[tilespmem:$0x1E080] =	vst v63  }
0x1a: {  	_ =	swait.ge [sflag:s14], $0x1400  }
0x1b: {  	[sflag:s14] =	ssyncset.done $0x0  }
0x1c: {  	s16 =	simm.s32 $0x1400;
	[sflag:s14] =	ssyncadd.s32 $0xFFFFEC00  }
0x1d: {  	[tilespmem:s16], [sflag:$0x3] =	stream.linear.gather [hbm4b:s6+s3], $0x1400, $0x38;
	[tilespmem:$0x1E080] =	vst v63  }
0x1e: {  	p2 =	sle.u32 s7, $0x0;
	_ =	swait.ge [sflag:s14], $0x1400  }
0x1f: {  	p1 =	sle.u32 s7, $0x1;
	s17 =	simm.s32 @!p2 $0x80;
	[sflag:s14] =	ssyncset.done $0x0  }
0x20: {  	s18 =	simm.s32 @!p2 $0x2800;
	s19 =	simm.s32 @!p2 $0x1;
	[sflag:s14] =	ssyncadd.s32 $0xFFFFEC00  }
0x21: {  	[tilespmem:s18], [sflag:$0x1] =	stream.indirect.gather @!p2 [hbm4b:s1+s17], $0x80, s3, s17, $0xb8;
	[tilespmem:$0x1E080] =	vst v63  }
0x22: {  	s20 =	simm.s32 @!p1 $0x80;
	s21 =	simm.s32 @!p1 $0x80;
	s22 =	simm.s32 @!p1 $0x6800  }
0x23: {  	[tilespmem:s22], [sflag:$0x2] =	stream.indirect.gather @!p1 [hbm4b:s1+s21], $0x80, s20, s21, $0xb8;
	[tilespmem:$0x1E080] =	vst v63  }
0x24: {  	_ =	swait.ge @!p2 [sflag:s19], $0x4000  }
0x25: {  	[sflag:s19] =	ssyncset.done @!p2 $0x0  }
0x26: {  	s20 =	simm.s32 @!p2 $0x4;
	[sflag:s19] =	ssyncadd.s32 @!p2 $0xFFFFC000  }
0x27: {  	[spmem:s2] =	stream.indirect.scatter.add.f32 @!p2 [tilespmem:s18], [sflag:$0x4], $0x80, s16, s17, $0xb8;
	[tilespmem:$0x1E080] =	vst v63  }
0x28: {  	_ =	swait.ge @!p2 [sflag:s20], $0x4000  }
0x29: {  	p1 =	por p1, p1;
	[sflag:s20] =	ssyncset.done @!p2 $0x0  }
0x2a: {  	s16 =	simm.s32 @!p1 $0x2;
	[sflag:s20] =	ssyncadd.s32 @!p2 $0xFFFFC000  }
0x2b: {  	p3 =	sle.u32 s7, $0x3;
	_ =	swait.ge @!p1 [sflag:s16], $0x4000  }
0x2c: {  	s19 =	simm.s32 @!p1 $0x3;
	s18 =	simm.s32 $0x5;
	[sflag:s16] =	ssyncset.done @!p1 $0x0  }
0x2d: {  	s17 =	simm.s32 $0x100;
	[sflag:s16] =	ssyncadd.s32 @!p1 $0xFFFFC000;
	s16 =	simm.s32 @!p1 $0x1480  }
0x2e: {  	[spmem:s2] =	stream.indirect.scatter.add.f32 @!p1 [tilespmem:s22], [sflag:$0x3], $0x80, s16, s21, $0xb8;
	[tilespmem:$0x1E080] =	vst v63  }
0x2f: {  	p2 =	sle.u32 s7, $0x2;
	s16 =	simm.s32 $0x1500;
	_ =	swait.ge @!p1 [sflag:s19], $0x4000  }
.LBB2_2:
0x30: {  	s20 =	simm.s32 @!p2 $0x80;
	s21 =	simm.s32 @!p2 $0x2800  }
0x31: {  	[sflag:s19] =	ssyncset.done @!p1 $0x0;
	s22 =	smov.u32 s18;
	s23 =	smov.u32 s16  }
0x32: {  	s18 =	sadd.s32 $0x2, s18;
	s24 =	simm.s32 @!p2 $0x1;
	[sflag:s19] =	ssyncadd.s32 @!p1 $0xFFFFC000  }
0x33: {  	[tilespmem:s21], [sflag:$0x1] =	stream.indirect.gather @!p2 [hbm4b:s1+s20], $0x80, s17, s20, $0xb8;
	[tilespmem:$0x1E080] =	vst v63  }
0x34: {  	s25 =	simm.s32 @!p3 $0x80;
	s26 =	simm.s32 @!p3 $0x6800;
	s19 =	sadd.s32 @!p3 $0x80, s17  }
0x35: {  	[tilespmem:s26], [sflag:$0x2] =	stream.indirect.gather @!p3 [hbm4b:s1+s25], $0x80, s19, s25, $0xb8;
	[tilespmem:$0x1E080] =	vst v63  }
0x36: {  	p4 =	sne.s32 s18, $0x29;
	p1 =	por p3, p3;
	_ =	swait.ge @!p2 [sflag:s24], $0x4000  }
0x37: {  	s19 =	simm.s32 @!p2 $0x4;
	[sflag:s24] =	ssyncset.done @!p2 $0x0  }
0x38: {  	[sflag:s24] =	ssyncadd.s32 @!p2 $0xFFFFC000  }
0x39: {  	[spmem:s2] =	stream.indirect.scatter.add.f32 @!p2 [tilespmem:s21], [sflag:$0x4], $0x80, s16, s20, $0xb8;
	[tilespmem:$0x1E080] =	vst v63  }
0x3a: {  	_ =	swait.ge @!p2 [sflag:s19], $0x4000  }
0x3b: {  	[sflag:s19] =	ssyncset.done @!p2 $0x0  }
0x3c: {  	s20 =	simm.s32 @!p1 $0x2;
	[sflag:s19] =	ssyncadd.s32 @!p2 $0xFFFFC000  }
.Ltmp0:
0x3d: {  	s17 =	sadd.s32 $0x100, s17;
	_ =	swait.ge @!p1 [sflag:s20], $0x4000;
	(pc) =	sbr.rel @p4 .LBB2_2-.Ltmp0, $4  }
0x3e: {  	s16 =	sadd.s32 $0x100, s16;
	s19 =	simm.s32 @!p1 $0x3;
	[sflag:s20] =	ssyncset.done @!p1 $0x0  }
0x3f: {  	s21 =	sadd.s32 $0xFFFFFFFF, s22;
	[sflag:s20] =	ssyncadd.s32 @!p1 $0xFFFFC000;
	s20 =	sadd.s32 @!p1 $0x80, s23  }
0x40: {  	[spmem:s2] =	stream.indirect.scatter.add.f32 @!p1 [tilespmem:s26], [sflag:$0x3], $0x80, s20, s25, $0xb8;
	[tilespmem:$0x1E080] =	vst v63  }
0x41: {  	p3 =	sge.u32 s22, s7;
	p2 =	sge.u32 s21, s7;
	_ =	swait.ge @!p1 [sflag:s19], $0x4000  }
0x42: {  	s18 =	simm.s32 @!p2 $0x80;
	[sflag:s19] =	ssyncset.done @!p1 $0x0  }
0x43: {  	s20 =	simm.s32 @!p2 $0x2800;
	s21 =	simm.s32 @!p2 $0x1;
	[sflag:s19] =	ssyncadd.s32 @!p1 $0xFFFFC000  }
0x44: {  	[tilespmem:s20], [sflag:$0x1] =	stream.indirect.gather @!p2 [hbm4b:s1+s18], $0x80, s17, s18, $0xb8;
	[tilespmem:$0x1E080] =	vst v63  }
0x45: {  	s22 =	simm.s32 @!p3 $0x6800;
	s19 =	simm.s32 @!p3 $0x80;
	s17 =	sadd.s32 @!p3 $0x80, s17  }
0x46: {  	[tilespmem:s22], [sflag:$0x2] =	stream.indirect.gather @!p3 [hbm4b:s1+s19], $0x80, s17, s19, $0xb8;
	[tilespmem:$0x1E080] =	vst v63  }
0x47: {  	_ =	swait.ge @!p2 [sflag:s21], $0x4000  }
0x48: {  	[sflag:s21] =	ssyncset.done @!p2 $0x0  }
0x49: {  	s17 =	simm.s32 @!p2 $0x4;
	[sflag:s21] =	ssyncadd.s32 @!p2 $0xFFFFC000  }
0x4a: {  	[spmem:s2] =	stream.indirect.scatter.add.f32 @!p2 [tilespmem:s20], [sflag:$0x4], $0x80, s16, s18, $0xb8;
	[tilespmem:$0x1E080] =	vst v63  }
0x4b: {  	_ =	swait.ge @!p2 [sflag:s17], $0x4000  }
0x4c: {  	p1 =	por p3, p3;
	[sflag:s17] =	ssyncset.done @!p2 $0x0  }
0x4d: {  	[sflag:s17] =	ssyncadd.s32 @!p2 $0xFFFFC000;
	s17 =	simm.s32 @!p1 $0x2  }
0x4e: {  	_ =	swait.ge @!p1 [sflag:s17], $0x4000  }
0x4f: {  	[sflag:s17] =	ssyncset.done @!p1 $0x0  }
0x50: {  	s18 =	simm.s32 @!p1 $0x3;
	s16 =	sadd.s32 @!p1 $0x80, s16;
	[sflag:s17] =	ssyncadd.s32 @!p1 $0xFFFFC000  }
0x51: {  	[spmem:s2] =	stream.indirect.scatter.add.f32 @!p1 [tilespmem:s22], [sflag:$0x3], $0x80, s16, s19, $0xb8;
	[tilespmem:$0x1E080] =	vst v63  }
0x52: {  	_ =	swait.ge @!p1 [sflag:s18], $0x4000  }
0x53: {  	[sflag:s18] =	ssyncset.done @!p1 $0x0  }
0x54: {  	s16 =	simm.s32 $0x0;
	[sflag:s18] =	ssyncadd.s32 @!p1 $0xFFFFC000  }
0x55: {  	[tilespmem:s16], [sflag:$0x3] =	stream.linear.gather [hbm4b:s8+s16], $0x1400, $0x38;
	[tilespmem:$0x1E080] =	vst v63  }
0x56: {  	_ =	swait.ge [sflag:s14], $0x1400  }
0x57: {  	[sflag:s14] =	ssyncset.done $0x0  }
0x58: {  	s17 =	simm.s32 $0x1400;
	[sflag:s14] =	ssyncadd.s32 $0xFFFFEC00  }
0x59: {  	[tilespmem:s17], [sflag:$0x3] =	stream.linear.gather [hbm4b:s9+s16], $0x1400, $0x38;
	[tilespmem:$0x1E080] =	vst v63  }
0x5a: {  	p2 =	sle.u32 s10, $0x0;
	_ =	swait.ge [sflag:s14], $0x1400  }
0x5b: {  	s20 =	simm.s32 @!p2 $0x1;
	s19 =	simm.s32 @!p2 $0x2800;
	[sflag:s14] =	ssyncset.done $0x0  }
0x5c: {  	p1 =	sle.u32 s10, $0x1;
	s18 =	simm.s32 @!p2 $0x80;
	[sflag:s14] =	ssyncadd.s32 $0xFFFFEC00  }
0x5d: {  	[tilespmem:s19], [sflag:$0x1] =	stream.indirect.gather @!p2 [hbm4b:s1+s18], $0x80, s16, s18, $0xb8;
	[tilespmem:$0x1E080] =	vst v63  }
0x5e: {  	s21 =	simm.s32 @!p1 $0x80;
	s22 =	simm.s32 @!p1 $0x6800;
	s16 =	simm.s32 @!p1 $0x80  }
0x5f: {  	[tilespmem:s22], [sflag:$0x2] =	stream.indirect.gather @!p1 [hbm4b:s1+s21], $0x80, s16, s21, $0xb8;
	[tilespmem:$0x1E080] =	vst v63  }
0x60: {  	_ =	swait.ge @!p2 [sflag:s20], $0x4000  }
0x61: {  	[sflag:s20] =	ssyncset.done @!p2 $0x0  }
0x62: {  	s16 =	simm.s32 @!p2 $0x4;
	[sflag:s20] =	ssyncadd.s32 @!p2 $0xFFFFC000  }
0x63: {  	[spmem:s2] =	stream.indirect.scatter.add.f32 @!p2 [tilespmem:s19], [sflag:$0x4], $0x80, s17, s18, $0xb8;
	[tilespmem:$0x1E080] =	vst v63  }
0x64: {  	_ =	swait.ge @!p2 [sflag:s16], $0x4000  }
0x65: {  	p1 =	por p1, p1;
	[sflag:s16] =	ssyncset.done @!p2 $0x0  }
0x66: {  	[sflag:s16] =	ssyncadd.s32 @!p2 $0xFFFFC000;
	s16 =	simm.s32 @!p1 $0x2  }
0x67: {  	p3 =	sle.u32 s10, $0x3;
	_ =	swait.ge @!p1 [sflag:s16], $0x4000  }
0x68: {  	s18 =	simm.s32 $0x5;
	s17 =	simm.s32 $0x100;
	[sflag:s16] =	ssyncset.done @!p1 $0x0  }
0x69: {  	s19 =	simm.s32 @!p1 $0x3;
	[sflag:s16] =	ssyncadd.s32 @!p1 $0xFFFFC000;
	s16 =	simm.s32 @!p1 $0x1480  }
0x6a: {  	[spmem:s2] =	stream.indirect.scatter.add.f32 @!p1 [tilespmem:s22], [sflag:$0x3], $0x80, s16, s21, $0xb8;
	[tilespmem:$0x1E080] =	vst v63  }
0x6b: {  	p2 =	sle.u32 s10, $0x2;
	s16 =	simm.s32 $0x1500;
	_ =	swait.ge @!p1 [sflag:s19], $0x4000  }
.LBB2_4:
0x6c: {  	s20 =	simm.s32 @!p2 $0x80;
	s21 =	simm.s32 @!p2 $0x2800  }
0x6d: {  	[sflag:s19] =	ssyncset.done @!p1 $0x0;
	s22 =	smov.u32 s18;
	s23 =	smov.u32 s16  }
0x6e: {  	s18 =	sadd.s32 $0x2, s18;
	s24 =	simm.s32 @!p2 $0x1;
	[sflag:s19] =	ssyncadd.s32 @!p1 $0xFFFFC000  }
0x6f: {  	[tilespmem:s21], [sflag:$0x1] =	stream.indirect.gather @!p2 [hbm4b:s1+s20], $0x80, s17, s20, $0xb8;
	[tilespmem:$0x1E080] =	vst v63  }
0x70: {  	s25 =	simm.s32 @!p3 $0x80;
	s26 =	simm.s32 @!p3 $0x6800;
	s19 =	sadd.s32 @!p3 $0x80, s17  }
0x71: {  	[tilespmem:s26], [sflag:$0x2] =	stream.indirect.gather @!p3 [hbm4b:s1+s25], $0x80, s19, s25, $0xb8;
	[tilespmem:$0x1E080] =	vst v63  }
0x72: {  	p4 =	sne.s32 s18, $0x29;
	p1 =	por p3, p3;
	_ =	swait.ge @!p2 [sflag:s24], $0x4000  }
0x73: {  	s19 =	simm.s32 @!p2 $0x4;
	[sflag:s24] =	ssyncset.done @!p2 $0x0  }
0x74: {  	[sflag:s24] =	ssyncadd.s32 @!p2 $0xFFFFC000  }
0x75: {  	[spmem:s2] =	stream.indirect.scatter.add.f32 @!p2 [tilespmem:s21], [sflag:$0x4], $0x80, s16, s20, $0xb8;
	[tilespmem:$0x1E080] =	vst v63  }
0x76: {  	_ =	swait.ge @!p2 [sflag:s19], $0x4000  }
0x77: {  	[sflag:s19] =	ssyncset.done @!p2 $0x0  }
0x78: {  	s20 =	simm.s32 @!p1 $0x2;
	[sflag:s19] =	ssyncadd.s32 @!p2 $0xFFFFC000  }
.Ltmp1:
0x79: {  	s17 =	sadd.s32 $0x100, s17;
	_ =	swait.ge @!p1 [sflag:s20], $0x4000;
	(pc) =	sbr.rel @p4 .LBB2_4-.Ltmp1, $4  }
0x7a: {  	s16 =	sadd.s32 $0x100, s16;
	s19 =	simm.s32 @!p1 $0x3;
	[sflag:s20] =	ssyncset.done @!p1 $0x0  }
0x7b: {  	s21 =	sadd.s32 $0xFFFFFFFF, s22;
	[sflag:s20] =	ssyncadd.s32 @!p1 $0xFFFFC000;
	s20 =	sadd.s32 @!p1 $0x80, s23  }
0x7c: {  	[spmem:s2] =	stream.indirect.scatter.add.f32 @!p1 [tilespmem:s26], [sflag:$0x3], $0x80, s20, s25, $0xb8;
	[tilespmem:$0x1E080] =	vst v63  }
0x7d: {  	p3 =	sge.u32 s22, s10;
	p2 =	sge.u32 s21, s10;
	_ =	swait.ge @!p1 [sflag:s19], $0x4000  }
0x7e: {  	s18 =	simm.s32 @!p2 $0x80;
	[sflag:s19] =	ssyncset.done @!p1 $0x0  }
0x7f: {  	s20 =	simm.s32 @!p2 $0x2800;
	s21 =	simm.s32 @!p2 $0x1;
	[sflag:s19] =	ssyncadd.s32 @!p1 $0xFFFFC000  }
0x80: {  	[tilespmem:s20], [sflag:$0x1] =	stream.indirect.gather @!p2 [hbm4b:s1+s18], $0x80, s17, s18, $0xb8;
	[tilespmem:$0x1E080] =	vst v63  }
0x81: {  	s22 =	simm.s32 @!p3 $0x6800;
	s19 =	simm.s32 @!p3 $0x80;
	s17 =	sadd.s32 @!p3 $0x80, s17  }
0x82: {  	[tilespmem:s22], [sflag:$0x2] =	stream.indirect.gather @!p3 [hbm4b:s1+s19], $0x80, s17, s19, $0xb8;
	[tilespmem:$0x1E080] =	vst v63  }
0x83: {  	_ =	swait.ge @!p2 [sflag:s21], $0x4000  }
0x84: {  	[sflag:s21] =	ssyncset.done @!p2 $0x0  }
0x85: {  	s17 =	simm.s32 @!p2 $0x4;
	[sflag:s21] =	ssyncadd.s32 @!p2 $0xFFFFC000  }
0x86: {  	[spmem:s2] =	stream.indirect.scatter.add.f32 @!p2 [tilespmem:s20], [sflag:$0x4], $0x80, s16, s18, $0xb8;
	[tilespmem:$0x1E080] =	vst v63  }
0x87: {  	_ =	swait.ge @!p2 [sflag:s17], $0x4000  }
0x88: {  	p1 =	por p3, p3;
	[sflag:s17] =	ssyncset.done @!p2 $0x0  }
0x89: {  	[sflag:s17] =	ssyncadd.s32 @!p2 $0xFFFFC000;
	s17 =	simm.s32 @!p1 $0x2  }
0x8a: {  	_ =	swait.ge @!p1 [sflag:s17], $0x4000  }
0x8b: {  	[sflag:s17] =	ssyncset.done @!p1 $0x0  }
0x8c: {  	s18 =	simm.s32 @!p1 $0x3;
	s16 =	sadd.s32 @!p1 $0x80, s16;
	[sflag:s17] =	ssyncadd.s32 @!p1 $0xFFFFC000  }
0x8d: {  	[spmem:s2] =	stream.indirect.scatter.add.f32 @!p1 [tilespmem:s22], [sflag:$0x3], $0x80, s16, s19, $0xb8;
	[tilespmem:$0x1E080] =	vst v63  }
0x8e: {  	_ =	swait.ge @!p1 [sflag:s18], $0x4000  }
0x8f: {  	[sflag:s18] =	ssyncset.done @!p1 $0x0  }
0x90: {  	s15 =	sadd.s32 $0x1, s15;
	[sflag:s18] =	ssyncadd.s32 @!p1 $0xFFFFC000  }
0x91: {  	s16 =	simm.s32 @!p0 $0x1C03;
	p1 =	sne.s32 s15, s12;
	[bflag:$0x0] =	sbarrier.arrive $0xFFFF  }
0x92: {  	[hbm:s11], [sflag:s16] =	dma.local @!p0 [spmem:s13], $0x27100  }
.Ltmp2:
0x93: {  	_ = 	snop;
	(pc) =	sbr.rel @p1 .LBB2_1-.Ltmp2, $4  }
0x94: {  	s16 =	simm.s32 @!p0 $0x3  }
0x95: {  	_ =	swait.ge @!p0 [sflag:s16], $0x27100  }
0x96: {  	[sflag:s16] =	ssyncset.done @!p0 $0x0  }
0x97: {  	[sflag:s16] =	ssyncadd.s32 @!p0 $0xFFFD8F00  }
0x98: {  	_ =	sfence.sel $0x180000  }
0x99: {  	[bflag:$0x0] =	sbarrier.arrive $0xFFFF  }
0x9a: {  	_ =	strace $0x90000053  }
0x9b: {  	s0 =	sadd.s32 @!p0 $0x100000, s0;
	[bflag:$0x2] =	sbarrier.arrive $0xFFFF  }
0x9c: {  	[sflag:s0] =	ssyncadd.tile.s32 @!p0 $0x1;
	_ =	shalt  }
.Lfunc_end2:
_tile_overlayer_lowered:
.L_overlay_start_2:
0x9d: {  	(tag) =	ssettag $0x2  }
0x9e: {  	s0 =	rddreg [dreg:$0x0];
	s2 =	stileid.u32  }
0x9f: {  	s1 =	rddreg [dreg:$0x1];
	p0 =	sne.s32 s2, $0x0  }
0xa0: {  	s3 =	rddreg [dreg:$0x2];
	[bflag:$0x3] =	sbarrier.arrive $0xFFFF;
	s2 =	simm.s32 @!p0 $0x1C03  }
0xa1: {  	[timem:s3], [sflag:s2] =	dma.local @!p0 [hbm:s0], s1  }
0xa2: {  	s0 =	simm.s32 @!p0 $0x3  }
0xa3: {  	_ =	swait.ge @!p0 [sflag:s0], s1  }
0xa4: {  	s1 =	ssub.s32 @!p0 $0x0, s1;
	[sflag:s0] =	ssyncset.done @!p0 $0x0  }
0xa5: {  	[sflag:s0] =	ssyncadd.s32 @!p0 s1  }
0xa6: {  	[bflag:$0x3] =	sbarrier.arrive $0xFFFF  }
0xa7: {  	_ =	shalt  }

// kernel: kernel.33.cloned.1.call-start
scs
__scs_entry_jumppad:
0x0: {  	(pc) =	sbr.rel $0x88, $3  }
0x1: {  	(tag) =	ssettag $0x0;
	lr =	simm.s32 $0x1  }
0x2: {  	[smem:$0x3F7E] =	sst lr;
	_ =	strace $0xD0000000  }
0x3: {  	_ = 	snop  }
0x4: {  	_ = 	snop  }
0x5: {  	_ = 	snop  }
0x6: {  	_ = 	snop  }
0x7: {  	_ = 	snop  }
__scs_overlays_trampoline_lowered:
0x8: {  	[smem:$0x3F8D] =	sst s0  }
0x9: {  	[smem:$0x3F8E] =	sst s1  }
0xa: {  	[smem:$0x3F8F] =	sst s2  }
0xb: {  	[smem:$0x3F90] =	sst s3  }
0xc: {  	[smem:$0x3F91] =	sst s4  }
0xd: {  	[smem:$0x3F92] =	sst s5  }
0xe: {  	[smem:$0x3F93] =	sst s6  }
0xf: {  	[smem:$0x3F94] =	sst s7  }
0x10: {  	[smem:$0x3F95] =	sst s8  }
0x11: {  	[smem:$0x3F96] =	sst s9;
	s0 =	simm.s32 @!p0 $0x0  }
0x12: {  	s1 =	sld [smem:$0x3F7C];
	s0 =	simm.s32 @p0 $0x1  }
0x13: {  	[smem:$0x3F97] =	sst s0;
	s0 =	simm.s32 @!p1 $0x0  }
0x14: {  	s2 =	sld [smem:$0x3F7B];
	s0 =	simm.s32 @p1 $0x1  }
0x15: {  	[smem:$0x3F98] =	sst s0;
	s0 =	simm.s32 @!p2 $0x0  }
0x16: {  	s3 =	sld [smem:$0x3FDB];
	s0 =	simm.s32 @p2 $0x1  }
0x17: {  	s4 =	simm.s32 $0x1BF5;
	[smem:$0x3F9A] =	sst s0  }
0x18: {  	s0 =	sld [smem:$0x3F7D];
	_ =	swait.ge [sflag:s4], $0x0  }
0x19: {  	s7 =	sld [smem:$0x3F7E]  }
0x1a: {  	s8 =	sadd.s32 $0xFFFFE003, lr  }
0x1b: {  	s9 =	sadd.s32 $0xFFFFFEF7, lr;
	s5 =	simm.s32 $0xFFFFFFFF;
	p2 =	slt.u32 s8, $0xFFFFF086  }
0x1c: {  	p1 =	slt.u32 s9, $0xF7A;
	s5 =	simm.s32 @!p2 $0x0  }
0x1d: {  	s5 =	simm.s32 @p1 $0x1;
	p0 =	seq.s32 s7, s2  }
0x1e: {  	s7 =	smul.u32 @!p0 $0xF7A, s2;
	p2 =	seq.s32 @!p0 s5, $0x0  }
0x1f: {  	s9 =	smul.u32 $0xF7A, s1;
	s8 =	simm.s32 @!p0 $0x1BF5;
	p2 =	por !p2, p0  }
0x20: {  	[sflag:s8] =	ssyncset.s32 @!p0 $0xFFFFF086;
	s6 =	sadd.s32 @!p0 s3, s7;
	s7 =	simm.s32 @!p0 $0x108  }
0x21: {  	s3 =	sadd.s32 s3, s9;
	s6 =	sadd.s32 @!p0 $0x88, s6;
	s7 =	simm.s32 @p2 $0x1082  }
0x22: {  	[simem:s7], [sflag:s8] =	dma.local @!p0 [hbm:s6], $0xF7A  }
0x23: {  	s9 =	sor.u32 $0xD0000000, s2;
	s6 =	simm.s32 $0x108;
	_ =	swait.ge @!p0 [sflag:s8], $0x0  }
0x24: {  	s3 =	sadd.s32 $0x88, s3;
	s6 =	simm.s32 @!p1 $0x1082;
	[sflag:s4] =	ssyncset.s32 $0xFFFFF086  }
0x25: {  	[simem:s6], [sflag:s4] =	dma.local [hbm:s3], $0xF7A  }
0x26: {  	[smem:$0x3F7E] =	sst s1;
	(tag) =	ssettag s2;
	_ =	strace s9  }
0x27: {  	s1 =	sld [smem:$0x3F8E]  }
0x28: {  	s2 =	sld [smem:$0x3F8F]  }
0x29: {  	s4 =	sld [smem:$0x3F91]  }
0x2a: {  	p0 =	seq.s32 s5, $0x0;
	s5 =	sld [smem:$0x3F92]  }
0x2b: {  	s6 =	sld [smem:$0x3F93]  }
0x2c: {  	s7 =	sld [smem:$0x3F94]  }
0x2d: {  	s3 =	simm.s32 $0x108;
	s8 =	sld [smem:$0x3F95]  }
0x2e: {  	s3 =	simm.s32 @!p0 $0x1082;
	s9 =	sld [smem:$0x3F96]  }
0x2f: {  	lr =	sadd.s32 s0, s3;
	s0 =	sld [smem:$0x3F8D]  }
0x30: {  	s3 =	sld [smem:$0x3F90]  }
0x31: {  	[smem:$0x3F99] =	sst s10  }
0x32: {  	s10 =	sld [smem:$0x3F97];
	_ =	sdelay $0x3  }
0x33: {  	p0 =	seq.s32 s10, $0x1;
	s10 =	sld [smem:$0x3F99];
	_ =	sdelay $0x3  }
0x34: {  	[smem:$0x3F99] =	sst s10  }
0x35: {  	s10 =	sld [smem:$0x3F98];
	_ =	sdelay $0x3  }
0x36: {  	p1 =	seq.s32 s10, $0x1;
	s10 =	sld [smem:$0x3F99];
	_ =	sdelay $0x3  }
0x37: {  	[smem:$0x3F99] =	sst s10  }
0x38: {  	s10 =	sld [smem:$0x3F9A]  }
0x39: {  	_ = 	snop;
	(pc) =	sbr.ind lr, $3  }
0x3a: {  	_ = 	snop  }
0x3b: {  	_ = 	snop  }
0x3c: {  	p2 =	seq.s32 s10, $0x1;
	s10 =	sld [smem:$0x3F99]  }
0x3d: {  	_ =	shalt  }
0x3e: {  	_ =	shalt  }
0x3f: {  	_ =	shalt  }
0x40: {  	_ =	shalt  }
0x41: {  	_ =	shalt  }
0x42: {  	_ =	shalt  }
0x43: {  	_ =	shalt  }
0x44: {  	_ =	shalt  }
0x45: {  	_ =	shalt  }
0x46: {  	_ =	shalt  }
0x47: {  	_ =	shalt  }
0x48: {  	_ =	shalt  }
0x49: {  	_ =	shalt  }
0x4a: {  	_ =	shalt  }
0x4b: {  	_ =	shalt  }
0x4c: {  	_ =	shalt  }
0x4d: {  	_ =	shalt  }
0x4e: {  	_ =	shalt  }
0x4f: {  	_ =	shalt  }
0x50: {  	_ =	shalt  }
0x51: {  	_ =	shalt  }
0x52: {  	_ =	shalt  }
0x53: {  	_ =	shalt  }
0x54: {  	_ =	shalt  }
0x55: {  	_ =	shalt  }
0x56: {  	_ =	shalt  }
0x57: {  	_ =	shalt  }
0x58: {  	_ =	shalt  }
0x59: {  	_ =	shalt  }
0x5a: {  	_ =	shalt  }
0x5b: {  	_ =	shalt  }
0x5c: {  	_ =	shalt  }
0x5d: {  	_ =	shalt  }
0x5e: {  	_ =	shalt  }
0x5f: {  	_ =	shalt  }
0x60: {  	_ =	shalt  }
0x61: {  	_ =	shalt  }
0x62: {  	_ =	shalt  }
0x63: {  	_ =	shalt  }
0x64: {  	_ =	shalt  }
0x65: {  	_ =	shalt  }
0x66: {  	_ =	shalt  }
0x67: {  	_ =	shalt  }
0x68: {  	_ =	shalt  }
0x69: {  	_ =	shalt  }
0x6a: {  	_ =	shalt  }
0x6b: {  	_ =	shalt  }
0x6c: {  	_ =	shalt  }
0x6d: {  	_ =	shalt  }
0x6e: {  	_ =	shalt  }
0x6f: {  	_ =	shalt  }
0x70: {  	_ =	shalt  }
0x71: {  	_ =	shalt  }
0x72: {  	_ =	shalt  }
0x73: {  	_ =	shalt  }
0x74: {  	_ =	shalt  }
0x75: {  	_ =	shalt  }
0x76: {  	_ =	shalt  }
0x77: {  	_ =	shalt  }
0x78: {  	_ =	shalt  }
0x79: {  	_ =	shalt  }
0x7a: {  	_ =	shalt  }
0x7b: {  	_ =	shalt  }
0x7c: {  	_ =	shalt  }
0x7d: {  	_ =	shalt  }
0x7e: {  	_ =	shalt  }
0x7f: {  	_ =	shalt  }
0x80: {  	_ =	shalt  }
0x81: {  	_ =	shalt  }
0x82: {  	_ =	shalt  }
0x83: {  	_ =	shalt  }
0x84: {  	_ =	shalt  }
0x85: {  	_ =	shalt  }
0x86: {  	_ =	shalt  }
0x87: {  	_ =	shalt  }
.Lfunc_end0:
.L_simem_size_0:
called_computation.5_lowered:
.L_overlay_start_0:
0x88: {  	s2 =	sld [smem:$0x3FD9]  }
0x89: {  	s3 =	sld [smem:$0x3FFE];
	_ =	sdelay $0x1  }
0x8a: {  	s1 =	srdreg.scid  }
0x8b: {  	s0 =	sand.u32 $0x1, s1  }
0x8c: {  	s17 =	sshll.u32 s0, $0xA;
	s2 =	sadd.s32 s3, s2  }
0x8d: {  	s2 =	sadd.s32 s2, s17  }
0x8e: {  	[smem:$0x3FA5] =	sst s2  }
0x8f: {  	_ = 	snop  }
0x90: {  	s2 =	sld [smem:$0x3FD0];
	(tm) =	ssettm $0x1  }
0x91: {  	s18 =	sld [smem:$0x3FFB];
	_ =	sdelay $0x3  }
0x92: {  	_ =	strace s18  }
0x93: {  	s3 =	sld [smem:$0x3FFC];
	_ =	sdelay $0x3  }
0x94: {  	_ =	strace s3  }
0x95: {  	s3 =	sld [smem:$0x3FFD];
	_ =	sdelay $0x3  }
0x96: {  	_ =	strace s3  }
0x97: {  	_ =	strace $0x8FFFFFFF  }
0x98: {  	s19 =	sld [smem:$0x3FDB];
	_ =	sdelay $0x1  }
0x99: {  	s4 =	simm.s32 $_scs_section_size  }
0x9a: {  	s5 =	simm.s32 $_size__tile_overlayer_lowered;
	s6 =	simm.s32 $_tile_overlayer_lowered  }
0x9b: {  	s22 =	simm.s32 $0x1BFF;
	s21 =	sshll.u32 s6, $0x1;
	s3 =	sadd.s32 s4, s19  }
0x9c: {  	s7 =	simm.s32 $0x0;
	s20 =	sshll.u32 s5, $0x1;
	s5 =	sadd.s32 s21, s3  }
0x9d: {  	[timem:s7], [sflag:s22] =	dma.local [hbm:s5], s20  }
0x9e: {  	_ =	swait.ge [sflag:s22], s20  }
0x9f: {  	s4 =	ssub.s32 $0x0, s20;
	[sflag:s22] =	ssyncset.done $0x0  }
0xa0: {  	[sflag:s22] =	ssyncadd.s32 s4;
	_ =	sdelay $0x1  }
0xa1: {  	s23 =	simm.s32 $0x1B8B  }
0xa2: {  	_ =	swait.ge [sflag:s23], $0x1  }
0xa3: {  	[sflag:s23] =	ssyncset.done $0x0  }
0xa4: {  	s25 =	simm.s32 $0x1B8E;
	s24 =	sld [smem:$0x3FFE];
	[sflag:s23] =	ssyncadd.s32 $0xFFFFFFFF  }
0xa5: {  	s26 =	simm.s32 $execute0_lowered;
	[smem:$0x3FD2] =	sst s25  }
0xa6: {  	s5 =	sshll.u32 s26, $0x1;
	_ =	strace $0x80000055;
	[dreg:$0x1] =	wrdreg $0xFFFFFFFF  }
0xa7: {  	s28 =	simm.s32 $_size_execute0_lowered;
	s3 =	sadd.s32 s3, s5;
	[dreg:$0x0] =	wrdreg $0x0  }
0xa8: {  	s5 =	sshll.u32 s28, $0x1;
	[dreg:$0x2] =	wrdreg s3  }
0xa9: {  	[dreg:$0x3] =	wrdreg s5  }
0xaa: {  	[dreg:$0x4] =	wrdreg $0xC0  }
0xab: {  	_ =	task [dreg:s7], $0x5FFFF  }
0xac: {  	[dreg:$0x1] =	wrdreg $0xFFFFFFFF  }
0xad: {  	[dreg:$0x0] =	wrdreg $0x60  }
0xae: {  	[dreg:$0x2] =	wrdreg s2  }
0xaf: {  	[dreg:$0x3] =	wrdreg s24  }
0xb0: {  	[dreg:$0x4] =	wrdreg $0xA8000  }
0xb1: {  	[dreg:$0x5] =	wrdreg $0x9  }
0xb2: {  	_ =	task.clear_ibuf [dreg:s7], $0x6FFFF;
	_ =	strace $0x90000055  }
0xb3: {  	s29 =	simm.s32 $0x9;
	_ =	strace $0x80000057  }
0xb4: {  	_ =	swait.ge [sflag:s29], $0x1  }
0xb5: {  	[sflag:s29] =	ssyncadd.s32 $0xFFFFFFFF  }
0xb6: {  	_ =	strace $0x90000057  }
0xb7: {  	_ =	sfence  }
0xb8: {  	s30 =	sld [smem:$0x0];
	_ =	sdelay $0x2  }
0xb9: {  	s31 =	sshll.u32 s1, $0xD;
	s1 =	sshrl.u32 s1, $0x2  }
0xba: {  	s3 =	sand.u32 $0x4000, s31;
	s1 =	sadd.s32 s1, s30  }
0xbb: {  	s0 =	sor.u32 s3, s0;
	s1 =	sshll.u32 s1, $0x11  }
0xbc: {  	s0 =	sor.u32 s1, s0  }
0xbd: {  	s0 =	sadd.s32 $0x8F2B, s0  }
0xbe: {  	[sflag:s0] =	ssyncadd.remote.s32 $0x1  }
0xbf: {  	_ =	sfence.sel $0xFFFF  }
0xc0: {  	[dreg:$0x0] =	wrdreg $0xFFFFFFFF;
	(pc) =	sbr.abs _section_cstart, $3  }
0xc1: {  	[dreg:$0x1] =	wrdreg $0xFFFFFFFF  }
0xc2: {  	_ =	task.clear_ibuf [dreg:s7], $0x2FFFF;
	_ =	strace $0x9FFFFFFF  }
0xc3: {  	(tm) =	ssettm $0x7FFFFFFF  }
tec
execute0_lowered:
.L_overlay_start_1:
0x0: {  	(tag) =	ssettag $0x1  }
0x1: {  	s1 =	rddreg [dreg:$0x0]  }
0x2: {  	s5 =	rddreg [dreg:$0x1]  }
0x3: {  	s2 =	rddreg [dreg:$0x2]  }
0x4: {  	s0 =	rddreg [dreg:$0x3];
	s3 =	simm.s32 $0x0  }
0x5: {  	s4 =	srdreg.scid;
	s13 =	stileid.u32;
	s15 =	simm.s32 $0x0  }
0x6: {  	[smem:$0x7FF] =	sst s3;
	s6 =	sand.u32 $0x1, s4;
	s28 =	sshll.u32 s13, $0x1  }
0x7: {  	s8 =	sadd.s32 $0x8200, s5;
	s7 =	smul.u32 $0x27100, s6;
	s9 =	sor.u32 s6, s28  }
0x8: {  	s10 =	sadd.s32 $0x1C400, s5;
	s4 =	sadd.s32 $0x74E00, s5;
	s11 =	smul.u32 $0x48, s9  }
0x9: {  	_ =	strace $0x80000056;
	s29 =	ssub.s32 $0x2, s6;
	s6 =	smul.u32 $0x50, s9  }
0xa: {  	s30 =	sshrl.u32 s29, $0x1;
	p0 =	slt.u32 s9, $0x19;
	s12 =	sadd.s32 s7, s5  }
0xb: {  	s14 =	ssub.s32 s29, s30;
	s5 =	simm.s32 $0x50;
	s9 =	sadd.s32 $0xC8, s11  }
0xc: {  	s5 =	simm.s32 @!p0 $0x48;
	s9 =	smov.u32 @p0 s6;
	p0 =	sne.s32 s13, $0x0  }
0xd: {  	s6 =	ssub.s32 $0x9C4, s9;
	s9 =	sshll.u32 s9, $0x4;
	s13 =	sshrl.u32 @!p0 s2, $0x3  }
0xe: {  	s31 =	smin.u32 s5, s6;
	s5 =	sadd.s32 s8, s9;
	s6 =	sadd.s32 s10, s9  }
0xf: {  	s9 =	sadd.s32 $0x280, s9;
	s7 =	smin.u32 s31, $0x28;
	s11 =	smax.u32 s31, $0x28  }
0x10: {  	s8 =	sadd.s32 s8, s9;
	s9 =	sadd.s32 s10, s9;
	s10 =	sadd.s32 $0xFFFFFFD8, s11  }
0x11: {  	s11 =	sadd.s32 $0x9C000, s12;
	s12 =	smax.u32 s14, $0x1;
	s14 =	simm.s32 $0x3  }
.LBB2_1:
0x12: {  	s16 =	simm.s32 @!p0 $0x1C03  }
0x13: {  	[spmem:s13], [sflag:s16] =	dma.local @!p0 [hbm:s4], $0x27100  }
0x14: {  	s16 =	simm.s32 @!p0 $0x3  }
0x15: {  	_ =	swait.ge @!p0 [sflag:s16], $0x27100  }
0x16: {  	[sflag:s16] =	ssyncset.done @!p0 $0x0  }
0x17: {  	[sflag:s16] =	ssyncadd.s32 @!p0 $0xFFFD8F00  }
0x18: {  	[bflag:$0x0] =	sbarrier.arrive $0xFFFF  }
0x19: {  	[tilespmem:s3], [sflag:$0x3] =	stream.linear.gather [hbm4b:s5+s3], $0x1400, $0x38;
	[tilespmem:$0x1E080] =	vst v63  }
0x1a: {  	_ =	swait.ge [sflag:s14], $0x1400  }
0x1b: {  	[sflag:s14] =	ssyncset.done $0x0  }
0x1c: {  	s16 =	simm.s32 $0x1400;
	[sflag:s14] =	ssyncadd.s32 $0xFFFFEC00  }
0x1d: {  	[tilespmem:s16], [sflag:$0x3] =	stream.linear.gather [hbm4b:s6+s3], $0x1400, $0x38;
	[tilespmem:$0x1E080] =	vst v63  }
0x1e: {  	p2 =	sle.u32 s7, $0x0;
	_ =	swait.ge [sflag:s14], $0x1400  }
0x1f: {  	p1 =	sle.u32 s7, $0x1;
	s17 =	simm.s32 @!p2 $0x80;
	[sflag:s14] =	ssyncset.done $0x0  }
0x20: {  	s18 =	simm.s32 @!p2 $0x2800;
	s19 =	simm.s32 @!p2 $0x1;
	[sflag:s14] =	ssyncadd.s32 $0xFFFFEC00  }
0x21: {  	[tilespmem:s18], [sflag:$0x1] =	stream.indirect.gather @!p2 [hbm4b:s1+s17], $0x80, s3, s17, $0xb8;
	[tilespmem:$0x1E080] =	vst v63  }
0x22: {  	s20 =	simm.s32 @!p1 $0x80;
	s21 =	simm.s32 @!p1 $0x80;
	s22 =	simm.s32 @!p1 $0x6800  }
0x23: {  	[tilespmem:s22], [sflag:$0x2] =	stream.indirect.gather @!p1 [hbm4b:s1+s21], $0x80, s20, s21, $0xb8;
	[tilespmem:$0x1E080] =	vst v63  }
0x24: {  	_ =	swait.ge @!p2 [sflag:s19], $0x4000  }
0x25: {  	[sflag:s19] =	ssyncset.done @!p2 $0x0  }
0x26: {  	s20 =	simm.s32 @!p2 $0x4;
	[sflag:s19] =	ssyncadd.s32 @!p2 $0xFFFFC000  }
0x27: {  	[spmem:s2] =	stream.indirect.scatter.add.f32 @!p2 [tilespmem:s18], [sflag:$0x4], $0x80, s16, s17, $0xb8;
	[tilespmem:$0x1E080] =	vst v63  }
0x28: {  	_ =	swait.ge @!p2 [sflag:s20], $0x4000  }
0x29: {  	p1 =	por p1, p1;
	[sflag:s20] =	ssyncset.done @!p2 $0x0  }
0x2a: {  	s16 =	simm.s32 @!p1 $0x2;
	[sflag:s20] =	ssyncadd.s32 @!p2 $0xFFFFC000  }
0x2b: {  	p3 =	sle.u32 s7, $0x3;
	_ =	swait.ge @!p1 [sflag:s16], $0x4000  }
0x2c: {  	s19 =	simm.s32 @!p1 $0x3;
	s18 =	simm.s32 $0x5;
	[sflag:s16] =	ssyncset.done @!p1 $0x0  }
0x2d: {  	s17 =	simm.s32 $0x100;
	[sflag:s16] =	ssyncadd.s32 @!p1 $0xFFFFC000;
	s16 =	simm.s32 @!p1 $0x1480  }
0x2e: {  	[spmem:s2] =	stream.indirect.scatter.add.f32 @!p1 [tilespmem:s22], [sflag:$0x3], $0x80, s16, s21, $0xb8;
	[tilespmem:$0x1E080] =	vst v63  }
0x2f: {  	p2 =	sle.u32 s7, $0x2;
	s16 =	simm.s32 $0x1500;
	_ =	swait.ge @!p1 [sflag:s19], $0x4000  }
.LBB2_2:
0x30: {  	s20 =	simm.s32 @!p2 $0x80;
	s21 =	simm.s32 @!p2 $0x2800  }
0x31: {  	[sflag:s19] =	ssyncset.done @!p1 $0x0;
	s22 =	smov.u32 s18;
	s23 =	smov.u32 s16  }
0x32: {  	s18 =	sadd.s32 $0x2, s18;
	s24 =	simm.s32 @!p2 $0x1;
	[sflag:s19] =	ssyncadd.s32 @!p1 $0xFFFFC000  }
0x33: {  	[tilespmem:s21], [sflag:$0x1] =	stream.indirect.gather @!p2 [hbm4b:s1+s20], $0x80, s17, s20, $0xb8;
	[tilespmem:$0x1E080] =	vst v63  }
0x34: {  	s25 =	simm.s32 @!p3 $0x80;
	s26 =	simm.s32 @!p3 $0x6800;
	s19 =	sadd.s32 @!p3 $0x80, s17  }
0x35: {  	[tilespmem:s26], [sflag:$0x2] =	stream.indirect.gather @!p3 [hbm4b:s1+s25], $0x80, s19, s25, $0xb8;
	[tilespmem:$0x1E080] =	vst v63  }
0x36: {  	p4 =	sne.s32 s18, $0x29;
	p1 =	por p3, p3;
	_ =	swait.ge @!p2 [sflag:s24], $0x4000  }
0x37: {  	s19 =	simm.s32 @!p2 $0x4;
	[sflag:s24] =	ssyncset.done @!p2 $0x0  }
0x38: {  	[sflag:s24] =	ssyncadd.s32 @!p2 $0xFFFFC000  }
0x39: {  	[spmem:s2] =	stream.indirect.scatter.add.f32 @!p2 [tilespmem:s21], [sflag:$0x4], $0x80, s16, s20, $0xb8;
	[tilespmem:$0x1E080] =	vst v63  }
0x3a: {  	_ =	swait.ge @!p2 [sflag:s19], $0x4000  }
0x3b: {  	[sflag:s19] =	ssyncset.done @!p2 $0x0  }
0x3c: {  	s20 =	simm.s32 @!p1 $0x2;
	[sflag:s19] =	ssyncadd.s32 @!p2 $0xFFFFC000  }
.Ltmp0:
0x3d: {  	s17 =	sadd.s32 $0x100, s17;
	_ =	swait.ge @!p1 [sflag:s20], $0x4000;
	(pc) =	sbr.rel @p4 .LBB2_2-.Ltmp0, $4  }
0x3e: {  	s16 =	sadd.s32 $0x100, s16;
	s19 =	simm.s32 @!p1 $0x3;
	[sflag:s20] =	ssyncset.done @!p1 $0x0  }
0x3f: {  	s21 =	sadd.s32 $0xFFFFFFFF, s22;
	[sflag:s20] =	ssyncadd.s32 @!p1 $0xFFFFC000;
	s20 =	sadd.s32 @!p1 $0x80, s23  }
0x40: {  	[spmem:s2] =	stream.indirect.scatter.add.f32 @!p1 [tilespmem:s26], [sflag:$0x3], $0x80, s20, s25, $0xb8;
	[tilespmem:$0x1E080] =	vst v63  }
0x41: {  	p3 =	sge.u32 s22, s7;
	p2 =	sge.u32 s21, s7;
	_ =	swait.ge @!p1 [sflag:s19], $0x4000  }
0x42: {  	s18 =	simm.s32 @!p2 $0x80;
	[sflag:s19] =	ssyncset.done @!p1 $0x0  }
0x43: {  	s20 =	simm.s32 @!p2 $0x2800;
	s21 =	simm.s32 @!p2 $0x1;
	[sflag:s19] =	ssyncadd.s32 @!p1 $0xFFFFC000  }
0x44: {  	[tilespmem:s20], [sflag:$0x1] =	stream.indirect.gather @!p2 [hbm4b:s1+s18], $0x80, s17, s18, $0xb8;
	[tilespmem:$0x1E080] =	vst v63  }
0x45: {  	s22 =	simm.s32 @!p3 $0x6800;
	s19 =	simm.s32 @!p3 $0x80;
	s17 =	sadd.s32 @!p3 $0x80, s17  }
0x46: {  	[tilespmem:s22], [sflag:$0x2] =	stream.indirect.gather @!p3 [hbm4b:s1+s19], $0x80, s17, s19, $0xb8;
	[tilespmem:$0x1E080] =	vst v63  }
0x47: {  	_ =	swait.ge @!p2 [sflag:s21], $0x4000  }
0x48: {  	[sflag:s21] =	ssyncset.done @!p2 $0x0  }
0x49: {  	s17 =	simm.s32 @!p2 $0x4;
	[sflag:s21] =	ssyncadd.s32 @!p2 $0xFFFFC000  }
0x4a: {  	[spmem:s2] =	stream.indirect.scatter.add.f32 @!p2 [tilespmem:s20], [sflag:$0x4], $0x80, s16, s18, $0xb8;
	[tilespmem:$0x1E080] =	vst v63  }
0x4b: {  	_ =	swait.ge @!p2 [sflag:s17], $0x4000  }
0x4c: {  	p1 =	por p3, p3;
	[sflag:s17] =	ssyncset.done @!p2 $0x0  }
0x4d: {  	[sflag:s17] =	ssyncadd.s32 @!p2 $0xFFFFC000;
	s17 =	simm.s32 @!p1 $0x2  }
0x4e: {  	_ =	swait.ge @!p1 [sflag:s17], $0x4000  }
0x4f: {  	[sflag:s17] =	ssyncset.done @!p1 $0x0  }
0x50: {  	s18 =	simm.s32 @!p1 $0x3;
	s16 =	sadd.s32 @!p1 $0x80, s16;
	[sflag:s17] =	ssyncadd.s32 @!p1 $0xFFFFC000  }
0x51: {  	[spmem:s2] =	stream.indirect.scatter.add.f32 @!p1 [tilespmem:s22], [sflag:$0x3], $0x80, s16, s19, $0xb8;
	[tilespmem:$0x1E080] =	vst v63  }
0x52: {  	_ =	swait.ge @!p1 [sflag:s18], $0x4000  }
0x53: {  	[sflag:s18] =	ssyncset.done @!p1 $0x0  }
0x54: {  	s16 =	simm.s32 $0x0;
	[sflag:s18] =	ssyncadd.s32 @!p1 $0xFFFFC000  }
0x55: {  	[tilespmem:s16], [sflag:$0x3] =	stream.linear.gather [hbm4b:s8+s16], $0x1400, $0x38;
	[tilespmem:$0x1E080] =	vst v63  }
0x56: {  	_ =	swait.ge [sflag:s14], $0x1400  }
0x57: {  	[sflag:s14] =	ssyncset.done $0x0  }
0x58: {  	s17 =	simm.s32 $0x1400;
	[sflag:s14] =	ssyncadd.s32 $0xFFFFEC00  }
0x59: {  	[tilespmem:s17], [sflag:$0x3] =	stream.linear.gather [hbm4b:s9+s16], $0x1400, $0x38;
	[tilespmem:$0x1E080] =	vst v63  }
0x5a: {  	p2 =	sle.u32 s10, $0x0;
	_ =	swait.ge [sflag:s14], $0x1400  }
0x5b: {  	s20 =	simm.s32 @!p2 $0x1;
	s19 =	simm.s32 @!p2 $0x2800;
	[sflag:s14] =	ssyncset.done $0x0  }
0x5c: {  	p1 =	sle.u32 s10, $0x1;
	s18 =	simm.s32 @!p2 $0x80;
	[sflag:s14] =	ssyncadd.s32 $0xFFFFEC00  }
0x5d: {  	[tilespmem:s19], [sflag:$0x1] =	stream.indirect.gather @!p2 [hbm4b:s1+s18], $0x80, s16, s18, $0xb8;
	[tilespmem:$0x1E080] =	vst v63  }
0x5e: {  	s21 =	simm.s32 @!p1 $0x80;
	s22 =	simm.s32 @!p1 $0x6800;
	s16 =	simm.s32 @!p1 $0x80  }
0x5f: {  	[tilespmem:s22], [sflag:$0x2] =	stream.indirect.gather @!p1 [hbm4b:s1+s21], $0x80, s16, s21, $0xb8;
	[tilespmem:$0x1E080] =	vst v63  }
0x60: {  	_ =	swait.ge @!p2 [sflag:s20], $0x4000  }
0x61: {  	[sflag:s20] =	ssyncset.done @!p2 $0x0  }
0x62: {  	s16 =	simm.s32 @!p2 $0x4;
	[sflag:s20] =	ssyncadd.s32 @!p2 $0xFFFFC000  }
0x63: {  	[spmem:s2] =	stream.indirect.scatter.add.f32 @!p2 [tilespmem:s19], [sflag:$0x4], $0x80, s17, s18, $0xb8;
	[tilespmem:$0x1E080] =	vst v63  }
0x64: {  	_ =	swait.ge @!p2 [sflag:s16], $0x4000  }
0x65: {  	p1 =	por p1, p1;
	[sflag:s16] =	ssyncset.done @!p2 $0x0  }
0x66: {  	[sflag:s16] =	ssyncadd.s32 @!p2 $0xFFFFC000;
	s16 =	simm.s32 @!p1 $0x2  }
0x67: {  	p3 =	sle.u32 s10, $0x3;
	_ =	swait.ge @!p1 [sflag:s16], $0x4000  }
0x68: {  	s18 =	simm.s32 $0x5;
	s17 =	simm.s32 $0x100;
	[sflag:s16] =	ssyncset.done @!p1 $0x0  }
0x69: {  	s19 =	simm.s32 @!p1 $0x3;
	[sflag:s16] =	ssyncadd.s32 @!p1 $0xFFFFC000;
	s16 =	simm.s32 @!p1 $0x1480  }
0x6a: {  	[spmem:s2] =	stream.indirect.scatter.add.f32 @!p1 [tilespmem:s22], [sflag:$0x3], $0x80, s16, s21, $0xb8;
	[tilespmem:$0x1E080] =	vst v63  }
0x6b: {  	p2 =	sle.u32 s10, $0x2;
	s16 =	simm.s32 $0x1500;
	_ =	swait.ge @!p1 [sflag:s19], $0x4000  }
.LBB2_4:
0x6c: {  	s20 =	simm.s32 @!p2 $0x80;
	s21 =	simm.s32 @!p2 $0x2800  }
0x6d: {  	[sflag:s19] =	ssyncset.done @!p1 $0x0;
	s22 =	smov.u32 s18;
	s23 =	smov.u32 s16  }
0x6e: {  	s18 =	sadd.s32 $0x2, s18;
	s24 =	simm.s32 @!p2 $0x1;
	[sflag:s19] =	ssyncadd.s32 @!p1 $0xFFFFC000  }
0x6f: {  	[tilespmem:s21], [sflag:$0x1] =	stream.indirect.gather @!p2 [hbm4b:s1+s20], $0x80, s17, s20, $0xb8;
	[tilespmem:$0x1E080] =	vst v63  }
0x70: {  	s25 =	simm.s32 @!p3 $0x80;
	s26 =	simm.s32 @!p3 $0x6800;
	s19 =	sadd.s32 @!p3 $0x80, s17  }
0x71: {  	[tilespmem:s26], [sflag:$0x2] =	stream.indirect.gather @!p3 [hbm4b:s1+s25], $0x80, s19, s25, $0xb8;
	[tilespmem:$0x1E080] =	vst v63  }
0x72: {  	p4 =	sne.s32 s18, $0x29;
	p1 =	por p3, p3;
	_ =	swait.ge @!p2 [sflag:s24], $0x4000  }
0x73: {  	s19 =	simm.s32 @!p2 $0x4;
	[sflag:s24] =	ssyncset.done @!p2 $0x0  }
0x74: {  	[sflag:s24] =	ssyncadd.s32 @!p2 $0xFFFFC000  }
0x75: {  	[spmem:s2] =	stream.indirect.scatter.add.f32 @!p2 [tilespmem:s21], [sflag:$0x4], $0x80, s16, s20, $0xb8;
	[tilespmem:$0x1E080] =	vst v63  }
0x76: {  	_ =	swait.ge @!p2 [sflag:s19], $0x4000  }
0x77: {  	[sflag:s19] =	ssyncset.done @!p2 $0x0  }
0x78: {  	s20 =	simm.s32 @!p1 $0x2;
	[sflag:s19] =	ssyncadd.s32 @!p2 $0xFFFFC000  }
.Ltmp1:
0x79: {  	s17 =	sadd.s32 $0x100, s17;
	_ =	swait.ge @!p1 [sflag:s20], $0x4000;
	(pc) =	sbr.rel @p4 .LBB2_4-.Ltmp1, $4  }
0x7a: {  	s16 =	sadd.s32 $0x100, s16;
	s19 =	simm.s32 @!p1 $0x3;
	[sflag:s20] =	ssyncset.done @!p1 $0x0  }
0x7b: {  	s21 =	sadd.s32 $0xFFFFFFFF, s22;
	[sflag:s20] =	ssyncadd.s32 @!p1 $0xFFFFC000;
	s20 =	sadd.s32 @!p1 $0x80, s23  }
0x7c: {  	[spmem:s2] =	stream.indirect.scatter.add.f32 @!p1 [tilespmem:s26], [sflag:$0x3], $0x80, s20, s25, $0xb8;
	[tilespmem:$0x1E080] =	vst v63  }
0x7d: {  	p3 =	sge.u32 s22, s10;
	p2 =	sge.u32 s21, s10;
	_ =	swait.ge @!p1 [sflag:s19], $0x4000  }
0x7e: {  	s18 =	simm.s32 @!p2 $0x80;
	[sflag:s19] =	ssyncset.done @!p1 $0x0  }
0x7f: {  	s20 =	simm.s32 @!p2 $0x2800;
	s21 =	simm.s32 @!p2 $0x1;
	[sflag:s19] =	ssyncadd.s32 @!p1 $0xFFFFC000  }
0x80: {  	[tilespmem:s20], [sflag:$0x1] =	stream.indirect.gather @!p2 [hbm4b:s1+s18], $0x80, s17, s18, $0xb8;
	[tilespmem:$0x1E080] =	vst v63  }
0x81: {  	s22 =	simm.s32 @!p3 $0x6800;
	s19 =	simm.s32 @!p3 $0x80;
	s17 =	sadd.s32 @!p3 $0x80, s17  }
0x82: {  	[tilespmem:s22], [sflag:$0x2] =	stream.indirect.gather @!p3 [hbm4b:s1+s19], $0x80, s17, s19, $0xb8;
	[tilespmem:$0x1E080] =	vst v63  }
0x83: {  	_ =	swait.ge @!p2 [sflag:s21], $0x4000  }
0x84: {  	[sflag:s21] =	ssyncset.done @!p2 $0x0  }
0x85: {  	s17 =	simm.s32 @!p2 $0x4;
	[sflag:s21] =	ssyncadd.s32 @!p2 $0xFFFFC000  }
0x86: {  	[spmem:s2] =	stream.indirect.scatter.add.f32 @!p2 [tilespmem:s20], [sflag:$0x4], $0x80, s16, s18, $0xb8;
	[tilespmem:$0x1E080] =	vst v63  }
0x87: {  	_ =	swait.ge @!p2 [sflag:s17], $0x4000  }
0x88: {  	p1 =	por p3, p3;
	[sflag:s17] =	ssyncset.done @!p2 $0x0  }
0x89: {  	[sflag:s17] =	ssyncadd.s32 @!p2 $0xFFFFC000;
	s17 =	simm.s32 @!p1 $0x2  }
0x8a: {  	_ =	swait.ge @!p1 [sflag:s17], $0x4000  }
0x8b: {  	[sflag:s17] =	ssyncset.done @!p1 $0x0  }
0x8c: {  	s18 =	simm.s32 @!p1 $0x3;
	s16 =	sadd.s32 @!p1 $0x80, s16;
	[sflag:s17] =	ssyncadd.s32 @!p1 $0xFFFFC000  }
0x8d: {  	[spmem:s2] =	stream.indirect.scatter.add.f32 @!p1 [tilespmem:s22], [sflag:$0x3], $0x80, s16, s19, $0xb8;
	[tilespmem:$0x1E080] =	vst v63  }
0x8e: {  	_ =	swait.ge @!p1 [sflag:s18], $0x4000  }
0x8f: {  	[sflag:s18] =	ssyncset.done @!p1 $0x0  }
0x90: {  	s15 =	sadd.s32 $0x1, s15;
	[sflag:s18] =	ssyncadd.s32 @!p1 $0xFFFFC000  }
0x91: {  	s16 =	simm.s32 @!p0 $0x1C03;
	p1 =	sne.s32 s15, s12;
	[bflag:$0x0] =	sbarrier.arrive $0xFFFF  }
0x92: {  	[hbm:s11], [sflag:s16] =	dma.local @!p0 [spmem:s13], $0x27100  }
.Ltmp2:
0x93: {  	_ = 	snop;
	(pc) =	sbr.rel @p1 .LBB2_1-.Ltmp2, $4  }
0x94: {  	s16 =	simm.s32 @!p0 $0x3  }
0x95: {  	_ =	swait.ge @!p0 [sflag:s16], $0x27100  }
0x96: {  	[sflag:s16] =	ssyncset.done @!p0 $0x0  }
0x97: {  	[sflag:s16] =	ssyncadd.s32 @!p0 $0xFFFD8F00  }
0x98: {  	_ =	sfence.sel $0x180000  }
0x99: {  	[bflag:$0x0] =	sbarrier.arrive $0xFFFF  }
0x9a: {  	_ =	strace $0x90000056  }
0x9b: {  	s0 =	sadd.s32 @!p0 $0x100000, s0;
	[bflag:$0x2] =	sbarrier.arrive $0xFFFF  }
0x9c: {  	[sflag:s0] =	ssyncadd.tile.s32 @!p0 $0x1;
	_ =	shalt  }
.Lfunc_end2:
_tile_overlayer_lowered:
.L_overlay_start_2:
0x9d: {  	(tag) =	ssettag $0x2  }
0x9e: {  	s0 =	rddreg [dreg:$0x0];
	s2 =	stileid.u32  }
0x9f: {  	s1 =	rddreg [dreg:$0x1];
	p0 =	sne.s32 s2, $0x0  }
0xa0: {  	s3 =	rddreg [dreg:$0x2];
	[bflag:$0x3] =	sbarrier.arrive $0xFFFF;
	s2 =	simm.s32 @!p0 $0x1C03  }
0xa1: {  	[timem:s3], [sflag:s2] =	dma.local @!p0 [hbm:s0], s1  }
0xa2: {  	s0 =	simm.s32 @!p0 $0x3  }
0xa3: {  	_ =	swait.ge @!p0 [sflag:s0], s1  }
0xa4: {  	s1 =	ssub.s32 @!p0 $0x0, s1;
	[sflag:s0] =	ssyncset.done @!p0 $0x0  }
0xa5: {  	[sflag:s0] =	ssyncadd.s32 @!p0 s1  }
0xa6: {  	[bflag:$0x3] =	sbarrier.arrive $0xFFFF  }
0xa7: {  	_ =	shalt  }

</sc_bundles>
